<compile_context>
chip_gen: v7x
topology: tpu7x:2x2x1
jax: 0.10.2.dev20260603
libtpu: 0.0.44.dev20260713+nightly
codegen_flags: <defaults>
</compile_context>

<pallas_src>
import functools

import jax
import jax.numpy as jnp
from jax import lax
from jax.experimental import pallas as pl
from jax.experimental.pallas import tpu as pltpu
from jax.experimental.pallas import tpu_sc as plsc

N = 10000
E = 320000
D = 128
NP = 10240
NC = 2
NS = 16
NW = NC * NS
EW = E // NW
K = 100
NB = EW // K
SBB = 20
NSB = NB // SBB
KE = 80
NT = NP // NS
RW = NP // NW
LANES = 16

_MESH = plsc.VectorSubcoreMesh(core_axis_name="c", subcore_axis_name="s")


def _fill_rows(ref, nrows, ncols, val):
    def row(i, carry):
        def col(k, c2):
            ref[i, pl.ds(k * LANES, LANES)] = jnp.full((LANES,), val, jnp.float32)
            return c2
        return lax.fori_loop(0, ncols // LANES, col, carry)
    lax.fori_loop(0, nrows, row, 0)


@functools.partial(
    pl.kernel,
    out_type=jax.ShapeDtypeStruct((NP, D), jnp.float32),
    mesh=_MESH,
    scratch_types=(
        pltpu.VMEM((RW // KE, KE), jnp.int32),
        pltpu.VMEM((KE, D), jnp.float32),
        pltpu.VMEM((KE, D), jnp.float32),
        pltpu.SemaphoreType.DMA,
        pltpu.SemaphoreType.DMA,
    ),
)
def _sc_embed(inf_hbm, emb_hbm, h0_hbm, ifbuf, erows0, erows1, sem0, sem1):
    c = lax.axis_index("c")
    s = lax.axis_index("s")
    w = c * NS + s
    pltpu.sync_copy(inf_hbm.at[w], ifbuf)

    pltpu.async_copy(emb_hbm.at[ifbuf.at[0]], erows0, sem0)
    def emb_step(p, carry):
        j0 = 2 * p
        j1 = j0 + 1
        pltpu.make_async_copy(emb_hbm.at[ifbuf.at[j0]], erows0, sem0).wait()
        pltpu.async_copy(emb_hbm.at[ifbuf.at[j1]], erows1, sem1)
        pltpu.sync_copy(erows0, h0_hbm.at[pl.ds(w * RW + j0 * KE, KE)])
        pltpu.make_async_copy(emb_hbm.at[ifbuf.at[j1]], erows1, sem1).wait()
        @pl.when(j1 + 1 < RW // KE)
        def _():
            pltpu.async_copy(emb_hbm.at[ifbuf.at[j1 + 1]], erows0, sem0)
        pltpu.sync_copy(erows1, h0_hbm.at[pl.ds(w * RW + j1 * KE, KE)])
        return carry
    lax.fori_loop(0, RW // (2 * KE), emb_step, 0)


@functools.partial(
    pl.kernel,
    out_type=(
        jax.ShapeDtypeStruct((NC, NP, D), jnp.float32),
        jax.ShapeDtypeStruct((NC, NP, D), jnp.float32),
    ),
    mesh=_MESH,
    scratch_types=(
        pltpu.VMEM((SBB, K), jnp.int32),
        pltpu.VMEM((SBB, K), jnp.int32),
        pltpu.VMEM((K, D), jnp.float32),
        pltpu.VMEM((K, D), jnp.float32),
        pltpu.VMEM((LANES,), jnp.int32),
        pltpu.VMEM_SHARED((NP, D), jnp.float32),
        pltpu.SemaphoreType.DMA,
        pltpu.SemaphoreType.DMA,
        pltpu.SemaphoreType.DMA,
        pltpu.SemaphoreType.DMA,
    ),
)
def _sc_segsum(tab_hbm, src_hbm, dst_hbm, flag_hbm, agg_hbm, deg_hbm,
               srcbuf, dstbuf, rows0, rows1, fvec, acc, semg0, semg1, sems0, sems1):
    c = lax.axis_index("c")
    s = lax.axis_index("s")
    w = c * NS + s

    RC = 80

    def zero_acc():
        _fill_rows(rows0, RC, D, 0.0)
        def z(i, carry):
            pltpu.sync_copy(rows0.at[pl.ds(0, RC)],
                            acc.at[pl.ds(s * NT + i * RC, RC)])
            return carry
        lax.fori_loop(0, NT // RC, z, 0)

    def read_acc(out_hbm):
        def o(i, carry):
            pltpu.sync_copy(acc.at[pl.ds(s * NT + i * RC, RC)],
                            rows0.at[pl.ds(0, RC)])
            pltpu.sync_copy(rows0.at[pl.ds(0, RC)],
                            out_hbm.at[c, pl.ds(s * NT + i * RC, RC)])
            return carry
        lax.fori_loop(0, NT // RC, o, 0)

    zero_acc()
    pltpu.sync_copy(flag_hbm, fvec)
    plsc.subcore_barrier()

    def super_block(sb, carry):
        pltpu.sync_copy(src_hbm.at[w * NSB + sb], srcbuf)
        pltpu.sync_copy(dst_hbm.at[w * NSB + sb], dstbuf)
        pltpu.async_copy(tab_hbm.at[srcbuf.at[0]], rows0, semg0)
        def pipe(p, c2):
            j0 = 2 * p
            j1 = j0 + 1
            pltpu.make_async_copy(tab_hbm.at[srcbuf.at[j0]], rows0, semg0).wait()
            pltpu.async_copy(tab_hbm.at[srcbuf.at[j1]], rows1, semg1)
            s0 = pltpu.async_copy(rows0, acc.at[dstbuf.at[j0]], sems0, add=True)
            s0.wait()
            pltpu.make_async_copy(tab_hbm.at[srcbuf.at[j1]], rows1, semg1).wait()
            @pl.when(j1 + 1 < SBB)
            def _():
                pltpu.async_copy(tab_hbm.at[srcbuf.at[j1 + 1]], rows0, semg0)
            s1 = pltpu.async_copy(rows1, acc.at[dstbuf.at[j1]], sems1, add=True)
            s1.wait()
            return c2
        return lax.fori_loop(0, SBB // 2, pipe, carry)
    lax.fori_loop(0, NSB, super_block, 0)
    plsc.subcore_barrier()
    read_acc(agg_hbm)

    do_deg = fvec[...][0]
    @pl.when(do_deg > 0)
    def _():
        plsc.subcore_barrier()
        zero_acc()
        plsc.subcore_barrier()
        _fill_rows(rows0, K, D, 1.0)
        def deg_sb(sb, carry):
            pltpu.sync_copy(dst_hbm.at[w * NSB + sb], dstbuf)
            def deg_step(j, c2):
                pltpu.sync_copy(rows0, acc.at[dstbuf.at[j]], add=True)
                return c2
            return lax.fori_loop(0, SBB, deg_step, carry)
        lax.fori_loop(0, NSB, deg_sb, 0)
        plsc.subcore_barrier()
        read_acc(deg_hbm)


_BLK = 1024
_GRID = NP // _BLK


def _tc_self_body(h_ref, ws_ref, b_ref, out_ref):
    out_ref[...] = jnp.dot(h_ref[...], ws_ref[...],
                           preferred_element_type=jnp.float32) + b_ref[...]


def _tc_self(h, w_self, b):
    return pl.pallas_call(
        _tc_self_body,
        grid=(_GRID,),
        in_specs=[
            pl.BlockSpec((_BLK, D), lambda i: (i, 0)),
            pl.BlockSpec((D, D), lambda i: (0, 0)),
            pl.BlockSpec((1, D), lambda i: (0, 0)),
        ],
        out_specs=pl.BlockSpec((_BLK, D), lambda i: (i, 0)),
        out_shape=jax.ShapeDtypeStruct((NP, D), jnp.float32),
    )(h, w_self, b.reshape(1, D))


def _tc_combine_body(s_ref, agg_ref, deg_ref, wn_ref, out_ref):
    deg = deg_ref[0, :, 0] + deg_ref[1, :, 0]
    inv = 1.0 / jnp.maximum(deg, 1.0)
    hn = (agg_ref[0] + agg_ref[1]) * inv[:, None]
    acc = s_ref[...] + jnp.dot(hn, wn_ref[...], preferred_element_type=jnp.float32)
    out_ref[...] = jnp.maximum(acc, 0.0)


def _tc_combine(s, agg, deg, w_neigh):
    return pl.pallas_call(
        _tc_combine_body,
        grid=(_GRID,),
        in_specs=[
            pl.BlockSpec((_BLK, D), lambda i: (i, 0)),
            pl.BlockSpec((NC, _BLK, D), lambda i: (0, i, 0)),
            pl.BlockSpec((NC, _BLK, D), lambda i: (0, i, 0)),
            pl.BlockSpec((D, D), lambda i: (0, 0)),
        ],
        out_specs=pl.BlockSpec((_BLK, D), lambda i: (i, 0)),
        out_shape=jax.ShapeDtypeStruct((NP, D), jnp.float32),
    )(s, agg, deg, w_neigh)


def kernel(in_feat, edge_index, emb, W_self1, W_neigh1, b1, W_self2, W_neigh2, b2):
    src = edge_index[0].astype(jnp.int32).reshape(NW * NSB, SBB, K)
    dst = edge_index[1].astype(jnp.int32).reshape(NW * NSB, SBB, K)
    inf = jnp.concatenate(
        [in_feat.astype(jnp.int32), jnp.zeros((NP - N,), jnp.int32)]
    ).reshape(NW, RW // KE, KE)
    flag_on = jnp.ones((LANES,), jnp.int32)
    flag_off = jnp.zeros((LANES,), jnp.int32)

    h0 = _sc_embed(inf, emb)
    agg1, deg = _sc_segsum(h0, src, dst, flag_on)
    s1 = _tc_self(h0, W_self1, b1)
    h1 = _tc_combine(s1, agg1, deg, W_neigh1)
    agg2, _unused = _sc_segsum(h1, src, dst, flag_off)
    s2 = _tc_self(h1, W_self2, b2)
    h2 = _tc_combine(s2, agg2, deg, W_neigh2)
    return h2[:N]

# --- scband reference (transcript-rebuilt; emitter-appended) ---
"""Pipeline reference for scband-my-gnn-35485019799700 (READ-ONLY COPY).

The authoritative reference and input builder live on the scoring server;
editing this copy changes nothing except your own understanding.
"""

import jax, jax.numpy as jnp
import numpy as np

N = 10000
E = 320000
NUM_TYPES = 100
D = 128


def sage_layer(h, src, dst, W_self, W_neigh, b):
    # DGL SAGEConv with aggregator_type='mean':
    # h_neigh = mean over in-neighbors of h[src]; out = fc_self(h) + fc_neigh(h_neigh)
    msgs = h[src]
    agg = jax.ops.segment_sum(msgs, dst, num_segments=N)
    deg = jax.ops.segment_sum(jnp.ones((E,), dtype=h.dtype), dst, num_segments=N)
    h_neigh = agg / jnp.clip(deg, 1.0)[:, None]
    return h @ W_self + b + h_neigh @ W_neigh


def setup_inputs(seed: int = 0) -> dict:
    key = jax.random.key(seed)
    ks = jax.random.split(key, 9)
    in_feat = jax.random.randint(ks[0], (N,), 0, NUM_TYPES, dtype=jnp.int64) if jax.config.jax_enable_x64 else jax.random.randint(ks[0], (N,), 0, NUM_TYPES, dtype=jnp.int32)
    edge_index = jax.random.randint(ks[1], (2, E), 0, N, dtype=jnp.int64) if jax.config.jax_enable_x64 else jax.random.randint(ks[1], (2, E), 0, N, dtype=jnp.int32)
    s = 1.0 / np.sqrt(D)
    emb = jax.random.normal(ks[2], (NUM_TYPES, D), dtype=jnp.float32)
    W_self1 = jax.random.normal(ks[3], (D, D), dtype=jnp.float32) * s
    W_neigh1 = jax.random.normal(ks[4], (D, D), dtype=jnp.float32) * s
    b1 = jnp.zeros((D,), dtype=jnp.float32)
    W_self2 = jax.random.normal(ks[5], (D, D), dtype=jnp.float32) * s
    W_neigh2 = jax.random.normal(ks[6], (D, D), dtype=jnp.float32) * s
    b2 = jnp.zeros((D,), dtype=jnp.float32)
    return {"in_feat": in_feat, "edge_index": edge_index, "emb": emb,
            "W_self1": W_self1, "W_neigh1": W_neigh1, "b1": b1,
            "W_self2": W_self2, "W_neigh2": W_neigh2, "b2": b2}


def reference(in_feat, edge_index, emb, W_self1, W_neigh1, b1, W_self2, W_neigh2, b2):
    src = edge_index[0]
    dst = edge_index[1]
    h = jnp.take(emb, in_feat, axis=0)
    h = jax.nn.relu(sage_layer(h, src, dst, W_self1, W_neigh1, b1))
    h = jax.nn.relu(sage_layer(h, src, dst, W_self2, W_neigh2, b2))
    return h

if __name__ == "__main__":
    import jax
    _d = setup_inputs()
    print(jax.jit(kernel)(*tuple(_d.values())))

</pallas_src>

<mosaic_0001>
#map = affine_map<(d0, d1) -> (0, 0, 0)>
#map1 = affine_map<(d0, d1) -> (0, 0)>
module attributes {stable_mosaic.version = 14 : i64} {
  func.func @_sc_embed(%arg0: i32, %arg1: i32, %arg2: memref<32x4x80xi32, #tpu.memory_space<hbm>>, %arg3: memref<100x128xf32, #tpu.memory_space<hbm>>, %arg4: memref<10240x128xf32, #tpu.memory_space<hbm>>, %arg5: memref<4x80xi32, #tpu.memory_space<vmem>>, %arg6: memref<80x128xf32, #tpu.memory_space<vmem>>, %arg7: memref<80x128xf32, #tpu.memory_space<vmem>>, %arg8: memref<!tpu.dma_semaphore, #tpu.memory_space<semaphore_mem>>, %arg9: memref<!tpu.dma_semaphore, #tpu.memory_space<semaphore_mem>>) attributes {dimension_semantics = [#tpu.dimension_semantics<core_parallel>, #tpu.dimension_semantics<subcore_parallel>], iteration_bounds = array<i64: 2, 16>, scalar_prefetch = 0 : i64, scratch_operands = 5 : i64, tpu.core_type = #tpu.core_type<sc_vector_subcore>, window_params = [{transform_indices = #map}, {transform_indices = #map1}, {transform_indices = #map1}]} {
    %mul3A = arith.constant 16 : i32
    %mul3A_0 = arith.muli %arg0, %mul3A : i32
    %add3A = arith.addi %mul3A_0, %arg1 : i32
    "tpu.region"() ({
      %run_scoped3A = tpu.sem_alloc : memref<!tpu.dma_semaphore, #tpu.memory_space<semaphore_mem>>
      %dma_start3A_12 = arith.constant 0 : i32
      %dma_start3A_13 = arith.constant 0 : i32
      %dma_start3A_14 = tpu.memref_slice %arg2[%add3A, %dma_start3A_12, %dma_start3A_13] : memref<32x4x80xi32, #tpu.memory_space<hbm>> -> memref<1x4x80xi32, #tpu.memory_space<hbm>>
      %dma_start3A_15 = tpu.memref_squeeze %dma_start3A_14 : memref<1x4x80xi32, #tpu.memory_space<hbm>> -> memref<4x80xi32, #tpu.memory_space<hbm>>
      %dma_start3A_16 = arith.constant 0 : i32
      %dma_start3A_17 = arith.constant 0 : i32
      %dma_start3A_18 = tpu.memref_slice %arg2[%add3A, %dma_start3A_16, %dma_start3A_17] : memref<32x4x80xi32, #tpu.memory_space<hbm>> -> memref<1x4x80xi32, #tpu.memory_space<hbm>>
      %dma_start3A_19 = tpu.memref_squeeze %dma_start3A_18 : memref<1x4x80xi32, #tpu.memory_space<hbm>> -> memref<4x80xi32, #tpu.memory_space<hbm>>
      tpu.enqueue_dma source(%dma_start3A_19 : memref<4x80xi32, #tpu.memory_space<hbm>>) target(%arg5 : memref<4x80xi32, #tpu.memory_space<vmem>>) target_semaphore(%run_scoped3A : memref<!tpu.dma_semaphore, #tpu.memory_space<semaphore_mem>>)
      %dma_wait3A = arith.constant 0 : i32
      %dma_wait3A_20 = arith.constant 0 : i32
      %dma_wait3A_21 = tpu.memref_slice %arg2[%add3A, %dma_wait3A, %dma_wait3A_20] : memref<32x4x80xi32, #tpu.memory_space<hbm>> -> memref<1x4x80xi32, #tpu.memory_space<hbm>>
      %dma_wait3A_22 = tpu.memref_squeeze %dma_wait3A_21 : memref<1x4x80xi32, #tpu.memory_space<hbm>> -> memref<4x80xi32, #tpu.memory_space<hbm>>
      %dma_wait3A_23 = arith.constant 0 : i32
      %dma_wait3A_24 = arith.constant 0 : i32
      %dma_wait3A_25 = tpu.memref_slice %arg2[%add3A, %dma_wait3A_23, %dma_wait3A_24] : memref<32x4x80xi32, #tpu.memory_space<hbm>> -> memref<1x4x80xi32, #tpu.memory_space<hbm>>
      %dma_wait3A_26 = tpu.memref_squeeze %dma_wait3A_25 : memref<1x4x80xi32, #tpu.memory_space<hbm>> -> memref<4x80xi32, #tpu.memory_space<hbm>>
      tpu.wait_dma2 semaphore(%run_scoped3A : memref<!tpu.dma_semaphore, #tpu.memory_space<semaphore_mem>>) src(%dma_wait3A_26 : memref<4x80xi32, #tpu.memory_space<hbm>>) dst(%arg5 : memref<4x80xi32, #tpu.memory_space<vmem>>)
      tpu.yield
    }) : () -> ()
    %dma_start3A = arith.constant 0 : i32
    %dma_start3A_1 = arith.constant 0 : i32
    %dma_start3A_2 = tpu.memref_slice %arg5[%dma_start3A, %dma_start3A_1] : memref<4x80xi32, #tpu.memory_space<vmem>> -> memref<1x80xi32, #tpu.memory_space<vmem>>
    %dma_start3A_3 = tpu.memref_squeeze %dma_start3A_2 : memref<1x80xi32, #tpu.memory_space<vmem>> -> memref<80xi32, #tpu.memory_space<vmem>>
    %dma_start3A_4 = arith.constant 0 : i32
    %dma_start3A_5 = arith.constant 0 : i32
    %dma_start3A_6 = tpu.memref_slice %arg3[%dma_start3A_4, %dma_start3A_5] : memref<100x128xf32, #tpu.memory_space<hbm>> -> memref<100x128xf32, #tpu.memory_space<hbm>>
    tpu.enqueue_indirect_dma source(%dma_start3A_6 : memref<100x128xf32, #tpu.memory_space<hbm>>) target(%arg6 : memref<80x128xf32, #tpu.memory_space<vmem>>) offsets(%dma_start3A_3 : memref<80xi32, #tpu.memory_space<vmem>>) semaphore(%arg8 : memref<!tpu.dma_semaphore, #tpu.memory_space<semaphore_mem>>)
    %scan3A = arith.constant 0 : i32
    %scan3A_7 = arith.constant 0 : i32
    %scan3A_8 = arith.constant 2 : i32
    %scan3A_9 = arith.addi %scan3A_7, %scan3A_8 : i32
    %scan3A_10 = arith.constant 1 : i32
    scf.for %scan3A_12 = %scan3A_7 to %scan3A_9 step %scan3A_10  : i32 {
      %mul3A_13 = arith.constant 2 : i32
      %mul3A_14 = arith.muli %mul3A_13, %scan3A_12 : i32
      %add3A_15 = arith.constant 1 : i32
      %add3A_16 = arith.addi %mul3A_14, %add3A_15 : i32
      %dma_wait3A = arith.constant 0 : i32
      %dma_wait3A_17 = tpu.memref_slice %arg5[%mul3A_14, %dma_wait3A] : memref<4x80xi32, #tpu.memory_space<vmem>> -> memref<1x80xi32, #tpu.memory_space<vmem>>
      %dma_wait3A_18 = tpu.memref_squeeze %dma_wait3A_17 : memref<1x80xi32, #tpu.memory_space<vmem>> -> memref<80xi32, #tpu.memory_space<vmem>>
      %dma_wait3A_19 = arith.constant 0 : i32
      %dma_wait3A_20 = arith.constant 0 : i32
      %dma_wait3A_21 = tpu.memref_slice %arg3[%dma_wait3A_19, %dma_wait3A_20] : memref<100x128xf32, #tpu.memory_space<hbm>> -> memref<100x128xf32, #tpu.memory_space<hbm>>
      tpu.wait_indirect_dma semaphore(%arg8 : memref<!tpu.dma_semaphore, #tpu.memory_space<semaphore_mem>>) src(%dma_wait3A_21 : memref<100x128xf32, #tpu.memory_space<hbm>>) dst(%arg6 : memref<80x128xf32, #tpu.memory_space<vmem>>)
      %dma_start3A_22 = arith.constant 0 : i32
      %dma_start3A_23 = tpu.memref_slice %arg5[%add3A_16, %dma_start3A_22] : memref<4x80xi32, #tpu.memory_space<vmem>> -> memref<1x80xi32, #tpu.memory_space<vmem>>
      %dma_start3A_24 = tpu.memref_squeeze %dma_start3A_23 : memref<1x80xi32, #tpu.memory_space<vmem>> -> memref<80xi32, #tpu.memory_space<vmem>>
      %dma_start3A_25 = arith.constant 0 : i32
      %dma_start3A_26 = arith.constant 0 : i32
      %dma_start3A_27 = tpu.memref_slice %arg3[%dma_start3A_25, %dma_start3A_26] : memref<100x128xf32, #tpu.memory_space<hbm>> -> memref<100x128xf32, #tpu.memory_space<hbm>>
      tpu.enqueue_indirect_dma source(%dma_start3A_27 : memref<100x128xf32, #tpu.memory_space<hbm>>) target(%arg7 : memref<80x128xf32, #tpu.memory_space<vmem>>) offsets(%dma_start3A_24 : memref<80xi32, #tpu.memory_space<vmem>>) semaphore(%arg9 : memref<!tpu.dma_semaphore, #tpu.memory_space<semaphore_mem>>)
      %mul3A_28 = arith.constant 320 : i32
      %mul3A_29 = arith.muli %add3A, %mul3A_28 : i32
      %mul3A_30 = arith.constant 80 : i32
      %mul3A_31 = arith.muli %mul3A_14, %mul3A_30 : i32
      %add3A_32 = arith.addi %mul3A_29, %mul3A_31 : i32
      "tpu.region"() ({
        %run_scoped3A = tpu.sem_alloc : memref<!tpu.dma_semaphore, #tpu.memory_space<semaphore_mem>>
        %dma_start3A_48 = arith.constant 0 : i32
        %dma_start3A_49 = tpu.memref_slice %arg4[%add3A_32, %dma_start3A_48] : memref<10240x128xf32, #tpu.memory_space<hbm>> -> memref<80x128xf32, #tpu.memory_space<hbm>>
        %dma_start3A_50 = arith.constant 0 : i32
        %dma_start3A_51 = tpu.memref_slice %arg4[%add3A_32, %dma_start3A_50] : memref<10240x128xf32, #tpu.memory_space<hbm>> -> memref<80x128xf32, #tpu.memory_space<hbm>>
        tpu.enqueue_dma source(%arg6 : memref<80x128xf32, #tpu.memory_space<vmem>>) target(%dma_start3A_51 : memref<80x128xf32, #tpu.memory_space<hbm>>) target_semaphore(%run_scoped3A : memref<!tpu.dma_semaphore, #tpu.memory_space<semaphore_mem>>)
        %dma_wait3A_52 = arith.constant 0 : i32
        %dma_wait3A_53 = tpu.memref_slice %arg4[%add3A_32, %dma_wait3A_52] : memref<10240x128xf32, #tpu.memory_space<hbm>> -> memref<80x128xf32, #tpu.memory_space<hbm>>
        %dma_wait3A_54 = arith.constant 0 : i32
        %dma_wait3A_55 = tpu.memref_slice %arg4[%add3A_32, %dma_wait3A_54] : memref<10240x128xf32, #tpu.memory_space<hbm>> -> memref<80x128xf32, #tpu.memory_space<hbm>>
        tpu.wait_dma2 semaphore(%run_scoped3A : memref<!tpu.dma_semaphore, #tpu.memory_space<semaphore_mem>>) src(%arg6 : memref<80x128xf32, #tpu.memory_space<vmem>>) dst(%dma_wait3A_55 : memref<80x128xf32, #tpu.memory_space<hbm>>)
        tpu.yield
      }) : () -> ()
      %dma_wait3A_33 = arith.constant 0 : i32
      %dma_wait3A_34 = tpu.memref_slice %arg5[%add3A_16, %dma_wait3A_33] : memref<4x80xi32, #tpu.memory_space<vmem>> -> memref<1x80xi32, #tpu.memory_space<vmem>>
      %dma_wait3A_35 = tpu.memref_squeeze %dma_wait3A_34 : memref<1x80xi32, #tpu.memory_space<vmem>> -> memref<80xi32, #tpu.memory_space<vmem>>
      %dma_wait3A_36 = arith.constant 0 : i32
      %dma_wait3A_37 = arith.constant 0 : i32
      %dma_wait3A_38 = tpu.memref_slice %arg3[%dma_wait3A_36, %dma_wait3A_37] : memref<100x128xf32, #tpu.memory_space<hbm>> -> memref<100x128xf32, #tpu.memory_space<hbm>>
      tpu.wait_indirect_dma semaphore(%arg9 : memref<!tpu.dma_semaphore, #tpu.memory_space<semaphore_mem>>) src(%dma_wait3A_38 : memref<100x128xf32, #tpu.memory_space<hbm>>) dst(%arg7 : memref<80x128xf32, #tpu.memory_space<vmem>>)
      %add3A_39 = arith.constant 1 : i32
      %add3A_40 = arith.addi %add3A_16, %add3A_39 : i32
      %lt3A = arith.constant 4 : i32
      %lt3A_41 = arith.cmpi slt, %add3A_40, %lt3A : i32
      %convert_element_type3A = arith.extui %lt3A_41 : i1 to i32
      %cond3A = arith.constant 0 : i32
      %cond3A_42 = arith.cmpi ne, %convert_element_type3A, %cond3A : i32
      scf.if %cond3A_42 {
        %add3A_48 = arith.constant 1 : i32
        %add3A_49 = arith.addi %add3A_16, %add3A_48 : i32
        %dma_start3A_50 = arith.constant 0 : i32
        %dma_start3A_51 = tpu.memref_slice %arg5[%add3A_49, %dma_start3A_50] : memref<4x80xi32, #tpu.memory_space<vmem>> -> memref<1x80xi32, #tpu.memory_space<vmem>>
        %dma_start3A_52 = tpu.memref_squeeze %dma_start3A_51 : memref<1x80xi32, #tpu.memory_space<vmem>> -> memref<80xi32, #tpu.memory_space<vmem>>
        %dma_start3A_53 = arith.constant 0 : i32
        %dma_start3A_54 = arith.constant 0 : i32
        %dma_start3A_55 = tpu.memref_slice %arg3[%dma_start3A_53, %dma_start3A_54] : memref<100x128xf32, #tpu.memory_space<hbm>> -> memref<100x128xf32, #tpu.memory_space<hbm>>
        tpu.enqueue_indirect_dma source(%dma_start3A_55 : memref<100x128xf32, #tpu.memory_space<hbm>>) target(%arg6 : memref<80x128xf32, #tpu.memory_space<vmem>>) offsets(%dma_start3A_52 : memref<80xi32, #tpu.memory_space<vmem>>) semaphore(%arg8 : memref<!tpu.dma_semaphore, #tpu.memory_space<semaphore_mem>>)
      } else {
      }
      %mul3A_43 = arith.constant 320 : i32
      %mul3A_44 = arith.muli %add3A, %mul3A_43 : i32
      %mul3A_45 = arith.constant 80 : i32
      %mul3A_46 = arith.muli %add3A_16, %mul3A_45 : i32
      %add3A_47 = arith.addi %mul3A_44, %mul3A_46 : i32
      "tpu.region"() ({
        %run_scoped3A = tpu.sem_alloc : memref<!tpu.dma_semaphore, #tpu.memory_space<semaphore_mem>>
        %dma_start3A_48 = arith.constant 0 : i32
        %dma_start3A_49 = tpu.memref_slice %arg4[%add3A_47, %dma_start3A_48] : memref<10240x128xf32, #tpu.memory_space<hbm>> -> memref<80x128xf32, #tpu.memory_space<hbm>>
        %dma_start3A_50 = arith.constant 0 : i32
        %dma_start3A_51 = tpu.memref_slice %arg4[%add3A_47, %dma_start3A_50] : memref<10240x128xf32, #tpu.memory_space<hbm>> -> memref<80x128xf32, #tpu.memory_space<hbm>>
        tpu.enqueue_dma source(%arg7 : memref<80x128xf32, #tpu.memory_space<vmem>>) target(%dma_start3A_51 : memref<80x128xf32, #tpu.memory_space<hbm>>) target_semaphore(%run_scoped3A : memref<!tpu.dma_semaphore, #tpu.memory_space<semaphore_mem>>)
        %dma_wait3A_52 = arith.constant 0 : i32
        %dma_wait3A_53 = tpu.memref_slice %arg4[%add3A_47, %dma_wait3A_52] : memref<10240x128xf32, #tpu.memory_space<hbm>> -> memref<80x128xf32, #tpu.memory_space<hbm>>
        %dma_wait3A_54 = arith.constant 0 : i32
        %dma_wait3A_55 = tpu.memref_slice %arg4[%add3A_47, %dma_wait3A_54] : memref<10240x128xf32, #tpu.memory_space<hbm>> -> memref<80x128xf32, #tpu.memory_space<hbm>>
        tpu.wait_dma2 semaphore(%run_scoped3A : memref<!tpu.dma_semaphore, #tpu.memory_space<semaphore_mem>>) src(%arg7 : memref<80x128xf32, #tpu.memory_space<vmem>>) dst(%dma_wait3A_55 : memref<80x128xf32, #tpu.memory_space<hbm>>)
        tpu.yield
      }) : () -> ()
    }
    %scan3A_11 = arith.constant 2 : i32
    return
  }
}

#map = affine_map<(d0, d1) -> (0, 0)>
#map1 = affine_map<(d0, d1) -> (0, 0, 0)>
#map2 = affine_map<(d0, d1) -> (0)>
module attributes {stable_mosaic.version = 14 : i64} {
  func.func @_sc_segsum(%arg0: i32, %arg1: i32, %arg2: memref<10240x128xf32, #tpu.memory_space<hbm>>, %arg3: memref<160x20x100xi32, #tpu.memory_space<hbm>>, %arg4: memref<160x20x100xi32, #tpu.memory_space<hbm>>, %arg5: memref<16xi32, #tpu.memory_space<hbm>>, %arg6: memref<2x10240x128xf32, #tpu.memory_space<hbm>>, %arg7: memref<2x10240x128xf32, #tpu.memory_space<hbm>>, %arg8: memref<20x100xi32, #tpu.memory_space<vmem>>, %arg9: memref<20x100xi32, #tpu.memory_space<vmem>>, %arg10: memref<100x128xf32, #tpu.memory_space<vmem>>, %arg11: memref<100x128xf32, #tpu.memory_space<vmem>>, %arg12: memref<16xi32, #tpu.memory_space<vmem>>, %arg13: memref<10240x128xf32, #tpu.memory_space<vmem_shared>>, %arg14: memref<!tpu.dma_semaphore, #tpu.memory_space<semaphore_mem>>, %arg15: memref<!tpu.dma_semaphore, #tpu.memory_space<semaphore_mem>>, %arg16: memref<!tpu.dma_semaphore, #tpu.memory_space<semaphore_mem>>, %arg17: memref<!tpu.dma_semaphore, #tpu.memory_space<semaphore_mem>>) attributes {dimension_semantics = [#tpu.dimension_semantics<core_parallel>, #tpu.dimension_semantics<subcore_parallel>], iteration_bounds = array<i64: 2, 16>, scalar_prefetch = 0 : i64, scratch_operands = 10 : i64, tpu.core_type = #tpu.core_type<sc_vector_subcore>, window_params = [{transform_indices = #map}, {transform_indices = #map1}, {transform_indices = #map1}, {transform_indices = #map2}, {transform_indices = #map1}, {transform_indices = #map1}]} {
    %mul3A = arith.constant 16 : i32
    %mul3A_0 = arith.muli %arg0, %mul3A : i32
    %add3A = arith.addi %mul3A_0, %arg1 : i32
    %scan3A = arith.constant 0 : i32
    %scan3A_1 = arith.constant 0 : i32
    %scan3A_2 = arith.constant 80 : i32
    %scan3A_3 = arith.addi %scan3A_1, %scan3A_2 : i32
    %scan3A_4 = arith.constant 1 : i32
    scf.for %scan3A_29 = %scan3A_1 to %scan3A_3 step %scan3A_4  : i32 {
      %scan3A_30 = arith.constant 0 : i32
      %scan3A_31 = arith.constant 8 : i32
      %scan3A_32 = arith.addi %scan3A_30, %scan3A_31 : i32
      %scan3A_33 = arith.constant 1 : i32
      scf.for %scan3A_35 = %scan3A_30 to %scan3A_32 step %scan3A_33  : i32 {
        %broadcast_in_dim3A = arith.constant 0.000000e+00 : f32
        %broadcast_in_dim3A_36 = vector.broadcast %broadcast_in_dim3A : f32 to vector<16xf32>
        %mul3A_37 = arith.constant 16 : i32
        %mul3A_38 = arith.muli %scan3A_35, %mul3A_37 : i32
        %swap3A = arith.index_cast %scan3A_29 : i32 to index
        %swap3A_39 = arith.index_cast %mul3A_38 : i32 to index
        %swap3A_40 = tpu.vector_load %arg10[%swap3A, %swap3A_39] {strides = array<i32>} : memref<100x128xf32, #tpu.memory_space<vmem>>, vector<1x16xf32>,
        %swap3A_41 = vector.shape_cast %swap3A_40 : vector<1x16xf32> to vector<16xf32>
        %swap3A_42 = vector.shape_cast %broadcast_in_dim3A_36 : vector<16xf32> to vector<1x16xf32>
        tpu.vector_store %arg10[%swap3A, %swap3A_39], %swap3A_42 {strides = array<i32>} : memref<100x128xf32, #tpu.memory_space<vmem>>, vector<1x16xf32>,
      }
      %scan3A_34 = arith.constant 8 : i32
    }
    %scan3A_5 = arith.constant 80 : i32
    %scan3A_6 = arith.constant 0 : i32
    %scan3A_7 = arith.constant 0 : i32
    %scan3A_8 = arith.constant 8 : i32
    %scan3A_9 = arith.addi %scan3A_7, %scan3A_8 : i32
    %scan3A_10 = arith.constant 1 : i32
    scf.for %scan3A_29 = %scan3A_7 to %scan3A_9 step %scan3A_10  : i32 {
      %mul3A_30 = arith.constant 640 : i32
      %mul3A_31 = arith.muli %arg1, %mul3A_30 : i32
      %mul3A_32 = arith.constant 80 : i32
      %mul3A_33 = arith.muli %scan3A_29, %mul3A_32 : i32
      %add3A_34 = arith.addi %mul3A_31, %mul3A_33 : i32
      "tpu.region"() ({
        %run_scoped3A = tpu.sem_alloc : memref<!tpu.dma_semaphore, #tpu.memory_space<semaphore_mem>>
        %dma_start3A = arith.constant 0 : i32
        %dma_start3A_35 = arith.constant 0 : i32
        %dma_start3A_36 = tpu.memref_slice %arg10[%dma_start3A, %dma_start3A_35] : memref<100x128xf32, #tpu.memory_space<vmem>> -> memref<80x128xf32, #tpu.memory_space<vmem>>
        %dma_start3A_37 = arith.constant 0 : i32
        %dma_start3A_38 = tpu.memref_slice %arg13[%add3A_34, %dma_start3A_37] : memref<10240x128xf32, #tpu.memory_space<vmem_shared>> -> memref<80x128xf32, #tpu.memory_space<vmem_shared>>
        %dma_start3A_39 = arith.constant 0 : i32
        %dma_start3A_40 = tpu.memref_slice %arg13[%add3A_34, %dma_start3A_39] : memref<10240x128xf32, #tpu.memory_space<vmem_shared>> -> memref<80x128xf32, #tpu.memory_space<vmem_shared>>
        %dma_start3A_41 = arith.constant 0 : i32
        %dma_start3A_42 = arith.constant 0 : i32
        %dma_start3A_43 = tpu.memref_slice %arg10[%dma_start3A_41, %dma_start3A_42] : memref<100x128xf32, #tpu.memory_space<vmem>> -> memref<80x128xf32, #tpu.memory_space<vmem>>
        tpu.enqueue_dma source(%dma_start3A_43 : memref<80x128xf32, #tpu.memory_space<vmem>>) target(%dma_start3A_40 : memref<80x128xf32, #tpu.memory_space<vmem_shared>>) target_semaphore(%run_scoped3A : memref<!tpu.dma_semaphore, #tpu.memory_space<semaphore_mem>>)
        %dma_wait3A = arith.constant 0 : i32
        %dma_wait3A_44 = arith.constant 0 : i32
        %dma_wait3A_45 = tpu.memref_slice %arg10[%dma_wait3A, %dma_wait3A_44] : memref<100x128xf32, #tpu.memory_space<vmem>> -> memref<80x128xf32, #tpu.memory_space<vmem>>
        %dma_wait3A_46 = arith.constant 0 : i32
        %dma_wait3A_47 = tpu.memref_slice %arg13[%add3A_34, %dma_wait3A_46] : memref<10240x128xf32, #tpu.memory_space<vmem_shared>> -> memref<80x128xf32, #tpu.memory_space<vmem_shared>>
        %dma_wait3A_48 = arith.constant 0 : i32
        %dma_wait3A_49 = tpu.memref_slice %arg13[%add3A_34, %dma_wait3A_48] : memref<10240x128xf32, #tpu.memory_space<vmem_shared>> -> memref<80x128xf32, #tpu.memory_space<vmem_shared>>
        %dma_wait3A_50 = arith.constant 0 : i32
        %dma_wait3A_51 = arith.constant 0 : i32
        %dma_wait3A_52 = tpu.memref_slice %arg10[%dma_wait3A_50, %dma_wait3A_51] : memref<100x128xf32, #tpu.memory_space<vmem>> -> memref<80x128xf32, #tpu.memory_space<vmem>>
        tpu.wait_dma2 semaphore(%run_scoped3A : memref<!tpu.dma_semaphore, #tpu.memory_space<semaphore_mem>>) src(%dma_wait3A_52 : memref<80x128xf32, #tpu.memory_space<vmem>>) dst(%dma_wait3A_49 : memref<80x128xf32, #tpu.memory_space<vmem_shared>>)
        tpu.yield
      }) : () -> ()
    }
    %scan3A_11 = arith.constant 8 : i32
    "tpu.region"() ({
      %run_scoped3A = tpu.sem_alloc : memref<!tpu.dma_semaphore, #tpu.memory_space<semaphore_mem>>
      tpu.enqueue_dma source(%arg5 : memref<16xi32, #tpu.memory_space<hbm>>) target(%arg12 : memref<16xi32, #tpu.memory_space<vmem>>) target_semaphore(%run_scoped3A : memref<!tpu.dma_semaphore, #tpu.memory_space<semaphore_mem>>)
      tpu.wait_dma2 semaphore(%run_scoped3A : memref<!tpu.dma_semaphore, #tpu.memory_space<semaphore_mem>>) src(%arg5 : memref<16xi32, #tpu.memory_space<hbm>>) dst(%arg12 : memref<16xi32, #tpu.memory_space<vmem>>)
      tpu.yield
    }) : () -> ()
    %barrier3A = arith.constant 0 : index
    tpu.barrier barrier_id(%barrier3A)
    %scan3A_12 = arith.constant 0 : i32
    %scan3A_13 = arith.constant 0 : i32
    %scan3A_14 = arith.constant 5 : i32
    %scan3A_15 = arith.addi %scan3A_13, %scan3A_14 : i32
    %scan3A_16 = arith.constant 1 : i32
    scf.for %scan3A_29 = %scan3A_13 to %scan3A_15 step %scan3A_16  : i32 {
      %mul3A_30 = arith.constant 5 : i32
      %mul3A_31 = arith.muli %add3A, %mul3A_30 : i32
      %add3A_32 = arith.addi %mul3A_31, %scan3A_29 : i32
      "tpu.region"() ({
        %run_scoped3A = tpu.sem_alloc : memref<!tpu.dma_semaphore, #tpu.memory_space<semaphore_mem>>
        %dma_start3A_47 = arith.constant 0 : i32
        %dma_start3A_48 = arith.constant 0 : i32
        %dma_start3A_49 = tpu.memref_slice %arg3[%add3A_32, %dma_start3A_47, %dma_start3A_48] : memref<160x20x100xi32, #tpu.memory_space<hbm>> -> memref<1x20x100xi32, #tpu.memory_space<hbm>>
        %dma_start3A_50 = tpu.memref_squeeze %dma_start3A_49 : memref<1x20x100xi32, #tpu.memory_space<hbm>> -> memref<20x100xi32, #tpu.memory_space<hbm>>
        %dma_start3A_51 = arith.constant 0 : i32
        %dma_start3A_52 = arith.constant 0 : i32
        %dma_start3A_53 = tpu.memref_slice %arg3[%add3A_32, %dma_start3A_51, %dma_start3A_52] : memref<160x20x100xi32, #tpu.memory_space<hbm>> -> memref<1x20x100xi32, #tpu.memory_space<hbm>>
        %dma_start3A_54 = tpu.memref_squeeze %dma_start3A_53 : memref<1x20x100xi32, #tpu.memory_space<hbm>> -> memref<20x100xi32, #tpu.memory_space<hbm>>
        tpu.enqueue_dma source(%dma_start3A_54 : memref<20x100xi32, #tpu.memory_space<hbm>>) target(%arg8 : memref<20x100xi32, #tpu.memory_space<vmem>>) target_semaphore(%run_scoped3A : memref<!tpu.dma_semaphore, #tpu.memory_space<semaphore_mem>>)
        %dma_wait3A = arith.constant 0 : i32
        %dma_wait3A_55 = arith.constant 0 : i32
        %dma_wait3A_56 = tpu.memref_slice %arg3[%add3A_32, %dma_wait3A, %dma_wait3A_55] : memref<160x20x100xi32, #tpu.memory_space<hbm>> -> memref<1x20x100xi32, #tpu.memory_space<hbm>>
        %dma_wait3A_57 = tpu.memref_squeeze %dma_wait3A_56 : memref<1x20x100xi32, #tpu.memory_space<hbm>> -> memref<20x100xi32, #tpu.memory_space<hbm>>
        %dma_wait3A_58 = arith.constant 0 : i32
        %dma_wait3A_59 = arith.constant 0 : i32
        %dma_wait3A_60 = tpu.memref_slice %arg3[%add3A_32, %dma_wait3A_58, %dma_wait3A_59] : memref<160x20x100xi32, #tpu.memory_space<hbm>> -> memref<1x20x100xi32, #tpu.memory_space<hbm>>
        %dma_wait3A_61 = tpu.memref_squeeze %dma_wait3A_60 : memref<1x20x100xi32, #tpu.memory_space<hbm>> -> memref<20x100xi32, #tpu.memory_space<hbm>>
        tpu.wait_dma2 semaphore(%run_scoped3A : memref<!tpu.dma_semaphore, #tpu.memory_space<semaphore_mem>>) src(%dma_wait3A_61 : memref<20x100xi32, #tpu.memory_space<hbm>>) dst(%arg8 : memref<20x100xi32, #tpu.memory_space<vmem>>)
        tpu.yield
      }) : () -> ()
      %mul3A_33 = arith.constant 5 : i32
      %mul3A_34 = arith.muli %add3A, %mul3A_33 : i32
      %add3A_35 = arith.addi %mul3A_34, %scan3A_29 : i32
      "tpu.region"() ({
        %run_scoped3A = tpu.sem_alloc : memref<!tpu.dma_semaphore, #tpu.memory_space<semaphore_mem>>
        %dma_start3A_47 = arith.constant 0 : i32
        %dma_start3A_48 = arith.constant 0 : i32
        %dma_start3A_49 = tpu.memref_slice %arg4[%add3A_35, %dma_start3A_47, %dma_start3A_48] : memref<160x20x100xi32, #tpu.memory_space<hbm>> -> memref<1x20x100xi32, #tpu.memory_space<hbm>>
        %dma_start3A_50 = tpu.memref_squeeze %dma_start3A_49 : memref<1x20x100xi32, #tpu.memory_space<hbm>> -> memref<20x100xi32, #tpu.memory_space<hbm>>
        %dma_start3A_51 = arith.constant 0 : i32
        %dma_start3A_52 = arith.constant 0 : i32
        %dma_start3A_53 = tpu.memref_slice %arg4[%add3A_35, %dma_start3A_51, %dma_start3A_52] : memref<160x20x100xi32, #tpu.memory_space<hbm>> -> memref<1x20x100xi32, #tpu.memory_space<hbm>>
        %dma_start3A_54 = tpu.memref_squeeze %dma_start3A_53 : memref<1x20x100xi32, #tpu.memory_space<hbm>> -> memref<20x100xi32, #tpu.memory_space<hbm>>
        tpu.enqueue_dma source(%dma_start3A_54 : memref<20x100xi32, #tpu.memory_space<hbm>>) target(%arg9 : memref<20x100xi32, #tpu.memory_space<vmem>>) target_semaphore(%run_scoped3A : memref<!tpu.dma_semaphore, #tpu.memory_space<semaphore_mem>>)
        %dma_wait3A = arith.constant 0 : i32
        %dma_wait3A_55 = arith.constant 0 : i32
        %dma_wait3A_56 = tpu.memref_slice %arg4[%add3A_35, %dma_wait3A, %dma_wait3A_55] : memref<160x20x100xi32, #tpu.memory_space<hbm>> -> memref<1x20x100xi32, #tpu.memory_space<hbm>>
        %dma_wait3A_57 = tpu.memref_squeeze %dma_wait3A_56 : memref<1x20x100xi32, #tpu.memory_space<hbm>> -> memref<20x100xi32, #tpu.memory_space<hbm>>
        %dma_wait3A_58 = arith.constant 0 : i32
        %dma_wait3A_59 = arith.constant 0 : i32
        %dma_wait3A_60 = tpu.memref_slice %arg4[%add3A_35, %dma_wait3A_58, %dma_wait3A_59] : memref<160x20x100xi32, #tpu.memory_space<hbm>> -> memref<1x20x100xi32, #tpu.memory_space<hbm>>
        %dma_wait3A_61 = tpu.memref_squeeze %dma_wait3A_60 : memref<1x20x100xi32, #tpu.memory_space<hbm>> -> memref<20x100xi32, #tpu.memory_space<hbm>>
        tpu.wait_dma2 semaphore(%run_scoped3A : memref<!tpu.dma_semaphore, #tpu.memory_space<semaphore_mem>>) src(%dma_wait3A_61 : memref<20x100xi32, #tpu.memory_space<hbm>>) dst(%arg9 : memref<20x100xi32, #tpu.memory_space<vmem>>)
        tpu.yield
      }) : () -> ()
      %dma_start3A = arith.constant 0 : i32
      %dma_start3A_36 = arith.constant 0 : i32
      %dma_start3A_37 = tpu.memref_slice %arg8[%dma_start3A, %dma_start3A_36] : memref<20x100xi32, #tpu.memory_space<vmem>> -> memref<1x100xi32, #tpu.memory_space<vmem>>
      %dma_start3A_38 = tpu.memref_squeeze %dma_start3A_37 : memref<1x100xi32, #tpu.memory_space<vmem>> -> memref<100xi32, #tpu.memory_space<vmem>>
      %dma_start3A_39 = arith.constant 0 : i32
      %dma_start3A_40 = arith.constant 0 : i32
      %dma_start3A_41 = tpu.memref_slice %arg2[%dma_start3A_39, %dma_start3A_40] : memref<10240x128xf32, #tpu.memory_space<hbm>> -> memref<10240x128xf32, #tpu.memory_space<hbm>>
      tpu.enqueue_indirect_dma source(%dma_start3A_41 : memref<10240x128xf32, #tpu.memory_space<hbm>>) target(%arg10 : memref<100x128xf32, #tpu.memory_space<vmem>>) offsets(%dma_start3A_38 : memref<100xi32, #tpu.memory_space<vmem>>) semaphore(%arg14 : memref<!tpu.dma_semaphore, #tpu.memory_space<semaphore_mem>>)
      %scan3A_42 = arith.constant 0 : i32
      %scan3A_43 = arith.constant 10 : i32
      %scan3A_44 = arith.addi %scan3A_42, %scan3A_43 : i32
      %scan3A_45 = arith.constant 1 : i32
      scf.for %scan3A_47 = %scan3A_42 to %scan3A_44 step %scan3A_45  : i32 {
        %mul3A_48 = arith.constant 2 : i32
        %mul3A_49 = arith.muli %mul3A_48, %scan3A_47 : i32
        %add3A_50 = arith.constant 1 : i32
        %add3A_51 = arith.addi %mul3A_49, %add3A_50 : i32
        %dma_wait3A = arith.constant 0 : i32
        %dma_wait3A_52 = tpu.memref_slice %arg8[%mul3A_49, %dma_wait3A] : memref<20x100xi32, #tpu.memory_space<vmem>> -> memref<1x100xi32, #tpu.memory_space<vmem>>
        %dma_wait3A_53 = tpu.memref_squeeze %dma_wait3A_52 : memref<1x100xi32, #tpu.memory_space<vmem>> -> memref<100xi32, #tpu.memory_space<vmem>>
        %dma_wait3A_54 = arith.constant 0 : i32
        %dma_wait3A_55 = arith.constant 0 : i32
        %dma_wait3A_56 = tpu.memref_slice %arg2[%dma_wait3A_54, %dma_wait3A_55] : memref<10240x128xf32, #tpu.memory_space<hbm>> -> memref<10240x128xf32, #tpu.memory_space<hbm>>
        tpu.wait_indirect_dma semaphore(%arg14 : memref<!tpu.dma_semaphore, #tpu.memory_space<semaphore_mem>>) src(%dma_wait3A_56 : memref<10240x128xf32, #tpu.memory_space<hbm>>) dst(%arg10 : memref<100x128xf32, #tpu.memory_space<vmem>>)
        %dma_start3A_57 = arith.constant 0 : i32
        %dma_start3A_58 = tpu.memref_slice %arg8[%add3A_51, %dma_start3A_57] : memref<20x100xi32, #tpu.memory_space<vmem>> -> memref<1x100xi32, #tpu.memory_space<vmem>>
        %dma_start3A_59 = tpu.memref_squeeze %dma_start3A_58 : memref<1x100xi32, #tpu.memory_space<vmem>> -> memref<100xi32, #tpu.memory_space<vmem>>
        %dma_start3A_60 = arith.constant 0 : i32
        %dma_start3A_61 = arith.constant 0 : i32
        %dma_start3A_62 = tpu.memref_slice %arg2[%dma_start3A_60, %dma_start3A_61] : memref<10240x128xf32, #tpu.memory_space<hbm>> -> memref<10240x128xf32, #tpu.memory_space<hbm>>
        tpu.enqueue_indirect_dma source(%dma_start3A_62 : memref<10240x128xf32, #tpu.memory_space<hbm>>) target(%arg11 : memref<100x128xf32, #tpu.memory_space<vmem>>) offsets(%dma_start3A_59 : memref<100xi32, #tpu.memory_space<vmem>>) semaphore(%arg15 : memref<!tpu.dma_semaphore, #tpu.memory_space<semaphore_mem>>)
        %dma_start3A_63 = arith.constant 0 : i32
        %dma_start3A_64 = tpu.memref_slice %arg9[%mul3A_49, %dma_start3A_63] : memref<20x100xi32, #tpu.memory_space<vmem>> -> memref<1x100xi32, #tpu.memory_space<vmem>>
        %dma_start3A_65 = tpu.memref_squeeze %dma_start3A_64 : memref<1x100xi32, #tpu.memory_space<vmem>> -> memref<100xi32, #tpu.memory_space<vmem>>
        %dma_start3A_66 = arith.constant 0 : i32
        %dma_start3A_67 = arith.constant 0 : i32
        %dma_start3A_68 = tpu.memref_slice %arg13[%dma_start3A_66, %dma_start3A_67] : memref<10240x128xf32, #tpu.memory_space<vmem_shared>> -> memref<10240x128xf32, #tpu.memory_space<vmem_shared>>
        tpu.enqueue_indirect_dma source(%arg10 : memref<100x128xf32, #tpu.memory_space<vmem>>) target(%dma_start3A_68 : memref<10240x128xf32, #tpu.memory_space<vmem_shared>>) offsets(%dma_start3A_65 : memref<100xi32, #tpu.memory_space<vmem>>) semaphore(%arg16 : memref<!tpu.dma_semaphore, #tpu.memory_space<semaphore_mem>>) {add = true}
        %dma_wait3A_69 = arith.constant 0 : i32
        %dma_wait3A_70 = tpu.memref_slice %arg9[%mul3A_49, %dma_wait3A_69] : memref<20x100xi32, #tpu.memory_space<vmem>> -> memref<1x100xi32, #tpu.memory_space<vmem>>
        %dma_wait3A_71 = tpu.memref_squeeze %dma_wait3A_70 : memref<1x100xi32, #tpu.memory_space<vmem>> -> memref<100xi32, #tpu.memory_space<vmem>>
        %dma_wait3A_72 = arith.constant 0 : i32
        %dma_wait3A_73 = arith.constant 0 : i32
        %dma_wait3A_74 = tpu.memref_slice %arg13[%dma_wait3A_72, %dma_wait3A_73] : memref<10240x128xf32, #tpu.memory_space<vmem_shared>> -> memref<10240x128xf32, #tpu.memory_space<vmem_shared>>
        tpu.wait_indirect_dma semaphore(%arg16 : memref<!tpu.dma_semaphore, #tpu.memory_space<semaphore_mem>>) src(%arg10 : memref<100x128xf32, #tpu.memory_space<vmem>>) dst(%dma_wait3A_74 : memref<10240x128xf32, #tpu.memory_space<vmem_shared>>)
        %dma_wait3A_75 = arith.constant 0 : i32
        %dma_wait3A_76 = tpu.memref_slice %arg8[%add3A_51, %dma_wait3A_75] : memref<20x100xi32, #tpu.memory_space<vmem>> -> memref<1x100xi32, #tpu.memory_space<vmem>>
        %dma_wait3A_77 = tpu.memref_squeeze %dma_wait3A_76 : memref<1x100xi32, #tpu.memory_space<vmem>> -> memref<100xi32, #tpu.memory_space<vmem>>
        %dma_wait3A_78 = arith.constant 0 : i32
        %dma_wait3A_79 = arith.constant 0 : i32
        %dma_wait3A_80 = tpu.memref_slice %arg2[%dma_wait3A_78, %dma_wait3A_79] : memref<10240x128xf32, #tpu.memory_space<hbm>> -> memref<10240x128xf32, #tpu.memory_space<hbm>>
        tpu.wait_indirect_dma semaphore(%arg15 : memref<!tpu.dma_semaphore, #tpu.memory_space<semaphore_mem>>) src(%dma_wait3A_80 : memref<10240x128xf32, #tpu.memory_space<hbm>>) dst(%arg11 : memref<100x128xf32, #tpu.memory_space<vmem>>)
        %add3A_81 = arith.constant 1 : i32
        %add3A_82 = arith.addi %add3A_51, %add3A_81 : i32
        %lt3A = arith.constant 20 : i32
        %lt3A_83 = arith.cmpi slt, %add3A_82, %lt3A : i32
        %convert_element_type3A_84 = arith.extui %lt3A_83 : i1 to i32
        %cond3A_85 = arith.constant 0 : i32
        %cond3A_86 = arith.cmpi ne, %convert_element_type3A_84, %cond3A_85 : i32
        scf.if %cond3A_86 {
          %add3A_99 = arith.constant 1 : i32
          %add3A_100 = arith.addi %add3A_51, %add3A_99 : i32
          %dma_start3A_101 = arith.constant 0 : i32
          %dma_start3A_102 = tpu.memref_slice %arg8[%add3A_100, %dma_start3A_101] : memref<20x100xi32, #tpu.memory_space<vmem>> -> memref<1x100xi32, #tpu.memory_space<vmem>>
          %dma_start3A_103 = tpu.memref_squeeze %dma_start3A_102 : memref<1x100xi32, #tpu.memory_space<vmem>> -> memref<100xi32, #tpu.memory_space<vmem>>
          %dma_start3A_104 = arith.constant 0 : i32
          %dma_start3A_105 = arith.constant 0 : i32
          %dma_start3A_106 = tpu.memref_slice %arg2[%dma_start3A_104, %dma_start3A_105] : memref<10240x128xf32, #tpu.memory_space<hbm>> -> memref<10240x128xf32, #tpu.memory_space<hbm>>
          tpu.enqueue_indirect_dma source(%dma_start3A_106 : memref<10240x128xf32, #tpu.memory_space<hbm>>) target(%arg10 : memref<100x128xf32, #tpu.memory_space<vmem>>) offsets(%dma_start3A_103 : memref<100xi32, #tpu.memory_space<vmem>>) semaphore(%arg14 : memref<!tpu.dma_semaphore, #tpu.memory_space<semaphore_mem>>)
        } else {
        }
        %dma_start3A_87 = arith.constant 0 : i32
        %dma_start3A_88 = tpu.memref_slice %arg9[%add3A_51, %dma_start3A_87] : memref<20x100xi32, #tpu.memory_space<vmem>> -> memref<1x100xi32, #tpu.memory_space<vmem>>
        %dma_start3A_89 = tpu.memref_squeeze %dma_start3A_88 : memref<1x100xi32, #tpu.memory_space<vmem>> -> memref<100xi32, #tpu.memory_space<vmem>>
        %dma_start3A_90 = arith.constant 0 : i32
        %dma_start3A_91 = arith.constant 0 : i32
        %dma_start3A_92 = tpu.memref_slice %arg13[%dma_start3A_90, %dma_start3A_91] : memref<10240x128xf32, #tpu.memory_space<vmem_shared>> -> memref<10240x128xf32, #tpu.memory_space<vmem_shared>>
        tpu.enqueue_indirect_dma source(%arg11 : memref<100x128xf32, #tpu.memory_space<vmem>>) target(%dma_start3A_92 : memref<10240x128xf32, #tpu.memory_space<vmem_shared>>) offsets(%dma_start3A_89 : memref<100xi32, #tpu.memory_space<vmem>>) semaphore(%arg17 : memref<!tpu.dma_semaphore, #tpu.memory_space<semaphore_mem>>) {add = true}
        %dma_wait3A_93 = arith.constant 0 : i32
        %dma_wait3A_94 = tpu.memref_slice %arg9[%add3A_51, %dma_wait3A_93] : memref<20x100xi32, #tpu.memory_space<vmem>> -> memref<1x100xi32, #tpu.memory_space<vmem>>
        %dma_wait3A_95 = tpu.memref_squeeze %dma_wait3A_94 : memref<1x100xi32, #tpu.memory_space<vmem>> -> memref<100xi32, #tpu.memory_space<vmem>>
        %dma_wait3A_96 = arith.constant 0 : i32
        %dma_wait3A_97 = arith.constant 0 : i32
        %dma_wait3A_98 = tpu.memref_slice %arg13[%dma_wait3A_96, %dma_wait3A_97] : memref<10240x128xf32, #tpu.memory_space<vmem_shared>> -> memref<10240x128xf32, #tpu.memory_space<vmem_shared>>
        tpu.wait_indirect_dma semaphore(%arg17 : memref<!tpu.dma_semaphore, #tpu.memory_space<semaphore_mem>>) src(%arg11 : memref<100x128xf32, #tpu.memory_space<vmem>>) dst(%dma_wait3A_98 : memref<10240x128xf32, #tpu.memory_space<vmem_shared>>)
      }
      %scan3A_46 = arith.constant 10 : i32
    }
    %scan3A_17 = arith.constant 5 : i32
    %barrier3A_18 = arith.constant 0 : index
    tpu.barrier barrier_id(%barrier3A_18)
    %scan3A_19 = arith.constant 0 : i32
    %scan3A_20 = arith.constant 0 : i32
    %scan3A_21 = arith.constant 8 : i32
    %scan3A_22 = arith.addi %scan3A_20, %scan3A_21 : i32
    %scan3A_23 = arith.constant 1 : i32
    scf.for %scan3A_29 = %scan3A_20 to %scan3A_22 step %scan3A_23  : i32 {
      %mul3A_30 = arith.constant 640 : i32
      %mul3A_31 = arith.muli %arg1, %mul3A_30 : i32
      %mul3A_32 = arith.constant 80 : i32
      %mul3A_33 = arith.muli %scan3A_29, %mul3A_32 : i32
      %add3A_34 = arith.addi %mul3A_31, %mul3A_33 : i32
      "tpu.region"() ({
        %run_scoped3A = tpu.sem_alloc : memref<!tpu.dma_semaphore, #tpu.memory_space<semaphore_mem>>
        %dma_start3A = arith.constant 0 : i32
        %dma_start3A_40 = arith.constant 0 : i32
        %dma_start3A_41 = tpu.memref_slice %arg10[%dma_start3A, %dma_start3A_40] : memref<100x128xf32, #tpu.memory_space<vmem>> -> memref<80x128xf32, #tpu.memory_space<vmem>>
        %dma_start3A_42 = arith.constant 0 : i32
        %dma_start3A_43 = tpu.memref_slice %arg13[%add3A_34, %dma_start3A_42] : memref<10240x128xf32, #tpu.memory_space<vmem_shared>> -> memref<80x128xf32, #tpu.memory_space<vmem_shared>>
        %dma_start3A_44 = arith.constant 0 : i32
        %dma_start3A_45 = arith.constant 0 : i32
        %dma_start3A_46 = tpu.memref_slice %arg10[%dma_start3A_44, %dma_start3A_45] : memref<100x128xf32, #tpu.memory_space<vmem>> -> memref<80x128xf32, #tpu.memory_space<vmem>>
        %dma_start3A_47 = arith.constant 0 : i32
        %dma_start3A_48 = tpu.memref_slice %arg13[%add3A_34, %dma_start3A_47] : memref<10240x128xf32, #tpu.memory_space<vmem_shared>> -> memref<80x128xf32, #tpu.memory_space<vmem_shared>>
        tpu.enqueue_dma source(%dma_start3A_48 : memref<80x128xf32, #tpu.memory_space<vmem_shared>>) target(%dma_start3A_46 : memref<80x128xf32, #tpu.memory_space<vmem>>) target_semaphore(%run_scoped3A : memref<!tpu.dma_semaphore, #tpu.memory_space<semaphore_mem>>)
        %dma_wait3A = arith.constant 0 : i32
        %dma_wait3A_49 = arith.constant 0 : i32
        %dma_wait3A_50 = tpu.memref_slice %arg10[%dma_wait3A, %dma_wait3A_49] : memref<100x128xf32, #tpu.memory_space<vmem>> -> memref<80x128xf32, #tpu.memory_space<vmem>>
        %dma_wait3A_51 = arith.constant 0 : i32
        %dma_wait3A_52 = tpu.memref_slice %arg13[%add3A_34, %dma_wait3A_51] : memref<10240x128xf32, #tpu.memory_space<vmem_shared>> -> memref<80x128xf32, #tpu.memory_space<vmem_shared>>
        %dma_wait3A_53 = arith.constant 0 : i32
        %dma_wait3A_54 = arith.constant 0 : i32
        %dma_wait3A_55 = tpu.memref_slice %arg10[%dma_wait3A_53, %dma_wait3A_54] : memref<100x128xf32, #tpu.memory_space<vmem>> -> memref<80x128xf32, #tpu.memory_space<vmem>>
        %dma_wait3A_56 = arith.constant 0 : i32
        %dma_wait3A_57 = tpu.memref_slice %arg13[%add3A_34, %dma_wait3A_56] : memref<10240x128xf32, #tpu.memory_space<vmem_shared>> -> memref<80x128xf32, #tpu.memory_space<vmem_shared>>
        tpu.wait_dma2 semaphore(%run_scoped3A : memref<!tpu.dma_semaphore, #tpu.memory_space<semaphore_mem>>) src(%dma_wait3A_57 : memref<80x128xf32, #tpu.memory_space<vmem_shared>>) dst(%dma_wait3A_55 : memref<80x128xf32, #tpu.memory_space<vmem>>)
        tpu.yield
      }) : () -> ()
      %mul3A_35 = arith.constant 640 : i32
      %mul3A_36 = arith.muli %arg1, %mul3A_35 : i32
      %mul3A_37 = arith.constant 80 : i32
      %mul3A_38 = arith.muli %scan3A_29, %mul3A_37 : i32
      %add3A_39 = arith.addi %mul3A_36, %mul3A_38 : i32
      "tpu.region"() ({
        %run_scoped3A = tpu.sem_alloc : memref<!tpu.dma_semaphore, #tpu.memory_space<semaphore_mem>>
        %dma_start3A = arith.constant 0 : i32
        %dma_start3A_40 = arith.constant 0 : i32
        %dma_start3A_41 = tpu.memref_slice %arg10[%dma_start3A, %dma_start3A_40] : memref<100x128xf32, #tpu.memory_space<vmem>> -> memref<80x128xf32, #tpu.memory_space<vmem>>
        %dma_start3A_42 = arith.constant 0 : i32
        %dma_start3A_43 = tpu.memref_slice %arg6[%arg0, %add3A_39, %dma_start3A_42] : memref<2x10240x128xf32, #tpu.memory_space<hbm>> -> memref<1x80x128xf32, #tpu.memory_space<hbm>>
        %dma_start3A_44 = tpu.memref_squeeze %dma_start3A_43 : memref<1x80x128xf32, #tpu.memory_space<hbm>> -> memref<80x128xf32, #tpu.memory_space<hbm>>
        %dma_start3A_45 = arith.constant 0 : i32
        %dma_start3A_46 = tpu.memref_slice %arg6[%arg0, %add3A_39, %dma_start3A_45] : memref<2x10240x128xf32, #tpu.memory_space<hbm>> -> memref<1x80x128xf32, #tpu.memory_space<hbm>>
        %dma_start3A_47 = tpu.memref_squeeze %dma_start3A_46 : memref<1x80x128xf32, #tpu.memory_space<hbm>> -> memref<80x128xf32, #tpu.memory_space<hbm>>
        %dma_start3A_48 = arith.constant 0 : i32
        %dma_start3A_49 = arith.constant 0 : i32
        %dma_start3A_50 = tpu.memref_slice %arg10[%dma_start3A_48, %dma_start3A_49] : memref<100x128xf32, #tpu.memory_space<vmem>> -> memref<80x128xf32, #tpu.memory_space<vmem>>
        tpu.enqueue_dma source(%dma_start3A_50 : memref<80x128xf32, #tpu.memory_space<vmem>>) target(%dma_start3A_47 : memref<80x128xf32, #tpu.memory_space<hbm>>) target_semaphore(%run_scoped3A : memref<!tpu.dma_semaphore, #tpu.memory_space<semaphore_mem>>)
        %dma_wait3A = arith.constant 0 : i32
        %dma_wait3A_51 = arith.constant 0 : i32
        %dma_wait3A_52 = tpu.memref_slice %arg10[%dma_wait3A, %dma_wait3A_51] : memref<100x128xf32, #tpu.memory_space<vmem>> -> memref<80x128xf32, #tpu.memory_space<vmem>>
        %dma_wait3A_53 = arith.constant 0 : i32
        %dma_wait3A_54 = tpu.memref_slice %arg6[%arg0, %add3A_39, %dma_wait3A_53] : memref<2x10240x128xf32, #tpu.memory_space<hbm>> -> memref<1x80x128xf32, #tpu.memory_space<hbm>>
        %dma_wait3A_55 = tpu.memref_squeeze %dma_wait3A_54 : memref<1x80x128xf32, #tpu.memory_space<hbm>> -> memref<80x128xf32, #tpu.memory_space<hbm>>
        %dma_wait3A_56 = arith.constant 0 : i32
        %dma_wait3A_57 = tpu.memref_slice %arg6[%arg0, %add3A_39, %dma_wait3A_56] : memref<2x10240x128xf32, #tpu.memory_space<hbm>> -> memref<1x80x128xf32, #tpu.memory_space<hbm>>
        %dma_wait3A_58 = tpu.memref_squeeze %dma_wait3A_57 : memref<1x80x128xf32, #tpu.memory_space<hbm>> -> memref<80x128xf32, #tpu.memory_space<hbm>>
        %dma_wait3A_59 = arith.constant 0 : i32
        %dma_wait3A_60 = arith.constant 0 : i32
        %dma_wait3A_61 = tpu.memref_slice %arg10[%dma_wait3A_59, %dma_wait3A_60] : memref<100x128xf32, #tpu.memory_space<vmem>> -> memref<80x128xf32, #tpu.memory_space<vmem>>
        tpu.wait_dma2 semaphore(%run_scoped3A : memref<!tpu.dma_semaphore, #tpu.memory_space<semaphore_mem>>) src(%dma_wait3A_61 : memref<80x128xf32, #tpu.memory_space<vmem>>) dst(%dma_wait3A_58 : memref<80x128xf32, #tpu.memory_space<hbm>>)
        tpu.yield
      }) : () -> ()
    }
    %scan3A_24 = arith.constant 8 : i32
    %get3A = arith.constant 0 : index
    %get3A_25 = tpu.vector_load %arg12[%get3A] {strides = array<i32>} : memref<16xi32, #tpu.memory_space<vmem>>, vector<16xi32>,
    %get3A_26 = vector.shape_cast %get3A_25 : vector<16xi32> to vector<16xi32>
    %slice3A = vector.extract_strided_slice %get3A_26 {offsets = [0], sizes = [1], strides = [1]} : vector<16xi32> to vector<1xi32>
    %squeeze3A = vector.extract %slice3A[0] : i32 from vector<1xi32>
    %gt3A = arith.constant 0 : i32
    %gt3A_27 = arith.cmpi sgt, %squeeze3A, %gt3A : i32
    %convert_element_type3A = arith.extui %gt3A_27 : i1 to i32
    %cond3A = arith.constant 0 : i32
    %cond3A_28 = arith.cmpi ne, %convert_element_type3A, %cond3A : i32
    scf.if %cond3A_28 {
      %barrier3A_29 = arith.constant 0 : index
      tpu.barrier barrier_id(%barrier3A_29)
      %scan3A_30 = arith.constant 0 : i32
      %scan3A_31 = arith.constant 0 : i32
      %scan3A_32 = arith.constant 80 : i32
      %scan3A_33 = arith.addi %scan3A_31, %scan3A_32 : i32
      %scan3A_34 = arith.constant 1 : i32
      scf.for %scan3A_62 = %scan3A_31 to %scan3A_33 step %scan3A_34  : i32 {
        %scan3A_63 = arith.constant 0 : i32
        %scan3A_64 = arith.constant 8 : i32
        %scan3A_65 = arith.addi %scan3A_63, %scan3A_64 : i32
        %scan3A_66 = arith.constant 1 : i32
        scf.for %scan3A_68 = %scan3A_63 to %scan3A_65 step %scan3A_66  : i32 {
          %broadcast_in_dim3A = arith.constant 0.000000e+00 : f32
          %broadcast_in_dim3A_69 = vector.broadcast %broadcast_in_dim3A : f32 to vector<16xf32>
          %mul3A_70 = arith.constant 16 : i32
          %mul3A_71 = arith.muli %scan3A_68, %mul3A_70 : i32
          %swap3A = arith.index_cast %scan3A_62 : i32 to index
          %swap3A_72 = arith.index_cast %mul3A_71 : i32 to index
          %swap3A_73 = tpu.vector_load %arg10[%swap3A, %swap3A_72] {strides = array<i32>} : memref<100x128xf32, #tpu.memory_space<vmem>>, vector<1x16xf32>,
          %swap3A_74 = vector.shape_cast %swap3A_73 : vector<1x16xf32> to vector<16xf32>
          %swap3A_75 = vector.shape_cast %broadcast_in_dim3A_69 : vector<16xf32> to vector<1x16xf32>
          tpu.vector_store %arg10[%swap3A, %swap3A_72], %swap3A_75 {strides = array<i32>} : memref<100x128xf32, #tpu.memory_space<vmem>>, vector<1x16xf32>,
        }
        %scan3A_67 = arith.constant 8 : i32
      }
      %scan3A_35 = arith.constant 80 : i32
      %scan3A_36 = arith.constant 0 : i32
      %scan3A_37 = arith.constant 0 : i32
      %scan3A_38 = arith.constant 8 : i32
      %scan3A_39 = arith.addi %scan3A_37, %scan3A_38 : i32
      %scan3A_40 = arith.constant 1 : i32
      scf.for %scan3A_62 = %scan3A_37 to %scan3A_39 step %scan3A_40  : i32 {
        %mul3A_63 = arith.constant 640 : i32
        %mul3A_64 = arith.muli %arg1, %mul3A_63 : i32
        %mul3A_65 = arith.constant 80 : i32
        %mul3A_66 = arith.muli %scan3A_62, %mul3A_65 : i32
        %add3A_67 = arith.addi %mul3A_64, %mul3A_66 : i32
        "tpu.region"() ({
          %run_scoped3A = tpu.sem_alloc : memref<!tpu.dma_semaphore, #tpu.memory_space<semaphore_mem>>
          %dma_start3A = arith.constant 0 : i32
          %dma_start3A_68 = arith.constant 0 : i32
          %dma_start3A_69 = tpu.memref_slice %arg10[%dma_start3A, %dma_start3A_68] : memref<100x128xf32, #tpu.memory_space<vmem>> -> memref<80x128xf32, #tpu.memory_space<vmem>>
          %dma_start3A_70 = arith.constant 0 : i32
          %dma_start3A_71 = tpu.memref_slice %arg13[%add3A_67, %dma_start3A_70] : memref<10240x128xf32, #tpu.memory_space<vmem_shared>> -> memref<80x128xf32, #tpu.memory_space<vmem_shared>>
          %dma_start3A_72 = arith.constant 0 : i32
          %dma_start3A_73 = tpu.memref_slice %arg13[%add3A_67, %dma_start3A_72] : memref<10240x128xf32, #tpu.memory_space<vmem_shared>> -> memref<80x128xf32, #tpu.memory_space<vmem_shared>>
          %dma_start3A_74 = arith.constant 0 : i32
          %dma_start3A_75 = arith.constant 0 : i32
          %dma_start3A_76 = tpu.memref_slice %arg10[%dma_start3A_74, %dma_start3A_75] : memref<100x128xf32, #tpu.memory_space<vmem>> -> memref<80x128xf32, #tpu.memory_space<vmem>>
          tpu.enqueue_dma source(%dma_start3A_76 : memref<80x128xf32, #tpu.memory_space<vmem>>) target(%dma_start3A_73 : memref<80x128xf32, #tpu.memory_space<vmem_shared>>) target_semaphore(%run_scoped3A : memref<!tpu.dma_semaphore, #tpu.memory_space<semaphore_mem>>)
          %dma_wait3A = arith.constant 0 : i32
          %dma_wait3A_77 = arith.constant 0 : i32
          %dma_wait3A_78 = tpu.memref_slice %arg10[%dma_wait3A, %dma_wait3A_77] : memref<100x128xf32, #tpu.memory_space<vmem>> -> memref<80x128xf32, #tpu.memory_space<vmem>>
          %dma_wait3A_79 = arith.constant 0 : i32
          %dma_wait3A_80 = tpu.memref_slice %arg13[%add3A_67, %dma_wait3A_79] : memref<10240x128xf32, #tpu.memory_space<vmem_shared>> -> memref<80x128xf32, #tpu.memory_space<vmem_shared>>
          %dma_wait3A_81 = arith.constant 0 : i32
          %dma_wait3A_82 = tpu.memref_slice %arg13[%add3A_67, %dma_wait3A_81] : memref<10240x128xf32, #tpu.memory_space<vmem_shared>> -> memref<80x128xf32, #tpu.memory_space<vmem_shared>>
          %dma_wait3A_83 = arith.constant 0 : i32
          %dma_wait3A_84 = arith.constant 0 : i32
          %dma_wait3A_85 = tpu.memref_slice %arg10[%dma_wait3A_83, %dma_wait3A_84] : memref<100x128xf32, #tpu.memory_space<vmem>> -> memref<80x128xf32, #tpu.memory_space<vmem>>
          tpu.wait_dma2 semaphore(%run_scoped3A : memref<!tpu.dma_semaphore, #tpu.memory_space<semaphore_mem>>) src(%dma_wait3A_85 : memref<80x128xf32, #tpu.memory_space<vmem>>) dst(%dma_wait3A_82 : memref<80x128xf32, #tpu.memory_space<vmem_shared>>)
          tpu.yield
        }) : () -> ()
      }
      %scan3A_41 = arith.constant 8 : i32
      %barrier3A_42 = arith.constant 0 : index
      tpu.barrier barrier_id(%barrier3A_42)
      %scan3A_43 = arith.constant 0 : i32
      %scan3A_44 = arith.constant 0 : i32
      %scan3A_45 = arith.constant 100 : i32
      %scan3A_46 = arith.addi %scan3A_44, %scan3A_45 : i32
      %scan3A_47 = arith.constant 1 : i32
      scf.for %scan3A_62 = %scan3A_44 to %scan3A_46 step %scan3A_47  : i32 {
        %scan3A_63 = arith.constant 0 : i32
        %scan3A_64 = arith.constant 8 : i32
        %scan3A_65 = arith.addi %scan3A_63, %scan3A_64 : i32
        %scan3A_66 = arith.constant 1 : i32
        scf.for %scan3A_68 = %scan3A_63 to %scan3A_65 step %scan3A_66  : i32 {
          %broadcast_in_dim3A = arith.constant 1.000000e+00 : f32
          %broadcast_in_dim3A_69 = vector.broadcast %broadcast_in_dim3A : f32 to vector<16xf32>
          %mul3A_70 = arith.constant 16 : i32
          %mul3A_71 = arith.muli %scan3A_68, %mul3A_70 : i32
          %swap3A = arith.index_cast %scan3A_62 : i32 to index
          %swap3A_72 = arith.index_cast %mul3A_71 : i32 to index
          %swap3A_73 = tpu.vector_load %arg10[%swap3A, %swap3A_72] {strides = array<i32>} : memref<100x128xf32, #tpu.memory_space<vmem>>, vector<1x16xf32>,
          %swap3A_74 = vector.shape_cast %swap3A_73 : vector<1x16xf32> to vector<16xf32>
          %swap3A_75 = vector.shape_cast %broadcast_in_dim3A_69 : vector<16xf32> to vector<1x16xf32>
          tpu.vector_store %arg10[%swap3A, %swap3A_72], %swap3A_75 {strides = array<i32>} : memref<100x128xf32, #tpu.memory_space<vmem>>, vector<1x16xf32>,
        }
        %scan3A_67 = arith.constant 8 : i32
      }
      %scan3A_48 = arith.constant 100 : i32
      %scan3A_49 = arith.constant 0 : i32
      %scan3A_50 = arith.constant 0 : i32
      %scan3A_51 = arith.constant 5 : i32
      %scan3A_52 = arith.addi %scan3A_50, %scan3A_51 : i32
      %scan3A_53 = arith.constant 1 : i32
      scf.for %scan3A_62 = %scan3A_50 to %scan3A_52 step %scan3A_53  : i32 {
        %mul3A_63 = arith.constant 5 : i32
        %mul3A_64 = arith.muli %add3A, %mul3A_63 : i32
        %add3A_65 = arith.addi %mul3A_64, %scan3A_62 : i32
        "tpu.region"() ({
          %run_scoped3A = tpu.sem_alloc : memref<!tpu.dma_semaphore, #tpu.memory_space<semaphore_mem>>
          %dma_start3A = arith.constant 0 : i32
          %dma_start3A_71 = arith.constant 0 : i32
          %dma_start3A_72 = tpu.memref_slice %arg4[%add3A_65, %dma_start3A, %dma_start3A_71] : memref<160x20x100xi32, #tpu.memory_space<hbm>> -> memref<1x20x100xi32, #tpu.memory_space<hbm>>
          %dma_start3A_73 = tpu.memref_squeeze %dma_start3A_72 : memref<1x20x100xi32, #tpu.memory_space<hbm>> -> memref<20x100xi32, #tpu.memory_space<hbm>>
          %dma_start3A_74 = arith.constant 0 : i32
          %dma_start3A_75 = arith.constant 0 : i32
          %dma_start3A_76 = tpu.memref_slice %arg4[%add3A_65, %dma_start3A_74, %dma_start3A_75] : memref<160x20x100xi32, #tpu.memory_space<hbm>> -> memref<1x20x100xi32, #tpu.memory_space<hbm>>
          %dma_start3A_77 = tpu.memref_squeeze %dma_start3A_76 : memref<1x20x100xi32, #tpu.memory_space<hbm>> -> memref<20x100xi32, #tpu.memory_space<hbm>>
          tpu.enqueue_dma source(%dma_start3A_77 : memref<20x100xi32, #tpu.memory_space<hbm>>) target(%arg9 : memref<20x100xi32, #tpu.memory_space<vmem>>) target_semaphore(%run_scoped3A : memref<!tpu.dma_semaphore, #tpu.memory_space<semaphore_mem>>)
          %dma_wait3A = arith.constant 0 : i32
          %dma_wait3A_78 = arith.constant 0 : i32
          %dma_wait3A_79 = tpu.memref_slice %arg4[%add3A_65, %dma_wait3A, %dma_wait3A_78] : memref<160x20x100xi32, #tpu.memory_space<hbm>> -> memref<1x20x100xi32, #tpu.memory_space<hbm>>
          %dma_wait3A_80 = tpu.memref_squeeze %dma_wait3A_79 : memref<1x20x100xi32, #tpu.memory_space<hbm>> -> memref<20x100xi32, #tpu.memory_space<hbm>>
          %dma_wait3A_81 = arith.constant 0 : i32
          %dma_wait3A_82 = arith.constant 0 : i32
          %dma_wait3A_83 = tpu.memref_slice %arg4[%add3A_65, %dma_wait3A_81, %dma_wait3A_82] : memref<160x20x100xi32, #tpu.memory_space<hbm>> -> memref<1x20x100xi32, #tpu.memory_space<hbm>>
          %dma_wait3A_84 = tpu.memref_squeeze %dma_wait3A_83 : memref<1x20x100xi32, #tpu.memory_space<hbm>> -> memref<20x100xi32, #tpu.memory_space<hbm>>
          tpu.wait_dma2 semaphore(%run_scoped3A : memref<!tpu.dma_semaphore, #tpu.memory_space<semaphore_mem>>) src(%dma_wait3A_84 : memref<20x100xi32, #tpu.memory_space<hbm>>) dst(%arg9 : memref<20x100xi32, #tpu.memory_space<vmem>>)
          tpu.yield
        }) : () -> ()
        %scan3A_66 = arith.constant 0 : i32
        %scan3A_67 = arith.constant 20 : i32
        %scan3A_68 = arith.addi %scan3A_66, %scan3A_67 : i32
        %scan3A_69 = arith.constant 1 : i32
        scf.for %scan3A_71 = %scan3A_66 to %scan3A_68 step %scan3A_69  : i32 {
          "tpu.region"() ({
            %run_scoped3A = tpu.sem_alloc : memref<!tpu.dma_semaphore, #tpu.memory_space<semaphore_mem>>
            %dma_start3A = arith.constant 0 : i32
            %dma_start3A_72 = tpu.memref_slice %arg9[%scan3A_71, %dma_start3A] : memref<20x100xi32, #tpu.memory_space<vmem>> -> memref<1x100xi32, #tpu.memory_space<vmem>>
            %dma_start3A_73 = tpu.memref_squeeze %dma_start3A_72 : memref<1x100xi32, #tpu.memory_space<vmem>> -> memref<100xi32, #tpu.memory_space<vmem>>
            %dma_start3A_74 = arith.constant 0 : i32
            %dma_start3A_75 = arith.constant 0 : i32
            %dma_start3A_76 = tpu.memref_slice %arg13[%dma_start3A_74, %dma_start3A_75] : memref<10240x128xf32, #tpu.memory_space<vmem_shared>> -> memref<10240x128xf32, #tpu.memory_space<vmem_shared>>
            tpu.enqueue_indirect_dma source(%arg10 : memref<100x128xf32, #tpu.memory_space<vmem>>) target(%dma_start3A_76 : memref<10240x128xf32, #tpu.memory_space<vmem_shared>>) offsets(%dma_start3A_73 : memref<100xi32, #tpu.memory_space<vmem>>) semaphore(%run_scoped3A : memref<!tpu.dma_semaphore, #tpu.memory_space<semaphore_mem>>) {add = true}
            %dma_wait3A = arith.constant 0 : i32
            %dma_wait3A_77 = tpu.memref_slice %arg9[%scan3A_71, %dma_wait3A] : memref<20x100xi32, #tpu.memory_space<vmem>> -> memref<1x100xi32, #tpu.memory_space<vmem>>
            %dma_wait3A_78 = tpu.memref_squeeze %dma_wait3A_77 : memref<1x100xi32, #tpu.memory_space<vmem>> -> memref<100xi32, #tpu.memory_space<vmem>>
            %dma_wait3A_79 = arith.constant 0 : i32
            %dma_wait3A_80 = arith.constant 0 : i32
            %dma_wait3A_81 = tpu.memref_slice %arg13[%dma_wait3A_79, %dma_wait3A_80] : memref<10240x128xf32, #tpu.memory_space<vmem_shared>> -> memref<10240x128xf32, #tpu.memory_space<vmem_shared>>
            tpu.wait_indirect_dma semaphore(%run_scoped3A : memref<!tpu.dma_semaphore, #tpu.memory_space<semaphore_mem>>) src(%arg10 : memref<100x128xf32, #tpu.memory_space<vmem>>) dst(%dma_wait3A_81 : memref<10240x128xf32, #tpu.memory_space<vmem_shared>>)
            tpu.yield
          }) : () -> ()
        }
        %scan3A_70 = arith.constant 20 : i32
      }
      %scan3A_54 = arith.constant 5 : i32
      %barrier3A_55 = arith.constant 0 : index
      tpu.barrier barrier_id(%barrier3A_55)
      %scan3A_56 = arith.constant 0 : i32
      %scan3A_57 = arith.constant 0 : i32
      %scan3A_58 = arith.constant 8 : i32
      %scan3A_59 = arith.addi %scan3A_57, %scan3A_58 : i32
      %scan3A_60 = arith.constant 1 : i32
      scf.for %scan3A_62 = %scan3A_57 to %scan3A_59 step %scan3A_60  : i32 {
        %mul3A_63 = arith.constant 640 : i32
        %mul3A_64 = arith.muli %arg1, %mul3A_63 : i32
        %mul3A_65 = arith.constant 80 : i32
        %mul3A_66 = arith.muli %scan3A_62, %mul3A_65 : i32
        %add3A_67 = arith.addi %mul3A_64, %mul3A_66 : i32
        "tpu.region"() ({
          %run_scoped3A = tpu.sem_alloc : memref<!tpu.dma_semaphore, #tpu.memory_space<semaphore_mem>>
          %dma_start3A = arith.constant 0 : i32
          %dma_start3A_73 = arith.constant 0 : i32
          %dma_start3A_74 = tpu.memref_slice %arg10[%dma_start3A, %dma_start3A_73] : memref<100x128xf32, #tpu.memory_space<vmem>> -> memref<80x128xf32, #tpu.memory_space<vmem>>
          %dma_start3A_75 = arith.constant 0 : i32
          %dma_start3A_76 = tpu.memref_slice %arg13[%add3A_67, %dma_start3A_75] : memref<10240x128xf32, #tpu.memory_space<vmem_shared>> -> memref<80x128xf32, #tpu.memory_space<vmem_shared>>
          %dma_start3A_77 = arith.constant 0 : i32
          %dma_start3A_78 = arith.constant 0 : i32
          %dma_start3A_79 = tpu.memref_slice %arg10[%dma_start3A_77, %dma_start3A_78] : memref<100x128xf32, #tpu.memory_space<vmem>> -> memref<80x128xf32, #tpu.memory_space<vmem>>
          %dma_start3A_80 = arith.constant 0 : i32
          %dma_start3A_81 = tpu.memref_slice %arg13[%add3A_67, %dma_start3A_80] : memref<10240x128xf32, #tpu.memory_space<vmem_shared>> -> memref<80x128xf32, #tpu.memory_space<vmem_shared>>
          tpu.enqueue_dma source(%dma_start3A_81 : memref<80x128xf32, #tpu.memory_space<vmem_shared>>) target(%dma_start3A_79 : memref<80x128xf32, #tpu.memory_space<vmem>>) target_semaphore(%run_scoped3A : memref<!tpu.dma_semaphore, #tpu.memory_space<semaphore_mem>>)
          %dma_wait3A = arith.constant 0 : i32
          %dma_wait3A_82 = arith.constant 0 : i32
          %dma_wait3A_83 = tpu.memref_slice %arg10[%dma_wait3A, %dma_wait3A_82] : memref<100x128xf32, #tpu.memory_space<vmem>> -> memref<80x128xf32, #tpu.memory_space<vmem>>
          %dma_wait3A_84 = arith.constant 0 : i32
          %dma_wait3A_85 = tpu.memref_slice %arg13[%add3A_67, %dma_wait3A_84] : memref<10240x128xf32, #tpu.memory_space<vmem_shared>> -> memref<80x128xf32, #tpu.memory_space<vmem_shared>>
          %dma_wait3A_86 = arith.constant 0 : i32
          %dma_wait3A_87 = arith.constant 0 : i32
          %dma_wait3A_88 = tpu.memref_slice %arg10[%dma_wait3A_86, %dma_wait3A_87] : memref<100x128xf32, #tpu.memory_space<vmem>> -> memref<80x128xf32, #tpu.memory_space<vmem>>
          %dma_wait3A_89 = arith.constant 0 : i32
          %dma_wait3A_90 = tpu.memref_slice %arg13[%add3A_67, %dma_wait3A_89] : memref<10240x128xf32, #tpu.memory_space<vmem_shared>> -> memref<80x128xf32, #tpu.memory_space<vmem_shared>>
          tpu.wait_dma2 semaphore(%run_scoped3A : memref<!tpu.dma_semaphore, #tpu.memory_space<semaphore_mem>>) src(%dma_wait3A_90 : memref<80x128xf32, #tpu.memory_space<vmem_shared>>) dst(%dma_wait3A_88 : memref<80x128xf32, #tpu.memory_space<vmem>>)
          tpu.yield
        }) : () -> ()
        %mul3A_68 = arith.constant 640 : i32
        %mul3A_69 = arith.muli %arg1, %mul3A_68 : i32
        %mul3A_70 = arith.constant 80 : i32
        %mul3A_71 = arith.muli %scan3A_62, %mul3A_70 : i32
        %add3A_72 = arith.addi %mul3A_69, %mul3A_71 : i32
        "tpu.region"() ({
          %run_scoped3A = tpu.sem_alloc : memref<!tpu.dma_semaphore, #tpu.memory_space<semaphore_mem>>
          %dma_start3A = arith.constant 0 : i32
          %dma_start3A_73 = arith.constant 0 : i32
          %dma_start3A_74 = tpu.memref_slice %arg10[%dma_start3A, %dma_start3A_73] : memref<100x128xf32, #tpu.memory_space<vmem>> -> memref<80x128xf32, #tpu.memory_space<vmem>>
          %dma_start3A_75 = arith.constant 0 : i32
          %dma_start3A_76 = tpu.memref_slice %arg7[%arg0, %add3A_72, %dma_start3A_75] : memref<2x10240x128xf32, #tpu.memory_space<hbm>> -> memref<1x80x128xf32, #tpu.memory_space<hbm>>
          %dma_start3A_77 = tpu.memref_squeeze %dma_start3A_76 : memref<1x80x128xf32, #tpu.memory_space<hbm>> -> memref<80x128xf32, #tpu.memory_space<hbm>>
          %dma_start3A_78 = arith.constant 0 : i32
          %dma_start3A_79 = tpu.memref_slice %arg7[%arg0, %add3A_72, %dma_start3A_78] : memref<2x10240x128xf32, #tpu.memory_space<hbm>> -> memref<1x80x128xf32, #tpu.memory_space<hbm>>
          %dma_start3A_80 = tpu.memref_squeeze %dma_start3A_79 : memref<1x80x128xf32, #tpu.memory_space<hbm>> -> memref<80x128xf32, #tpu.memory_space<hbm>>
          %dma_start3A_81 = arith.constant 0 : i32
          %dma_start3A_82 = arith.constant 0 : i32
          %dma_start3A_83 = tpu.memref_slice %arg10[%dma_start3A_81, %dma_start3A_82] : memref<100x128xf32, #tpu.memory_space<vmem>> -> memref<80x128xf32, #tpu.memory_space<vmem>>
          tpu.enqueue_dma source(%dma_start3A_83 : memref<80x128xf32, #tpu.memory_space<vmem>>) target(%dma_start3A_80 : memref<80x128xf32, #tpu.memory_space<hbm>>) target_semaphore(%run_scoped3A : memref<!tpu.dma_semaphore, #tpu.memory_space<semaphore_mem>>)
          %dma_wait3A = arith.constant 0 : i32
          %dma_wait3A_84 = arith.constant 0 : i32
          %dma_wait3A_85 = tpu.memref_slice %arg10[%dma_wait3A, %dma_wait3A_84] : memref<100x128xf32, #tpu.memory_space<vmem>> -> memref<80x128xf32, #tpu.memory_space<vmem>>
          %dma_wait3A_86 = arith.constant 0 : i32
          %dma_wait3A_87 = tpu.memref_slice %arg7[%arg0, %add3A_72, %dma_wait3A_86] : memref<2x10240x128xf32, #tpu.memory_space<hbm>> -> memref<1x80x128xf32, #tpu.memory_space<hbm>>
          %dma_wait3A_88 = tpu.memref_squeeze %dma_wait3A_87 : memref<1x80x128xf32, #tpu.memory_space<hbm>> -> memref<80x128xf32, #tpu.memory_space<hbm>>
          %dma_wait3A_89 = arith.constant 0 : i32
          %dma_wait3A_90 = tpu.memref_slice %arg7[%arg0, %add3A_72, %dma_wait3A_89] : memref<2x10240x128xf32, #tpu.memory_space<hbm>> -> memref<1x80x128xf32, #tpu.memory_space<hbm>>
          %dma_wait3A_91 = tpu.memref_squeeze %dma_wait3A_90 : memref<1x80x128xf32, #tpu.memory_space<hbm>> -> memref<80x128xf32, #tpu.memory_space<hbm>>
          %dma_wait3A_92 = arith.constant 0 : i32
          %dma_wait3A_93 = arith.constant 0 : i32
          %dma_wait3A_94 = tpu.memref_slice %arg10[%dma_wait3A_92, %dma_wait3A_93] : memref<100x128xf32, #tpu.memory_space<vmem>> -> memref<80x128xf32, #tpu.memory_space<vmem>>
          tpu.wait_dma2 semaphore(%run_scoped3A : memref<!tpu.dma_semaphore, #tpu.memory_space<semaphore_mem>>) src(%dma_wait3A_94 : memref<80x128xf32, #tpu.memory_space<vmem>>) dst(%dma_wait3A_91 : memref<80x128xf32, #tpu.memory_space<hbm>>)
          tpu.yield
        }) : () -> ()
      }
      %scan3A_61 = arith.constant 8 : i32
    } else {
    }
    return
  }
}

#map = affine_map<(d0, d1) -> (0, 0)>
#map1 = affine_map<(d0, d1) -> (0, 0, 0)>
#map2 = affine_map<(d0, d1) -> (0)>
module attributes {stable_mosaic.version = 14 : i64} {
  func.func @_sc_segsum(%arg0: i32, %arg1: i32, %arg2: memref<10240x128xf32, #tpu.memory_space<hbm>>, %arg3: memref<160x20x100xi32, #tpu.memory_space<hbm>>, %arg4: memref<160x20x100xi32, #tpu.memory_space<hbm>>, %arg5: memref<16xi32, #tpu.memory_space<hbm>>, %arg6: memref<2x10240x128xf32, #tpu.memory_space<hbm>>, %arg7: memref<2x10240x128xf32, #tpu.memory_space<hbm>>, %arg8: memref<20x100xi32, #tpu.memory_space<vmem>>, %arg9: memref<20x100xi32, #tpu.memory_space<vmem>>, %arg10: memref<100x128xf32, #tpu.memory_space<vmem>>, %arg11: memref<100x128xf32, #tpu.memory_space<vmem>>, %arg12: memref<16xi32, #tpu.memory_space<vmem>>, %arg13: memref<10240x128xf32, #tpu.memory_space<vmem_shared>>, %arg14: memref<!tpu.dma_semaphore, #tpu.memory_space<semaphore_mem>>, %arg15: memref<!tpu.dma_semaphore, #tpu.memory_space<semaphore_mem>>, %arg16: memref<!tpu.dma_semaphore, #tpu.memory_space<semaphore_mem>>, %arg17: memref<!tpu.dma_semaphore, #tpu.memory_space<semaphore_mem>>) attributes {dimension_semantics = [#tpu.dimension_semantics<core_parallel>, #tpu.dimension_semantics<subcore_parallel>], iteration_bounds = array<i64: 2, 16>, scalar_prefetch = 0 : i64, scratch_operands = 10 : i64, tpu.core_type = #tpu.core_type<sc_vector_subcore>, window_params = [{transform_indices = #map}, {transform_indices = #map1}, {transform_indices = #map1}, {transform_indices = #map2}, {transform_indices = #map1}, {transform_indices = #map1}]} {
    %mul3A = arith.constant 16 : i32
    %mul3A_0 = arith.muli %arg0, %mul3A : i32
    %add3A = arith.addi %mul3A_0, %arg1 : i32
    %scan3A = arith.constant 0 : i32
    %scan3A_1 = arith.constant 0 : i32
    %scan3A_2 = arith.constant 80 : i32
    %scan3A_3 = arith.addi %scan3A_1, %scan3A_2 : i32
    %scan3A_4 = arith.constant 1 : i32
    scf.for %scan3A_29 = %scan3A_1 to %scan3A_3 step %scan3A_4  : i32 {
      %scan3A_30 = arith.constant 0 : i32
      %scan3A_31 = arith.constant 8 : i32
      %scan3A_32 = arith.addi %scan3A_30, %scan3A_31 : i32
      %scan3A_33 = arith.constant 1 : i32
      scf.for %scan3A_35 = %scan3A_30 to %scan3A_32 step %scan3A_33  : i32 {
        %broadcast_in_dim3A = arith.constant 0.000000e+00 : f32
        %broadcast_in_dim3A_36 = vector.broadcast %broadcast_in_dim3A : f32 to vector<16xf32>
        %mul3A_37 = arith.constant 16 : i32
        %mul3A_38 = arith.muli %scan3A_35, %mul3A_37 : i32
        %swap3A = arith.index_cast %scan3A_29 : i32 to index
        %swap3A_39 = arith.index_cast %mul3A_38 : i32 to index
        %swap3A_40 = tpu.vector_load %arg10[%swap3A, %swap3A_39] {strides = array<i32>} : memref<100x128xf32, #tpu.memory_space<vmem>>, vector<1x16xf32>,
        %swap3A_41 = vector.shape_cast %swap3A_40 : vector<1x16xf32> to vector<16xf32>
        %swap3A_42 = vector.shape_cast %broadcast_in_dim3A_36 : vector<16xf32> to vector<1x16xf32>
        tpu.vector_store %arg10[%swap3A, %swap3A_39], %swap3A_42 {strides = array<i32>} : memref<100x128xf32, #tpu.memory_space<vmem>>, vector<1x16xf32>,
      }
      %scan3A_34 = arith.constant 8 : i32
    }
    %scan3A_5 = arith.constant 80 : i32
    %scan3A_6 = arith.constant 0 : i32
    %scan3A_7 = arith.constant 0 : i32
    %scan3A_8 = arith.constant 8 : i32
    %scan3A_9 = arith.addi %scan3A_7, %scan3A_8 : i32
    %scan3A_10 = arith.constant 1 : i32
    scf.for %scan3A_29 = %scan3A_7 to %scan3A_9 step %scan3A_10  : i32 {
      %mul3A_30 = arith.constant 640 : i32
      %mul3A_31 = arith.muli %arg1, %mul3A_30 : i32
      %mul3A_32 = arith.constant 80 : i32
      %mul3A_33 = arith.muli %scan3A_29, %mul3A_32 : i32
      %add3A_34 = arith.addi %mul3A_31, %mul3A_33 : i32
      "tpu.region"() ({
        %run_scoped3A = tpu.sem_alloc : memref<!tpu.dma_semaphore, #tpu.memory_space<semaphore_mem>>
        %dma_start3A = arith.constant 0 : i32
        %dma_start3A_35 = arith.constant 0 : i32
        %dma_start3A_36 = tpu.memref_slice %arg10[%dma_start3A, %dma_start3A_35] : memref<100x128xf32, #tpu.memory_space<vmem>> -> memref<80x128xf32, #tpu.memory_space<vmem>>
        %dma_start3A_37 = arith.constant 0 : i32
        %dma_start3A_38 = tpu.memref_slice %arg13[%add3A_34, %dma_start3A_37] : memref<10240x128xf32, #tpu.memory_space<vmem_shared>> -> memref<80x128xf32, #tpu.memory_space<vmem_shared>>
        %dma_start3A_39 = arith.constant 0 : i32
        %dma_start3A_40 = tpu.memref_slice %arg13[%add3A_34, %dma_start3A_39] : memref<10240x128xf32, #tpu.memory_space<vmem_shared>> -> memref<80x128xf32, #tpu.memory_space<vmem_shared>>
        %dma_start3A_41 = arith.constant 0 : i32
        %dma_start3A_42 = arith.constant 0 : i32
        %dma_start3A_43 = tpu.memref_slice %arg10[%dma_start3A_41, %dma_start3A_42] : memref<100x128xf32, #tpu.memory_space<vmem>> -> memref<80x128xf32, #tpu.memory_space<vmem>>
        tpu.enqueue_dma source(%dma_start3A_43 : memref<80x128xf32, #tpu.memory_space<vmem>>) target(%dma_start3A_40 : memref<80x128xf32, #tpu.memory_space<vmem_shared>>) target_semaphore(%run_scoped3A : memref<!tpu.dma_semaphore, #tpu.memory_space<semaphore_mem>>)
        %dma_wait3A = arith.constant 0 : i32
        %dma_wait3A_44 = arith.constant 0 : i32
        %dma_wait3A_45 = tpu.memref_slice %arg10[%dma_wait3A, %dma_wait3A_44] : memref<100x128xf32, #tpu.memory_space<vmem>> -> memref<80x128xf32, #tpu.memory_space<vmem>>
        %dma_wait3A_46 = arith.constant 0 : i32
        %dma_wait3A_47 = tpu.memref_slice %arg13[%add3A_34, %dma_wait3A_46] : memref<10240x128xf32, #tpu.memory_space<vmem_shared>> -> memref<80x128xf32, #tpu.memory_space<vmem_shared>>
        %dma_wait3A_48 = arith.constant 0 : i32
        %dma_wait3A_49 = tpu.memref_slice %arg13[%add3A_34, %dma_wait3A_48] : memref<10240x128xf32, #tpu.memory_space<vmem_shared>> -> memref<80x128xf32, #tpu.memory_space<vmem_shared>>
        %dma_wait3A_50 = arith.constant 0 : i32
        %dma_wait3A_51 = arith.constant 0 : i32
        %dma_wait3A_52 = tpu.memref_slice %arg10[%dma_wait3A_50, %dma_wait3A_51] : memref<100x128xf32, #tpu.memory_space<vmem>> -> memref<80x128xf32, #tpu.memory_space<vmem>>
        tpu.wait_dma2 semaphore(%run_scoped3A : memref<!tpu.dma_semaphore, #tpu.memory_space<semaphore_mem>>) src(%dma_wait3A_52 : memref<80x128xf32, #tpu.memory_space<vmem>>) dst(%dma_wait3A_49 : memref<80x128xf32, #tpu.memory_space<vmem_shared>>)
        tpu.yield
      }) : () -> ()
    }
    %scan3A_11 = arith.constant 8 : i32
    "tpu.region"() ({
      %run_scoped3A = tpu.sem_alloc : memref<!tpu.dma_semaphore, #tpu.memory_space<semaphore_mem>>
      tpu.enqueue_dma source(%arg5 : memref<16xi32, #tpu.memory_space<hbm>>) target(%arg12 : memref<16xi32, #tpu.memory_space<vmem>>) target_semaphore(%run_scoped3A : memref<!tpu.dma_semaphore, #tpu.memory_space<semaphore_mem>>)
      tpu.wait_dma2 semaphore(%run_scoped3A : memref<!tpu.dma_semaphore, #tpu.memory_space<semaphore_mem>>) src(%arg5 : memref<16xi32, #tpu.memory_space<hbm>>) dst(%arg12 : memref<16xi32, #tpu.memory_space<vmem>>)
      tpu.yield
    }) : () -> ()
    %barrier3A = arith.constant 0 : index
    tpu.barrier barrier_id(%barrier3A)
    %scan3A_12 = arith.constant 0 : i32
    %scan3A_13 = arith.constant 0 : i32
    %scan3A_14 = arith.constant 5 : i32
    %scan3A_15 = arith.addi %scan3A_13, %scan3A_14 : i32
    %scan3A_16 = arith.constant 1 : i32
    scf.for %scan3A_29 = %scan3A_13 to %scan3A_15 step %scan3A_16  : i32 {
      %mul3A_30 = arith.constant 5 : i32
      %mul3A_31 = arith.muli %add3A, %mul3A_30 : i32
      %add3A_32 = arith.addi %mul3A_31, %scan3A_29 : i32
      "tpu.region"() ({
        %run_scoped3A = tpu.sem_alloc : memref<!tpu.dma_semaphore, #tpu.memory_space<semaphore_mem>>
        %dma_start3A_47 = arith.constant 0 : i32
        %dma_start3A_48 = arith.constant 0 : i32
        %dma_start3A_49 = tpu.memref_slice %arg3[%add3A_32, %dma_start3A_47, %dma_start3A_48] : memref<160x20x100xi32, #tpu.memory_space<hbm>> -> memref<1x20x100xi32, #tpu.memory_space<hbm>>
        %dma_start3A_50 = tpu.memref_squeeze %dma_start3A_49 : memref<1x20x100xi32, #tpu.memory_space<hbm>> -> memref<20x100xi32, #tpu.memory_space<hbm>>
        %dma_start3A_51 = arith.constant 0 : i32
        %dma_start3A_52 = arith.constant 0 : i32
        %dma_start3A_53 = tpu.memref_slice %arg3[%add3A_32, %dma_start3A_51, %dma_start3A_52] : memref<160x20x100xi32, #tpu.memory_space<hbm>> -> memref<1x20x100xi32, #tpu.memory_space<hbm>>
        %dma_start3A_54 = tpu.memref_squeeze %dma_start3A_53 : memref<1x20x100xi32, #tpu.memory_space<hbm>> -> memref<20x100xi32, #tpu.memory_space<hbm>>
        tpu.enqueue_dma source(%dma_start3A_54 : memref<20x100xi32, #tpu.memory_space<hbm>>) target(%arg8 : memref<20x100xi32, #tpu.memory_space<vmem>>) target_semaphore(%run_scoped3A : memref<!tpu.dma_semaphore, #tpu.memory_space<semaphore_mem>>)
        %dma_wait3A = arith.constant 0 : i32
        %dma_wait3A_55 = arith.constant 0 : i32
        %dma_wait3A_56 = tpu.memref_slice %arg3[%add3A_32, %dma_wait3A, %dma_wait3A_55] : memref<160x20x100xi32, #tpu.memory_space<hbm>> -> memref<1x20x100xi32, #tpu.memory_space<hbm>>
        %dma_wait3A_57 = tpu.memref_squeeze %dma_wait3A_56 : memref<1x20x100xi32, #tpu.memory_space<hbm>> -> memref<20x100xi32, #tpu.memory_space<hbm>>
        %dma_wait3A_58 = arith.constant 0 : i32
        %dma_wait3A_59 = arith.constant 0 : i32
        %dma_wait3A_60 = tpu.memref_slice %arg3[%add3A_32, %dma_wait3A_58, %dma_wait3A_59] : memref<160x20x100xi32, #tpu.memory_space<hbm>> -> memref<1x20x100xi32, #tpu.memory_space<hbm>>
        %dma_wait3A_61 = tpu.memref_squeeze %dma_wait3A_60 : memref<1x20x100xi32, #tpu.memory_space<hbm>> -> memref<20x100xi32, #tpu.memory_space<hbm>>
        tpu.wait_dma2 semaphore(%run_scoped3A : memref<!tpu.dma_semaphore, #tpu.memory_space<semaphore_mem>>) src(%dma_wait3A_61 : memref<20x100xi32, #tpu.memory_space<hbm>>) dst(%arg8 : memref<20x100xi32, #tpu.memory_space<vmem>>)
        tpu.yield
      }) : () -> ()
      %mul3A_33 = arith.constant 5 : i32
      %mul3A_34 = arith.muli %add3A, %mul3A_33 : i32
      %add3A_35 = arith.addi %mul3A_34, %scan3A_29 : i32
      "tpu.region"() ({
        %run_scoped3A = tpu.sem_alloc : memref<!tpu.dma_semaphore, #tpu.memory_space<semaphore_mem>>
        %dma_start3A_47 = arith.constant 0 : i32
        %dma_start3A_48 = arith.constant 0 : i32
        %dma_start3A_49 = tpu.memref_slice %arg4[%add3A_35, %dma_start3A_47, %dma_start3A_48] : memref<160x20x100xi32, #tpu.memory_space<hbm>> -> memref<1x20x100xi32, #tpu.memory_space<hbm>>
        %dma_start3A_50 = tpu.memref_squeeze %dma_start3A_49 : memref<1x20x100xi32, #tpu.memory_space<hbm>> -> memref<20x100xi32, #tpu.memory_space<hbm>>
        %dma_start3A_51 = arith.constant 0 : i32
        %dma_start3A_52 = arith.constant 0 : i32
        %dma_start3A_53 = tpu.memref_slice %arg4[%add3A_35, %dma_start3A_51, %dma_start3A_52] : memref<160x20x100xi32, #tpu.memory_space<hbm>> -> memref<1x20x100xi32, #tpu.memory_space<hbm>>
        %dma_start3A_54 = tpu.memref_squeeze %dma_start3A_53 : memref<1x20x100xi32, #tpu.memory_space<hbm>> -> memref<20x100xi32, #tpu.memory_space<hbm>>
        tpu.enqueue_dma source(%dma_start3A_54 : memref<20x100xi32, #tpu.memory_space<hbm>>) target(%arg9 : memref<20x100xi32, #tpu.memory_space<vmem>>) target_semaphore(%run_scoped3A : memref<!tpu.dma_semaphore, #tpu.memory_space<semaphore_mem>>)
        %dma_wait3A = arith.constant 0 : i32
        %dma_wait3A_55 = arith.constant 0 : i32
        %dma_wait3A_56 = tpu.memref_slice %arg4[%add3A_35, %dma_wait3A, %dma_wait3A_55] : memref<160x20x100xi32, #tpu.memory_space<hbm>> -> memref<1x20x100xi32, #tpu.memory_space<hbm>>
        %dma_wait3A_57 = tpu.memref_squeeze %dma_wait3A_56 : memref<1x20x100xi32, #tpu.memory_space<hbm>> -> memref<20x100xi32, #tpu.memory_space<hbm>>
        %dma_wait3A_58 = arith.constant 0 : i32
        %dma_wait3A_59 = arith.constant 0 : i32
        %dma_wait3A_60 = tpu.memref_slice %arg4[%add3A_35, %dma_wait3A_58, %dma_wait3A_59] : memref<160x20x100xi32, #tpu.memory_space<hbm>> -> memref<1x20x100xi32, #tpu.memory_space<hbm>>
        %dma_wait3A_61 = tpu.memref_squeeze %dma_wait3A_60 : memref<1x20x100xi32, #tpu.memory_space<hbm>> -> memref<20x100xi32, #tpu.memory_space<hbm>>
        tpu.wait_dma2 semaphore(%run_scoped3A : memref<!tpu.dma_semaphore, #tpu.memory_space<semaphore_mem>>) src(%dma_wait3A_61 : memref<20x100xi32, #tpu.memory_space<hbm>>) dst(%arg9 : memref<20x100xi32, #tpu.memory_space<vmem>>)
        tpu.yield
      }) : () -> ()
      %dma_start3A = arith.constant 0 : i32
      %dma_start3A_36 = arith.constant 0 : i32
      %dma_start3A_37 = tpu.memref_slice %arg8[%dma_start3A, %dma_start3A_36] : memref<20x100xi32, #tpu.memory_space<vmem>> -> memref<1x100xi32, #tpu.memory_space<vmem>>
      %dma_start3A_38 = tpu.memref_squeeze %dma_start3A_37 : memref<1x100xi32, #tpu.memory_space<vmem>> -> memref<100xi32, #tpu.memory_space<vmem>>
      %dma_start3A_39 = arith.constant 0 : i32
      %dma_start3A_40 = arith.constant 0 : i32
      %dma_start3A_41 = tpu.memref_slice %arg2[%dma_start3A_39, %dma_start3A_40] : memref<10240x128xf32, #tpu.memory_space<hbm>> -> memref<10240x128xf32, #tpu.memory_space<hbm>>
      tpu.enqueue_indirect_dma source(%dma_start3A_41 : memref<10240x128xf32, #tpu.memory_space<hbm>>) target(%arg10 : memref<100x128xf32, #tpu.memory_space<vmem>>) offsets(%dma_start3A_38 : memref<100xi32, #tpu.memory_space<vmem>>) semaphore(%arg14 : memref<!tpu.dma_semaphore, #tpu.memory_space<semaphore_mem>>)
      %scan3A_42 = arith.constant 0 : i32
      %scan3A_43 = arith.constant 10 : i32
      %scan3A_44 = arith.addi %scan3A_42, %scan3A_43 : i32
      %scan3A_45 = arith.constant 1 : i32
      scf.for %scan3A_47 = %scan3A_42 to %scan3A_44 step %scan3A_45  : i32 {
        %mul3A_48 = arith.constant 2 : i32
        %mul3A_49 = arith.muli %mul3A_48, %scan3A_47 : i32
        %add3A_50 = arith.constant 1 : i32
        %add3A_51 = arith.addi %mul3A_49, %add3A_50 : i32
        %dma_wait3A = arith.constant 0 : i32
        %dma_wait3A_52 = tpu.memref_slice %arg8[%mul3A_49, %dma_wait3A] : memref<20x100xi32, #tpu.memory_space<vmem>> -> memref<1x100xi32, #tpu.memory_space<vmem>>
        %dma_wait3A_53 = tpu.memref_squeeze %dma_wait3A_52 : memref<1x100xi32, #tpu.memory_space<vmem>> -> memref<100xi32, #tpu.memory_space<vmem>>
        %dma_wait3A_54 = arith.constant 0 : i32
        %dma_wait3A_55 = arith.constant 0 : i32
        %dma_wait3A_56 = tpu.memref_slice %arg2[%dma_wait3A_54, %dma_wait3A_55] : memref<10240x128xf32, #tpu.memory_space<hbm>> -> memref<10240x128xf32, #tpu.memory_space<hbm>>
        tpu.wait_indirect_dma semaphore(%arg14 : memref<!tpu.dma_semaphore, #tpu.memory_space<semaphore_mem>>) src(%dma_wait3A_56 : memref<10240x128xf32, #tpu.memory_space<hbm>>) dst(%arg10 : memref<100x128xf32, #tpu.memory_space<vmem>>)
        %dma_start3A_57 = arith.constant 0 : i32
        %dma_start3A_58 = tpu.memref_slice %arg8[%add3A_51, %dma_start3A_57] : memref<20x100xi32, #tpu.memory_space<vmem>> -> memref<1x100xi32, #tpu.memory_space<vmem>>
        %dma_start3A_59 = tpu.memref_squeeze %dma_start3A_58 : memref<1x100xi32, #tpu.memory_space<vmem>> -> memref<100xi32, #tpu.memory_space<vmem>>
        %dma_start3A_60 = arith.constant 0 : i32
        %dma_start3A_61 = arith.constant 0 : i32
        %dma_start3A_62 = tpu.memref_slice %arg2[%dma_start3A_60, %dma_start3A_61] : memref<10240x128xf32, #tpu.memory_space<hbm>> -> memref<10240x128xf32, #tpu.memory_space<hbm>>
        tpu.enqueue_indirect_dma source(%dma_start3A_62 : memref<10240x128xf32, #tpu.memory_space<hbm>>) target(%arg11 : memref<100x128xf32, #tpu.memory_space<vmem>>) offsets(%dma_start3A_59 : memref<100xi32, #tpu.memory_space<vmem>>) semaphore(%arg15 : memref<!tpu.dma_semaphore, #tpu.memory_space<semaphore_mem>>)
        %dma_start3A_63 = arith.constant 0 : i32
        %dma_start3A_64 = tpu.memref_slice %arg9[%mul3A_49, %dma_start3A_63] : memref<20x100xi32, #tpu.memory_space<vmem>> -> memref<1x100xi32, #tpu.memory_space<vmem>>
        %dma_start3A_65 = tpu.memref_squeeze %dma_start3A_64 : memref<1x100xi32, #tpu.memory_space<vmem>> -> memref<100xi32, #tpu.memory_space<vmem>>
        %dma_start3A_66 = arith.constant 0 : i32
        %dma_start3A_67 = arith.constant 0 : i32
        %dma_start3A_68 = tpu.memref_slice %arg13[%dma_start3A_66, %dma_start3A_67] : memref<10240x128xf32, #tpu.memory_space<vmem_shared>> -> memref<10240x128xf32, #tpu.memory_space<vmem_shared>>
        tpu.enqueue_indirect_dma source(%arg10 : memref<100x128xf32, #tpu.memory_space<vmem>>) target(%dma_start3A_68 : memref<10240x128xf32, #tpu.memory_space<vmem_shared>>) offsets(%dma_start3A_65 : memref<100xi32, #tpu.memory_space<vmem>>) semaphore(%arg16 : memref<!tpu.dma_semaphore, #tpu.memory_space<semaphore_mem>>) {add = true}
        %dma_wait3A_69 = arith.constant 0 : i32
        %dma_wait3A_70 = tpu.memref_slice %arg9[%mul3A_49, %dma_wait3A_69] : memref<20x100xi32, #tpu.memory_space<vmem>> -> memref<1x100xi32, #tpu.memory_space<vmem>>
        %dma_wait3A_71 = tpu.memref_squeeze %dma_wait3A_70 : memref<1x100xi32, #tpu.memory_space<vmem>> -> memref<100xi32, #tpu.memory_space<vmem>>
        %dma_wait3A_72 = arith.constant 0 : i32
        %dma_wait3A_73 = arith.constant 0 : i32
        %dma_wait3A_74 = tpu.memref_slice %arg13[%dma_wait3A_72, %dma_wait3A_73] : memref<10240x128xf32, #tpu.memory_space<vmem_shared>> -> memref<10240x128xf32, #tpu.memory_space<vmem_shared>>
        tpu.wait_indirect_dma semaphore(%arg16 : memref<!tpu.dma_semaphore, #tpu.memory_space<semaphore_mem>>) src(%arg10 : memref<100x128xf32, #tpu.memory_space<vmem>>) dst(%dma_wait3A_74 : memref<10240x128xf32, #tpu.memory_space<vmem_shared>>)
        %dma_wait3A_75 = arith.constant 0 : i32
        %dma_wait3A_76 = tpu.memref_slice %arg8[%add3A_51, %dma_wait3A_75] : memref<20x100xi32, #tpu.memory_space<vmem>> -> memref<1x100xi32, #tpu.memory_space<vmem>>
        %dma_wait3A_77 = tpu.memref_squeeze %dma_wait3A_76 : memref<1x100xi32, #tpu.memory_space<vmem>> -> memref<100xi32, #tpu.memory_space<vmem>>
        %dma_wait3A_78 = arith.constant 0 : i32
        %dma_wait3A_79 = arith.constant 0 : i32
        %dma_wait3A_80 = tpu.memref_slice %arg2[%dma_wait3A_78, %dma_wait3A_79] : memref<10240x128xf32, #tpu.memory_space<hbm>> -> memref<10240x128xf32, #tpu.memory_space<hbm>>
        tpu.wait_indirect_dma semaphore(%arg15 : memref<!tpu.dma_semaphore, #tpu.memory_space<semaphore_mem>>) src(%dma_wait3A_80 : memref<10240x128xf32, #tpu.memory_space<hbm>>) dst(%arg11 : memref<100x128xf32, #tpu.memory_space<vmem>>)
        %add3A_81 = arith.constant 1 : i32
        %add3A_82 = arith.addi %add3A_51, %add3A_81 : i32
        %lt3A = arith.constant 20 : i32
        %lt3A_83 = arith.cmpi slt, %add3A_82, %lt3A : i32
        %convert_element_type3A_84 = arith.extui %lt3A_83 : i1 to i32
        %cond3A_85 = arith.constant 0 : i32
        %cond3A_86 = arith.cmpi ne, %convert_element_type3A_84, %cond3A_85 : i32
        scf.if %cond3A_86 {
          %add3A_99 = arith.constant 1 : i32
          %add3A_100 = arith.addi %add3A_51, %add3A_99 : i32
          %dma_start3A_101 = arith.constant 0 : i32
          %dma_start3A_102 = tpu.memref_slice %arg8[%add3A_100, %dma_start3A_101] : memref<20x100xi32, #tpu.memory_space<vmem>> -> memref<1x100xi32, #tpu.memory_space<vmem>>
          %dma_start3A_103 = tpu.memref_squeeze %dma_start3A_102 : memref<1x100xi32, #tpu.memory_space<vmem>> -> memref<100xi32, #tpu.memory_space<vmem>>
          %dma_start3A_104 = arith.constant 0 : i32
          %dma_start3A_105 = arith.constant 0 : i32
          %dma_start3A_106 = tpu.memref_slice %arg2[%dma_start3A_104, %dma_start3A_105] : memref<10240x128xf32, #tpu.memory_space<hbm>> -> memref<10240x128xf32, #tpu.memory_space<hbm>>
          tpu.enqueue_indirect_dma source(%dma_start3A_106 : memref<10240x128xf32, #tpu.memory_space<hbm>>) target(%arg10 : memref<100x128xf32, #tpu.memory_space<vmem>>) offsets(%dma_start3A_103 : memref<100xi32, #tpu.memory_space<vmem>>) semaphore(%arg14 : memref<!tpu.dma_semaphore, #tpu.memory_space<semaphore_mem>>)
        } else {
        }
        %dma_start3A_87 = arith.constant 0 : i32
        %dma_start3A_88 = tpu.memref_slice %arg9[%add3A_51, %dma_start3A_87] : memref<20x100xi32, #tpu.memory_space<vmem>> -> memref<1x100xi32, #tpu.memory_space<vmem>>
        %dma_start3A_89 = tpu.memref_squeeze %dma_start3A_88 : memref<1x100xi32, #tpu.memory_space<vmem>> -> memref<100xi32, #tpu.memory_space<vmem>>
        %dma_start3A_90 = arith.constant 0 : i32
        %dma_start3A_91 = arith.constant 0 : i32
        %dma_start3A_92 = tpu.memref_slice %arg13[%dma_start3A_90, %dma_start3A_91] : memref<10240x128xf32, #tpu.memory_space<vmem_shared>> -> memref<10240x128xf32, #tpu.memory_space<vmem_shared>>
        tpu.enqueue_indirect_dma source(%arg11 : memref<100x128xf32, #tpu.memory_space<vmem>>) target(%dma_start3A_92 : memref<10240x128xf32, #tpu.memory_space<vmem_shared>>) offsets(%dma_start3A_89 : memref<100xi32, #tpu.memory_space<vmem>>) semaphore(%arg17 : memref<!tpu.dma_semaphore, #tpu.memory_space<semaphore_mem>>) {add = true}
        %dma_wait3A_93 = arith.constant 0 : i32
        %dma_wait3A_94 = tpu.memref_slice %arg9[%add3A_51, %dma_wait3A_93] : memref<20x100xi32, #tpu.memory_space<vmem>> -> memref<1x100xi32, #tpu.memory_space<vmem>>
        %dma_wait3A_95 = tpu.memref_squeeze %dma_wait3A_94 : memref<1x100xi32, #tpu.memory_space<vmem>> -> memref<100xi32, #tpu.memory_space<vmem>>
        %dma_wait3A_96 = arith.constant 0 : i32
        %dma_wait3A_97 = arith.constant 0 : i32
        %dma_wait3A_98 = tpu.memref_slice %arg13[%dma_wait3A_96, %dma_wait3A_97] : memref<10240x128xf32, #tpu.memory_space<vmem_shared>> -> memref<10240x128xf32, #tpu.memory_space<vmem_shared>>
        tpu.wait_indirect_dma semaphore(%arg17 : memref<!tpu.dma_semaphore, #tpu.memory_space<semaphore_mem>>) src(%arg11 : memref<100x128xf32, #tpu.memory_space<vmem>>) dst(%dma_wait3A_98 : memref<10240x128xf32, #tpu.memory_space<vmem_shared>>)
      }
      %scan3A_46 = arith.constant 10 : i32
    }
    %scan3A_17 = arith.constant 5 : i32
    %barrier3A_18 = arith.constant 0 : index
    tpu.barrier barrier_id(%barrier3A_18)
    %scan3A_19 = arith.constant 0 : i32
    %scan3A_20 = arith.constant 0 : i32
    %scan3A_21 = arith.constant 8 : i32
    %scan3A_22 = arith.addi %scan3A_20, %scan3A_21 : i32
    %scan3A_23 = arith.constant 1 : i32
    scf.for %scan3A_29 = %scan3A_20 to %scan3A_22 step %scan3A_23  : i32 {
      %mul3A_30 = arith.constant 640 : i32
      %mul3A_31 = arith.muli %arg1, %mul3A_30 : i32
      %mul3A_32 = arith.constant 80 : i32
      %mul3A_33 = arith.muli %scan3A_29, %mul3A_32 : i32
      %add3A_34 = arith.addi %mul3A_31, %mul3A_33 : i32
      "tpu.region"() ({
        %run_scoped3A = tpu.sem_alloc : memref<!tpu.dma_semaphore, #tpu.memory_space<semaphore_mem>>
        %dma_start3A = arith.constant 0 : i32
        %dma_start3A_40 = arith.constant 0 : i32
        %dma_start3A_41 = tpu.memref_slice %arg10[%dma_start3A, %dma_start3A_40] : memref<100x128xf32, #tpu.memory_space<vmem>> -> memref<80x128xf32, #tpu.memory_space<vmem>>
        %dma_start3A_42 = arith.constant 0 : i32
        %dma_start3A_43 = tpu.memref_slice %arg13[%add3A_34, %dma_start3A_42] : memref<10240x128xf32, #tpu.memory_space<vmem_shared>> -> memref<80x128xf32, #tpu.memory_space<vmem_shared>>
        %dma_start3A_44 = arith.constant 0 : i32
        %dma_start3A_45 = arith.constant 0 : i32
        %dma_start3A_46 = tpu.memref_slice %arg10[%dma_start3A_44, %dma_start3A_45] : memref<100x128xf32, #tpu.memory_space<vmem>> -> memref<80x128xf32, #tpu.memory_space<vmem>>
        %dma_start3A_47 = arith.constant 0 : i32
        %dma_start3A_48 = tpu.memref_slice %arg13[%add3A_34, %dma_start3A_47] : memref<10240x128xf32, #tpu.memory_space<vmem_shared>> -> memref<80x128xf32, #tpu.memory_space<vmem_shared>>
        tpu.enqueue_dma source(%dma_start3A_48 : memref<80x128xf32, #tpu.memory_space<vmem_shared>>) target(%dma_start3A_46 : memref<80x128xf32, #tpu.memory_space<vmem>>) target_semaphore(%run_scoped3A : memref<!tpu.dma_semaphore, #tpu.memory_space<semaphore_mem>>)
        %dma_wait3A = arith.constant 0 : i32
        %dma_wait3A_49 = arith.constant 0 : i32
        %dma_wait3A_50 = tpu.memref_slice %arg10[%dma_wait3A, %dma_wait3A_49] : memref<100x128xf32, #tpu.memory_space<vmem>> -> memref<80x128xf32, #tpu.memory_space<vmem>>
        %dma_wait3A_51 = arith.constant 0 : i32
        %dma_wait3A_52 = tpu.memref_slice %arg13[%add3A_34, %dma_wait3A_51] : memref<10240x128xf32, #tpu.memory_space<vmem_shared>> -> memref<80x128xf32, #tpu.memory_space<vmem_shared>>
        %dma_wait3A_53 = arith.constant 0 : i32
        %dma_wait3A_54 = arith.constant 0 : i32
        %dma_wait3A_55 = tpu.memref_slice %arg10[%dma_wait3A_53, %dma_wait3A_54] : memref<100x128xf32, #tpu.memory_space<vmem>> -> memref<80x128xf32, #tpu.memory_space<vmem>>
        %dma_wait3A_56 = arith.constant 0 : i32
        %dma_wait3A_57 = tpu.memref_slice %arg13[%add3A_34, %dma_wait3A_56] : memref<10240x128xf32, #tpu.memory_space<vmem_shared>> -> memref<80x128xf32, #tpu.memory_space<vmem_shared>>
        tpu.wait_dma2 semaphore(%run_scoped3A : memref<!tpu.dma_semaphore, #tpu.memory_space<semaphore_mem>>) src(%dma_wait3A_57 : memref<80x128xf32, #tpu.memory_space<vmem_shared>>) dst(%dma_wait3A_55 : memref<80x128xf32, #tpu.memory_space<vmem>>)
        tpu.yield
      }) : () -> ()
      %mul3A_35 = arith.constant 640 : i32
      %mul3A_36 = arith.muli %arg1, %mul3A_35 : i32
      %mul3A_37 = arith.constant 80 : i32
      %mul3A_38 = arith.muli %scan3A_29, %mul3A_37 : i32
      %add3A_39 = arith.addi %mul3A_36, %mul3A_38 : i32
      "tpu.region"() ({
        %run_scoped3A = tpu.sem_alloc : memref<!tpu.dma_semaphore, #tpu.memory_space<semaphore_mem>>
        %dma_start3A = arith.constant 0 : i32
        %dma_start3A_40 = arith.constant 0 : i32
        %dma_start3A_41 = tpu.memref_slice %arg10[%dma_start3A, %dma_start3A_40] : memref<100x128xf32, #tpu.memory_space<vmem>> -> memref<80x128xf32, #tpu.memory_space<vmem>>
        %dma_start3A_42 = arith.constant 0 : i32
        %dma_start3A_43 = tpu.memref_slice %arg6[%arg0, %add3A_39, %dma_start3A_42] : memref<2x10240x128xf32, #tpu.memory_space<hbm>> -> memref<1x80x128xf32, #tpu.memory_space<hbm>>
        %dma_start3A_44 = tpu.memref_squeeze %dma_start3A_43 : memref<1x80x128xf32, #tpu.memory_space<hbm>> -> memref<80x128xf32, #tpu.memory_space<hbm>>
        %dma_start3A_45 = arith.constant 0 : i32
        %dma_start3A_46 = tpu.memref_slice %arg6[%arg0, %add3A_39, %dma_start3A_45] : memref<2x10240x128xf32, #tpu.memory_space<hbm>> -> memref<1x80x128xf32, #tpu.memory_space<hbm>>
        %dma_start3A_47 = tpu.memref_squeeze %dma_start3A_46 : memref<1x80x128xf32, #tpu.memory_space<hbm>> -> memref<80x128xf32, #tpu.memory_space<hbm>>
        %dma_start3A_48 = arith.constant 0 : i32
        %dma_start3A_49 = arith.constant 0 : i32
        %dma_start3A_50 = tpu.memref_slice %arg10[%dma_start3A_48, %dma_start3A_49] : memref<100x128xf32, #tpu.memory_space<vmem>> -> memref<80x128xf32, #tpu.memory_space<vmem>>
        tpu.enqueue_dma source(%dma_start3A_50 : memref<80x128xf32, #tpu.memory_space<vmem>>) target(%dma_start3A_47 : memref<80x128xf32, #tpu.memory_space<hbm>>) target_semaphore(%run_scoped3A : memref<!tpu.dma_semaphore, #tpu.memory_space<semaphore_mem>>)
        %dma_wait3A = arith.constant 0 : i32
        %dma_wait3A_51 = arith.constant 0 : i32
        %dma_wait3A_52 = tpu.memref_slice %arg10[%dma_wait3A, %dma_wait3A_51] : memref<100x128xf32, #tpu.memory_space<vmem>> -> memref<80x128xf32, #tpu.memory_space<vmem>>
        %dma_wait3A_53 = arith.constant 0 : i32
        %dma_wait3A_54 = tpu.memref_slice %arg6[%arg0, %add3A_39, %dma_wait3A_53] : memref<2x10240x128xf32, #tpu.memory_space<hbm>> -> memref<1x80x128xf32, #tpu.memory_space<hbm>>
        %dma_wait3A_55 = tpu.memref_squeeze %dma_wait3A_54 : memref<1x80x128xf32, #tpu.memory_space<hbm>> -> memref<80x128xf32, #tpu.memory_space<hbm>>
        %dma_wait3A_56 = arith.constant 0 : i32
        %dma_wait3A_57 = tpu.memref_slice %arg6[%arg0, %add3A_39, %dma_wait3A_56] : memref<2x10240x128xf32, #tpu.memory_space<hbm>> -> memref<1x80x128xf32, #tpu.memory_space<hbm>>
        %dma_wait3A_58 = tpu.memref_squeeze %dma_wait3A_57 : memref<1x80x128xf32, #tpu.memory_space<hbm>> -> memref<80x128xf32, #tpu.memory_space<hbm>>
        %dma_wait3A_59 = arith.constant 0 : i32
        %dma_wait3A_60 = arith.constant 0 : i32
        %dma_wait3A_61 = tpu.memref_slice %arg10[%dma_wait3A_59, %dma_wait3A_60] : memref<100x128xf32, #tpu.memory_space<vmem>> -> memref<80x128xf32, #tpu.memory_space<vmem>>
        tpu.wait_dma2 semaphore(%run_scoped3A : memref<!tpu.dma_semaphore, #tpu.memory_space<semaphore_mem>>) src(%dma_wait3A_61 : memref<80x128xf32, #tpu.memory_space<vmem>>) dst(%dma_wait3A_58 : memref<80x128xf32, #tpu.memory_space<hbm>>)
        tpu.yield
      }) : () -> ()
    }
    %scan3A_24 = arith.constant 8 : i32
    %get3A = arith.constant 0 : index
    %get3A_25 = tpu.vector_load %arg12[%get3A] {strides = array<i32>} : memref<16xi32, #tpu.memory_space<vmem>>, vector<16xi32>,
    %get3A_26 = vector.shape_cast %get3A_25 : vector<16xi32> to vector<16xi32>
    %slice3A = vector.extract_strided_slice %get3A_26 {offsets = [0], sizes = [1], strides = [1]} : vector<16xi32> to vector<1xi32>
    %squeeze3A = vector.extract %slice3A[0] : i32 from vector<1xi32>
    %gt3A = arith.constant 0 : i32
    %gt3A_27 = arith.cmpi sgt, %squeeze3A, %gt3A : i32
    %convert_element_type3A = arith.extui %gt3A_27 : i1 to i32
    %cond3A = arith.constant 0 : i32
    %cond3A_28 = arith.cmpi ne, %convert_element_type3A, %cond3A : i32
    scf.if %cond3A_28 {
      %barrier3A_29 = arith.constant 0 : index
      tpu.barrier barrier_id(%barrier3A_29)
      %scan3A_30 = arith.constant 0 : i32
      %scan3A_31 = arith.constant 0 : i32
      %scan3A_32 = arith.constant 80 : i32
      %scan3A_33 = arith.addi %scan3A_31, %scan3A_32 : i32
      %scan3A_34 = arith.constant 1 : i32
      scf.for %scan3A_62 = %scan3A_31 to %scan3A_33 step %scan3A_34  : i32 {
        %scan3A_63 = arith.constant 0 : i32
        %scan3A_64 = arith.constant 8 : i32
        %scan3A_65 = arith.addi %scan3A_63, %scan3A_64 : i32
        %scan3A_66 = arith.constant 1 : i32
        scf.for %scan3A_68 = %scan3A_63 to %scan3A_65 step %scan3A_66  : i32 {
          %broadcast_in_dim3A = arith.constant 0.000000e+00 : f32
          %broadcast_in_dim3A_69 = vector.broadcast %broadcast_in_dim3A : f32 to vector<16xf32>
          %mul3A_70 = arith.constant 16 : i32
          %mul3A_71 = arith.muli %scan3A_68, %mul3A_70 : i32
          %swap3A = arith.index_cast %scan3A_62 : i32 to index
          %swap3A_72 = arith.index_cast %mul3A_71 : i32 to index
          %swap3A_73 = tpu.vector_load %arg10[%swap3A, %swap3A_72] {strides = array<i32>} : memref<100x128xf32, #tpu.memory_space<vmem>>, vector<1x16xf32>,
          %swap3A_74 = vector.shape_cast %swap3A_73 : vector<1x16xf32> to vector<16xf32>
          %swap3A_75 = vector.shape_cast %broadcast_in_dim3A_69 : vector<16xf32> to vector<1x16xf32>
          tpu.vector_store %arg10[%swap3A, %swap3A_72], %swap3A_75 {strides = array<i32>} : memref<100x128xf32, #tpu.memory_space<vmem>>, vector<1x16xf32>,
        }
        %scan3A_67 = arith.constant 8 : i32
      }
      %scan3A_35 = arith.constant 80 : i32
      %scan3A_36 = arith.constant 0 : i32
      %scan3A_37 = arith.constant 0 : i32
      %scan3A_38 = arith.constant 8 : i32
      %scan3A_39 = arith.addi %scan3A_37, %scan3A_38 : i32
      %scan3A_40 = arith.constant 1 : i32
      scf.for %scan3A_62 = %scan3A_37 to %scan3A_39 step %scan3A_40  : i32 {
        %mul3A_63 = arith.constant 640 : i32
        %mul3A_64 = arith.muli %arg1, %mul3A_63 : i32
        %mul3A_65 = arith.constant 80 : i32
        %mul3A_66 = arith.muli %scan3A_62, %mul3A_65 : i32
        %add3A_67 = arith.addi %mul3A_64, %mul3A_66 : i32
        "tpu.region"() ({
          %run_scoped3A = tpu.sem_alloc : memref<!tpu.dma_semaphore, #tpu.memory_space<semaphore_mem>>
          %dma_start3A = arith.constant 0 : i32
          %dma_start3A_68 = arith.constant 0 : i32
          %dma_start3A_69 = tpu.memref_slice %arg10[%dma_start3A, %dma_start3A_68] : memref<100x128xf32, #tpu.memory_space<vmem>> -> memref<80x128xf32, #tpu.memory_space<vmem>>
          %dma_start3A_70 = arith.constant 0 : i32
          %dma_start3A_71 = tpu.memref_slice %arg13[%add3A_67, %dma_start3A_70] : memref<10240x128xf32, #tpu.memory_space<vmem_shared>> -> memref<80x128xf32, #tpu.memory_space<vmem_shared>>
          %dma_start3A_72 = arith.constant 0 : i32
          %dma_start3A_73 = tpu.memref_slice %arg13[%add3A_67, %dma_start3A_72] : memref<10240x128xf32, #tpu.memory_space<vmem_shared>> -> memref<80x128xf32, #tpu.memory_space<vmem_shared>>
          %dma_start3A_74 = arith.constant 0 : i32
          %dma_start3A_75 = arith.constant 0 : i32
          %dma_start3A_76 = tpu.memref_slice %arg10[%dma_start3A_74, %dma_start3A_75] : memref<100x128xf32, #tpu.memory_space<vmem>> -> memref<80x128xf32, #tpu.memory_space<vmem>>
          tpu.enqueue_dma source(%dma_start3A_76 : memref<80x128xf32, #tpu.memory_space<vmem>>) target(%dma_start3A_73 : memref<80x128xf32, #tpu.memory_space<vmem_shared>>) target_semaphore(%run_scoped3A : memref<!tpu.dma_semaphore, #tpu.memory_space<semaphore_mem>>)
          %dma_wait3A = arith.constant 0 : i32
          %dma_wait3A_77 = arith.constant 0 : i32
          %dma_wait3A_78 = tpu.memref_slice %arg10[%dma_wait3A, %dma_wait3A_77] : memref<100x128xf32, #tpu.memory_space<vmem>> -> memref<80x128xf32, #tpu.memory_space<vmem>>
          %dma_wait3A_79 = arith.constant 0 : i32
          %dma_wait3A_80 = tpu.memref_slice %arg13[%add3A_67, %dma_wait3A_79] : memref<10240x128xf32, #tpu.memory_space<vmem_shared>> -> memref<80x128xf32, #tpu.memory_space<vmem_shared>>
          %dma_wait3A_81 = arith.constant 0 : i32
          %dma_wait3A_82 = tpu.memref_slice %arg13[%add3A_67, %dma_wait3A_81] : memref<10240x128xf32, #tpu.memory_space<vmem_shared>> -> memref<80x128xf32, #tpu.memory_space<vmem_shared>>
          %dma_wait3A_83 = arith.constant 0 : i32
          %dma_wait3A_84 = arith.constant 0 : i32
          %dma_wait3A_85 = tpu.memref_slice %arg10[%dma_wait3A_83, %dma_wait3A_84] : memref<100x128xf32, #tpu.memory_space<vmem>> -> memref<80x128xf32, #tpu.memory_space<vmem>>
          tpu.wait_dma2 semaphore(%run_scoped3A : memref<!tpu.dma_semaphore, #tpu.memory_space<semaphore_mem>>) src(%dma_wait3A_85 : memref<80x128xf32, #tpu.memory_space<vmem>>) dst(%dma_wait3A_82 : memref<80x128xf32, #tpu.memory_space<vmem_shared>>)
          tpu.yield
        }) : () -> ()
      }
      %scan3A_41 = arith.constant 8 : i32
      %barrier3A_42 = arith.constant 0 : index
      tpu.barrier barrier_id(%barrier3A_42)
      %scan3A_43 = arith.constant 0 : i32
      %scan3A_44 = arith.constant 0 : i32
      %scan3A_45 = arith.constant 100 : i32
      %scan3A_46 = arith.addi %scan3A_44, %scan3A_45 : i32
      %scan3A_47 = arith.constant 1 : i32
      scf.for %scan3A_62 = %scan3A_44 to %scan3A_46 step %scan3A_47  : i32 {
        %scan3A_63 = arith.constant 0 : i32
        %scan3A_64 = arith.constant 8 : i32
        %scan3A_65 = arith.addi %scan3A_63, %scan3A_64 : i32
        %scan3A_66 = arith.constant 1 : i32
        scf.for %scan3A_68 = %scan3A_63 to %scan3A_65 step %scan3A_66  : i32 {
          %broadcast_in_dim3A = arith.constant 1.000000e+00 : f32
          %broadcast_in_dim3A_69 = vector.broadcast %broadcast_in_dim3A : f32 to vector<16xf32>
          %mul3A_70 = arith.constant 16 : i32
          %mul3A_71 = arith.muli %scan3A_68, %mul3A_70 : i32
          %swap3A = arith.index_cast %scan3A_62 : i32 to index
          %swap3A_72 = arith.index_cast %mul3A_71 : i32 to index
          %swap3A_73 = tpu.vector_load %arg10[%swap3A, %swap3A_72] {strides = array<i32>} : memref<100x128xf32, #tpu.memory_space<vmem>>, vector<1x16xf32>,
          %swap3A_74 = vector.shape_cast %swap3A_73 : vector<1x16xf32> to vector<16xf32>
          %swap3A_75 = vector.shape_cast %broadcast_in_dim3A_69 : vector<16xf32> to vector<1x16xf32>
          tpu.vector_store %arg10[%swap3A, %swap3A_72], %swap3A_75 {strides = array<i32>} : memref<100x128xf32, #tpu.memory_space<vmem>>, vector<1x16xf32>,
        }
        %scan3A_67 = arith.constant 8 : i32
      }
      %scan3A_48 = arith.constant 100 : i32
      %scan3A_49 = arith.constant 0 : i32
      %scan3A_50 = arith.constant 0 : i32
      %scan3A_51 = arith.constant 5 : i32
      %scan3A_52 = arith.addi %scan3A_50, %scan3A_51 : i32
      %scan3A_53 = arith.constant 1 : i32
      scf.for %scan3A_62 = %scan3A_50 to %scan3A_52 step %scan3A_53  : i32 {
        %mul3A_63 = arith.constant 5 : i32
        %mul3A_64 = arith.muli %add3A, %mul3A_63 : i32
        %add3A_65 = arith.addi %mul3A_64, %scan3A_62 : i32
        "tpu.region"() ({
          %run_scoped3A = tpu.sem_alloc : memref<!tpu.dma_semaphore, #tpu.memory_space<semaphore_mem>>
          %dma_start3A = arith.constant 0 : i32
          %dma_start3A_71 = arith.constant 0 : i32
          %dma_start3A_72 = tpu.memref_slice %arg4[%add3A_65, %dma_start3A, %dma_start3A_71] : memref<160x20x100xi32, #tpu.memory_space<hbm>> -> memref<1x20x100xi32, #tpu.memory_space<hbm>>
          %dma_start3A_73 = tpu.memref_squeeze %dma_start3A_72 : memref<1x20x100xi32, #tpu.memory_space<hbm>> -> memref<20x100xi32, #tpu.memory_space<hbm>>
          %dma_start3A_74 = arith.constant 0 : i32
          %dma_start3A_75 = arith.constant 0 : i32
          %dma_start3A_76 = tpu.memref_slice %arg4[%add3A_65, %dma_start3A_74, %dma_start3A_75] : memref<160x20x100xi32, #tpu.memory_space<hbm>> -> memref<1x20x100xi32, #tpu.memory_space<hbm>>
          %dma_start3A_77 = tpu.memref_squeeze %dma_start3A_76 : memref<1x20x100xi32, #tpu.memory_space<hbm>> -> memref<20x100xi32, #tpu.memory_space<hbm>>
          tpu.enqueue_dma source(%dma_start3A_77 : memref<20x100xi32, #tpu.memory_space<hbm>>) target(%arg9 : memref<20x100xi32, #tpu.memory_space<vmem>>) target_semaphore(%run_scoped3A : memref<!tpu.dma_semaphore, #tpu.memory_space<semaphore_mem>>)
          %dma_wait3A = arith.constant 0 : i32
          %dma_wait3A_78 = arith.constant 0 : i32
          %dma_wait3A_79 = tpu.memref_slice %arg4[%add3A_65, %dma_wait3A, %dma_wait3A_78] : memref<160x20x100xi32, #tpu.memory_space<hbm>> -> memref<1x20x100xi32, #tpu.memory_space<hbm>>
          %dma_wait3A_80 = tpu.memref_squeeze %dma_wait3A_79 : memref<1x20x100xi32, #tpu.memory_space<hbm>> -> memref<20x100xi32, #tpu.memory_space<hbm>>
          %dma_wait3A_81 = arith.constant 0 : i32
          %dma_wait3A_82 = arith.constant 0 : i32
          %dma_wait3A_83 = tpu.memref_slice %arg4[%add3A_65, %dma_wait3A_81, %dma_wait3A_82] : memref<160x20x100xi32, #tpu.memory_space<hbm>> -> memref<1x20x100xi32, #tpu.memory_space<hbm>>
          %dma_wait3A_84 = tpu.memref_squeeze %dma_wait3A_83 : memref<1x20x100xi32, #tpu.memory_space<hbm>> -> memref<20x100xi32, #tpu.memory_space<hbm>>
          tpu.wait_dma2 semaphore(%run_scoped3A : memref<!tpu.dma_semaphore, #tpu.memory_space<semaphore_mem>>) src(%dma_wait3A_84 : memref<20x100xi32, #tpu.memory_space<hbm>>) dst(%arg9 : memref<20x100xi32, #tpu.memory_space<vmem>>)
          tpu.yield
        }) : () -> ()
        %scan3A_66 = arith.constant 0 : i32
        %scan3A_67 = arith.constant 20 : i32
        %scan3A_68 = arith.addi %scan3A_66, %scan3A_67 : i32
        %scan3A_69 = arith.constant 1 : i32
        scf.for %scan3A_71 = %scan3A_66 to %scan3A_68 step %scan3A_69  : i32 {
          "tpu.region"() ({
            %run_scoped3A = tpu.sem_alloc : memref<!tpu.dma_semaphore, #tpu.memory_space<semaphore_mem>>
            %dma_start3A = arith.constant 0 : i32
            %dma_start3A_72 = tpu.memref_slice %arg9[%scan3A_71, %dma_start3A] : memref<20x100xi32, #tpu.memory_space<vmem>> -> memref<1x100xi32, #tpu.memory_space<vmem>>
            %dma_start3A_73 = tpu.memref_squeeze %dma_start3A_72 : memref<1x100xi32, #tpu.memory_space<vmem>> -> memref<100xi32, #tpu.memory_space<vmem>>
            %dma_start3A_74 = arith.constant 0 : i32
            %dma_start3A_75 = arith.constant 0 : i32
            %dma_start3A_76 = tpu.memref_slice %arg13[%dma_start3A_74, %dma_start3A_75] : memref<10240x128xf32, #tpu.memory_space<vmem_shared>> -> memref<10240x128xf32, #tpu.memory_space<vmem_shared>>
            tpu.enqueue_indirect_dma source(%arg10 : memref<100x128xf32, #tpu.memory_space<vmem>>) target(%dma_start3A_76 : memref<10240x128xf32, #tpu.memory_space<vmem_shared>>) offsets(%dma_start3A_73 : memref<100xi32, #tpu.memory_space<vmem>>) semaphore(%run_scoped3A : memref<!tpu.dma_semaphore, #tpu.memory_space<semaphore_mem>>) {add = true}
            %dma_wait3A = arith.constant 0 : i32
            %dma_wait3A_77 = tpu.memref_slice %arg9[%scan3A_71, %dma_wait3A] : memref<20x100xi32, #tpu.memory_space<vmem>> -> memref<1x100xi32, #tpu.memory_space<vmem>>
            %dma_wait3A_78 = tpu.memref_squeeze %dma_wait3A_77 : memref<1x100xi32, #tpu.memory_space<vmem>> -> memref<100xi32, #tpu.memory_space<vmem>>
            %dma_wait3A_79 = arith.constant 0 : i32
            %dma_wait3A_80 = arith.constant 0 : i32
            %dma_wait3A_81 = tpu.memref_slice %arg13[%dma_wait3A_79, %dma_wait3A_80] : memref<10240x128xf32, #tpu.memory_space<vmem_shared>> -> memref<10240x128xf32, #tpu.memory_space<vmem_shared>>
            tpu.wait_indirect_dma semaphore(%run_scoped3A : memref<!tpu.dma_semaphore, #tpu.memory_space<semaphore_mem>>) src(%arg10 : memref<100x128xf32, #tpu.memory_space<vmem>>) dst(%dma_wait3A_81 : memref<10240x128xf32, #tpu.memory_space<vmem_shared>>)
            tpu.yield
          }) : () -> ()
        }
        %scan3A_70 = arith.constant 20 : i32
      }
      %scan3A_54 = arith.constant 5 : i32
      %barrier3A_55 = arith.constant 0 : index
      tpu.barrier barrier_id(%barrier3A_55)
      %scan3A_56 = arith.constant 0 : i32
      %scan3A_57 = arith.constant 0 : i32
      %scan3A_58 = arith.constant 8 : i32
      %scan3A_59 = arith.addi %scan3A_57, %scan3A_58 : i32
      %scan3A_60 = arith.constant 1 : i32
      scf.for %scan3A_62 = %scan3A_57 to %scan3A_59 step %scan3A_60  : i32 {
        %mul3A_63 = arith.constant 640 : i32
        %mul3A_64 = arith.muli %arg1, %mul3A_63 : i32
        %mul3A_65 = arith.constant 80 : i32
        %mul3A_66 = arith.muli %scan3A_62, %mul3A_65 : i32
        %add3A_67 = arith.addi %mul3A_64, %mul3A_66 : i32
        "tpu.region"() ({
          %run_scoped3A = tpu.sem_alloc : memref<!tpu.dma_semaphore, #tpu.memory_space<semaphore_mem>>
          %dma_start3A = arith.constant 0 : i32
          %dma_start3A_73 = arith.constant 0 : i32
          %dma_start3A_74 = tpu.memref_slice %arg10[%dma_start3A, %dma_start3A_73] : memref<100x128xf32, #tpu.memory_space<vmem>> -> memref<80x128xf32, #tpu.memory_space<vmem>>
          %dma_start3A_75 = arith.constant 0 : i32
          %dma_start3A_76 = tpu.memref_slice %arg13[%add3A_67, %dma_start3A_75] : memref<10240x128xf32, #tpu.memory_space<vmem_shared>> -> memref<80x128xf32, #tpu.memory_space<vmem_shared>>
          %dma_start3A_77 = arith.constant 0 : i32
          %dma_start3A_78 = arith.constant 0 : i32
          %dma_start3A_79 = tpu.memref_slice %arg10[%dma_start3A_77, %dma_start3A_78] : memref<100x128xf32, #tpu.memory_space<vmem>> -> memref<80x128xf32, #tpu.memory_space<vmem>>
          %dma_start3A_80 = arith.constant 0 : i32
          %dma_start3A_81 = tpu.memref_slice %arg13[%add3A_67, %dma_start3A_80] : memref<10240x128xf32, #tpu.memory_space<vmem_shared>> -> memref<80x128xf32, #tpu.memory_space<vmem_shared>>
          tpu.enqueue_dma source(%dma_start3A_81 : memref<80x128xf32, #tpu.memory_space<vmem_shared>>) target(%dma_start3A_79 : memref<80x128xf32, #tpu.memory_space<vmem>>) target_semaphore(%run_scoped3A : memref<!tpu.dma_semaphore, #tpu.memory_space<semaphore_mem>>)
          %dma_wait3A = arith.constant 0 : i32
          %dma_wait3A_82 = arith.constant 0 : i32
          %dma_wait3A_83 = tpu.memref_slice %arg10[%dma_wait3A, %dma_wait3A_82] : memref<100x128xf32, #tpu.memory_space<vmem>> -> memref<80x128xf32, #tpu.memory_space<vmem>>
          %dma_wait3A_84 = arith.constant 0 : i32
          %dma_wait3A_85 = tpu.memref_slice %arg13[%add3A_67, %dma_wait3A_84] : memref<10240x128xf32, #tpu.memory_space<vmem_shared>> -> memref<80x128xf32, #tpu.memory_space<vmem_shared>>
          %dma_wait3A_86 = arith.constant 0 : i32
          %dma_wait3A_87 = arith.constant 0 : i32
          %dma_wait3A_88 = tpu.memref_slice %arg10[%dma_wait3A_86, %dma_wait3A_87] : memref<100x128xf32, #tpu.memory_space<vmem>> -> memref<80x128xf32, #tpu.memory_space<vmem>>
          %dma_wait3A_89 = arith.constant 0 : i32
          %dma_wait3A_90 = tpu.memref_slice %arg13[%add3A_67, %dma_wait3A_89] : memref<10240x128xf32, #tpu.memory_space<vmem_shared>> -> memref<80x128xf32, #tpu.memory_space<vmem_shared>>
          tpu.wait_dma2 semaphore(%run_scoped3A : memref<!tpu.dma_semaphore, #tpu.memory_space<semaphore_mem>>) src(%dma_wait3A_90 : memref<80x128xf32, #tpu.memory_space<vmem_shared>>) dst(%dma_wait3A_88 : memref<80x128xf32, #tpu.memory_space<vmem>>)
          tpu.yield
        }) : () -> ()
        %mul3A_68 = arith.constant 640 : i32
        %mul3A_69 = arith.muli %arg1, %mul3A_68 : i32
        %mul3A_70 = arith.constant 80 : i32
        %mul3A_71 = arith.muli %scan3A_62, %mul3A_70 : i32
        %add3A_72 = arith.addi %mul3A_69, %mul3A_71 : i32
        "tpu.region"() ({
          %run_scoped3A = tpu.sem_alloc : memref<!tpu.dma_semaphore, #tpu.memory_space<semaphore_mem>>
          %dma_start3A = arith.constant 0 : i32
          %dma_start3A_73 = arith.constant 0 : i32
          %dma_start3A_74 = tpu.memref_slice %arg10[%dma_start3A, %dma_start3A_73] : memref<100x128xf32, #tpu.memory_space<vmem>> -> memref<80x128xf32, #tpu.memory_space<vmem>>
          %dma_start3A_75 = arith.constant 0 : i32
          %dma_start3A_76 = tpu.memref_slice %arg7[%arg0, %add3A_72, %dma_start3A_75] : memref<2x10240x128xf32, #tpu.memory_space<hbm>> -> memref<1x80x128xf32, #tpu.memory_space<hbm>>
          %dma_start3A_77 = tpu.memref_squeeze %dma_start3A_76 : memref<1x80x128xf32, #tpu.memory_space<hbm>> -> memref<80x128xf32, #tpu.memory_space<hbm>>
          %dma_start3A_78 = arith.constant 0 : i32
          %dma_start3A_79 = tpu.memref_slice %arg7[%arg0, %add3A_72, %dma_start3A_78] : memref<2x10240x128xf32, #tpu.memory_space<hbm>> -> memref<1x80x128xf32, #tpu.memory_space<hbm>>
          %dma_start3A_80 = tpu.memref_squeeze %dma_start3A_79 : memref<1x80x128xf32, #tpu.memory_space<hbm>> -> memref<80x128xf32, #tpu.memory_space<hbm>>
          %dma_start3A_81 = arith.constant 0 : i32
          %dma_start3A_82 = arith.constant 0 : i32
          %dma_start3A_83 = tpu.memref_slice %arg10[%dma_start3A_81, %dma_start3A_82] : memref<100x128xf32, #tpu.memory_space<vmem>> -> memref<80x128xf32, #tpu.memory_space<vmem>>
          tpu.enqueue_dma source(%dma_start3A_83 : memref<80x128xf32, #tpu.memory_space<vmem>>) target(%dma_start3A_80 : memref<80x128xf32, #tpu.memory_space<hbm>>) target_semaphore(%run_scoped3A : memref<!tpu.dma_semaphore, #tpu.memory_space<semaphore_mem>>)
          %dma_wait3A = arith.constant 0 : i32
          %dma_wait3A_84 = arith.constant 0 : i32
          %dma_wait3A_85 = tpu.memref_slice %arg10[%dma_wait3A, %dma_wait3A_84] : memref<100x128xf32, #tpu.memory_space<vmem>> -> memref<80x128xf32, #tpu.memory_space<vmem>>
          %dma_wait3A_86 = arith.constant 0 : i32
          %dma_wait3A_87 = tpu.memref_slice %arg7[%arg0, %add3A_72, %dma_wait3A_86] : memref<2x10240x128xf32, #tpu.memory_space<hbm>> -> memref<1x80x128xf32, #tpu.memory_space<hbm>>
          %dma_wait3A_88 = tpu.memref_squeeze %dma_wait3A_87 : memref<1x80x128xf32, #tpu.memory_space<hbm>> -> memref<80x128xf32, #tpu.memory_space<hbm>>
          %dma_wait3A_89 = arith.constant 0 : i32
          %dma_wait3A_90 = tpu.memref_slice %arg7[%arg0, %add3A_72, %dma_wait3A_89] : memref<2x10240x128xf32, #tpu.memory_space<hbm>> -> memref<1x80x128xf32, #tpu.memory_space<hbm>>
          %dma_wait3A_91 = tpu.memref_squeeze %dma_wait3A_90 : memref<1x80x128xf32, #tpu.memory_space<hbm>> -> memref<80x128xf32, #tpu.memory_space<hbm>>
          %dma_wait3A_92 = arith.constant 0 : i32
          %dma_wait3A_93 = arith.constant 0 : i32
          %dma_wait3A_94 = tpu.memref_slice %arg10[%dma_wait3A_92, %dma_wait3A_93] : memref<100x128xf32, #tpu.memory_space<vmem>> -> memref<80x128xf32, #tpu.memory_space<vmem>>
          tpu.wait_dma2 semaphore(%run_scoped3A : memref<!tpu.dma_semaphore, #tpu.memory_space<semaphore_mem>>) src(%dma_wait3A_94 : memref<80x128xf32, #tpu.memory_space<vmem>>) dst(%dma_wait3A_91 : memref<80x128xf32, #tpu.memory_space<hbm>>)
          tpu.yield
        }) : () -> ()
      }
      %scan3A_61 = arith.constant 8 : i32
    } else {
    }
    return
  }
}

module attributes {stable_mosaic.version = 14 : i64} {
  func.func @_tc_combine_body(%arg0: i32, %arg1: memref<1024x128xf32, #tpu.memory_space<vmem>>, %arg2: memref<2x1024x128xf32, #tpu.memory_space<vmem>>, %arg3: memref<2x1024x128xf32, #tpu.memory_space<vmem>>, %arg4: memref<128x128xf32, #tpu.memory_space<vmem>>, %arg5: memref<1024x128xf32, #tpu.memory_space<vmem>>) attributes {dimension_semantics = [#tpu.dimension_semantics<arbitrary>], iteration_bounds = array<i64: 10>, scalar_prefetch = 0 : i64, scratch_operands = 0 : i64, tpu.core_type = #tpu.core_type<tc>, window_params = [{transform_indices = @transform_0, window_bounds = array<i64: 1024, 128>}, {transform_indices = @transform_1, window_bounds = array<i64: 2, 1024, 128>}, {transform_indices = @transform_2, window_bounds = array<i64: 2, 1024, 128>}, {pipeline_mode = #tpu.pipeline_mode<synchronous>, transform_indices = @transform_3, window_bounds = array<i64: 128, 128>}, {transform_indices = @transform_4, window_bounds = array<i64: 1024, 128>}]} {
    %get3A = arith.constant 0 : index
    %get3A_0 = arith.constant 0 : index
    %get3A_1 = arith.constant 0 : index
    %get3A_2 = vector.load %arg3[%get3A, %get3A_0, %get3A_1] : memref<2x1024x128xf32, #tpu.memory_space<vmem>>, vector<1x1024x1xf32>
    %get3A_3 = vector.shape_cast %get3A_2 : vector<1x1024x1xf32> to vector<1024xf32>
    %get3A_4 = arith.constant 1 : index
    %get3A_5 = arith.constant 0 : index
    %get3A_6 = arith.constant 0 : index
    %get3A_7 = vector.load %arg3[%get3A_4, %get3A_5, %get3A_6] : memref<2x1024x128xf32, #tpu.memory_space<vmem>>, vector<1x1024x1xf32>
    %get3A_8 = vector.shape_cast %get3A_7 : vector<1x1024x1xf32> to vector<1024xf32>
    %add3A = arith.addf %get3A_3, %get3A_8 : vector<1024xf32>
    %max3A = arith.constant 1.000000e+00 : f32
    %max3A_9 = vector.broadcast %max3A : f32 to vector<1024xf32>
    %max3A_10 = arith.maximumf %add3A, %max3A_9 : vector<1024xf32>
    %div3A = arith.constant 1.000000e+00 : f32
    %div3A_11 = vector.broadcast %div3A : f32 to vector<1024xf32>
    %div3A_12 = arith.divf %div3A_11, %max3A_10 : vector<1024xf32>
    %get3A_13 = arith.constant 0 : index
    %get3A_14 = arith.constant 0 : index
    %get3A_15 = arith.constant 0 : index
    %get3A_16 = vector.load %arg2[%get3A_13, %get3A_14, %get3A_15] : memref<2x1024x128xf32, #tpu.memory_space<vmem>>, vector<1x1024x128xf32>
    %get3A_17 = vector.shape_cast %get3A_16 : vector<1x1024x128xf32> to vector<1024x128xf32>
    %get3A_18 = arith.constant 1 : index
    %get3A_19 = arith.constant 0 : index
    %get3A_20 = arith.constant 0 : index
    %get3A_21 = vector.load %arg2[%get3A_18, %get3A_19, %get3A_20] : memref<2x1024x128xf32, #tpu.memory_space<vmem>>, vector<1x1024x128xf32>
    %get3A_22 = vector.shape_cast %get3A_21 : vector<1x1024x128xf32> to vector<1024x128xf32>
    %add3A_23 = arith.addf %get3A_17, %get3A_22 : vector<1024x128xf32>
    %broadcast_in_dim3A = vector.shape_cast %div3A_12 : vector<1024xf32> to vector<1024x1xf32>
    %mul3A = vector.broadcast %broadcast_in_dim3A : vector<1024x1xf32> to vector<1024x128xf32>
    %mul3A_24 = arith.mulf %add3A_23, %mul3A : vector<1024x128xf32>
    %get3A_25 = arith.constant 0 : index
    %get3A_26 = arith.constant 0 : index
    %get3A_27 = vector.load %arg1[%get3A_25, %get3A_26] : memref<1024x128xf32, #tpu.memory_space<vmem>>, vector<1024x128xf32>
    %get3A_28 = arith.constant 0 : index
    %get3A_29 = arith.constant 0 : index
    %get3A_30 = vector.load %arg4[%get3A_28, %get3A_29] : memref<128x128xf32, #tpu.memory_space<vmem>>, vector<128x128xf32>
    %dot_general3A = arith.constant dense<0.000000e+00> : vector<1024x128xf32>
    %dot_general3A_31 = tpu.matmul %mul3A_24, %get3A_30, %dot_general3A {dimension_numbers = #tpu.dot_dimension_numbers<[1], [0], [0], [1], [0, 0, 1, 1], [], []>, transpose_lhs_hint = false} : vector<1024x128xf32>, vector<128x128xf32>, vector<1024x128xf32> -> vector<1024x128xf32>
    %add3A_32 = arith.addf %get3A_27, %dot_general3A_31 : vector<1024x128xf32>
    %max3A_33 = arith.constant 0.000000e+00 : f32
    %max3A_34 = vector.broadcast %max3A_33 : f32 to vector<1024x128xf32>
    %max3A_35 = arith.maximumf %add3A_32, %max3A_34 : vector<1024x128xf32>
    %swap3A = arith.constant 0 : index
    %swap3A_36 = arith.constant 0 : index
    %swap3A_37 = vector.load %arg5[%swap3A, %swap3A_36] : memref<1024x128xf32, #tpu.memory_space<vmem>>, vector<1024x128xf32>
    tpu.vector_store %arg5[%swap3A, %swap3A_36], %max3A_35 {strides = array<i32>} : memref<1024x128xf32, #tpu.memory_space<vmem>>, vector<1024x128xf32>,
    return
  }
  func.func @transform_0(%arg0: i32) -> (i32, i32) {
    %c0_i32 = arith.constant 0 : i32
    %c0_i32_0 = arith.constant 0 : i32
    return %arg0, %c0_i32 : i32, i32
  }
  func.func @transform_1(%arg0: i32) -> (i32, i32, i32) {
    %c0_i32 = arith.constant 0 : i32
    %c0_i32_0 = arith.constant 0 : i32
    %c0_i32_1 = arith.constant 0 : i32
    return %c0_i32, %arg0, %c0_i32_0 : i32, i32, i32
  }
  func.func @transform_2(%arg0: i32) -> (i32, i32, i32) {
    %c0_i32 = arith.constant 0 : i32
    %c0_i32_0 = arith.constant 0 : i32
    %c0_i32_1 = arith.constant 0 : i32
    return %c0_i32, %arg0, %c0_i32_0 : i32, i32, i32
  }
  func.func @transform_3(%arg0: i32) -> (i32, i32) {
    %c0_i32 = arith.constant 0 : i32
    %c0_i32_0 = arith.constant 0 : i32
    %c0_i32_1 = arith.constant 0 : i32
    return %c0_i32, %c0_i32_0 : i32, i32
  }
  func.func @transform_4(%arg0: i32) -> (i32, i32) {
    %c0_i32 = arith.constant 0 : i32
    %c0_i32_0 = arith.constant 0 : i32
    return %arg0, %c0_i32 : i32, i32
  }
}

module attributes {stable_mosaic.version = 14 : i64} {
  func.func @_tc_self_body(%arg0: i32, %arg1: memref<1024x128xf32, #tpu.memory_space<vmem>>, %arg2: memref<128x128xf32, #tpu.memory_space<vmem>>, %arg3: memref<1x128xf32, #tpu.memory_space<vmem>>, %arg4: memref<1024x128xf32, #tpu.memory_space<vmem>>) attributes {dimension_semantics = [#tpu.dimension_semantics<arbitrary>], iteration_bounds = array<i64: 10>, scalar_prefetch = 0 : i64, scratch_operands = 0 : i64, tpu.core_type = #tpu.core_type<tc>, window_params = [{transform_indices = @transform_0, window_bounds = array<i64: 1024, 128>}, {pipeline_mode = #tpu.pipeline_mode<synchronous>, transform_indices = @transform_1, window_bounds = array<i64: 128, 128>}, {pipeline_mode = #tpu.pipeline_mode<synchronous>, transform_indices = @transform_2, window_bounds = array<i64: 1, 128>}, {transform_indices = @transform_3, window_bounds = array<i64: 1024, 128>}]} {
    %get3A = arith.constant 0 : index
    %get3A_0 = arith.constant 0 : index
    %get3A_1 = vector.load %arg1[%get3A, %get3A_0] : memref<1024x128xf32, #tpu.memory_space<vmem>>, vector<1024x128xf32>
    %get3A_2 = arith.constant 0 : index
    %get3A_3 = arith.constant 0 : index
    %get3A_4 = vector.load %arg2[%get3A_2, %get3A_3] : memref<128x128xf32, #tpu.memory_space<vmem>>, vector<128x128xf32>
    %dot_general3A = arith.constant dense<0.000000e+00> : vector<1024x128xf32>
    %dot_general3A_5 = tpu.matmul %get3A_1, %get3A_4, %dot_general3A {dimension_numbers = #tpu.dot_dimension_numbers<[1], [0], [0], [1], [0, 0, 1, 1], [], []>, transpose_lhs_hint = false} : vector<1024x128xf32>, vector<128x128xf32>, vector<1024x128xf32> -> vector<1024x128xf32>
    %get3A_6 = arith.constant 0 : index
    %get3A_7 = arith.constant 0 : index
    %get3A_8 = vector.load %arg3[%get3A_6, %get3A_7] : memref<1x128xf32, #tpu.memory_space<vmem>>, vector<1x128xf32>
    %add3A = vector.broadcast %get3A_8 : vector<1x128xf32> to vector<1024x128xf32>
    %add3A_9 = arith.addf %dot_general3A_5, %add3A : vector<1024x128xf32>
    %swap3A = arith.constant 0 : index
    %swap3A_10 = arith.constant 0 : index
    %swap3A_11 = vector.load %arg4[%swap3A, %swap3A_10] : memref<1024x128xf32, #tpu.memory_space<vmem>>, vector<1024x128xf32>
    tpu.vector_store %arg4[%swap3A, %swap3A_10], %add3A_9 {strides = array<i32>} : memref<1024x128xf32, #tpu.memory_space<vmem>>, vector<1024x128xf32>,
    return
  }
  func.func @transform_0(%arg0: i32) -> (i32, i32) {
    %c0_i32 = arith.constant 0 : i32
    %c0_i32_0 = arith.constant 0 : i32
    return %arg0, %c0_i32 : i32, i32
  }
  func.func @transform_1(%arg0: i32) -> (i32, i32) {
    %c0_i32 = arith.constant 0 : i32
    %c0_i32_0 = arith.constant 0 : i32
    %c0_i32_1 = arith.constant 0 : i32
    return %c0_i32, %c0_i32_0 : i32, i32
  }
  func.func @transform_2(%arg0: i32) -> (i32, i32) {
    %c0_i32 = arith.constant 0 : i32
    %c0_i32_0 = arith.constant 0 : i32
    %c0_i32_1 = arith.constant 0 : i32
    return %c0_i32, %c0_i32_0 : i32, i32
  }
  func.func @transform_3(%arg0: i32) -> (i32, i32) {
    %c0_i32 = arith.constant 0 : i32
    %c0_i32_0 = arith.constant 0 : i32
    return %arg0, %c0_i32 : i32, i32
  }
}

</mosaic_0001>

<sc_bundles>
// kernel: kernel.12.cloned.1.call-start
scs
__scs_entry_jumppad:
0x0: {  	(pc) =	sbr.rel $0x88, $3  }
0x1: {  	(tag) =	ssettag $0x0;
	lr =	simm.s32 $0x1  }
0x2: {  	[smem:$0x3F98] =	sst lr;
	_ =	strace $0xD0000000  }
0x3: {  	_ = 	snop  }
0x4: {  	_ = 	snop  }
0x5: {  	_ = 	snop  }
0x6: {  	_ = 	snop  }
0x7: {  	_ = 	snop  }
__scs_overlays_trampoline_lowered:
0x8: {  	[smem:$0x3FA7] =	sst s0  }
0x9: {  	[smem:$0x3FA8] =	sst s1  }
0xa: {  	[smem:$0x3FA9] =	sst s2  }
0xb: {  	[smem:$0x3FAA] =	sst s3  }
0xc: {  	[smem:$0x3FAB] =	sst s4  }
0xd: {  	[smem:$0x3FAC] =	sst s5  }
0xe: {  	[smem:$0x3FAD] =	sst s6  }
0xf: {  	[smem:$0x3FAE] =	sst s7  }
0x10: {  	[smem:$0x3FAF] =	sst s8  }
0x11: {  	[smem:$0x3FB0] =	sst s9;
	s0 =	simm.s32 @!p0 $0x0  }
0x12: {  	s1 =	sld [smem:$0x3F96];
	s0 =	simm.s32 @p0 $0x1  }
0x13: {  	[smem:$0x3FB1] =	sst s0;
	s0 =	simm.s32 @!p1 $0x0  }
0x14: {  	s2 =	sld [smem:$0x3F95];
	s0 =	simm.s32 @p1 $0x1  }
0x15: {  	[smem:$0x3FB2] =	sst s0;
	s0 =	simm.s32 @!p2 $0x0  }
0x16: {  	s3 =	sld [smem:$0x3FDB];
	s0 =	simm.s32 @p2 $0x1  }
0x17: {  	s4 =	simm.s32 $0x1BF5;
	[smem:$0x3FB4] =	sst s0  }
0x18: {  	s0 =	sld [smem:$0x3F97];
	_ =	swait.ge [sflag:s4], $0x0  }
0x19: {  	s7 =	sld [smem:$0x3F98]  }
0x1a: {  	s8 =	sadd.s32 $0xFFFFE003, lr  }
0x1b: {  	s9 =	sadd.s32 $0xFFFFFEF7, lr;
	s5 =	simm.s32 $0xFFFFFFFF;
	p2 =	slt.u32 s8, $0xFFFFF086  }
0x1c: {  	p1 =	slt.u32 s9, $0xF7A;
	s5 =	simm.s32 @!p2 $0x0  }
0x1d: {  	s5 =	simm.s32 @p1 $0x1;
	p0 =	seq.s32 s7, s2  }
0x1e: {  	s7 =	smul.u32 @!p0 $0xF7A, s2;
	p2 =	seq.s32 @!p0 s5, $0x0  }
0x1f: {  	s9 =	smul.u32 $0xF7A, s1;
	s8 =	simm.s32 @!p0 $0x1BF5;
	p2 =	por !p2, p0  }
0x20: {  	[sflag:s8] =	ssyncset.s32 @!p0 $0xFFFFF086;
	s6 =	sadd.s32 @!p0 s3, s7;
	s7 =	simm.s32 @!p0 $0x108  }
0x21: {  	s3 =	sadd.s32 s3, s9;
	s6 =	sadd.s32 @!p0 $0x88, s6;
	s7 =	simm.s32 @p2 $0x1082  }
0x22: {  	[simem:s7], [sflag:s8] =	dma.local @!p0 [hbm:s6], $0xF7A  }
0x23: {  	s9 =	sor.u32 $0xD0000000, s2;
	s6 =	simm.s32 $0x108;
	_ =	swait.ge @!p0 [sflag:s8], $0x0  }
0x24: {  	s3 =	sadd.s32 $0x88, s3;
	s6 =	simm.s32 @!p1 $0x1082;
	[sflag:s4] =	ssyncset.s32 $0xFFFFF086  }
0x25: {  	[simem:s6], [sflag:s4] =	dma.local [hbm:s3], $0xF7A  }
0x26: {  	[smem:$0x3F98] =	sst s1;
	(tag) =	ssettag s2;
	_ =	strace s9  }
0x27: {  	s1 =	sld [smem:$0x3FA8]  }
0x28: {  	s2 =	sld [smem:$0x3FA9]  }
0x29: {  	s4 =	sld [smem:$0x3FAB]  }
0x2a: {  	p0 =	seq.s32 s5, $0x0;
	s5 =	sld [smem:$0x3FAC]  }
0x2b: {  	s6 =	sld [smem:$0x3FAD]  }
0x2c: {  	s7 =	sld [smem:$0x3FAE]  }
0x2d: {  	s3 =	simm.s32 $0x108;
	s8 =	sld [smem:$0x3FAF]  }
0x2e: {  	s3 =	simm.s32 @!p0 $0x1082;
	s9 =	sld [smem:$0x3FB0]  }
0x2f: {  	lr =	sadd.s32 s0, s3;
	s0 =	sld [smem:$0x3FA7]  }
0x30: {  	s3 =	sld [smem:$0x3FAA]  }
0x31: {  	[smem:$0x3FB3] =	sst s10  }
0x32: {  	s10 =	sld [smem:$0x3FB1];
	_ =	sdelay $0x3  }
0x33: {  	p0 =	seq.s32 s10, $0x1;
	s10 =	sld [smem:$0x3FB3];
	_ =	sdelay $0x3  }
0x34: {  	[smem:$0x3FB3] =	sst s10  }
0x35: {  	s10 =	sld [smem:$0x3FB2];
	_ =	sdelay $0x3  }
0x36: {  	p1 =	seq.s32 s10, $0x1;
	s10 =	sld [smem:$0x3FB3];
	_ =	sdelay $0x3  }
0x37: {  	[smem:$0x3FB3] =	sst s10  }
0x38: {  	s10 =	sld [smem:$0x3FB4]  }
0x39: {  	_ = 	snop;
	(pc) =	sbr.ind lr, $3  }
0x3a: {  	_ = 	snop  }
0x3b: {  	_ = 	snop  }
0x3c: {  	p2 =	seq.s32 s10, $0x1;
	s10 =	sld [smem:$0x3FB3]  }
0x3d: {  	_ =	shalt  }
0x3e: {  	_ =	shalt  }
0x3f: {  	_ =	shalt  }
0x40: {  	_ =	shalt  }
0x41: {  	_ =	shalt  }
0x42: {  	_ =	shalt  }
0x43: {  	_ =	shalt  }
0x44: {  	_ =	shalt  }
0x45: {  	_ =	shalt  }
0x46: {  	_ =	shalt  }
0x47: {  	_ =	shalt  }
0x48: {  	_ =	shalt  }
0x49: {  	_ =	shalt  }
0x4a: {  	_ =	shalt  }
0x4b: {  	_ =	shalt  }
0x4c: {  	_ =	shalt  }
0x4d: {  	_ =	shalt  }
0x4e: {  	_ =	shalt  }
0x4f: {  	_ =	shalt  }
0x50: {  	_ =	shalt  }
0x51: {  	_ =	shalt  }
0x52: {  	_ =	shalt  }
0x53: {  	_ =	shalt  }
0x54: {  	_ =	shalt  }
0x55: {  	_ =	shalt  }
0x56: {  	_ =	shalt  }
0x57: {  	_ =	shalt  }
0x58: {  	_ =	shalt  }
0x59: {  	_ =	shalt  }
0x5a: {  	_ =	shalt  }
0x5b: {  	_ =	shalt  }
0x5c: {  	_ =	shalt  }
0x5d: {  	_ =	shalt  }
0x5e: {  	_ =	shalt  }
0x5f: {  	_ =	shalt  }
0x60: {  	_ =	shalt  }
0x61: {  	_ =	shalt  }
0x62: {  	_ =	shalt  }
0x63: {  	_ =	shalt  }
0x64: {  	_ =	shalt  }
0x65: {  	_ =	shalt  }
0x66: {  	_ =	shalt  }
0x67: {  	_ =	shalt  }
0x68: {  	_ =	shalt  }
0x69: {  	_ =	shalt  }
0x6a: {  	_ =	shalt  }
0x6b: {  	_ =	shalt  }
0x6c: {  	_ =	shalt  }
0x6d: {  	_ =	shalt  }
0x6e: {  	_ =	shalt  }
0x6f: {  	_ =	shalt  }
0x70: {  	_ =	shalt  }
0x71: {  	_ =	shalt  }
0x72: {  	_ =	shalt  }
0x73: {  	_ =	shalt  }
0x74: {  	_ =	shalt  }
0x75: {  	_ =	shalt  }
0x76: {  	_ =	shalt  }
0x77: {  	_ =	shalt  }
0x78: {  	_ =	shalt  }
0x79: {  	_ =	shalt  }
0x7a: {  	_ =	shalt  }
0x7b: {  	_ =	shalt  }
0x7c: {  	_ =	shalt  }
0x7d: {  	_ =	shalt  }
0x7e: {  	_ =	shalt  }
0x7f: {  	_ =	shalt  }
0x80: {  	_ =	shalt  }
0x81: {  	_ =	shalt  }
0x82: {  	_ =	shalt  }
0x83: {  	_ =	shalt  }
0x84: {  	_ =	shalt  }
0x85: {  	_ =	shalt  }
0x86: {  	_ =	shalt  }
0x87: {  	_ =	shalt  }
.Lfunc_end0:
.L_simem_size_0:
called_computation.1_lowered:
.L_overlay_start_0:
0x88: {  	s2 =	sld [smem:$0x3FD9]  }
0x89: {  	s3 =	sld [smem:$0x3FFE];
	_ =	sdelay $0x1  }
0x8a: {  	s1 =	srdreg.scid  }
0x8b: {  	s0 =	sand.u32 $0x1, s1  }
0x8c: {  	s17 =	sshll.u32 s0, $0xA;
	s2 =	sadd.s32 s3, s2  }
0x8d: {  	s2 =	sadd.s32 s2, s17  }
0x8e: {  	[smem:$0x3FBF] =	sst s2  }
0x8f: {  	_ = 	snop  }
0x90: {  	s2 =	sld [smem:$0x3FD0];
	(tm) =	ssettm $0x1  }
0x91: {  	s18 =	sld [smem:$0x3FFB];
	_ =	sdelay $0x3  }
0x92: {  	_ =	strace s18  }
0x93: {  	s3 =	sld [smem:$0x3FFC];
	_ =	sdelay $0x3  }
0x94: {  	_ =	strace s3  }
0x95: {  	s3 =	sld [smem:$0x3FFD];
	_ =	sdelay $0x3  }
0x96: {  	_ =	strace s3  }
0x97: {  	_ =	strace $0x8FFFFFFF  }
0x98: {  	s19 =	sld [smem:$0x3FDB];
	_ =	sdelay $0x1  }
0x99: {  	s4 =	simm.s32 $_scs_section_size  }
0x9a: {  	s5 =	simm.s32 $_size__tile_overlayer_lowered;
	s6 =	simm.s32 $_tile_overlayer_lowered  }
0x9b: {  	s22 =	simm.s32 $0x1BFF;
	s21 =	sshll.u32 s6, $0x1;
	s3 =	sadd.s32 s4, s19  }
0x9c: {  	s7 =	simm.s32 $0x0;
	s20 =	sshll.u32 s5, $0x1;
	s5 =	sadd.s32 s21, s3  }
0x9d: {  	[timem:s7], [sflag:s22] =	dma.local [hbm:s5], s20  }
0x9e: {  	_ =	swait.ge [sflag:s22], s20  }
0x9f: {  	s4 =	ssub.s32 $0x0, s20;
	[sflag:s22] =	ssyncset.done $0x0  }
0xa0: {  	[sflag:s22] =	ssyncadd.s32 s4;
	_ =	sdelay $0x1  }
0xa1: {  	s23 =	simm.s32 $0x1B8B  }
0xa2: {  	_ =	swait.ge [sflag:s23], $0x1  }
0xa3: {  	[sflag:s23] =	ssyncset.done $0x0  }
0xa4: {  	s25 =	simm.s32 $0x1B8E;
	s24 =	sld [smem:$0x3FFE];
	[sflag:s23] =	ssyncadd.s32 $0xFFFFFFFF  }
0xa5: {  	s26 =	simm.s32 $execute0_lowered;
	[smem:$0x3FD2] =	sst s25  }
0xa6: {  	s5 =	sshll.u32 s26, $0x1;
	_ =	strace $0x80000049;
	[dreg:$0x1] =	wrdreg $0xFFFFFFFF  }
0xa7: {  	s28 =	simm.s32 $_size_execute0_lowered;
	s3 =	sadd.s32 s3, s5;
	[dreg:$0x0] =	wrdreg $0x0  }
0xa8: {  	s5 =	sshll.u32 s28, $0x1;
	[dreg:$0x2] =	wrdreg s3  }
0xa9: {  	[dreg:$0x3] =	wrdreg s5  }
0xaa: {  	[dreg:$0x4] =	wrdreg $0xC0  }
0xab: {  	_ =	task [dreg:s7], $0x5FFFF  }
0xac: {  	[dreg:$0x1] =	wrdreg $0xFFFFFFFF  }
0xad: {  	[dreg:$0x0] =	wrdreg $0x60  }
0xae: {  	[dreg:$0x2] =	wrdreg s24  }
0xaf: {  	[dreg:$0x3] =	wrdreg s2  }
0xb0: {  	[dreg:$0x4] =	wrdreg $0x80800  }
0xb1: {  	[dreg:$0x5] =	wrdreg $0x9  }
0xb2: {  	_ =	task.clear_ibuf [dreg:s7], $0x6FFFF;
	_ =	strace $0x90000049  }
0xb3: {  	s29 =	simm.s32 $0x9;
	_ =	strace $0x8000004B  }
0xb4: {  	_ =	swait.ge [sflag:s29], $0x1  }
0xb5: {  	[sflag:s29] =	ssyncadd.s32 $0xFFFFFFFF  }
0xb6: {  	_ =	strace $0x9000004B  }
0xb7: {  	_ =	sfence  }
0xb8: {  	s30 =	sld [smem:$0x0];
	_ =	sdelay $0x2  }
0xb9: {  	s31 =	sshll.u32 s1, $0xD;
	s1 =	sshrl.u32 s1, $0x2  }
0xba: {  	s3 =	sand.u32 $0x4000, s31;
	s1 =	sadd.s32 s1, s30  }
0xbb: {  	s0 =	sor.u32 s3, s0;
	s1 =	sshll.u32 s1, $0x11  }
0xbc: {  	s0 =	sor.u32 s1, s0  }
0xbd: {  	s0 =	sadd.s32 $0x8F2B, s0  }
0xbe: {  	[sflag:s0] =	ssyncadd.remote.s32 $0x1  }
0xbf: {  	_ =	sfence.sel $0xFFFF  }
0xc0: {  	[dreg:$0x0] =	wrdreg $0xFFFFFFFF;
	(pc) =	sbr.abs _section_cstart, $3  }
0xc1: {  	[dreg:$0x1] =	wrdreg $0xFFFFFFFF  }
0xc2: {  	_ =	task.clear_ibuf [dreg:s7], $0x2FFFF;
	_ =	strace $0x9FFFFFFF  }
0xc3: {  	(tm) =	ssettm $0x7FFFFFFF  }
tec
execute0_lowered:
.L_overlay_start_1:
0x0: {  	(tag) =	ssettag $0x1  }
0x1: {  	s0 =	rddreg [dreg:$0x0]  }
0x2: {  	s5 =	rddreg [dreg:$0x1]  }
0x3: {  	s1 =	rddreg [dreg:$0x2];
	s2 =	simm.s32 $0x0  }
0x4: {  	s9 =	simm.s32 $0x80;
	[smem:$0x7FF] =	sst s2  }
0x5: {  	s10 =	simm.s32 $0x100;
	_ =	strace $0x8000004A;
	[dreg:$0x5] =	wrdreg s9  }
0x6: {  	s12 =	simm.s32 $0x180;
	[dreg:$0x6] =	wrdreg s10  }
0x7: {  	s13 =	simm.s32 $0x200;
	[dreg:$0x7] =	wrdreg s12  }
0x8: {  	s17 =	simm.s32 $0x280;
	[dreg:$0x8] =	wrdreg s13  }
0x9: {  	s3 =	srdreg.scid;
	s24 =	simm.s32 $0x300;
	[dreg:$0x9] =	wrdreg s17  }
0xa: {  	s23 =	stileid.u32;
	s25 =	simm.s32 $0x380;
	[dreg:$0xa] =	wrdreg s24  }
0xb: {  	s26 =	simm.s32 $0x400;
	s28 =	simm.s32 $0x480;
	[dreg:$0xb] =	wrdreg s25  }
0xc: {  	s30 =	simm.s32 $0x500;
	s31 =	simm.s32 $0x580;
	[dreg:$0xc] =	wrdreg s26  }
0xd: {  	s20 =	simm.s32 $0x600;
	s21 =	simm.s32 $0x680;
	[dreg:$0xd] =	wrdreg s28  }
0xe: {  	s6 =	sand.u32 $0x1, s3;
	s15 =	smul.u32 $0x14000, s23;
	[dreg:$0xe] =	wrdreg s30  }
0xf: {  	s14 =	sadd.s32 $0x39C00, s0;
	s7 =	smul.u32 $0x780, s23;
	[dreg:$0xf] =	wrdreg s31  }
0x10: {  	s11 =	sadd.s32 $0x89C00, s0;
	s3 =	smul.u32 $0x7800, s6;
	[dreg:$0x10] =	wrdreg s20  }
0x11: {  	s4 =	ssub.s32 $0x2, s6;
	s16 =	smul.u32 $0x140000, s6;
	[dreg:$0x11] =	wrdreg s21  }
0x12: {  	s24 =	simm.s32 $0x780;
	s25 =	simm.s32 $0x800;
	s26 =	simm.s32 $0x880  }
0x13: {  	s8 =	sshrl.u32 s4, $0x1;
	s6 =	sadd.s32 $0x5000, s15;
	[dreg:$0x13] =	wrdreg s24  }
0x14: {  	s9 =	sadd.s32 $0xA000, s15;
	s10 =	sadd.s32 $0xC800, s15;
	[dreg:$0x14] =	wrdreg s25  }
0x15: {  	s12 =	sadd.s32 $0xF000, s15;
	s13 =	sadd.s32 $0x11800, s15;
	[dreg:$0x15] =	wrdreg s26  }
0x16: {  	s4 =	ssub.s32 s4, s8;
	s22 =	sadd.s32 s3, s5;
	s5 =	sor.u32 $0x2800, s15  }
0x17: {  	s19 =	sadd.s32 s16, s6;
	s21 =	sadd.s32 s16, s9;
	s28 =	sadd.s32 s16, s12  }
0x18: {  	s8 =	sadd.s32 s7, s22;
	s22 =	simm.s32 $0x700;
	s21 =	sshrl.u32 s21, $0x3  }
0x19: {  	s17 =	sshrl.u32 s28, $0x3;
	[dreg:$0x4] =	wrdreg s8;
	s8 =	sadd.s32 $0x7800, s15  }
0x1a: {  	s15 =	sadd.s32 s16, s15;
	[dreg:$0x12] =	wrdreg s22;
	s31 =	sadd.s32 s14, s21  }
0x1b: {  	s22 =	sadd.s32 s16, s10;
	s26 =	sadd.s32 s14, s17;
	[dreg:$0x1c] =	wrdreg s31  }
0x1c: {  	s15 =	sshrl.u32 s15, $0x3;
	[dreg:$0x1e] =	wrdreg s26;
	s26 =	sadd.s32 s6, s1  }
0x1d: {  	s20 =	sadd.s32 s16, s8;
	s8 =	sadd.s32 s8, s1;
	[smem:$0x7F7] =	sst s26  }
0x1e: {  	s22 =	sshrl.u32 s22, $0x3;
	s18 =	sadd.s32 s14, s15;
	[smem:$0x7FD] =	sst s8  }
0x1f: {  	s29 =	sadd.s32 s16, s5;
	s25 =	sadd.s32 s14, s22;
	[dreg:$0x18] =	wrdreg s18  }
0x20: {  	s19 =	sshrl.u32 s19, $0x3;
	s28 =	sadd.s32 s11, s15;
	[dreg:$0x1d] =	wrdreg s25  }
0x21: {  	s20 =	sshrl.u32 s20, $0x3;
	s15 =	sadd.s32 s11, s21;
	[smem:$0x7EC] =	sst s28  }
0x22: {  	s21 =	smul.u32 $0x50000, s23;
	s23 =	smax.u32 s4, $0x1;
	[smem:$0x7F0] =	sst s15  }
0x23: {  	s18 =	sshrl.u32 s29, $0x3;
	s29 =	sadd.s32 s14, s19;
	[smem:$0x7F5] =	sst s23  }
0x24: {  	s30 =	sadd.s32 s14, s20;
	[dreg:$0x1a] =	wrdreg s29  }
0x25: {  	s31 =	sadd.s32 s11, s20;
	[dreg:$0x1b] =	wrdreg s30  }
0x26: {  	s3 =	sadd.s32 s3, s0;
	s20 =	sadd.s32 s11, s17;
	[smem:$0x7EF] =	sst s31  }
0x27: {  	s3 =	sadd.s32 s7, s3;
	s25 =	sadd.s32 s5, s1;
	[smem:$0x7F2] =	sst s20  }
0x28: {  	s16 =	sadd.s32 s16, s13;
	s28 =	sadd.s32 s9, s1;
	[smem:$0x7F6] =	sst s25  }
0x29: {  	s16 =	sshrl.u32 s16, $0x3;
	s24 =	sadd.s32 s14, s18;
	[smem:$0x7F8] =	sst s28  }
0x2a: {  	s6 =	simm.s32 $0x0;
	s14 =	sadd.s32 s14, s16;
	[dreg:$0x19] =	wrdreg s24  }
0x2b: {  	s4 =	simm.s32 $0x4;
	s29 =	sadd.s32 s11, s18;
	[dreg:$0x1f] =	wrdreg s14  }
0x2c: {  	s15 =	simm.s32 $0x1;
	s30 =	sadd.s32 s11, s19;
	[smem:$0x7ED] =	sst s29  }
0x2d: {  	s17 =	simm.s32 $0x3;
	s18 =	sadd.s32 s11, s22;
	[smem:$0x7EE] =	sst s30  }
0x2e: {  	s19 =	simm.s32 $0x900;
	s11 =	sadd.s32 s11, s16;
	[smem:$0x7F1] =	sst s18  }
0x2f: {  	s22 =	simm.s32 $0x980;
	s20 =	sadd.s32 $0x2C00, s0;
	[smem:$0x7F3] =	sst s11  }
0x30: {  	s0 =	sadd.s32 $0x2400, s0;
	s31 =	sadd.s32 s13, s1;
	[dreg:$0x16] =	wrdreg s19  }
0x31: {  	s13 =	simm.s32 $0xC00;
	s16 =	simm.s32 $0x4C00;
	[dreg:$0x17] =	wrdreg s22  }
.Ltmp0:
0x32: {  	[smem:$0x7F4] =	sst s0;
	s24 =	sshrl.u32 s21, $0x2;
	(pc) =	sbr.rel .LBB2_1-.Ltmp0, $4  }
0x33: {  	s29 =	sadd.s32 s10, s1;
	s30 =	sadd.s32 s12, s1;
	[smem:$0x7FB] =	sst s31  }
0x34: {  	s0 =	sadd.s32 $0x2AC00, s3;
	s3 =	simm.s32 $0x1800;
	[smem:$0x7F9] =	sst s29  }
0x35: {  	s12 =	simm.s32 $0x5;
	s7 =	sadd.s32 s24, s1;
	[smem:$0x7FA] =	sst s30  }
0x36: {  	v0 =	vimm.f32 $0.0e+00;
	v1 =	vimm.f32 $1.000000000e+00;
	s14 =	simm.s32 $0x64;
	s18 =	simm.s32 $0x2;
	[smem:$0x7FC] =	sst s7  }
.LBB2_12:
0x37: {  	s5 =	sadd.s32 s5, s0;
	[sflag:s12] =	ssyncadd.s32 $0xFFFFCE00  }
0x38: {  	[tilespmem:s13], [sflag:$0x5] =	stream.linear.gather [hbm4b:s5+s2], $0xA00, $0x38;
	[tilespmem:$0x1C080] =	vst v63  }
0x39: {  	_ =	swait.ge [sflag:s12], $0xA00  }
0x3a: {  	[sflag:s12] =	ssyncset.done $0x0  }
0x3b: {  	[sflag:s12] =	ssyncadd.s32 $0xFFFFF600  }
0x3c: {  	[spmem:s1] =	stream.indirect.scatter.add.f32 [tilespmem:s3], [sflag:$0x5], $0x80, s13, s14, $0xb8;
	[tilespmem:$0x1C080] =	vst v63  }
0x3d: {  	_ =	swait.ge [sflag:s12], $0x3200  }
0x3e: {  	[sflag:s12] =	ssyncset.done $0x0  }
0x3f: {  	[sflag:s12] =	ssyncadd.s32 $0xFFFFCE00  }
0x40: {  	[spmem:s1] =	stream.indirect.scatter.add.f32 [tilespmem:s3], [sflag:$0x5], $0x80, s8, s14, $0xb8;
	[tilespmem:$0x1C080] =	vst v63  }
0x41: {  	_ =	swait.ge [sflag:s12], $0x3200  }
0x42: {  	[sflag:s12] =	ssyncset.done $0x0  }
0x43: {  	[sflag:s12] =	ssyncadd.s32 $0xFFFFCE00  }
0x44: {  	[spmem:s1] =	stream.indirect.scatter.add.f32 [tilespmem:s3], [sflag:$0x5], $0x80, s9, s14, $0xb8;
	[tilespmem:$0x1C080] =	vst v63  }
0x45: {  	_ =	swait.ge [sflag:s12], $0x3200  }
0x46: {  	[sflag:s12] =	ssyncset.done $0x0  }
0x47: {  	[sflag:s12] =	ssyncadd.s32 $0xFFFFCE00  }
0x48: {  	[spmem:s1] =	stream.indirect.scatter.add.f32 [tilespmem:s3], [sflag:$0x5], $0x80, s10, s14, $0xb8;
	[tilespmem:$0x1C080] =	vst v63  }
0x49: {  	_ =	swait.ge [sflag:s12], $0x3200  }
0x4a: {  	[sflag:s12] =	ssyncset.done $0x0  }
0x4b: {  	[sflag:s12] =	ssyncadd.s32 $0xFFFFCE00  }
0x4c: {  	[spmem:s1] =	stream.indirect.scatter.add.f32 [tilespmem:s3], [sflag:$0x5], $0x80, s11, s14, $0xb8;
	[tilespmem:$0x1C080] =	vst v63  }
0x4d: {  	_ =	swait.ge [sflag:s12], $0x3200  }
0x4e: {  	[sflag:s12] =	ssyncset.done $0x0  }
0x4f: {  	[sflag:s12] =	ssyncadd.s32 $0xFFFFCE00  }
0x50: {  	[spmem:s1] =	stream.indirect.scatter.add.f32 [tilespmem:s3], [sflag:$0x5], $0x80, s21, s14, $0xb8;
	[tilespmem:$0x1C080] =	vst v63  }
0x51: {  	_ =	swait.ge [sflag:s12], $0x3200  }
0x52: {  	[sflag:s12] =	ssyncset.done $0x0  }
0x53: {  	[sflag:s12] =	ssyncadd.s32 $0xFFFFCE00  }
0x54: {  	[spmem:s1] =	stream.indirect.scatter.add.f32 [tilespmem:s3], [sflag:$0x5], $0x80, s22, s14, $0xb8;
	[tilespmem:$0x1C080] =	vst v63  }
0x55: {  	_ =	swait.ge [sflag:s12], $0x3200  }
0x56: {  	[sflag:s12] =	ssyncset.done $0x0  }
0x57: {  	[sflag:s12] =	ssyncadd.s32 $0xFFFFCE00  }
0x58: {  	[spmem:s1] =	stream.indirect.scatter.add.f32 [tilespmem:s3], [sflag:$0x5], $0x80, s23, s14, $0xb8;
	[tilespmem:$0x1C080] =	vst v63  }
0x59: {  	_ =	swait.ge [sflag:s12], $0x3200  }
0x5a: {  	[sflag:s12] =	ssyncset.done $0x0  }
0x5b: {  	[sflag:s12] =	ssyncadd.s32 $0xFFFFCE00  }
0x5c: {  	[spmem:s1] =	stream.indirect.scatter.add.f32 [tilespmem:s3], [sflag:$0x5], $0x80, s24, s14, $0xb8;
	[tilespmem:$0x1C080] =	vst v63  }
0x5d: {  	_ =	swait.ge [sflag:s12], $0x3200  }
0x5e: {  	[sflag:s12] =	ssyncset.done $0x0  }
0x5f: {  	[sflag:s12] =	ssyncadd.s32 $0xFFFFCE00  }
0x60: {  	[spmem:s1] =	stream.indirect.scatter.add.f32 [tilespmem:s3], [sflag:$0x5], $0x80, s25, s14, $0xb8;
	[tilespmem:$0x1C080] =	vst v63  }
0x61: {  	_ =	swait.ge [sflag:s12], $0x3200  }
0x62: {  	[sflag:s12] =	ssyncset.done $0x0  }
0x63: {  	[sflag:s12] =	ssyncadd.s32 $0xFFFFCE00  }
0x64: {  	[spmem:s1] =	stream.indirect.scatter.add.f32 [tilespmem:s3], [sflag:$0x5], $0x80, s26, s14, $0xb8;
	[tilespmem:$0x1C080] =	vst v63  }
0x65: {  	_ =	swait.ge [sflag:s12], $0x3200  }
0x66: {  	[sflag:s12] =	ssyncset.done $0x0  }
0x67: {  	[sflag:s12] =	ssyncadd.s32 $0xFFFFCE00  }
0x68: {  	[spmem:s1] =	stream.indirect.scatter.add.f32 [tilespmem:s3], [sflag:$0x5], $0x80, s28, s14, $0xb8;
	[tilespmem:$0x1C080] =	vst v63  }
0x69: {  	_ =	swait.ge [sflag:s12], $0x3200  }
0x6a: {  	[sflag:s12] =	ssyncset.done $0x0  }
0x6b: {  	[sflag:s12] =	ssyncadd.s32 $0xFFFFCE00  }
0x6c: {  	[spmem:s1] =	stream.indirect.scatter.add.f32 [tilespmem:s3], [sflag:$0x5], $0x80, s29, s14, $0xb8;
	[tilespmem:$0x1C080] =	vst v63  }
0x6d: {  	_ =	swait.ge [sflag:s12], $0x3200  }
0x6e: {  	[sflag:s12] =	ssyncset.done $0x0  }
0x6f: {  	[sflag:s12] =	ssyncadd.s32 $0xFFFFCE00  }
0x70: {  	[spmem:s1] =	stream.indirect.scatter.add.f32 [tilespmem:s3], [sflag:$0x5], $0x80, s30, s14, $0xb8;
	[tilespmem:$0x1C080] =	vst v63  }
0x71: {  	_ =	swait.ge [sflag:s12], $0x3200  }
0x72: {  	[sflag:s12] =	ssyncset.done $0x0  }
0x73: {  	[sflag:s12] =	ssyncadd.s32 $0xFFFFCE00  }
0x74: {  	[spmem:s1] =	stream.indirect.scatter.add.f32 [tilespmem:s3], [sflag:$0x5], $0x80, s31, s14, $0xb8;
	[tilespmem:$0x1C080] =	vst v63  }
0x75: {  	_ =	swait.ge [sflag:s12], $0x3200  }
0x76: {  	[sflag:s12] =	ssyncset.done $0x0  }
0x77: {  	[sflag:s12] =	ssyncadd.s32 $0xFFFFCE00  }
0x78: {  	[spmem:s1] =	stream.indirect.scatter.add.f32 [tilespmem:s3], [sflag:$0x5], $0x80, s19, s14, $0xb8;
	[tilespmem:$0x1C080] =	vst v63  }
0x79: {  	_ =	swait.ge [sflag:s12], $0x3200  }
0x7a: {  	[sflag:s12] =	ssyncset.done $0x0  }
0x7b: {  	s31 =	simm.s32 $0x1400;
	[sflag:s12] =	ssyncadd.s32 $0xFFFFCE00  }
0x7c: {  	[spmem:s1] =	stream.indirect.scatter.add.f32 [tilespmem:s3], [sflag:$0x5], $0x80, s31, s14, $0xb8;
	[tilespmem:$0x1C080] =	vst v63  }
0x7d: {  	_ =	swait.ge [sflag:s12], $0x3200  }
0x7e: {  	[sflag:s12] =	ssyncset.done $0x0  }
0x7f: {  	s6 =	simm.s32 $0x1480;
	[sflag:s12] =	ssyncadd.s32 $0xFFFFCE00  }
0x80: {  	[spmem:s1] =	stream.indirect.scatter.add.f32 [tilespmem:s3], [sflag:$0x5], $0x80, s6, s14, $0xb8;
	[tilespmem:$0x1C080] =	vst v63  }
0x81: {  	_ =	swait.ge [sflag:s12], $0x3200  }
0x82: {  	[sflag:s12] =	ssyncset.done $0x0  }
0x83: {  	s7 =	simm.s32 $0x1500;
	[sflag:s12] =	ssyncadd.s32 $0xFFFFCE00  }
0x84: {  	[spmem:s1] =	stream.indirect.scatter.add.f32 [tilespmem:s3], [sflag:$0x5], $0x80, s7, s14, $0xb8;
	[tilespmem:$0x1C080] =	vst v63  }
0x85: {  	_ =	swait.ge [sflag:s12], $0x3200  }
0x86: {  	[sflag:s12] =	ssyncset.done $0x0  }
0x87: {  	s8 =	simm.s32 $0x1580;
	[sflag:s12] =	ssyncadd.s32 $0xFFFFCE00  }
0x88: {  	[spmem:s1] =	stream.indirect.scatter.add.f32 [tilespmem:s3], [sflag:$0x5], $0x80, s8, s14, $0xb8;
	[tilespmem:$0x1C080] =	vst v63  }
0x89: {  	_ =	swait.ge [sflag:s12], $0x3200  }
0x8a: {  	[sflag:s12] =	ssyncset.done $0x0  }
0x8b: {  	[sflag:s12] =	ssyncadd.s32 $0xFFFFCE00  }
0x8c: {  	[bflag:$0x0] =	sbarrier.arrive $0xFFFF  }
0x8d: {  	s7 =	sld [smem:$0x7FC];
	_ =	sdelay $0x2  }
0x8e: {  	[tilespmem:s3], [sflag:$0x5] =	stream.linear.gather [spmem:s7], $0x2800, $0x38;
	[tilespmem:$0x1C080] =	vst v63  }
0x8f: {  	_ =	swait.ge [sflag:s12], $0x2800  }
0x90: {  	s9 =	sld [smem:$0x7EC]  }
0x91: {  	[sflag:s12] =	ssyncset.done $0x0  }
0x92: {  	[sflag:s12] =	ssyncadd.s32 $0xFFFFD800  }
0x93: {  	[hbm4b:s9+s2] =	stream.linear.scatter [tilespmem:s3], [sflag:$0x5], $0x2800, $0x38;
	[tilespmem:$0x1C080] =	vst v63  }
0x94: {  	_ =	swait.ge [sflag:s12], $0x2800  }
0x95: {  	s10 =	sld [smem:$0x7F6]  }
0x96: {  	[sflag:s12] =	ssyncset.done $0x0  }
0x97: {  	[sflag:s12] =	ssyncadd.s32 $0xFFFFD800  }
0x98: {  	[tilespmem:s3], [sflag:$0x5] =	stream.linear.gather [spmem:s10], $0x2800, $0x38;
	[tilespmem:$0x1C080] =	vst v63  }
0x99: {  	_ =	swait.ge [sflag:s12], $0x2800  }
0x9a: {  	s11 =	sld [smem:$0x7ED]  }
0x9b: {  	[sflag:s12] =	ssyncset.done $0x0  }
0x9c: {  	[sflag:s12] =	ssyncadd.s32 $0xFFFFD800  }
0x9d: {  	[hbm4b:s11+s2] =	stream.linear.scatter [tilespmem:s3], [sflag:$0x5], $0x2800, $0x38;
	[tilespmem:$0x1C080] =	vst v63  }
0x9e: {  	_ =	swait.ge [sflag:s12], $0x2800  }
0x9f: {  	s19 =	sld [smem:$0x7F7]  }
0xa0: {  	[sflag:s12] =	ssyncset.done $0x0  }
0xa1: {  	[sflag:s12] =	ssyncadd.s32 $0xFFFFD800  }
0xa2: {  	[tilespmem:s3], [sflag:$0x5] =	stream.linear.gather [spmem:s19], $0x2800, $0x38;
	[tilespmem:$0x1C080] =	vst v63  }
0xa3: {  	_ =	swait.ge [sflag:s12], $0x2800  }
0xa4: {  	s21 =	sld [smem:$0x7EE]  }
0xa5: {  	[sflag:s12] =	ssyncset.done $0x0  }
0xa6: {  	[sflag:s12] =	ssyncadd.s32 $0xFFFFD800  }
0xa7: {  	[hbm4b:s21+s2] =	stream.linear.scatter [tilespmem:s3], [sflag:$0x5], $0x2800, $0x38;
	[tilespmem:$0x1C080] =	vst v63  }
0xa8: {  	_ =	swait.ge [sflag:s12], $0x2800  }
0xa9: {  	s8 =	sld [smem:$0x7FD]  }
0xaa: {  	[sflag:s12] =	ssyncset.done $0x0  }
0xab: {  	[sflag:s12] =	ssyncadd.s32 $0xFFFFD800  }
0xac: {  	[tilespmem:s3], [sflag:$0x5] =	stream.linear.gather [spmem:s8], $0x2800, $0x38;
	[tilespmem:$0x1C080] =	vst v63  }
0xad: {  	_ =	swait.ge [sflag:s12], $0x2800  }
0xae: {  	s22 =	sld [smem:$0x7EF]  }
0xaf: {  	[sflag:s12] =	ssyncset.done $0x0  }
0xb0: {  	[sflag:s12] =	ssyncadd.s32 $0xFFFFD800  }
0xb1: {  	[hbm4b:s22+s2] =	stream.linear.scatter [tilespmem:s3], [sflag:$0x5], $0x2800, $0x38;
	[tilespmem:$0x1C080] =	vst v63  }
0xb2: {  	_ =	swait.ge [sflag:s12], $0x2800  }
0xb3: {  	s23 =	sld [smem:$0x7F8]  }
0xb4: {  	[sflag:s12] =	ssyncset.done $0x0  }
0xb5: {  	[sflag:s12] =	ssyncadd.s32 $0xFFFFD800  }
0xb6: {  	[tilespmem:s3], [sflag:$0x5] =	stream.linear.gather [spmem:s23], $0x2800, $0x38;
	[tilespmem:$0x1C080] =	vst v63  }
0xb7: {  	_ =	swait.ge [sflag:s12], $0x2800  }
0xb8: {  	s24 =	sld [smem:$0x7F0]  }
0xb9: {  	[sflag:s12] =	ssyncset.done $0x0  }
0xba: {  	[sflag:s12] =	ssyncadd.s32 $0xFFFFD800  }
0xbb: {  	[hbm4b:s24+s2] =	stream.linear.scatter [tilespmem:s3], [sflag:$0x5], $0x2800, $0x38;
	[tilespmem:$0x1C080] =	vst v63  }
0xbc: {  	_ =	swait.ge [sflag:s12], $0x2800  }
0xbd: {  	s25 =	sld [smem:$0x7F9]  }
0xbe: {  	[sflag:s12] =	ssyncset.done $0x0  }
0xbf: {  	[sflag:s12] =	ssyncadd.s32 $0xFFFFD800  }
0xc0: {  	[tilespmem:s3], [sflag:$0x5] =	stream.linear.gather [spmem:s25], $0x2800, $0x38;
	[tilespmem:$0x1C080] =	vst v63  }
0xc1: {  	_ =	swait.ge [sflag:s12], $0x2800  }
0xc2: {  	s26 =	sld [smem:$0x7F1]  }
0xc3: {  	[sflag:s12] =	ssyncset.done $0x0  }
0xc4: {  	[sflag:s12] =	ssyncadd.s32 $0xFFFFD800  }
0xc5: {  	[hbm4b:s26+s2] =	stream.linear.scatter [tilespmem:s3], [sflag:$0x5], $0x2800, $0x38;
	[tilespmem:$0x1C080] =	vst v63  }
0xc6: {  	_ =	swait.ge [sflag:s12], $0x2800  }
0xc7: {  	s28 =	sld [smem:$0x7FA]  }
0xc8: {  	[sflag:s12] =	ssyncset.done $0x0  }
0xc9: {  	[sflag:s12] =	ssyncadd.s32 $0xFFFFD800  }
0xca: {  	[tilespmem:s3], [sflag:$0x5] =	stream.linear.gather [spmem:s28], $0x2800, $0x38;
	[tilespmem:$0x1C080] =	vst v63  }
0xcb: {  	_ =	swait.ge [sflag:s12], $0x2800  }
0xcc: {  	s29 =	sld [smem:$0x7F2]  }
0xcd: {  	[sflag:s12] =	ssyncset.done $0x0  }
0xce: {  	[sflag:s12] =	ssyncadd.s32 $0xFFFFD800  }
0xcf: {  	[hbm4b:s29+s2] =	stream.linear.scatter [tilespmem:s3], [sflag:$0x5], $0x2800, $0x38;
	[tilespmem:$0x1C080] =	vst v63  }
0xd0: {  	_ =	swait.ge [sflag:s12], $0x2800  }
0xd1: {  	s30 =	sld [smem:$0x7FB]  }
0xd2: {  	[sflag:s12] =	ssyncset.done $0x0  }
0xd3: {  	[sflag:s12] =	ssyncadd.s32 $0xFFFFD800  }
0xd4: {  	[tilespmem:s3], [sflag:$0x5] =	stream.linear.gather [spmem:s30], $0x2800, $0x38;
	[tilespmem:$0x1C080] =	vst v63  }
0xd5: {  	_ =	swait.ge [sflag:s12], $0x2800  }
0xd6: {  	s31 =	sld [smem:$0x7F3]  }
0xd7: {  	[sflag:s12] =	ssyncset.done $0x0  }
0xd8: {  	[sflag:s12] =	ssyncadd.s32 $0xFFFFD800  }
0xd9: {  	[hbm4b:s31+s2] =	stream.linear.scatter [tilespmem:s3], [sflag:$0x5], $0x2800, $0x38;
	[tilespmem:$0x1C080] =	vst v63  }
0xda: {  	_ =	swait.ge [sflag:s12], $0x2800  }
0xdb: {  	[sflag:s12] =	ssyncset.done $0x0  }
0xdc: {  	s6 =	sld [smem:$0x7EB];
	[sflag:s12] =	ssyncadd.s32 $0xFFFFD800  }
.LBB2_13:
0xdd: {  	s5 =	sld [smem:$0x7F5];
	_ =	sdelay $0x1  }
0xde: {  	s6 =	sadd.s32 $0x1, s6  }
0xdf: {  	p0 =	sne.s32 s6, s5  }
.Ltmp1:
0xe0: {  	_ = 	snop;
	(pc) =	sbr.rel @!p0 .LBB2_14-.Ltmp1, $1  }
0xe1: {  	_ =	sdelay $0x3  }
.LBB2_1:
0xe2: {  	[smem:$0x7EB] =	sst s6;
	s5 =	simm.s32 $0x70;
	s6 =	simm.s32 $0x3C0  }
.LBB2_2:
0xe3: {  	p0 =	sne.s32 s6, $0x9FC0;
	[tilespmem:s5+$0x1800] =	vst v0  }
0xe4: {  	[tilespmem:s5+$0x1790] =	vst v0  }
0xe5: {  	[tilespmem:s5+$0x17A0] =	vst v0  }
.Ltmp2:
0xe6: {  	[tilespmem:s5+$0x17B0] =	vst v0;
	(pc) =	sbr.rel @p0 .LBB2_2-.Ltmp2, $4  }
0xe7: {  	[tilespmem:s5+$0x17C0] =	vst v0  }
0xe8: {  	[tilespmem:s5+$0x17D0] =	vst v0  }
0xe9: {  	[tilespmem:s5+$0x17E0] =	vst v0  }
0xea: {  	[tilespmem:s5+$0x17F0] =	vst v0;
	s5 =	sshra.s32 s6, $0x2;
	s6 =	sadd.s32 $0x200, s6  }
0xeb: {  	[tilespmem:s5+$0x1800] =	vst v0  }
0xec: {  	[tilespmem:s5+$0x1790] =	vst v0  }
0xed: {  	[tilespmem:s5+$0x17A0] =	vst v0  }
0xee: {  	[tilespmem:s5+$0x17B0] =	vst v0  }
0xef: {  	[tilespmem:s5+$0x17C0] =	vst v0  }
0xf0: {  	[tilespmem:s5+$0x17D0] =	vst v0  }
0xf1: {  	[tilespmem:s5+$0x17E0] =	vst v0  }
0xf2: {  	[tilespmem:s5+$0x17F0] =	vst v0  }
0xf3: {  	[spmem:s7] =	stream.linear.scatter [tilespmem:s3], [sflag:$0x5], $0x2800, $0x38;
	[tilespmem:$0x1C080] =	vst v63  }
0xf4: {  	_ =	swait.ge [sflag:s12], $0x2800  }
0xf5: {  	s11 =	sld [smem:$0x7F6]  }
0xf6: {  	[sflag:s12] =	ssyncset.done $0x0  }
0xf7: {  	[sflag:s12] =	ssyncadd.s32 $0xFFFFD800  }
0xf8: {  	[spmem:s11] =	stream.linear.scatter [tilespmem:s3], [sflag:$0x5], $0x2800, $0x38;
	[tilespmem:$0x1C080] =	vst v63  }
0xf9: {  	_ =	swait.ge [sflag:s12], $0x2800  }
0xfa: {  	s19 =	sld [smem:$0x7F7]  }
0xfb: {  	[sflag:s12] =	ssyncset.done $0x0  }
0xfc: {  	[sflag:s12] =	ssyncadd.s32 $0xFFFFD800  }
0xfd: {  	[spmem:s19] =	stream.linear.scatter [tilespmem:s3], [sflag:$0x5], $0x2800, $0x38;
	[tilespmem:$0x1C080] =	vst v63  }
0xfe: {  	_ =	swait.ge [sflag:s12], $0x2800  }
0xff: {  	[sflag:s12] =	ssyncset.done $0x0  }
0x100: {  	[sflag:s12] =	ssyncadd.s32 $0xFFFFD800  }
0x101: {  	[spmem:s8] =	stream.linear.scatter [tilespmem:s3], [sflag:$0x5], $0x2800, $0x38;
	[tilespmem:$0x1C080] =	vst v63  }
0x102: {  	_ =	swait.ge [sflag:s12], $0x2800  }
0x103: {  	s21 =	sld [smem:$0x7F8]  }
0x104: {  	[sflag:s12] =	ssyncset.done $0x0  }
0x105: {  	[sflag:s12] =	ssyncadd.s32 $0xFFFFD800  }
0x106: {  	[spmem:s21] =	stream.linear.scatter [tilespmem:s3], [sflag:$0x5], $0x2800, $0x38;
	[tilespmem:$0x1C080] =	vst v63  }
0x107: {  	_ =	swait.ge [sflag:s12], $0x2800  }
0x108: {  	s22 =	sld [smem:$0x7F9]  }
0x109: {  	[sflag:s12] =	ssyncset.done $0x0  }
0x10a: {  	[sflag:s12] =	ssyncadd.s32 $0xFFFFD800  }
0x10b: {  	[spmem:s22] =	stream.linear.scatter [tilespmem:s3], [sflag:$0x5], $0x2800, $0x38;
	[tilespmem:$0x1C080] =	vst v63  }
0x10c: {  	_ =	swait.ge [sflag:s12], $0x2800  }
0x10d: {  	s23 =	sld [smem:$0x7FA]  }
0x10e: {  	[sflag:s12] =	ssyncset.done $0x0  }
0x10f: {  	[sflag:s12] =	ssyncadd.s32 $0xFFFFD800  }
0x110: {  	[spmem:s23] =	stream.linear.scatter [tilespmem:s3], [sflag:$0x5], $0x2800, $0x38;
	[tilespmem:$0x1C080] =	vst v63  }
0x111: {  	_ =	swait.ge [sflag:s12], $0x2800  }
0x112: {  	s24 =	sld [smem:$0x7FB]  }
0x113: {  	[sflag:s12] =	ssyncset.done $0x0  }
0x114: {  	[sflag:s12] =	ssyncadd.s32 $0xFFFFD800  }
0x115: {  	[spmem:s24] =	stream.linear.scatter [tilespmem:s3], [sflag:$0x5], $0x2800, $0x38;
	[tilespmem:$0x1C080] =	vst v63  }
0x116: {  	_ =	swait.ge [sflag:s12], $0x2800  }
0x117: {  	s6 =	sld [smem:$0x7F4]  }
0x118: {  	[sflag:s12] =	ssyncset.done $0x0  }
0x119: {  	s25 =	simm.s32 $0x0;
	s26 =	simm.s32 $0x8000;
	[sflag:s12] =	ssyncadd.s32 $0xFFFFD800  }
0x11a: {  	[tilespmem:s26], [sflag:$0x5] =	stream.linear.gather [hbm4b:s6+s25], $0x80, $0x38;
	[tilespmem:$0x1C080] =	vst v63  }
0x11b: {  	_ =	swait.ge [sflag:s12], $0x80  }
0x11c: {  	[sflag:s12] =	ssyncset.done $0x0  }
0x11d: {  	[sflag:s12] =	ssyncadd.s32 $0xFFFFFF80  }
0x11e: {  	[bflag:$0x0] =	sbarrier.arrive $0xFFFF  }
0x11f: {  	s6 =	rddreg [dreg:$0x4]  }
0x120: {  	s5 =	sadd.s32 $0x0, s6  }
0x121: {  	[tilespmem:s2], [sflag:$0x5] =	stream.linear.gather [hbm4b:s5+s2], $0xA00, $0x38;
	[tilespmem:$0x1C080] =	vst v63  }
0x122: {  	_ =	swait.ge [sflag:s12], $0xA00  }
0x123: {  	[sflag:s12] =	ssyncset.done $0x0  }
0x124: {  	s7 =	sadd.s32 $0x0, s0;
	[sflag:s12] =	ssyncadd.s32 $0xFFFFF600  }
0x125: {  	[tilespmem:s13], [sflag:$0x5] =	stream.linear.gather [hbm4b:s7+s2], $0xA00, $0x38;
	[tilespmem:$0x1C080] =	vst v63  }
0x126: {  	_ =	swait.ge [sflag:s12], $0xA00  }
0x127: {  	[sflag:s12] =	ssyncset.done $0x0  }
0x128: {  	[sflag:s12] =	ssyncadd.s32 $0xFFFFF600  }
0x129: {  	[tilespmem:s3], [sflag:$0x1] =	stream.indirect.gather [hbm4b:s20+s14], $0x80, s2, s14, $0xb8;
	[tilespmem:$0x1C080] =	vst v63  }
0x12a: {  	_ =	swait.ge [sflag:s15], $0x3200  }
0x12b: {  	[sflag:s15] =	ssyncset.done $0x0  }
0x12c: {  	s8 =	rddreg [dreg:$0x5];
	[sflag:s15] =	ssyncadd.s32 $0xFFFFCE00  }
0x12d: {  	[tilespmem:s16], [sflag:$0x2] =	stream.indirect.gather [hbm4b:s20+s14], $0x80, s8, s14, $0xb8;
	[tilespmem:$0x1C080] =	vst v63  }
0x12e: {  	_ = 	snop  }
0x12f: {  	[spmem:s1] =	stream.indirect.scatter.add.f32 [tilespmem:s3], [sflag:$0x3], $0x80, s13, s14, $0xb8;
	[tilespmem:$0x1C080] =	vst v63  }
0x130: {  	_ =	swait.ge [sflag:s17], $0x3200  }
0x131: {  	[sflag:s17] =	ssyncset.done $0x0  }
0x132: {  	[sflag:s17] =	ssyncadd.s32 $0xFFFFCE00  }
0x133: {  	_ =	swait.ge [sflag:s18], $0x3200  }
0x134: {  	[sflag:s18] =	ssyncset.done $0x0  }
0x135: {  	s9 =	rddreg [dreg:$0x6];
	[sflag:s18] =	ssyncadd.s32 $0xFFFFCE00  }
0x136: {  	[tilespmem:s3], [sflag:$0x1] =	stream.indirect.gather [hbm4b:s20+s14], $0x80, s9, s14, $0xb8;
	[tilespmem:$0x1C080] =	vst v63  }
0x137: {  	s10 =	simm.s32 $0xC80  }
0x138: {  	[spmem:s1] =	stream.indirect.scatter.add.f32 [tilespmem:s16], [sflag:$0x4], $0x80, s10, s14, $0xb8;
	[tilespmem:$0x1C080] =	vst v63  }
0x139: {  	_ =	swait.ge [sflag:s4], $0x3200  }
0x13a: {  	[sflag:s4] =	ssyncset.done $0x0  }
0x13b: {  	[sflag:s4] =	ssyncadd.s32 $0xFFFFCE00  }
0x13c: {  	_ =	swait.ge [sflag:s15], $0x3200  }
0x13d: {  	[sflag:s15] =	ssyncset.done $0x0  }
0x13e: {  	s11 =	rddreg [dreg:$0x7];
	[sflag:s15] =	ssyncadd.s32 $0xFFFFCE00  }
0x13f: {  	[tilespmem:s16], [sflag:$0x2] =	stream.indirect.gather [hbm4b:s20+s14], $0x80, s11, s14, $0xb8;
	[tilespmem:$0x1C080] =	vst v63  }
0x140: {  	s9 =	simm.s32 $0xD00  }
0x141: {  	[spmem:s1] =	stream.indirect.scatter.add.f32 [tilespmem:s3], [sflag:$0x3], $0x80, s9, s14, $0xb8;
	[tilespmem:$0x1C080] =	vst v63  }
0x142: {  	_ =	swait.ge [sflag:s17], $0x3200  }
0x143: {  	[sflag:s17] =	ssyncset.done $0x0  }
0x144: {  	[sflag:s17] =	ssyncadd.s32 $0xFFFFCE00  }
0x145: {  	_ =	swait.ge [sflag:s18], $0x3200  }
0x146: {  	[sflag:s18] =	ssyncset.done $0x0  }
0x147: {  	s19 =	rddreg [dreg:$0x8];
	[sflag:s18] =	ssyncadd.s32 $0xFFFFCE00  }
0x148: {  	[tilespmem:s3], [sflag:$0x1] =	stream.indirect.gather [hbm4b:s20+s14], $0x80, s19, s14, $0xb8;
	[tilespmem:$0x1C080] =	vst v63  }
0x149: {  	s10 =	simm.s32 $0xD80  }
0x14a: {  	[spmem:s1] =	stream.indirect.scatter.add.f32 [tilespmem:s16], [sflag:$0x4], $0x80, s10, s14, $0xb8;
	[tilespmem:$0x1C080] =	vst v63  }
0x14b: {  	_ =	swait.ge [sflag:s4], $0x3200  }
0x14c: {  	[sflag:s4] =	ssyncset.done $0x0  }
0x14d: {  	[sflag:s4] =	ssyncadd.s32 $0xFFFFCE00  }
0x14e: {  	_ =	swait.ge [sflag:s15], $0x3200  }
0x14f: {  	[sflag:s15] =	ssyncset.done $0x0  }
0x150: {  	s21 =	rddreg [dreg:$0x9];
	[sflag:s15] =	ssyncadd.s32 $0xFFFFCE00  }
0x151: {  	[tilespmem:s16], [sflag:$0x2] =	stream.indirect.gather [hbm4b:s20+s14], $0x80, s21, s14, $0xb8;
	[tilespmem:$0x1C080] =	vst v63  }
0x152: {  	s11 =	simm.s32 $0xE00  }
0x153: {  	[spmem:s1] =	stream.indirect.scatter.add.f32 [tilespmem:s3], [sflag:$0x3], $0x80, s11, s14, $0xb8;
	[tilespmem:$0x1C080] =	vst v63  }
0x154: {  	_ =	swait.ge [sflag:s17], $0x3200  }
0x155: {  	[sflag:s17] =	ssyncset.done $0x0  }
0x156: {  	[sflag:s17] =	ssyncadd.s32 $0xFFFFCE00  }
0x157: {  	_ =	swait.ge [sflag:s18], $0x3200  }
0x158: {  	[sflag:s18] =	ssyncset.done $0x0  }
0x159: {  	s22 =	rddreg [dreg:$0xa];
	[sflag:s18] =	ssyncadd.s32 $0xFFFFCE00  }
0x15a: {  	[tilespmem:s3], [sflag:$0x1] =	stream.indirect.gather [hbm4b:s20+s14], $0x80, s22, s14, $0xb8;
	[tilespmem:$0x1C080] =	vst v63  }
0x15b: {  	s21 =	simm.s32 $0xE80  }
0x15c: {  	[spmem:s1] =	stream.indirect.scatter.add.f32 [tilespmem:s16], [sflag:$0x4], $0x80, s21, s14, $0xb8;
	[tilespmem:$0x1C080] =	vst v63  }
0x15d: {  	_ =	swait.ge [sflag:s4], $0x3200  }
0x15e: {  	[sflag:s4] =	ssyncset.done $0x0  }
0x15f: {  	[sflag:s4] =	ssyncadd.s32 $0xFFFFCE00  }
0x160: {  	_ =	swait.ge [sflag:s15], $0x3200  }
0x161: {  	[sflag:s15] =	ssyncset.done $0x0  }
0x162: {  	s23 =	rddreg [dreg:$0xb];
	[sflag:s15] =	ssyncadd.s32 $0xFFFFCE00  }
0x163: {  	[tilespmem:s16], [sflag:$0x2] =	stream.indirect.gather [hbm4b:s20+s14], $0x80, s23, s14, $0xb8;
	[tilespmem:$0x1C080] =	vst v63  }
0x164: {  	s22 =	simm.s32 $0xF00  }
0x165: {  	[spmem:s1] =	stream.indirect.scatter.add.f32 [tilespmem:s3], [sflag:$0x3], $0x80, s22, s14, $0xb8;
	[tilespmem:$0x1C080] =	vst v63  }
0x166: {  	_ =	swait.ge [sflag:s17], $0x3200  }
0x167: {  	[sflag:s17] =	ssyncset.done $0x0  }
0x168: {  	[sflag:s17] =	ssyncadd.s32 $0xFFFFCE00  }
0x169: {  	_ =	swait.ge [sflag:s18], $0x3200  }
0x16a: {  	[sflag:s18] =	ssyncset.done $0x0  }
0x16b: {  	s24 =	rddreg [dreg:$0xc];
	[sflag:s18] =	ssyncadd.s32 $0xFFFFCE00  }
0x16c: {  	[tilespmem:s3], [sflag:$0x1] =	stream.indirect.gather [hbm4b:s20+s14], $0x80, s24, s14, $0xb8;
	[tilespmem:$0x1C080] =	vst v63  }
0x16d: {  	s23 =	simm.s32 $0xF80  }
0x16e: {  	[spmem:s1] =	stream.indirect.scatter.add.f32 [tilespmem:s16], [sflag:$0x4], $0x80, s23, s14, $0xb8;
	[tilespmem:$0x1C080] =	vst v63  }
0x16f: {  	_ =	swait.ge [sflag:s4], $0x3200  }
0x170: {  	[sflag:s4] =	ssyncset.done $0x0  }
0x171: {  	[sflag:s4] =	ssyncadd.s32 $0xFFFFCE00  }
0x172: {  	_ =	swait.ge [sflag:s15], $0x3200  }
0x173: {  	[sflag:s15] =	ssyncset.done $0x0  }
0x174: {  	s25 =	rddreg [dreg:$0xd];
	[sflag:s15] =	ssyncadd.s32 $0xFFFFCE00  }
0x175: {  	[tilespmem:s16], [sflag:$0x2] =	stream.indirect.gather [hbm4b:s20+s14], $0x80, s25, s14, $0xb8;
	[tilespmem:$0x1C080] =	vst v63  }
0x176: {  	s24 =	simm.s32 $0x1000  }
0x177: {  	[spmem:s1] =	stream.indirect.scatter.add.f32 [tilespmem:s3], [sflag:$0x3], $0x80, s24, s14, $0xb8;
	[tilespmem:$0x1C080] =	vst v63  }
0x178: {  	_ =	swait.ge [sflag:s17], $0x3200  }
0x179: {  	[sflag:s17] =	ssyncset.done $0x0  }
0x17a: {  	[sflag:s17] =	ssyncadd.s32 $0xFFFFCE00  }
0x17b: {  	_ =	swait.ge [sflag:s18], $0x3200  }
0x17c: {  	[sflag:s18] =	ssyncset.done $0x0  }
0x17d: {  	s26 =	rddreg [dreg:$0xe];
	[sflag:s18] =	ssyncadd.s32 $0xFFFFCE00  }
0x17e: {  	[tilespmem:s3], [sflag:$0x1] =	stream.indirect.gather [hbm4b:s20+s14], $0x80, s26, s14, $0xb8;
	[tilespmem:$0x1C080] =	vst v63  }
0x17f: {  	s25 =	simm.s32 $0x1080  }
0x180: {  	[spmem:s1] =	stream.indirect.scatter.add.f32 [tilespmem:s16], [sflag:$0x4], $0x80, s25, s14, $0xb8;
	[tilespmem:$0x1C080] =	vst v63  }
0x181: {  	_ =	swait.ge [sflag:s4], $0x3200  }
0x182: {  	[sflag:s4] =	ssyncset.done $0x0  }
0x183: {  	[sflag:s4] =	ssyncadd.s32 $0xFFFFCE00  }
0x184: {  	_ =	swait.ge [sflag:s15], $0x3200  }
0x185: {  	[sflag:s15] =	ssyncset.done $0x0  }
0x186: {  	s6 =	rddreg [dreg:$0xf];
	[sflag:s15] =	ssyncadd.s32 $0xFFFFCE00  }
0x187: {  	[tilespmem:s16], [sflag:$0x2] =	stream.indirect.gather [hbm4b:s20+s14], $0x80, s6, s14, $0xb8;
	[tilespmem:$0x1C080] =	vst v63  }
0x188: {  	s26 =	simm.s32 $0x1100  }
0x189: {  	[spmem:s1] =	stream.indirect.scatter.add.f32 [tilespmem:s3], [sflag:$0x3], $0x80, s26, s14, $0xb8;
	[tilespmem:$0x1C080] =	vst v63  }
0x18a: {  	_ =	swait.ge [sflag:s17], $0x3200  }
0x18b: {  	[sflag:s17] =	ssyncset.done $0x0  }
0x18c: {  	[sflag:s17] =	ssyncadd.s32 $0xFFFFCE00  }
0x18d: {  	_ =	swait.ge [sflag:s18], $0x3200  }
0x18e: {  	[sflag:s18] =	ssyncset.done $0x0  }
0x18f: {  	s7 =	rddreg [dreg:$0x10];
	[sflag:s18] =	ssyncadd.s32 $0xFFFFCE00  }
0x190: {  	[tilespmem:s3], [sflag:$0x1] =	stream.indirect.gather [hbm4b:s20+s14], $0x80, s7, s14, $0xb8;
	[tilespmem:$0x1C080] =	vst v63  }
0x191: {  	s28 =	simm.s32 $0x1180  }
0x192: {  	[spmem:s1] =	stream.indirect.scatter.add.f32 [tilespmem:s16], [sflag:$0x4], $0x80, s28, s14, $0xb8;
	[tilespmem:$0x1C080] =	vst v63  }
0x193: {  	_ =	swait.ge [sflag:s4], $0x3200  }
0x194: {  	[sflag:s4] =	ssyncset.done $0x0  }
0x195: {  	[sflag:s4] =	ssyncadd.s32 $0xFFFFCE00  }
0x196: {  	_ =	swait.ge [sflag:s15], $0x3200  }
0x197: {  	[sflag:s15] =	ssyncset.done $0x0  }
0x198: {  	s8 =	rddreg [dreg:$0x11];
	[sflag:s15] =	ssyncadd.s32 $0xFFFFCE00  }
0x199: {  	[tilespmem:s16], [sflag:$0x2] =	stream.indirect.gather [hbm4b:s20+s14], $0x80, s8, s14, $0xb8;
	[tilespmem:$0x1C080] =	vst v63  }
0x19a: {  	s29 =	simm.s32 $0x1200  }
0x19b: {  	[spmem:s1] =	stream.indirect.scatter.add.f32 [tilespmem:s3], [sflag:$0x3], $0x80, s29, s14, $0xb8;
	[tilespmem:$0x1C080] =	vst v63  }
0x19c: {  	_ =	swait.ge [sflag:s17], $0x3200  }
0x19d: {  	[sflag:s17] =	ssyncset.done $0x0  }
0x19e: {  	[sflag:s17] =	ssyncadd.s32 $0xFFFFCE00  }
0x19f: {  	_ =	swait.ge [sflag:s18], $0x3200  }
0x1a0: {  	[sflag:s18] =	ssyncset.done $0x0  }
0x1a1: {  	s19 =	rddreg [dreg:$0x12];
	[sflag:s18] =	ssyncadd.s32 $0xFFFFCE00  }
0x1a2: {  	[tilespmem:s3], [sflag:$0x1] =	stream.indirect.gather [hbm4b:s20+s14], $0x80, s19, s14, $0xb8;
	[tilespmem:$0x1C080] =	vst v63  }
0x1a3: {  	s30 =	simm.s32 $0x1280  }
0x1a4: {  	[spmem:s1] =	stream.indirect.scatter.add.f32 [tilespmem:s16], [sflag:$0x4], $0x80, s30, s14, $0xb8;
	[tilespmem:$0x1C080] =	vst v63  }
0x1a5: {  	_ =	swait.ge [sflag:s4], $0x3200  }
0x1a6: {  	[sflag:s4] =	ssyncset.done $0x0  }
0x1a7: {  	[sflag:s4] =	ssyncadd.s32 $0xFFFFCE00  }
0x1a8: {  	_ =	swait.ge [sflag:s15], $0x3200  }
0x1a9: {  	[sflag:s15] =	ssyncset.done $0x0  }
0x1aa: {  	s6 =	rddreg [dreg:$0x13];
	[sflag:s15] =	ssyncadd.s32 $0xFFFFCE00  }
0x1ab: {  	[tilespmem:s16], [sflag:$0x2] =	stream.indirect.gather [hbm4b:s20+s14], $0x80, s6, s14, $0xb8;
	[tilespmem:$0x1C080] =	vst v63  }
0x1ac: {  	s31 =	simm.s32 $0x1300  }
0x1ad: {  	[spmem:s1] =	stream.indirect.scatter.add.f32 [tilespmem:s3], [sflag:$0x3], $0x80, s31, s14, $0xb8;
	[tilespmem:$0x1C080] =	vst v63  }
0x1ae: {  	_ =	swait.ge [sflag:s17], $0x3200  }
0x1af: {  	[sflag:s17] =	ssyncset.done $0x0  }
0x1b0: {  	[sflag:s17] =	ssyncadd.s32 $0xFFFFCE00  }
0x1b1: {  	_ =	swait.ge [sflag:s18], $0x3200  }
0x1b2: {  	[sflag:s18] =	ssyncset.done $0x0  }
0x1b3: {  	s7 =	rddreg [dreg:$0x14];
	[sflag:s18] =	ssyncadd.s32 $0xFFFFCE00  }
0x1b4: {  	[tilespmem:s3], [sflag:$0x1] =	stream.indirect.gather [hbm4b:s20+s14], $0x80, s7, s14, $0xb8;
	[tilespmem:$0x1C080] =	vst v63  }
0x1b5: {  	s19 =	simm.s32 $0x1380  }
0x1b6: {  	[spmem:s1] =	stream.indirect.scatter.add.f32 [tilespmem:s16], [sflag:$0x4], $0x80, s19, s14, $0xb8;
	[tilespmem:$0x1C080] =	vst v63  }
0x1b7: {  	_ =	swait.ge [sflag:s4], $0x3200  }
0x1b8: {  	[sflag:s4] =	ssyncset.done $0x0  }
0x1b9: {  	[sflag:s4] =	ssyncadd.s32 $0xFFFFCE00  }
0x1ba: {  	_ =	swait.ge [sflag:s15], $0x3200  }
0x1bb: {  	[sflag:s15] =	ssyncset.done $0x0  }
0x1bc: {  	s8 =	rddreg [dreg:$0x15];
	[sflag:s15] =	ssyncadd.s32 $0xFFFFCE00  }
0x1bd: {  	[tilespmem:s16], [sflag:$0x2] =	stream.indirect.gather [hbm4b:s20+s14], $0x80, s8, s14, $0xb8;
	[tilespmem:$0x1C080] =	vst v63  }
0x1be: {  	s6 =	simm.s32 $0x1400  }
0x1bf: {  	[spmem:s1] =	stream.indirect.scatter.add.f32 [tilespmem:s3], [sflag:$0x3], $0x80, s6, s14, $0xb8;
	[tilespmem:$0x1C080] =	vst v63  }
0x1c0: {  	_ =	swait.ge [sflag:s17], $0x3200  }
0x1c1: {  	[sflag:s17] =	ssyncset.done $0x0  }
0x1c2: {  	[sflag:s17] =	ssyncadd.s32 $0xFFFFCE00  }
0x1c3: {  	_ =	swait.ge [sflag:s18], $0x3200  }
0x1c4: {  	[sflag:s18] =	ssyncset.done $0x0  }
0x1c5: {  	s7 =	rddreg [dreg:$0x16];
	[sflag:s18] =	ssyncadd.s32 $0xFFFFCE00  }
0x1c6: {  	[tilespmem:s3], [sflag:$0x1] =	stream.indirect.gather [hbm4b:s20+s14], $0x80, s7, s14, $0xb8;
	[tilespmem:$0x1C080] =	vst v63  }
0x1c7: {  	s8 =	simm.s32 $0x1480  }
0x1c8: {  	[spmem:s1] =	stream.indirect.scatter.add.f32 [tilespmem:s16], [sflag:$0x4], $0x80, s8, s14, $0xb8;
	[tilespmem:$0x1C080] =	vst v63  }
0x1c9: {  	_ =	swait.ge [sflag:s4], $0x3200  }
0x1ca: {  	[sflag:s4] =	ssyncset.done $0x0  }
0x1cb: {  	[sflag:s4] =	ssyncadd.s32 $0xFFFFCE00  }
0x1cc: {  	_ =	swait.ge [sflag:s15], $0x3200  }
0x1cd: {  	[sflag:s15] =	ssyncset.done $0x0  }
0x1ce: {  	s6 =	rddreg [dreg:$0x17];
	[sflag:s15] =	ssyncadd.s32 $0xFFFFCE00  }
0x1cf: {  	[tilespmem:s16], [sflag:$0x2] =	stream.indirect.gather [hbm4b:s20+s14], $0x80, s6, s14, $0xb8;
	[tilespmem:$0x1C080] =	vst v63  }
0x1d0: {  	s7 =	simm.s32 $0x1500  }
0x1d1: {  	[spmem:s1] =	stream.indirect.scatter.add.f32 [tilespmem:s3], [sflag:$0x3], $0x80, s7, s14, $0xb8;
	[tilespmem:$0x1C080] =	vst v63  }
0x1d2: {  	_ =	swait.ge [sflag:s17], $0x3200  }
0x1d3: {  	[sflag:s17] =	ssyncset.done $0x0  }
0x1d4: {  	[sflag:s17] =	ssyncadd.s32 $0xFFFFCE00  }
0x1d5: {  	_ =	swait.ge [sflag:s18], $0x3200  }
0x1d6: {  	[sflag:s18] =	ssyncset.done $0x0  }
0x1d7: {  	s8 =	simm.s32 $0x1580;
	[sflag:s18] =	ssyncadd.s32 $0xFFFFCE00  }
0x1d8: {  	[spmem:s1] =	stream.indirect.scatter.add.f32 [tilespmem:s16], [sflag:$0x4], $0x80, s8, s14, $0xb8;
	[tilespmem:$0x1C080] =	vst v63  }
0x1d9: {  	s5 =	simm.s32 $0x180;
	_ =	swait.ge [sflag:s4], $0x3200  }
0x1da: {  	s6 =	simm.s32 $0x300;
	s7 =	rddreg [dreg:$0x4];
	[sflag:s4] =	ssyncset.done $0x0  }
.LBB2_4:
0x1db: {  	[sflag:s4] =	ssyncadd.s32 $0xFFFFCE00;
	s7 =	sadd.s32 s5, s7  }
0x1dc: {  	[tilespmem:s2], [sflag:$0x5] =	stream.linear.gather [hbm4b:s7+s2], $0xA00, $0x38;
	[tilespmem:$0x1C080] =	vst v63  }
0x1dd: {  	_ =	swait.ge [sflag:s12], $0xA00  }
0x1de: {  	[sflag:s12] =	ssyncset.done $0x0  }
0x1df: {  	s7 =	sadd.s32 s5, s0;
	[sflag:s12] =	ssyncadd.s32 $0xFFFFF600  }
0x1e0: {  	[tilespmem:s13], [sflag:$0x5] =	stream.linear.gather [hbm4b:s7+s2], $0xA00, $0x38;
	[tilespmem:$0x1C080] =	vst v63  }
0x1e1: {  	_ =	swait.ge [sflag:s12], $0xA00  }
0x1e2: {  	[sflag:s12] =	ssyncset.done $0x0  }
0x1e3: {  	[sflag:s12] =	ssyncadd.s32 $0xFFFFF600  }
0x1e4: {  	[tilespmem:s3], [sflag:$0x1] =	stream.indirect.gather [hbm4b:s20+s14], $0x80, s2, s14, $0xb8;
	[tilespmem:$0x1C080] =	vst v63  }
0x1e5: {  	_ =	swait.ge [sflag:s15], $0x3200  }
0x1e6: {  	[sflag:s15] =	ssyncset.done $0x0  }
0x1e7: {  	s7 =	rddreg [dreg:$0x5];
	[sflag:s15] =	ssyncadd.s32 $0xFFFFCE00  }
0x1e8: {  	[tilespmem:s16], [sflag:$0x2] =	stream.indirect.gather [hbm4b:s20+s14], $0x80, s7, s14, $0xb8;
	[tilespmem:$0x1C080] =	vst v63  }
0x1e9: {  	_ = 	snop  }
0x1ea: {  	[spmem:s1] =	stream.indirect.scatter.add.f32 [tilespmem:s3], [sflag:$0x3], $0x80, s13, s14, $0xb8;
	[tilespmem:$0x1C080] =	vst v63  }
0x1eb: {  	_ =	swait.ge [sflag:s17], $0x3200  }
0x1ec: {  	[sflag:s17] =	ssyncset.done $0x0  }
0x1ed: {  	[sflag:s17] =	ssyncadd.s32 $0xFFFFCE00  }
0x1ee: {  	_ =	swait.ge [sflag:s18], $0x3200  }
0x1ef: {  	[sflag:s18] =	ssyncset.done $0x0  }
0x1f0: {  	s8 =	smov.u32 s6;
	s7 =	rddreg [dreg:$0x6];
	[sflag:s18] =	ssyncadd.s32 $0xFFFFCE00  }
0x1f1: {  	[tilespmem:s3], [sflag:$0x1] =	stream.indirect.gather [hbm4b:s20+s14], $0x80, s7, s14, $0xb8;
	[tilespmem:$0x1C080] =	vst v63  }
0x1f2: {  	s5 =	smov.u32 s8;
	s8 =	simm.s32 $0xC80  }
0x1f3: {  	[spmem:s1] =	stream.indirect.scatter.add.f32 [tilespmem:s16], [sflag:$0x4], $0x80, s8, s14, $0xb8;
	[tilespmem:$0x1C080] =	vst v63  }
0x1f4: {  	_ =	swait.ge [sflag:s4], $0x3200  }
0x1f5: {  	[sflag:s4] =	ssyncset.done $0x0  }
0x1f6: {  	[sflag:s4] =	ssyncadd.s32 $0xFFFFCE00  }
0x1f7: {  	_ =	swait.ge [sflag:s15], $0x3200  }
0x1f8: {  	[sflag:s15] =	ssyncset.done $0x0  }
0x1f9: {  	s7 =	rddreg [dreg:$0x7];
	[sflag:s15] =	ssyncadd.s32 $0xFFFFCE00  }
0x1fa: {  	[tilespmem:s16], [sflag:$0x2] =	stream.indirect.gather [hbm4b:s20+s14], $0x80, s7, s14, $0xb8;
	[tilespmem:$0x1C080] =	vst v63  }
0x1fb: {  	_ = 	snop  }
0x1fc: {  	[spmem:s1] =	stream.indirect.scatter.add.f32 [tilespmem:s3], [sflag:$0x3], $0x80, s9, s14, $0xb8;
	[tilespmem:$0x1C080] =	vst v63  }
0x1fd: {  	_ =	swait.ge [sflag:s17], $0x3200  }
0x1fe: {  	[sflag:s17] =	ssyncset.done $0x0  }
0x1ff: {  	[sflag:s17] =	ssyncadd.s32 $0xFFFFCE00  }
0x200: {  	_ =	swait.ge [sflag:s18], $0x3200  }
0x201: {  	[sflag:s18] =	ssyncset.done $0x0  }
0x202: {  	s7 =	rddreg [dreg:$0x8];
	[sflag:s18] =	ssyncadd.s32 $0xFFFFCE00  }
0x203: {  	[tilespmem:s3], [sflag:$0x1] =	stream.indirect.gather [hbm4b:s20+s14], $0x80, s7, s14, $0xb8;
	[tilespmem:$0x1C080] =	vst v63  }
0x204: {  	_ = 	snop  }
0x205: {  	[spmem:s1] =	stream.indirect.scatter.add.f32 [tilespmem:s16], [sflag:$0x4], $0x80, s10, s14, $0xb8;
	[tilespmem:$0x1C080] =	vst v63  }
0x206: {  	_ =	swait.ge [sflag:s4], $0x3200  }
0x207: {  	[sflag:s4] =	ssyncset.done $0x0  }
0x208: {  	[sflag:s4] =	ssyncadd.s32 $0xFFFFCE00  }
0x209: {  	_ =	swait.ge [sflag:s15], $0x3200  }
0x20a: {  	[sflag:s15] =	ssyncset.done $0x0  }
0x20b: {  	s7 =	rddreg [dreg:$0x9];
	[sflag:s15] =	ssyncadd.s32 $0xFFFFCE00  }
0x20c: {  	[tilespmem:s16], [sflag:$0x2] =	stream.indirect.gather [hbm4b:s20+s14], $0x80, s7, s14, $0xb8;
	[tilespmem:$0x1C080] =	vst v63  }
0x20d: {  	_ = 	snop  }
0x20e: {  	[spmem:s1] =	stream.indirect.scatter.add.f32 [tilespmem:s3], [sflag:$0x3], $0x80, s11, s14, $0xb8;
	[tilespmem:$0x1C080] =	vst v63  }
0x20f: {  	_ =	swait.ge [sflag:s17], $0x3200  }
0x210: {  	[sflag:s17] =	ssyncset.done $0x0  }
0x211: {  	[sflag:s17] =	ssyncadd.s32 $0xFFFFCE00  }
0x212: {  	_ =	swait.ge [sflag:s18], $0x3200  }
0x213: {  	[sflag:s18] =	ssyncset.done $0x0  }
0x214: {  	s7 =	rddreg [dreg:$0xa];
	[sflag:s18] =	ssyncadd.s32 $0xFFFFCE00  }
0x215: {  	[tilespmem:s3], [sflag:$0x1] =	stream.indirect.gather [hbm4b:s20+s14], $0x80, s7, s14, $0xb8;
	[tilespmem:$0x1C080] =	vst v63  }
0x216: {  	_ = 	snop  }
0x217: {  	[spmem:s1] =	stream.indirect.scatter.add.f32 [tilespmem:s16], [sflag:$0x4], $0x80, s21, s14, $0xb8;
	[tilespmem:$0x1C080] =	vst v63  }
0x218: {  	_ =	swait.ge [sflag:s4], $0x3200  }
0x219: {  	[sflag:s4] =	ssyncset.done $0x0  }
0x21a: {  	[sflag:s4] =	ssyncadd.s32 $0xFFFFCE00  }
0x21b: {  	_ =	swait.ge [sflag:s15], $0x3200  }
0x21c: {  	[sflag:s15] =	ssyncset.done $0x0  }
0x21d: {  	s7 =	rddreg [dreg:$0xb];
	[sflag:s15] =	ssyncadd.s32 $0xFFFFCE00  }
0x21e: {  	[tilespmem:s16], [sflag:$0x2] =	stream.indirect.gather [hbm4b:s20+s14], $0x80, s7, s14, $0xb8;
	[tilespmem:$0x1C080] =	vst v63  }
0x21f: {  	_ = 	snop  }
0x220: {  	[spmem:s1] =	stream.indirect.scatter.add.f32 [tilespmem:s3], [sflag:$0x3], $0x80, s22, s14, $0xb8;
	[tilespmem:$0x1C080] =	vst v63  }
0x221: {  	_ =	swait.ge [sflag:s17], $0x3200  }
0x222: {  	[sflag:s17] =	ssyncset.done $0x0  }
0x223: {  	[sflag:s17] =	ssyncadd.s32 $0xFFFFCE00  }
0x224: {  	_ =	swait.ge [sflag:s18], $0x3200  }
0x225: {  	[sflag:s18] =	ssyncset.done $0x0  }
0x226: {  	s7 =	rddreg [dreg:$0xc];
	[sflag:s18] =	ssyncadd.s32 $0xFFFFCE00  }
0x227: {  	[tilespmem:s3], [sflag:$0x1] =	stream.indirect.gather [hbm4b:s20+s14], $0x80, s7, s14, $0xb8;
	[tilespmem:$0x1C080] =	vst v63  }
0x228: {  	_ = 	snop  }
0x229: {  	[spmem:s1] =	stream.indirect.scatter.add.f32 [tilespmem:s16], [sflag:$0x4], $0x80, s23, s14, $0xb8;
	[tilespmem:$0x1C080] =	vst v63  }
0x22a: {  	_ =	swait.ge [sflag:s4], $0x3200  }
0x22b: {  	[sflag:s4] =	ssyncset.done $0x0  }
0x22c: {  	[sflag:s4] =	ssyncadd.s32 $0xFFFFCE00  }
0x22d: {  	_ =	swait.ge [sflag:s15], $0x3200  }
0x22e: {  	[sflag:s15] =	ssyncset.done $0x0  }
0x22f: {  	s7 =	rddreg [dreg:$0xd];
	[sflag:s15] =	ssyncadd.s32 $0xFFFFCE00  }
0x230: {  	[tilespmem:s16], [sflag:$0x2] =	stream.indirect.gather [hbm4b:s20+s14], $0x80, s7, s14, $0xb8;
	[tilespmem:$0x1C080] =	vst v63  }
0x231: {  	_ = 	snop  }
0x232: {  	[spmem:s1] =	stream.indirect.scatter.add.f32 [tilespmem:s3], [sflag:$0x3], $0x80, s24, s14, $0xb8;
	[tilespmem:$0x1C080] =	vst v63  }
0x233: {  	_ =	swait.ge [sflag:s17], $0x3200  }
0x234: {  	[sflag:s17] =	ssyncset.done $0x0  }
0x235: {  	[sflag:s17] =	ssyncadd.s32 $0xFFFFCE00  }
0x236: {  	_ =	swait.ge [sflag:s18], $0x3200  }
0x237: {  	[sflag:s18] =	ssyncset.done $0x0  }
0x238: {  	s7 =	rddreg [dreg:$0xe];
	[sflag:s18] =	ssyncadd.s32 $0xFFFFCE00  }
0x239: {  	[tilespmem:s3], [sflag:$0x1] =	stream.indirect.gather [hbm4b:s20+s14], $0x80, s7, s14, $0xb8;
	[tilespmem:$0x1C080] =	vst v63  }
0x23a: {  	_ = 	snop  }
0x23b: {  	[spmem:s1] =	stream.indirect.scatter.add.f32 [tilespmem:s16], [sflag:$0x4], $0x80, s25, s14, $0xb8;
	[tilespmem:$0x1C080] =	vst v63  }
0x23c: {  	_ =	swait.ge [sflag:s4], $0x3200  }
0x23d: {  	[sflag:s4] =	ssyncset.done $0x0  }
0x23e: {  	[sflag:s4] =	ssyncadd.s32 $0xFFFFCE00  }
0x23f: {  	_ =	swait.ge [sflag:s15], $0x3200  }
0x240: {  	[sflag:s15] =	ssyncset.done $0x0  }
0x241: {  	s7 =	rddreg [dreg:$0xf];
	[sflag:s15] =	ssyncadd.s32 $0xFFFFCE00  }
0x242: {  	[tilespmem:s16], [sflag:$0x2] =	stream.indirect.gather [hbm4b:s20+s14], $0x80, s7, s14, $0xb8;
	[tilespmem:$0x1C080] =	vst v63  }
0x243: {  	_ = 	snop  }
0x244: {  	[spmem:s1] =	stream.indirect.scatter.add.f32 [tilespmem:s3], [sflag:$0x3], $0x80, s26, s14, $0xb8;
	[tilespmem:$0x1C080] =	vst v63  }
0x245: {  	_ =	swait.ge [sflag:s17], $0x3200  }
0x246: {  	[sflag:s17] =	ssyncset.done $0x0  }
0x247: {  	[sflag:s17] =	ssyncadd.s32 $0xFFFFCE00  }
0x248: {  	_ =	swait.ge [sflag:s18], $0x3200  }
0x249: {  	[sflag:s18] =	ssyncset.done $0x0  }
0x24a: {  	s7 =	rddreg [dreg:$0x10];
	[sflag:s18] =	ssyncadd.s32 $0xFFFFCE00  }
0x24b: {  	[tilespmem:s3], [sflag:$0x1] =	stream.indirect.gather [hbm4b:s20+s14], $0x80, s7, s14, $0xb8;
	[tilespmem:$0x1C080] =	vst v63  }
0x24c: {  	_ = 	snop  }
0x24d: {  	[spmem:s1] =	stream.indirect.scatter.add.f32 [tilespmem:s16], [sflag:$0x4], $0x80, s28, s14, $0xb8;
	[tilespmem:$0x1C080] =	vst v63  }
0x24e: {  	_ =	swait.ge [sflag:s4], $0x3200  }
0x24f: {  	[sflag:s4] =	ssyncset.done $0x0  }
0x250: {  	[sflag:s4] =	ssyncadd.s32 $0xFFFFCE00  }
0x251: {  	_ =	swait.ge [sflag:s15], $0x3200  }
0x252: {  	[sflag:s15] =	ssyncset.done $0x0  }
0x253: {  	s7 =	rddreg [dreg:$0x11];
	[sflag:s15] =	ssyncadd.s32 $0xFFFFCE00  }
0x254: {  	[tilespmem:s16], [sflag:$0x2] =	stream.indirect.gather [hbm4b:s20+s14], $0x80, s7, s14, $0xb8;
	[tilespmem:$0x1C080] =	vst v63  }
0x255: {  	_ = 	snop  }
0x256: {  	[spmem:s1] =	stream.indirect.scatter.add.f32 [tilespmem:s3], [sflag:$0x3], $0x80, s29, s14, $0xb8;
	[tilespmem:$0x1C080] =	vst v63  }
0x257: {  	_ =	swait.ge [sflag:s17], $0x3200  }
0x258: {  	[sflag:s17] =	ssyncset.done $0x0  }
0x259: {  	[sflag:s17] =	ssyncadd.s32 $0xFFFFCE00  }
0x25a: {  	_ =	swait.ge [sflag:s18], $0x3200  }
0x25b: {  	[sflag:s18] =	ssyncset.done $0x0  }
0x25c: {  	s7 =	rddreg [dreg:$0x12];
	[sflag:s18] =	ssyncadd.s32 $0xFFFFCE00  }
0x25d: {  	[tilespmem:s3], [sflag:$0x1] =	stream.indirect.gather [hbm4b:s20+s14], $0x80, s7, s14, $0xb8;
	[tilespmem:$0x1C080] =	vst v63  }
0x25e: {  	_ = 	snop  }
0x25f: {  	[spmem:s1] =	stream.indirect.scatter.add.f32 [tilespmem:s16], [sflag:$0x4], $0x80, s30, s14, $0xb8;
	[tilespmem:$0x1C080] =	vst v63  }
0x260: {  	_ =	swait.ge [sflag:s4], $0x3200  }
0x261: {  	[sflag:s4] =	ssyncset.done $0x0  }
0x262: {  	[sflag:s4] =	ssyncadd.s32 $0xFFFFCE00  }
0x263: {  	_ =	swait.ge [sflag:s15], $0x3200  }
0x264: {  	[sflag:s15] =	ssyncset.done $0x0  }
0x265: {  	s7 =	rddreg [dreg:$0x13];
	[sflag:s15] =	ssyncadd.s32 $0xFFFFCE00  }
0x266: {  	[tilespmem:s16], [sflag:$0x2] =	stream.indirect.gather [hbm4b:s20+s14], $0x80, s7, s14, $0xb8;
	[tilespmem:$0x1C080] =	vst v63  }
0x267: {  	_ = 	snop  }
0x268: {  	[spmem:s1] =	stream.indirect.scatter.add.f32 [tilespmem:s3], [sflag:$0x3], $0x80, s31, s14, $0xb8;
	[tilespmem:$0x1C080] =	vst v63  }
0x269: {  	_ =	swait.ge [sflag:s17], $0x3200  }
0x26a: {  	[sflag:s17] =	ssyncset.done $0x0  }
0x26b: {  	[sflag:s17] =	ssyncadd.s32 $0xFFFFCE00  }
0x26c: {  	_ =	swait.ge [sflag:s18], $0x3200  }
0x26d: {  	[sflag:s18] =	ssyncset.done $0x0  }
0x26e: {  	s7 =	rddreg [dreg:$0x14];
	[sflag:s18] =	ssyncadd.s32 $0xFFFFCE00  }
0x26f: {  	[tilespmem:s3], [sflag:$0x1] =	stream.indirect.gather [hbm4b:s20+s14], $0x80, s7, s14, $0xb8;
	[tilespmem:$0x1C080] =	vst v63  }
0x270: {  	_ = 	snop  }
0x271: {  	[spmem:s1] =	stream.indirect.scatter.add.f32 [tilespmem:s16], [sflag:$0x4], $0x80, s19, s14, $0xb8;
	[tilespmem:$0x1C080] =	vst v63  }
0x272: {  	_ =	swait.ge [sflag:s4], $0x3200  }
0x273: {  	[sflag:s4] =	ssyncset.done $0x0  }
0x274: {  	[sflag:s4] =	ssyncadd.s32 $0xFFFFCE00  }
0x275: {  	_ =	swait.ge [sflag:s15], $0x3200  }
0x276: {  	[sflag:s15] =	ssyncset.done $0x0  }
0x277: {  	s7 =	rddreg [dreg:$0x15];
	[sflag:s15] =	ssyncadd.s32 $0xFFFFCE00  }
0x278: {  	[tilespmem:s16], [sflag:$0x2] =	stream.indirect.gather [hbm4b:s20+s14], $0x80, s7, s14, $0xb8;
	[tilespmem:$0x1C080] =	vst v63  }
0x279: {  	s7 =	simm.s32 $0x1400  }
0x27a: {  	[spmem:s1] =	stream.indirect.scatter.add.f32 [tilespmem:s3], [sflag:$0x3], $0x80, s7, s14, $0xb8;
	[tilespmem:$0x1C080] =	vst v63  }
0x27b: {  	_ =	swait.ge [sflag:s17], $0x3200  }
0x27c: {  	[sflag:s17] =	ssyncset.done $0x0  }
0x27d: {  	[sflag:s17] =	ssyncadd.s32 $0xFFFFCE00  }
0x27e: {  	_ =	swait.ge [sflag:s18], $0x3200  }
0x27f: {  	[sflag:s18] =	ssyncset.done $0x0  }
0x280: {  	s7 =	rddreg [dreg:$0x16];
	[sflag:s18] =	ssyncadd.s32 $0xFFFFCE00  }
0x281: {  	[tilespmem:s3], [sflag:$0x1] =	stream.indirect.gather [hbm4b:s20+s14], $0x80, s7, s14, $0xb8;
	[tilespmem:$0x1C080] =	vst v63  }
0x282: {  	s7 =	simm.s32 $0x1480  }
0x283: {  	[spmem:s1] =	stream.indirect.scatter.add.f32 [tilespmem:s16], [sflag:$0x4], $0x80, s7, s14, $0xb8;
	[tilespmem:$0x1C080] =	vst v63  }
0x284: {  	_ =	swait.ge [sflag:s4], $0x3200  }
0x285: {  	[sflag:s4] =	ssyncset.done $0x0  }
0x286: {  	[sflag:s4] =	ssyncadd.s32 $0xFFFFCE00  }
0x287: {  	_ =	swait.ge [sflag:s15], $0x3200  }
0x288: {  	[sflag:s15] =	ssyncset.done $0x0  }
0x289: {  	s7 =	rddreg [dreg:$0x17];
	[sflag:s15] =	ssyncadd.s32 $0xFFFFCE00  }
0x28a: {  	[tilespmem:s16], [sflag:$0x2] =	stream.indirect.gather [hbm4b:s20+s14], $0x80, s7, s14, $0xb8;
	[tilespmem:$0x1C080] =	vst v63  }
0x28b: {  	s7 =	simm.s32 $0x1500  }
0x28c: {  	[spmem:s1] =	stream.indirect.scatter.add.f32 [tilespmem:s3], [sflag:$0x3], $0x80, s7, s14, $0xb8;
	[tilespmem:$0x1C080] =	vst v63  }
0x28d: {  	_ =	swait.ge [sflag:s17], $0x3200  }
0x28e: {  	[sflag:s17] =	ssyncset.done $0x0  }
0x28f: {  	[sflag:s17] =	ssyncadd.s32 $0xFFFFCE00  }
0x290: {  	p0 =	sne.s32 s6, $0x600;
	_ =	swait.ge [sflag:s18], $0x3200  }
.Ltmp3:
0x291: {  	[sflag:s18] =	ssyncset.done $0x0;
	(pc) =	sbr.rel @p0 .LBB2_4-.Ltmp3, $4  }
0x292: {  	s7 =	simm.s32 $0x1580;
	[sflag:s18] =	ssyncadd.s32 $0xFFFFCE00  }
0x293: {  	[spmem:s1] =	stream.indirect.scatter.add.f32 [tilespmem:s16], [sflag:$0x4], $0x80, s7, s14, $0xb8;
	[tilespmem:$0x1C080] =	vst v63  }
0x294: {  	_ =	swait.ge [sflag:s4], $0x3200  }
0x295: {  	s6 =	sadd.s32 $0x180, s6;
	s7 =	rddreg [dreg:$0x4];
	[sflag:s4] =	ssyncset.done $0x0  }
0x296: {  	[sflag:s4] =	ssyncadd.s32 $0xFFFFCE00;
	s6 =	sadd.s32 s5, s7  }
0x297: {  	[tilespmem:s2], [sflag:$0x5] =	stream.linear.gather [hbm4b:s6+s2], $0xA00, $0x38;
	[tilespmem:$0x1C080] =	vst v63  }
0x298: {  	_ =	swait.ge [sflag:s12], $0xA00  }
0x299: {  	[sflag:s12] =	ssyncset.done $0x0  }
0x29a: {  	s7 =	sadd.s32 s5, s0;
	[sflag:s12] =	ssyncadd.s32 $0xFFFFF600  }
0x29b: {  	[tilespmem:s13], [sflag:$0x5] =	stream.linear.gather [hbm4b:s7+s2], $0xA00, $0x38;
	[tilespmem:$0x1C080] =	vst v63  }
0x29c: {  	_ =	swait.ge [sflag:s12], $0xA00  }
0x29d: {  	[sflag:s12] =	ssyncset.done $0x0  }
0x29e: {  	[sflag:s12] =	ssyncadd.s32 $0xFFFFF600  }
0x29f: {  	[tilespmem:s3], [sflag:$0x1] =	stream.indirect.gather [hbm4b:s20+s14], $0x80, s2, s14, $0xb8;
	[tilespmem:$0x1C080] =	vst v63  }
0x2a0: {  	_ =	swait.ge [sflag:s15], $0x3200  }
0x2a1: {  	[sflag:s15] =	ssyncset.done $0x0  }
0x2a2: {  	s6 =	rddreg [dreg:$0x5];
	[sflag:s15] =	ssyncadd.s32 $0xFFFFCE00  }
0x2a3: {  	[tilespmem:s16], [sflag:$0x2] =	stream.indirect.gather [hbm4b:s20+s14], $0x80, s6, s14, $0xb8;
	[tilespmem:$0x1C080] =	vst v63  }
0x2a4: {  	_ = 	snop  }
0x2a5: {  	[spmem:s1] =	stream.indirect.scatter.add.f32 [tilespmem:s3], [sflag:$0x3], $0x80, s13, s14, $0xb8;
	[tilespmem:$0x1C080] =	vst v63  }
0x2a6: {  	_ =	swait.ge [sflag:s17], $0x3200  }
0x2a7: {  	[sflag:s17] =	ssyncset.done $0x0  }
0x2a8: {  	[sflag:s17] =	ssyncadd.s32 $0xFFFFCE00  }
0x2a9: {  	_ =	swait.ge [sflag:s18], $0x3200  }
0x2aa: {  	[sflag:s18] =	ssyncset.done $0x0  }
0x2ab: {  	s7 =	rddreg [dreg:$0x6];
	[sflag:s18] =	ssyncadd.s32 $0xFFFFCE00  }
0x2ac: {  	[tilespmem:s3], [sflag:$0x1] =	stream.indirect.gather [hbm4b:s20+s14], $0x80, s7, s14, $0xb8;
	[tilespmem:$0x1C080] =	vst v63  }
0x2ad: {  	_ = 	snop  }
0x2ae: {  	[spmem:s1] =	stream.indirect.scatter.add.f32 [tilespmem:s16], [sflag:$0x4], $0x80, s8, s14, $0xb8;
	[tilespmem:$0x1C080] =	vst v63  }
0x2af: {  	_ =	swait.ge [sflag:s4], $0x3200  }
0x2b0: {  	[sflag:s4] =	ssyncset.done $0x0  }
0x2b1: {  	[sflag:s4] =	ssyncadd.s32 $0xFFFFCE00  }
0x2b2: {  	_ =	swait.ge [sflag:s15], $0x3200  }
0x2b3: {  	[sflag:s15] =	ssyncset.done $0x0  }
0x2b4: {  	s8 =	rddreg [dreg:$0x7];
	[sflag:s15] =	ssyncadd.s32 $0xFFFFCE00  }
0x2b5: {  	[tilespmem:s16], [sflag:$0x2] =	stream.indirect.gather [hbm4b:s20+s14], $0x80, s8, s14, $0xb8;
	[tilespmem:$0x1C080] =	vst v63  }
0x2b6: {  	_ = 	snop  }
0x2b7: {  	[spmem:s1] =	stream.indirect.scatter.add.f32 [tilespmem:s3], [sflag:$0x3], $0x80, s9, s14, $0xb8;
	[tilespmem:$0x1C080] =	vst v63  }
0x2b8: {  	_ =	swait.ge [sflag:s17], $0x3200  }
0x2b9: {  	[sflag:s17] =	ssyncset.done $0x0  }
0x2ba: {  	[sflag:s17] =	ssyncadd.s32 $0xFFFFCE00  }
0x2bb: {  	_ =	swait.ge [sflag:s18], $0x3200  }
0x2bc: {  	[sflag:s18] =	ssyncset.done $0x0  }
0x2bd: {  	s9 =	rddreg [dreg:$0x8];
	[sflag:s18] =	ssyncadd.s32 $0xFFFFCE00  }
0x2be: {  	[tilespmem:s3], [sflag:$0x1] =	stream.indirect.gather [hbm4b:s20+s14], $0x80, s9, s14, $0xb8;
	[tilespmem:$0x1C080] =	vst v63  }
0x2bf: {  	_ = 	snop  }
0x2c0: {  	[spmem:s1] =	stream.indirect.scatter.add.f32 [tilespmem:s16], [sflag:$0x4], $0x80, s10, s14, $0xb8;
	[tilespmem:$0x1C080] =	vst v63  }
0x2c1: {  	_ =	swait.ge [sflag:s4], $0x3200  }
0x2c2: {  	[sflag:s4] =	ssyncset.done $0x0  }
0x2c3: {  	[sflag:s4] =	ssyncadd.s32 $0xFFFFCE00  }
0x2c4: {  	_ =	swait.ge [sflag:s15], $0x3200  }
0x2c5: {  	[sflag:s15] =	ssyncset.done $0x0  }
0x2c6: {  	s10 =	rddreg [dreg:$0x9];
	[sflag:s15] =	ssyncadd.s32 $0xFFFFCE00  }
0x2c7: {  	[tilespmem:s16], [sflag:$0x2] =	stream.indirect.gather [hbm4b:s20+s14], $0x80, s10, s14, $0xb8;
	[tilespmem:$0x1C080] =	vst v63  }
0x2c8: {  	_ = 	snop  }
0x2c9: {  	[spmem:s1] =	stream.indirect.scatter.add.f32 [tilespmem:s3], [sflag:$0x3], $0x80, s11, s14, $0xb8;
	[tilespmem:$0x1C080] =	vst v63  }
0x2ca: {  	_ =	swait.ge [sflag:s17], $0x3200  }
0x2cb: {  	[sflag:s17] =	ssyncset.done $0x0  }
0x2cc: {  	[sflag:s17] =	ssyncadd.s32 $0xFFFFCE00  }
0x2cd: {  	_ =	swait.ge [sflag:s18], $0x3200  }
0x2ce: {  	[sflag:s18] =	ssyncset.done $0x0  }
0x2cf: {  	s6 =	rddreg [dreg:$0xa];
	[sflag:s18] =	ssyncadd.s32 $0xFFFFCE00  }
0x2d0: {  	[tilespmem:s3], [sflag:$0x1] =	stream.indirect.gather [hbm4b:s20+s14], $0x80, s6, s14, $0xb8;
	[tilespmem:$0x1C080] =	vst v63  }
0x2d1: {  	_ = 	snop  }
0x2d2: {  	[spmem:s1] =	stream.indirect.scatter.add.f32 [tilespmem:s16], [sflag:$0x4], $0x80, s21, s14, $0xb8;
	[tilespmem:$0x1C080] =	vst v63  }
0x2d3: {  	_ =	swait.ge [sflag:s4], $0x3200  }
0x2d4: {  	[sflag:s4] =	ssyncset.done $0x0  }
0x2d5: {  	[sflag:s4] =	ssyncadd.s32 $0xFFFFCE00  }
0x2d6: {  	_ =	swait.ge [sflag:s15], $0x3200  }
0x2d7: {  	[sflag:s15] =	ssyncset.done $0x0  }
0x2d8: {  	s7 =	rddreg [dreg:$0xb];
	[sflag:s15] =	ssyncadd.s32 $0xFFFFCE00  }
0x2d9: {  	[tilespmem:s16], [sflag:$0x2] =	stream.indirect.gather [hbm4b:s20+s14], $0x80, s7, s14, $0xb8;
	[tilespmem:$0x1C080] =	vst v63  }
0x2da: {  	_ = 	snop  }
0x2db: {  	[spmem:s1] =	stream.indirect.scatter.add.f32 [tilespmem:s3], [sflag:$0x3], $0x80, s22, s14, $0xb8;
	[tilespmem:$0x1C080] =	vst v63  }
0x2dc: {  	_ =	swait.ge [sflag:s17], $0x3200  }
0x2dd: {  	[sflag:s17] =	ssyncset.done $0x0  }
0x2de: {  	[sflag:s17] =	ssyncadd.s32 $0xFFFFCE00  }
0x2df: {  	_ =	swait.ge [sflag:s18], $0x3200  }
0x2e0: {  	[sflag:s18] =	ssyncset.done $0x0  }
0x2e1: {  	s8 =	rddreg [dreg:$0xc];
	[sflag:s18] =	ssyncadd.s32 $0xFFFFCE00  }
0x2e2: {  	[tilespmem:s3], [sflag:$0x1] =	stream.indirect.gather [hbm4b:s20+s14], $0x80, s8, s14, $0xb8;
	[tilespmem:$0x1C080] =	vst v63  }
0x2e3: {  	_ = 	snop  }
0x2e4: {  	[spmem:s1] =	stream.indirect.scatter.add.f32 [tilespmem:s16], [sflag:$0x4], $0x80, s23, s14, $0xb8;
	[tilespmem:$0x1C080] =	vst v63  }
0x2e5: {  	_ =	swait.ge [sflag:s4], $0x3200  }
0x2e6: {  	[sflag:s4] =	ssyncset.done $0x0  }
0x2e7: {  	[sflag:s4] =	ssyncadd.s32 $0xFFFFCE00  }
0x2e8: {  	_ =	swait.ge [sflag:s15], $0x3200  }
0x2e9: {  	[sflag:s15] =	ssyncset.done $0x0  }
0x2ea: {  	s9 =	rddreg [dreg:$0xd];
	[sflag:s15] =	ssyncadd.s32 $0xFFFFCE00  }
0x2eb: {  	[tilespmem:s16], [sflag:$0x2] =	stream.indirect.gather [hbm4b:s20+s14], $0x80, s9, s14, $0xb8;
	[tilespmem:$0x1C080] =	vst v63  }
0x2ec: {  	_ = 	snop  }
0x2ed: {  	[spmem:s1] =	stream.indirect.scatter.add.f32 [tilespmem:s3], [sflag:$0x3], $0x80, s24, s14, $0xb8;
	[tilespmem:$0x1C080] =	vst v63  }
0x2ee: {  	_ =	swait.ge [sflag:s17], $0x3200  }
0x2ef: {  	[sflag:s17] =	ssyncset.done $0x0  }
0x2f0: {  	[sflag:s17] =	ssyncadd.s32 $0xFFFFCE00  }
0x2f1: {  	_ =	swait.ge [sflag:s18], $0x3200  }
0x2f2: {  	[sflag:s18] =	ssyncset.done $0x0  }
0x2f3: {  	s10 =	rddreg [dreg:$0xe];
	[sflag:s18] =	ssyncadd.s32 $0xFFFFCE00  }
0x2f4: {  	[tilespmem:s3], [sflag:$0x1] =	stream.indirect.gather [hbm4b:s20+s14], $0x80, s10, s14, $0xb8;
	[tilespmem:$0x1C080] =	vst v63  }
0x2f5: {  	_ = 	snop  }
0x2f6: {  	[spmem:s1] =	stream.indirect.scatter.add.f32 [tilespmem:s16], [sflag:$0x4], $0x80, s25, s14, $0xb8;
	[tilespmem:$0x1C080] =	vst v63  }
0x2f7: {  	_ =	swait.ge [sflag:s4], $0x3200  }
0x2f8: {  	[sflag:s4] =	ssyncset.done $0x0  }
0x2f9: {  	[sflag:s4] =	ssyncadd.s32 $0xFFFFCE00  }
0x2fa: {  	_ =	swait.ge [sflag:s15], $0x3200  }
0x2fb: {  	[sflag:s15] =	ssyncset.done $0x0  }
0x2fc: {  	s11 =	rddreg [dreg:$0xf];
	[sflag:s15] =	ssyncadd.s32 $0xFFFFCE00  }
0x2fd: {  	[tilespmem:s16], [sflag:$0x2] =	stream.indirect.gather [hbm4b:s20+s14], $0x80, s11, s14, $0xb8;
	[tilespmem:$0x1C080] =	vst v63  }
0x2fe: {  	_ = 	snop  }
0x2ff: {  	[spmem:s1] =	stream.indirect.scatter.add.f32 [tilespmem:s3], [sflag:$0x3], $0x80, s26, s14, $0xb8;
	[tilespmem:$0x1C080] =	vst v63  }
0x300: {  	_ =	swait.ge [sflag:s17], $0x3200  }
0x301: {  	[sflag:s17] =	ssyncset.done $0x0  }
0x302: {  	[sflag:s17] =	ssyncadd.s32 $0xFFFFCE00  }
0x303: {  	_ =	swait.ge [sflag:s18], $0x3200  }
0x304: {  	[sflag:s18] =	ssyncset.done $0x0  }
0x305: {  	s21 =	rddreg [dreg:$0x10];
	[sflag:s18] =	ssyncadd.s32 $0xFFFFCE00  }
0x306: {  	[tilespmem:s3], [sflag:$0x1] =	stream.indirect.gather [hbm4b:s20+s14], $0x80, s21, s14, $0xb8;
	[tilespmem:$0x1C080] =	vst v63  }
0x307: {  	_ = 	snop  }
0x308: {  	[spmem:s1] =	stream.indirect.scatter.add.f32 [tilespmem:s16], [sflag:$0x4], $0x80, s28, s14, $0xb8;
	[tilespmem:$0x1C080] =	vst v63  }
0x309: {  	_ =	swait.ge [sflag:s4], $0x3200  }
0x30a: {  	[sflag:s4] =	ssyncset.done $0x0  }
0x30b: {  	[sflag:s4] =	ssyncadd.s32 $0xFFFFCE00  }
0x30c: {  	_ =	swait.ge [sflag:s15], $0x3200  }
0x30d: {  	[sflag:s15] =	ssyncset.done $0x0  }
0x30e: {  	s22 =	rddreg [dreg:$0x11];
	[sflag:s15] =	ssyncadd.s32 $0xFFFFCE00  }
0x30f: {  	[tilespmem:s16], [sflag:$0x2] =	stream.indirect.gather [hbm4b:s20+s14], $0x80, s22, s14, $0xb8;
	[tilespmem:$0x1C080] =	vst v63  }
0x310: {  	_ = 	snop  }
0x311: {  	[spmem:s1] =	stream.indirect.scatter.add.f32 [tilespmem:s3], [sflag:$0x3], $0x80, s29, s14, $0xb8;
	[tilespmem:$0x1C080] =	vst v63  }
0x312: {  	_ =	swait.ge [sflag:s17], $0x3200  }
0x313: {  	[sflag:s17] =	ssyncset.done $0x0  }
0x314: {  	[sflag:s17] =	ssyncadd.s32 $0xFFFFCE00  }
0x315: {  	_ =	swait.ge [sflag:s18], $0x3200  }
0x316: {  	[sflag:s18] =	ssyncset.done $0x0  }
0x317: {  	s23 =	rddreg [dreg:$0x12];
	[sflag:s18] =	ssyncadd.s32 $0xFFFFCE00  }
0x318: {  	[tilespmem:s3], [sflag:$0x1] =	stream.indirect.gather [hbm4b:s20+s14], $0x80, s23, s14, $0xb8;
	[tilespmem:$0x1C080] =	vst v63  }
0x319: {  	_ = 	snop  }
0x31a: {  	[spmem:s1] =	stream.indirect.scatter.add.f32 [tilespmem:s16], [sflag:$0x4], $0x80, s30, s14, $0xb8;
	[tilespmem:$0x1C080] =	vst v63  }
0x31b: {  	_ =	swait.ge [sflag:s4], $0x3200  }
0x31c: {  	[sflag:s4] =	ssyncset.done $0x0  }
0x31d: {  	[sflag:s4] =	ssyncadd.s32 $0xFFFFCE00  }
0x31e: {  	_ =	swait.ge [sflag:s15], $0x3200  }
0x31f: {  	[sflag:s15] =	ssyncset.done $0x0  }
0x320: {  	s24 =	rddreg [dreg:$0x13];
	[sflag:s15] =	ssyncadd.s32 $0xFFFFCE00  }
0x321: {  	[tilespmem:s16], [sflag:$0x2] =	stream.indirect.gather [hbm4b:s20+s14], $0x80, s24, s14, $0xb8;
	[tilespmem:$0x1C080] =	vst v63  }
0x322: {  	_ = 	snop  }
0x323: {  	[spmem:s1] =	stream.indirect.scatter.add.f32 [tilespmem:s3], [sflag:$0x3], $0x80, s31, s14, $0xb8;
	[tilespmem:$0x1C080] =	vst v63  }
0x324: {  	_ =	swait.ge [sflag:s17], $0x3200  }
0x325: {  	[sflag:s17] =	ssyncset.done $0x0  }
0x326: {  	[sflag:s17] =	ssyncadd.s32 $0xFFFFCE00  }
0x327: {  	_ =	swait.ge [sflag:s18], $0x3200  }
0x328: {  	[sflag:s18] =	ssyncset.done $0x0  }
0x329: {  	s25 =	rddreg [dreg:$0x14];
	[sflag:s18] =	ssyncadd.s32 $0xFFFFCE00  }
0x32a: {  	[tilespmem:s3], [sflag:$0x1] =	stream.indirect.gather [hbm4b:s20+s14], $0x80, s25, s14, $0xb8;
	[tilespmem:$0x1C080] =	vst v63  }
0x32b: {  	_ = 	snop  }
0x32c: {  	[spmem:s1] =	stream.indirect.scatter.add.f32 [tilespmem:s16], [sflag:$0x4], $0x80, s19, s14, $0xb8;
	[tilespmem:$0x1C080] =	vst v63  }
0x32d: {  	_ =	swait.ge [sflag:s4], $0x3200  }
0x32e: {  	[sflag:s4] =	ssyncset.done $0x0  }
0x32f: {  	[sflag:s4] =	ssyncadd.s32 $0xFFFFCE00  }
0x330: {  	_ =	swait.ge [sflag:s15], $0x3200  }
0x331: {  	[sflag:s15] =	ssyncset.done $0x0  }
0x332: {  	s26 =	rddreg [dreg:$0x15];
	[sflag:s15] =	ssyncadd.s32 $0xFFFFCE00  }
0x333: {  	[tilespmem:s16], [sflag:$0x2] =	stream.indirect.gather [hbm4b:s20+s14], $0x80, s26, s14, $0xb8;
	[tilespmem:$0x1C080] =	vst v63  }
0x334: {  	s28 =	simm.s32 $0x1400  }
0x335: {  	[spmem:s1] =	stream.indirect.scatter.add.f32 [tilespmem:s3], [sflag:$0x3], $0x80, s28, s14, $0xb8;
	[tilespmem:$0x1C080] =	vst v63  }
0x336: {  	_ =	swait.ge [sflag:s17], $0x3200  }
0x337: {  	[sflag:s17] =	ssyncset.done $0x0  }
0x338: {  	[sflag:s17] =	ssyncadd.s32 $0xFFFFCE00  }
0x339: {  	_ =	swait.ge [sflag:s18], $0x3200  }
0x33a: {  	[sflag:s18] =	ssyncset.done $0x0  }
0x33b: {  	s29 =	rddreg [dreg:$0x16];
	[sflag:s18] =	ssyncadd.s32 $0xFFFFCE00  }
0x33c: {  	[tilespmem:s3], [sflag:$0x1] =	stream.indirect.gather [hbm4b:s20+s14], $0x80, s29, s14, $0xb8;
	[tilespmem:$0x1C080] =	vst v63  }
0x33d: {  	s30 =	simm.s32 $0x1480  }
0x33e: {  	[spmem:s1] =	stream.indirect.scatter.add.f32 [tilespmem:s16], [sflag:$0x4], $0x80, s30, s14, $0xb8;
	[tilespmem:$0x1C080] =	vst v63  }
0x33f: {  	_ =	swait.ge [sflag:s4], $0x3200  }
0x340: {  	[sflag:s4] =	ssyncset.done $0x0  }
0x341: {  	[sflag:s4] =	ssyncadd.s32 $0xFFFFCE00  }
0x342: {  	_ =	swait.ge [sflag:s15], $0x3200  }
0x343: {  	[sflag:s15] =	ssyncset.done $0x0  }
0x344: {  	s31 =	rddreg [dreg:$0x17];
	[sflag:s15] =	ssyncadd.s32 $0xFFFFCE00  }
0x345: {  	[tilespmem:s16], [sflag:$0x2] =	stream.indirect.gather [hbm4b:s20+s14], $0x80, s31, s14, $0xb8;
	[tilespmem:$0x1C080] =	vst v63  }
0x346: {  	s6 =	simm.s32 $0x1500  }
0x347: {  	[spmem:s1] =	stream.indirect.scatter.add.f32 [tilespmem:s3], [sflag:$0x3], $0x80, s6, s14, $0xb8;
	[tilespmem:$0x1C080] =	vst v63  }
0x348: {  	_ =	swait.ge [sflag:s17], $0x3200  }
0x349: {  	[sflag:s17] =	ssyncset.done $0x0  }
0x34a: {  	[sflag:s17] =	ssyncadd.s32 $0xFFFFCE00  }
0x34b: {  	_ =	swait.ge [sflag:s18], $0x3200  }
0x34c: {  	[sflag:s18] =	ssyncset.done $0x0  }
0x34d: {  	s7 =	simm.s32 $0x1580;
	[sflag:s18] =	ssyncadd.s32 $0xFFFFCE00  }
0x34e: {  	[spmem:s1] =	stream.indirect.scatter.add.f32 [tilespmem:s16], [sflag:$0x4], $0x80, s7, s14, $0xb8;
	[tilespmem:$0x1C080] =	vst v63  }
0x34f: {  	_ =	swait.ge [sflag:s4], $0x3200  }
0x350: {  	[sflag:s4] =	ssyncset.done $0x0  }
0x351: {  	[sflag:s4] =	ssyncadd.s32 $0xFFFFCE00  }
0x352: {  	[bflag:$0x0] =	sbarrier.arrive $0xFFFF  }
0x353: {  	s7 =	sld [smem:$0x7FC];
	_ =	sdelay $0x2  }
0x354: {  	[tilespmem:s3], [sflag:$0x5] =	stream.linear.gather [spmem:s7], $0x2800, $0x38;
	[tilespmem:$0x1C080] =	vst v63  }
0x355: {  	_ =	swait.ge [sflag:s12], $0x2800  }
0x356: {  	[sflag:s12] =	ssyncset.done $0x0  }
0x357: {  	s8 =	rddreg [dreg:$0x18];
	[sflag:s12] =	ssyncadd.s32 $0xFFFFD800  }
0x358: {  	[hbm4b:s8+s2] =	stream.linear.scatter [tilespmem:s3], [sflag:$0x5], $0x2800, $0x38;
	[tilespmem:$0x1C080] =	vst v63  }
0x359: {  	_ =	swait.ge [sflag:s12], $0x2800  }
0x35a: {  	s9 =	sld [smem:$0x7F6]  }
0x35b: {  	[sflag:s12] =	ssyncset.done $0x0  }
0x35c: {  	[sflag:s12] =	ssyncadd.s32 $0xFFFFD800  }
0x35d: {  	[tilespmem:s3], [sflag:$0x5] =	stream.linear.gather [spmem:s9], $0x2800, $0x38;
	[tilespmem:$0x1C080] =	vst v63  }
0x35e: {  	_ =	swait.ge [sflag:s12], $0x2800  }
0x35f: {  	[sflag:s12] =	ssyncset.done $0x0  }
0x360: {  	s10 =	rddreg [dreg:$0x19];
	[sflag:s12] =	ssyncadd.s32 $0xFFFFD800  }
0x361: {  	[hbm4b:s10+s2] =	stream.linear.scatter [tilespmem:s3], [sflag:$0x5], $0x2800, $0x38;
	[tilespmem:$0x1C080] =	vst v63  }
0x362: {  	_ =	swait.ge [sflag:s12], $0x2800  }
0x363: {  	s11 =	sld [smem:$0x7F7]  }
0x364: {  	[sflag:s12] =	ssyncset.done $0x0  }
0x365: {  	[sflag:s12] =	ssyncadd.s32 $0xFFFFD800  }
0x366: {  	[tilespmem:s3], [sflag:$0x5] =	stream.linear.gather [spmem:s11], $0x2800, $0x38;
	[tilespmem:$0x1C080] =	vst v63  }
0x367: {  	_ =	swait.ge [sflag:s12], $0x2800  }
0x368: {  	[sflag:s12] =	ssyncset.done $0x0  }
0x369: {  	s19 =	rddreg [dreg:$0x1a];
	[sflag:s12] =	ssyncadd.s32 $0xFFFFD800  }
0x36a: {  	[hbm4b:s19+s2] =	stream.linear.scatter [tilespmem:s3], [sflag:$0x5], $0x2800, $0x38;
	[tilespmem:$0x1C080] =	vst v63  }
0x36b: {  	_ =	swait.ge [sflag:s12], $0x2800  }
0x36c: {  	s8 =	sld [smem:$0x7FD]  }
0x36d: {  	[sflag:s12] =	ssyncset.done $0x0  }
0x36e: {  	[sflag:s12] =	ssyncadd.s32 $0xFFFFD800  }
0x36f: {  	[tilespmem:s3], [sflag:$0x5] =	stream.linear.gather [spmem:s8], $0x2800, $0x38;
	[tilespmem:$0x1C080] =	vst v63  }
0x370: {  	_ =	swait.ge [sflag:s12], $0x2800  }
0x371: {  	[sflag:s12] =	ssyncset.done $0x0  }
0x372: {  	s21 =	rddreg [dreg:$0x1b];
	[sflag:s12] =	ssyncadd.s32 $0xFFFFD800  }
0x373: {  	[hbm4b:s21+s2] =	stream.linear.scatter [tilespmem:s3], [sflag:$0x5], $0x2800, $0x38;
	[tilespmem:$0x1C080] =	vst v63  }
0x374: {  	_ =	swait.ge [sflag:s12], $0x2800  }
0x375: {  	s22 =	sld [smem:$0x7F8]  }
0x376: {  	[sflag:s12] =	ssyncset.done $0x0  }
0x377: {  	[sflag:s12] =	ssyncadd.s32 $0xFFFFD800  }
0x378: {  	[tilespmem:s3], [sflag:$0x5] =	stream.linear.gather [spmem:s22], $0x2800, $0x38;
	[tilespmem:$0x1C080] =	vst v63  }
0x379: {  	_ =	swait.ge [sflag:s12], $0x2800  }
0x37a: {  	[sflag:s12] =	ssyncset.done $0x0  }
0x37b: {  	s23 =	rddreg [dreg:$0x1c];
	[sflag:s12] =	ssyncadd.s32 $0xFFFFD800  }
0x37c: {  	[hbm4b:s23+s2] =	stream.linear.scatter [tilespmem:s3], [sflag:$0x5], $0x2800, $0x38;
	[tilespmem:$0x1C080] =	vst v63  }
0x37d: {  	_ =	swait.ge [sflag:s12], $0x2800  }
0x37e: {  	s24 =	sld [smem:$0x7F9]  }
0x37f: {  	[sflag:s12] =	ssyncset.done $0x0  }
0x380: {  	[sflag:s12] =	ssyncadd.s32 $0xFFFFD800  }
0x381: {  	[tilespmem:s3], [sflag:$0x5] =	stream.linear.gather [spmem:s24], $0x2800, $0x38;
	[tilespmem:$0x1C080] =	vst v63  }
0x382: {  	_ =	swait.ge [sflag:s12], $0x2800  }
0x383: {  	[sflag:s12] =	ssyncset.done $0x0  }
0x384: {  	s25 =	rddreg [dreg:$0x1d];
	[sflag:s12] =	ssyncadd.s32 $0xFFFFD800  }
0x385: {  	[hbm4b:s25+s2] =	stream.linear.scatter [tilespmem:s3], [sflag:$0x5], $0x2800, $0x38;
	[tilespmem:$0x1C080] =	vst v63  }
0x386: {  	_ =	swait.ge [sflag:s12], $0x2800  }
0x387: {  	s26 =	sld [smem:$0x7FA]  }
0x388: {  	[sflag:s12] =	ssyncset.done $0x0  }
0x389: {  	[sflag:s12] =	ssyncadd.s32 $0xFFFFD800  }
0x38a: {  	[tilespmem:s3], [sflag:$0x5] =	stream.linear.gather [spmem:s26], $0x2800, $0x38;
	[tilespmem:$0x1C080] =	vst v63  }
0x38b: {  	_ =	swait.ge [sflag:s12], $0x2800  }
0x38c: {  	[sflag:s12] =	ssyncset.done $0x0  }
0x38d: {  	s28 =	rddreg [dreg:$0x1e];
	[sflag:s12] =	ssyncadd.s32 $0xFFFFD800  }
0x38e: {  	[hbm4b:s28+s2] =	stream.linear.scatter [tilespmem:s3], [sflag:$0x5], $0x2800, $0x38;
	[tilespmem:$0x1C080] =	vst v63  }
0x38f: {  	_ =	swait.ge [sflag:s12], $0x2800  }
0x390: {  	s29 =	sld [smem:$0x7FB]  }
0x391: {  	[sflag:s12] =	ssyncset.done $0x0  }
0x392: {  	[sflag:s12] =	ssyncadd.s32 $0xFFFFD800  }
0x393: {  	[tilespmem:s3], [sflag:$0x5] =	stream.linear.gather [spmem:s29], $0x2800, $0x38;
	[tilespmem:$0x1C080] =	vst v63  }
0x394: {  	_ =	swait.ge [sflag:s12], $0x2800  }
0x395: {  	[sflag:s12] =	ssyncset.done $0x0  }
0x396: {  	s30 =	rddreg [dreg:$0x1f];
	[sflag:s12] =	ssyncadd.s32 $0xFFFFD800  }
0x397: {  	[hbm4b:s30+s2] =	stream.linear.scatter [tilespmem:s3], [sflag:$0x5], $0x2800, $0x38;
	[tilespmem:$0x1C080] =	vst v63  }
0x398: {  	_ =	swait.ge [sflag:s12], $0x2800  }
0x399: {  	[sflag:s12] =	ssyncset.done $0x0  }
0x39a: {  	[sflag:s12] =	ssyncadd.s32 $0xFFFFD800  }
0x39b: {  	v2 =	vld [tilespmem:$0x8000];
	_ =	sdelay $0x4  }
0x39c: {  	(v2sf) =	vpush v2, $0x0;
	_ =	sdelay $0xe  }
0x39d: {  	s31 =	spop (v2sf)  }
0x39e: {  	p0 =	slt.s32 s31, $0x1  }
.Ltmp4:
0x39f: {  	_ = 	snop;
	(pc) =	sbr.rel @p0 .LBB2_13-.Ltmp4, $2  }
0x3a0: {  	_ =	sdelay $0x2  }
0x3a1: {  	s6 =	sld [smem:$0x7EB]  }
0x3a2: {  	[bflag:$0x0] =	sbarrier.arrive $0xFFFF;
	s5 =	simm.s32 $0x70;
	s6 =	simm.s32 $0x3C0  }
.LBB2_7:
0x3a3: {  	p0 =	sne.s32 s6, $0x9FC0;
	[tilespmem:s5+$0x1800] =	vst v0  }
0x3a4: {  	[tilespmem:s5+$0x1790] =	vst v0  }
0x3a5: {  	[tilespmem:s5+$0x17A0] =	vst v0  }
.Ltmp5:
0x3a6: {  	[tilespmem:s5+$0x17B0] =	vst v0;
	(pc) =	sbr.rel @p0 .LBB2_7-.Ltmp5, $4  }
0x3a7: {  	[tilespmem:s5+$0x17C0] =	vst v0  }
0x3a8: {  	[tilespmem:s5+$0x17D0] =	vst v0  }
0x3a9: {  	[tilespmem:s5+$0x17E0] =	vst v0  }
0x3aa: {  	[tilespmem:s5+$0x17F0] =	vst v0;
	s5 =	sshra.s32 s6, $0x2;
	s6 =	sadd.s32 $0x200, s6  }
0x3ab: {  	[tilespmem:s5+$0x1800] =	vst v0  }
0x3ac: {  	[tilespmem:s5+$0x1790] =	vst v0  }
0x3ad: {  	[tilespmem:s5+$0x17A0] =	vst v0  }
0x3ae: {  	[tilespmem:s5+$0x17B0] =	vst v0  }
0x3af: {  	[tilespmem:s5+$0x17C0] =	vst v0  }
0x3b0: {  	[tilespmem:s5+$0x17D0] =	vst v0  }
0x3b1: {  	[tilespmem:s5+$0x17E0] =	vst v0  }
0x3b2: {  	[tilespmem:s5+$0x17F0] =	vst v0  }
0x3b3: {  	[spmem:s7] =	stream.linear.scatter [tilespmem:s3], [sflag:$0x5], $0x2800, $0x38;
	[tilespmem:$0x1C080] =	vst v63  }
0x3b4: {  	_ =	swait.ge [sflag:s12], $0x2800  }
0x3b5: {  	s25 =	sld [smem:$0x7F6]  }
0x3b6: {  	[sflag:s12] =	ssyncset.done $0x0  }
0x3b7: {  	[sflag:s12] =	ssyncadd.s32 $0xFFFFD800  }
0x3b8: {  	[spmem:s25] =	stream.linear.scatter [tilespmem:s3], [sflag:$0x5], $0x2800, $0x38;
	[tilespmem:$0x1C080] =	vst v63  }
0x3b9: {  	_ =	swait.ge [sflag:s12], $0x2800  }
0x3ba: {  	s26 =	sld [smem:$0x7F7]  }
0x3bb: {  	[sflag:s12] =	ssyncset.done $0x0  }
0x3bc: {  	[sflag:s12] =	ssyncadd.s32 $0xFFFFD800  }
0x3bd: {  	[spmem:s26] =	stream.linear.scatter [tilespmem:s3], [sflag:$0x5], $0x2800, $0x38;
	[tilespmem:$0x1C080] =	vst v63  }
0x3be: {  	_ =	swait.ge [sflag:s12], $0x2800  }
0x3bf: {  	[sflag:s12] =	ssyncset.done $0x0  }
0x3c0: {  	[sflag:s12] =	ssyncadd.s32 $0xFFFFD800  }
0x3c1: {  	[spmem:s8] =	stream.linear.scatter [tilespmem:s3], [sflag:$0x5], $0x2800, $0x38;
	[tilespmem:$0x1C080] =	vst v63  }
0x3c2: {  	_ =	swait.ge [sflag:s12], $0x2800  }
0x3c3: {  	s28 =	sld [smem:$0x7F8]  }
0x3c4: {  	[sflag:s12] =	ssyncset.done $0x0  }
0x3c5: {  	[sflag:s12] =	ssyncadd.s32 $0xFFFFD800  }
0x3c6: {  	[spmem:s28] =	stream.linear.scatter [tilespmem:s3], [sflag:$0x5], $0x2800, $0x38;
	[tilespmem:$0x1C080] =	vst v63  }
0x3c7: {  	_ =	swait.ge [sflag:s12], $0x2800  }
0x3c8: {  	s29 =	sld [smem:$0x7F9]  }
0x3c9: {  	[sflag:s12] =	ssyncset.done $0x0  }
0x3ca: {  	[sflag:s12] =	ssyncadd.s32 $0xFFFFD800  }
0x3cb: {  	[spmem:s29] =	stream.linear.scatter [tilespmem:s3], [sflag:$0x5], $0x2800, $0x38;
	[tilespmem:$0x1C080] =	vst v63  }
0x3cc: {  	_ =	swait.ge [sflag:s12], $0x2800  }
0x3cd: {  	s30 =	sld [smem:$0x7FA]  }
0x3ce: {  	[sflag:s12] =	ssyncset.done $0x0  }
0x3cf: {  	[sflag:s12] =	ssyncadd.s32 $0xFFFFD800  }
0x3d0: {  	[spmem:s30] =	stream.linear.scatter [tilespmem:s3], [sflag:$0x5], $0x2800, $0x38;
	[tilespmem:$0x1C080] =	vst v63  }
0x3d1: {  	_ =	swait.ge [sflag:s12], $0x2800  }
0x3d2: {  	s31 =	sld [smem:$0x7FB]  }
0x3d3: {  	[sflag:s12] =	ssyncset.done $0x0  }
0x3d4: {  	[sflag:s12] =	ssyncadd.s32 $0xFFFFD800  }
0x3d5: {  	[spmem:s31] =	stream.linear.scatter [tilespmem:s3], [sflag:$0x5], $0x2800, $0x38;
	[tilespmem:$0x1C080] =	vst v63  }
0x3d6: {  	_ =	swait.ge [sflag:s12], $0x2800  }
0x3d7: {  	[sflag:s12] =	ssyncset.done $0x0  }
0x3d8: {  	[sflag:s12] =	ssyncadd.s32 $0xFFFFD800  }
0x3d9: {  	s5 =	simm.s32 $0x70;
	s6 =	simm.s32 $0x3C0;
	[bflag:$0x0] =	sbarrier.arrive $0xFFFF  }
.LBB2_9:
0x3da: {  	p0 =	sne.s32 s6, $0xC7C0;
	[tilespmem:s5+$0x1800] =	vst v1  }
0x3db: {  	[tilespmem:s5+$0x1790] =	vst v1  }
0x3dc: {  	[tilespmem:s5+$0x17A0] =	vst v1  }
.Ltmp6:
0x3dd: {  	[tilespmem:s5+$0x17B0] =	vst v1;
	(pc) =	sbr.rel @p0 .LBB2_9-.Ltmp6, $4  }
0x3de: {  	[tilespmem:s5+$0x17C0] =	vst v1  }
0x3df: {  	[tilespmem:s5+$0x17D0] =	vst v1  }
0x3e0: {  	[tilespmem:s5+$0x17E0] =	vst v1  }
0x3e1: {  	[tilespmem:s5+$0x17F0] =	vst v1;
	s5 =	sshra.s32 s6, $0x2;
	s6 =	sadd.s32 $0x200, s6  }
0x3e2: {  	[tilespmem:s5+$0x1800] =	vst v1  }
0x3e3: {  	[tilespmem:s5+$0x1790] =	vst v1  }
0x3e4: {  	[tilespmem:s5+$0x17A0] =	vst v1  }
0x3e5: {  	[tilespmem:s5+$0x17B0] =	vst v1  }
0x3e6: {  	[tilespmem:s5+$0x17C0] =	vst v1  }
0x3e7: {  	[tilespmem:s5+$0x17D0] =	vst v1  }
0x3e8: {  	[tilespmem:s5+$0x17E0] =	vst v1  }
0x3e9: {  	[tilespmem:s5+$0x17F0] =	vst v1;
	s6 =	sadd.s32 $0x0, s0  }
0x3ea: {  	[tilespmem:s13], [sflag:$0x5] =	stream.linear.gather [hbm4b:s6+s2], $0xA00, $0x38;
	[tilespmem:$0x1C080] =	vst v63  }
0x3eb: {  	_ =	swait.ge [sflag:s12], $0xA00  }
0x3ec: {  	[sflag:s12] =	ssyncset.done $0x0  }
0x3ed: {  	[sflag:s12] =	ssyncadd.s32 $0xFFFFF600  }
0x3ee: {  	[spmem:s1] =	stream.indirect.scatter.add.f32 [tilespmem:s3], [sflag:$0x5], $0x80, s13, s14, $0xb8;
	[tilespmem:$0x1C080] =	vst v63  }
0x3ef: {  	_ =	swait.ge [sflag:s12], $0x3200  }
0x3f0: {  	[sflag:s12] =	ssyncset.done $0x0  }
0x3f1: {  	s7 =	simm.s32 $0xC80;
	[sflag:s12] =	ssyncadd.s32 $0xFFFFCE00  }
0x3f2: {  	[spmem:s1] =	stream.indirect.scatter.add.f32 [tilespmem:s3], [sflag:$0x5], $0x80, s7, s14, $0xb8;
	[tilespmem:$0x1C080] =	vst v63  }
0x3f3: {  	_ =	swait.ge [sflag:s12], $0x3200  }
0x3f4: {  	[sflag:s12] =	ssyncset.done $0x0  }
0x3f5: {  	s9 =	simm.s32 $0xD00;
	[sflag:s12] =	ssyncadd.s32 $0xFFFFCE00  }
0x3f6: {  	[spmem:s1] =	stream.indirect.scatter.add.f32 [tilespmem:s3], [sflag:$0x5], $0x80, s9, s14, $0xb8;
	[tilespmem:$0x1C080] =	vst v63  }
0x3f7: {  	_ =	swait.ge [sflag:s12], $0x3200  }
0x3f8: {  	[sflag:s12] =	ssyncset.done $0x0  }
0x3f9: {  	s10 =	simm.s32 $0xD80;
	[sflag:s12] =	ssyncadd.s32 $0xFFFFCE00  }
0x3fa: {  	[spmem:s1] =	stream.indirect.scatter.add.f32 [tilespmem:s3], [sflag:$0x5], $0x80, s10, s14, $0xb8;
	[tilespmem:$0x1C080] =	vst v63  }
0x3fb: {  	_ =	swait.ge [sflag:s12], $0x3200  }
0x3fc: {  	[sflag:s12] =	ssyncset.done $0x0  }
0x3fd: {  	s11 =	simm.s32 $0xE00;
	[sflag:s12] =	ssyncadd.s32 $0xFFFFCE00  }
0x3fe: {  	[spmem:s1] =	stream.indirect.scatter.add.f32 [tilespmem:s3], [sflag:$0x5], $0x80, s11, s14, $0xb8;
	[tilespmem:$0x1C080] =	vst v63  }
0x3ff: {  	_ =	swait.ge [sflag:s12], $0x3200  }
0x400: {  	[sflag:s12] =	ssyncset.done $0x0  }
0x401: {  	s21 =	simm.s32 $0xE80;
	[sflag:s12] =	ssyncadd.s32 $0xFFFFCE00  }
0x402: {  	[spmem:s1] =	stream.indirect.scatter.add.f32 [tilespmem:s3], [sflag:$0x5], $0x80, s21, s14, $0xb8;
	[tilespmem:$0x1C080] =	vst v63  }
0x403: {  	_ =	swait.ge [sflag:s12], $0x3200  }
0x404: {  	[sflag:s12] =	ssyncset.done $0x0  }
0x405: {  	s22 =	simm.s32 $0xF00;
	[sflag:s12] =	ssyncadd.s32 $0xFFFFCE00  }
0x406: {  	[spmem:s1] =	stream.indirect.scatter.add.f32 [tilespmem:s3], [sflag:$0x5], $0x80, s22, s14, $0xb8;
	[tilespmem:$0x1C080] =	vst v63  }
0x407: {  	_ =	swait.ge [sflag:s12], $0x3200  }
0x408: {  	[sflag:s12] =	ssyncset.done $0x0  }
0x409: {  	s23 =	simm.s32 $0xF80;
	[sflag:s12] =	ssyncadd.s32 $0xFFFFCE00  }
0x40a: {  	[spmem:s1] =	stream.indirect.scatter.add.f32 [tilespmem:s3], [sflag:$0x5], $0x80, s23, s14, $0xb8;
	[tilespmem:$0x1C080] =	vst v63  }
0x40b: {  	_ =	swait.ge [sflag:s12], $0x3200  }
0x40c: {  	[sflag:s12] =	ssyncset.done $0x0  }
0x40d: {  	s24 =	simm.s32 $0x1000;
	[sflag:s12] =	ssyncadd.s32 $0xFFFFCE00  }
0x40e: {  	[spmem:s1] =	stream.indirect.scatter.add.f32 [tilespmem:s3], [sflag:$0x5], $0x80, s24, s14, $0xb8;
	[tilespmem:$0x1C080] =	vst v63  }
0x40f: {  	_ =	swait.ge [sflag:s12], $0x3200  }
0x410: {  	[sflag:s12] =	ssyncset.done $0x0  }
0x411: {  	s25 =	simm.s32 $0x1080;
	[sflag:s12] =	ssyncadd.s32 $0xFFFFCE00  }
0x412: {  	[spmem:s1] =	stream.indirect.scatter.add.f32 [tilespmem:s3], [sflag:$0x5], $0x80, s25, s14, $0xb8;
	[tilespmem:$0x1C080] =	vst v63  }
0x413: {  	_ =	swait.ge [sflag:s12], $0x3200  }
0x414: {  	[sflag:s12] =	ssyncset.done $0x0  }
0x415: {  	s26 =	simm.s32 $0x1100;
	[sflag:s12] =	ssyncadd.s32 $0xFFFFCE00  }
0x416: {  	[spmem:s1] =	stream.indirect.scatter.add.f32 [tilespmem:s3], [sflag:$0x5], $0x80, s26, s14, $0xb8;
	[tilespmem:$0x1C080] =	vst v63  }
0x417: {  	_ =	swait.ge [sflag:s12], $0x3200  }
0x418: {  	[sflag:s12] =	ssyncset.done $0x0  }
0x419: {  	s28 =	simm.s32 $0x1180;
	[sflag:s12] =	ssyncadd.s32 $0xFFFFCE00  }
0x41a: {  	[spmem:s1] =	stream.indirect.scatter.add.f32 [tilespmem:s3], [sflag:$0x5], $0x80, s28, s14, $0xb8;
	[tilespmem:$0x1C080] =	vst v63  }
0x41b: {  	_ =	swait.ge [sflag:s12], $0x3200  }
0x41c: {  	[sflag:s12] =	ssyncset.done $0x0  }
0x41d: {  	s29 =	simm.s32 $0x1200;
	[sflag:s12] =	ssyncadd.s32 $0xFFFFCE00  }
0x41e: {  	[spmem:s1] =	stream.indirect.scatter.add.f32 [tilespmem:s3], [sflag:$0x5], $0x80, s29, s14, $0xb8;
	[tilespmem:$0x1C080] =	vst v63  }
0x41f: {  	_ =	swait.ge [sflag:s12], $0x3200  }
0x420: {  	[sflag:s12] =	ssyncset.done $0x0  }
0x421: {  	s30 =	simm.s32 $0x1280;
	[sflag:s12] =	ssyncadd.s32 $0xFFFFCE00  }
0x422: {  	[spmem:s1] =	stream.indirect.scatter.add.f32 [tilespmem:s3], [sflag:$0x5], $0x80, s30, s14, $0xb8;
	[tilespmem:$0x1C080] =	vst v63  }
0x423: {  	_ =	swait.ge [sflag:s12], $0x3200  }
0x424: {  	[sflag:s12] =	ssyncset.done $0x0  }
0x425: {  	s31 =	simm.s32 $0x1300;
	[sflag:s12] =	ssyncadd.s32 $0xFFFFCE00  }
0x426: {  	[spmem:s1] =	stream.indirect.scatter.add.f32 [tilespmem:s3], [sflag:$0x5], $0x80, s31, s14, $0xb8;
	[tilespmem:$0x1C080] =	vst v63  }
0x427: {  	_ =	swait.ge [sflag:s12], $0x3200  }
0x428: {  	[sflag:s12] =	ssyncset.done $0x0  }
0x429: {  	s19 =	simm.s32 $0x1380;
	[sflag:s12] =	ssyncadd.s32 $0xFFFFCE00  }
0x42a: {  	[spmem:s1] =	stream.indirect.scatter.add.f32 [tilespmem:s3], [sflag:$0x5], $0x80, s19, s14, $0xb8;
	[tilespmem:$0x1C080] =	vst v63  }
0x42b: {  	_ =	swait.ge [sflag:s12], $0x3200  }
0x42c: {  	[sflag:s12] =	ssyncset.done $0x0  }
0x42d: {  	s8 =	simm.s32 $0x1400;
	[sflag:s12] =	ssyncadd.s32 $0xFFFFCE00  }
0x42e: {  	[spmem:s1] =	stream.indirect.scatter.add.f32 [tilespmem:s3], [sflag:$0x5], $0x80, s8, s14, $0xb8;
	[tilespmem:$0x1C080] =	vst v63  }
0x42f: {  	_ =	swait.ge [sflag:s12], $0x3200  }
0x430: {  	[sflag:s12] =	ssyncset.done $0x0  }
0x431: {  	s6 =	simm.s32 $0x1480;
	[sflag:s12] =	ssyncadd.s32 $0xFFFFCE00  }
0x432: {  	[spmem:s1] =	stream.indirect.scatter.add.f32 [tilespmem:s3], [sflag:$0x5], $0x80, s6, s14, $0xb8;
	[tilespmem:$0x1C080] =	vst v63  }
0x433: {  	_ =	swait.ge [sflag:s12], $0x3200  }
0x434: {  	[sflag:s12] =	ssyncset.done $0x0  }
0x435: {  	s7 =	simm.s32 $0x1500;
	[sflag:s12] =	ssyncadd.s32 $0xFFFFCE00  }
0x436: {  	[spmem:s1] =	stream.indirect.scatter.add.f32 [tilespmem:s3], [sflag:$0x5], $0x80, s7, s14, $0xb8;
	[tilespmem:$0x1C080] =	vst v63  }
0x437: {  	_ =	swait.ge [sflag:s12], $0x3200  }
0x438: {  	[sflag:s12] =	ssyncset.done $0x0  }
0x439: {  	s8 =	simm.s32 $0x1580;
	[sflag:s12] =	ssyncadd.s32 $0xFFFFCE00  }
0x43a: {  	[spmem:s1] =	stream.indirect.scatter.add.f32 [tilespmem:s3], [sflag:$0x5], $0x80, s8, s14, $0xb8;
	[tilespmem:$0x1C080] =	vst v63  }
0x43b: {  	_ =	swait.ge [sflag:s12], $0x3200  }
0x43c: {  	s5 =	simm.s32 $0x180;
	s7 =	simm.s32 $0x300;
	[sflag:s12] =	ssyncset.done $0x0  }
.LBB2_11:
0x43d: {  	s8 =	sadd.s32 s5, s0  }
0x43e: {  	[sflag:s12] =	ssyncadd.s32 $0xFFFFCE00;
	s5 =	smov.u32 s7;
	s6 =	sadd.s32 $0x180, s7  }
0x43f: {  	[tilespmem:s13], [sflag:$0x5] =	stream.linear.gather [hbm4b:s8+s2], $0xA00, $0x38;
	[tilespmem:$0x1C080] =	vst v63  }
0x440: {  	s8 =	simm.s32 $0xC80  }
0x441: {  	p0 =	sne.s32 s7, $0x600;
	_ =	swait.ge [sflag:s12], $0xA00  }
0x442: {  	[sflag:s12] =	ssyncset.done $0x0  }
0x443: {  	[sflag:s12] =	ssyncadd.s32 $0xFFFFF600  }
0x444: {  	[spmem:s1] =	stream.indirect.scatter.add.f32 [tilespmem:s3], [sflag:$0x5], $0x80, s13, s14, $0xb8;
	[tilespmem:$0x1C080] =	vst v63  }
0x445: {  	_ =	swait.ge [sflag:s12], $0x3200  }
0x446: {  	[sflag:s12] =	ssyncset.done $0x0  }
0x447: {  	[sflag:s12] =	ssyncadd.s32 $0xFFFFCE00  }
0x448: {  	[spmem:s1] =	stream.indirect.scatter.add.f32 [tilespmem:s3], [sflag:$0x5], $0x80, s8, s14, $0xb8;
	[tilespmem:$0x1C080] =	vst v63  }
0x449: {  	_ =	swait.ge [sflag:s12], $0x3200  }
0x44a: {  	[sflag:s12] =	ssyncset.done $0x0  }
0x44b: {  	[sflag:s12] =	ssyncadd.s32 $0xFFFFCE00  }
0x44c: {  	[spmem:s1] =	stream.indirect.scatter.add.f32 [tilespmem:s3], [sflag:$0x5], $0x80, s9, s14, $0xb8;
	[tilespmem:$0x1C080] =	vst v63  }
0x44d: {  	_ =	swait.ge [sflag:s12], $0x3200  }
0x44e: {  	[sflag:s12] =	ssyncset.done $0x0  }
0x44f: {  	[sflag:s12] =	ssyncadd.s32 $0xFFFFCE00  }
0x450: {  	[spmem:s1] =	stream.indirect.scatter.add.f32 [tilespmem:s3], [sflag:$0x5], $0x80, s10, s14, $0xb8;
	[tilespmem:$0x1C080] =	vst v63  }
0x451: {  	_ =	swait.ge [sflag:s12], $0x3200  }
0x452: {  	[sflag:s12] =	ssyncset.done $0x0  }
0x453: {  	[sflag:s12] =	ssyncadd.s32 $0xFFFFCE00  }
0x454: {  	[spmem:s1] =	stream.indirect.scatter.add.f32 [tilespmem:s3], [sflag:$0x5], $0x80, s11, s14, $0xb8;
	[tilespmem:$0x1C080] =	vst v63  }
0x455: {  	_ =	swait.ge [sflag:s12], $0x3200  }
0x456: {  	[sflag:s12] =	ssyncset.done $0x0  }
0x457: {  	[sflag:s12] =	ssyncadd.s32 $0xFFFFCE00  }
0x458: {  	[spmem:s1] =	stream.indirect.scatter.add.f32 [tilespmem:s3], [sflag:$0x5], $0x80, s21, s14, $0xb8;
	[tilespmem:$0x1C080] =	vst v63  }
0x459: {  	_ =	swait.ge [sflag:s12], $0x3200  }
0x45a: {  	[sflag:s12] =	ssyncset.done $0x0  }
0x45b: {  	[sflag:s12] =	ssyncadd.s32 $0xFFFFCE00  }
0x45c: {  	[spmem:s1] =	stream.indirect.scatter.add.f32 [tilespmem:s3], [sflag:$0x5], $0x80, s22, s14, $0xb8;
	[tilespmem:$0x1C080] =	vst v63  }
0x45d: {  	_ =	swait.ge [sflag:s12], $0x3200  }
0x45e: {  	[sflag:s12] =	ssyncset.done $0x0  }
0x45f: {  	[sflag:s12] =	ssyncadd.s32 $0xFFFFCE00  }
0x460: {  	[spmem:s1] =	stream.indirect.scatter.add.f32 [tilespmem:s3], [sflag:$0x5], $0x80, s23, s14, $0xb8;
	[tilespmem:$0x1C080] =	vst v63  }
0x461: {  	_ =	swait.ge [sflag:s12], $0x3200  }
0x462: {  	[sflag:s12] =	ssyncset.done $0x0  }
0x463: {  	[sflag:s12] =	ssyncadd.s32 $0xFFFFCE00  }
0x464: {  	[spmem:s1] =	stream.indirect.scatter.add.f32 [tilespmem:s3], [sflag:$0x5], $0x80, s24, s14, $0xb8;
	[tilespmem:$0x1C080] =	vst v63  }
0x465: {  	_ =	swait.ge [sflag:s12], $0x3200  }
0x466: {  	[sflag:s12] =	ssyncset.done $0x0  }
0x467: {  	[sflag:s12] =	ssyncadd.s32 $0xFFFFCE00  }
0x468: {  	[spmem:s1] =	stream.indirect.scatter.add.f32 [tilespmem:s3], [sflag:$0x5], $0x80, s25, s14, $0xb8;
	[tilespmem:$0x1C080] =	vst v63  }
0x469: {  	_ =	swait.ge [sflag:s12], $0x3200  }
0x46a: {  	[sflag:s12] =	ssyncset.done $0x0  }
0x46b: {  	[sflag:s12] =	ssyncadd.s32 $0xFFFFCE00  }
0x46c: {  	[spmem:s1] =	stream.indirect.scatter.add.f32 [tilespmem:s3], [sflag:$0x5], $0x80, s26, s14, $0xb8;
	[tilespmem:$0x1C080] =	vst v63  }
0x46d: {  	_ =	swait.ge [sflag:s12], $0x3200  }
0x46e: {  	[sflag:s12] =	ssyncset.done $0x0  }
0x46f: {  	[sflag:s12] =	ssyncadd.s32 $0xFFFFCE00  }
0x470: {  	[spmem:s1] =	stream.indirect.scatter.add.f32 [tilespmem:s3], [sflag:$0x5], $0x80, s28, s14, $0xb8;
	[tilespmem:$0x1C080] =	vst v63  }
0x471: {  	_ =	swait.ge [sflag:s12], $0x3200  }
0x472: {  	[sflag:s12] =	ssyncset.done $0x0  }
0x473: {  	[sflag:s12] =	ssyncadd.s32 $0xFFFFCE00  }
0x474: {  	[spmem:s1] =	stream.indirect.scatter.add.f32 [tilespmem:s3], [sflag:$0x5], $0x80, s29, s14, $0xb8;
	[tilespmem:$0x1C080] =	vst v63  }
0x475: {  	_ =	swait.ge [sflag:s12], $0x3200  }
0x476: {  	[sflag:s12] =	ssyncset.done $0x0  }
0x477: {  	[sflag:s12] =	ssyncadd.s32 $0xFFFFCE00  }
0x478: {  	[spmem:s1] =	stream.indirect.scatter.add.f32 [tilespmem:s3], [sflag:$0x5], $0x80, s30, s14, $0xb8;
	[tilespmem:$0x1C080] =	vst v63  }
0x479: {  	_ =	swait.ge [sflag:s12], $0x3200  }
0x47a: {  	[sflag:s12] =	ssyncset.done $0x0  }
0x47b: {  	[sflag:s12] =	ssyncadd.s32 $0xFFFFCE00  }
0x47c: {  	[spmem:s1] =	stream.indirect.scatter.add.f32 [tilespmem:s3], [sflag:$0x5], $0x80, s31, s14, $0xb8;
	[tilespmem:$0x1C080] =	vst v63  }
0x47d: {  	_ =	swait.ge [sflag:s12], $0x3200  }
0x47e: {  	[sflag:s12] =	ssyncset.done $0x0  }
0x47f: {  	[sflag:s12] =	ssyncadd.s32 $0xFFFFCE00  }
0x480: {  	[spmem:s1] =	stream.indirect.scatter.add.f32 [tilespmem:s3], [sflag:$0x5], $0x80, s19, s14, $0xb8;
	[tilespmem:$0x1C080] =	vst v63  }
0x481: {  	_ =	swait.ge [sflag:s12], $0x3200  }
0x482: {  	[sflag:s12] =	ssyncset.done $0x0  }
0x483: {  	s7 =	simm.s32 $0x1400;
	[sflag:s12] =	ssyncadd.s32 $0xFFFFCE00  }
0x484: {  	[spmem:s1] =	stream.indirect.scatter.add.f32 [tilespmem:s3], [sflag:$0x5], $0x80, s7, s14, $0xb8;
	[tilespmem:$0x1C080] =	vst v63  }
0x485: {  	_ =	swait.ge [sflag:s12], $0x3200  }
0x486: {  	[sflag:s12] =	ssyncset.done $0x0  }
0x487: {  	s7 =	simm.s32 $0x1480;
	[sflag:s12] =	ssyncadd.s32 $0xFFFFCE00  }
0x488: {  	[spmem:s1] =	stream.indirect.scatter.add.f32 [tilespmem:s3], [sflag:$0x5], $0x80, s7, s14, $0xb8;
	[tilespmem:$0x1C080] =	vst v63  }
0x489: {  	_ =	swait.ge [sflag:s12], $0x3200  }
0x48a: {  	[sflag:s12] =	ssyncset.done $0x0  }
0x48b: {  	s7 =	simm.s32 $0x1500;
	[sflag:s12] =	ssyncadd.s32 $0xFFFFCE00  }
0x48c: {  	[spmem:s1] =	stream.indirect.scatter.add.f32 [tilespmem:s3], [sflag:$0x5], $0x80, s7, s14, $0xb8;
	[tilespmem:$0x1C080] =	vst v63  }
0x48d: {  	_ =	swait.ge [sflag:s12], $0x3200  }
.Ltmp7:
0x48e: {  	[sflag:s12] =	ssyncset.done $0x0;
	(pc) =	sbr.rel @p0 .LBB2_11-.Ltmp7, $4  }
0x48f: {  	s7 =	simm.s32 $0x1580;
	[sflag:s12] =	ssyncadd.s32 $0xFFFFCE00  }
0x490: {  	[spmem:s1] =	stream.indirect.scatter.add.f32 [tilespmem:s3], [sflag:$0x5], $0x80, s7, s14, $0xb8;
	[tilespmem:$0x1C080] =	vst v63  }
0x491: {  	_ =	swait.ge [sflag:s12], $0x3200  }
0x492: {  	s7 =	smov.u32 s6;
	[sflag:s12] =	ssyncset.done $0x0  }
.Ltmp8:
0x493: {  	_ = 	snop;
	(pc) =	sbr.rel .LBB2_12-.Ltmp8, $1  }
0x494: {  	_ =	sdelay $0x3  }
.LBB2_14:
0x495: {  	_ =	sfence.sel $0x180000  }
0x496: {  	[bflag:$0x0] =	sbarrier.arrive $0xFFFF  }
0x497: {  	_ =	strace $0x9000004A  }
0x498: {  	s0 =	stileid.u32;
	[bflag:$0x2] =	sbarrier.arrive $0xFFFF  }
0x499: {  	p0 =	sne.s32 s0, $0x0;
	s0 =	rddreg [dreg:$0x3]  }
0x49a: {  	s0 =	sadd.s32 @!p0 $0x100000, s0  }
0x49b: {  	[sflag:s0] =	ssyncadd.tile.s32 @!p0 $0x1;
	_ =	shalt  }
.Lfunc_end2:
_tile_overlayer_lowered:
.L_overlay_start_2:
0x49c: {  	(tag) =	ssettag $0x2  }
0x49d: {  	s0 =	rddreg [dreg:$0x0];
	s2 =	stileid.u32  }
0x49e: {  	s1 =	rddreg [dreg:$0x1];
	p0 =	sne.s32 s2, $0x0  }
0x49f: {  	s3 =	rddreg [dreg:$0x2];
	[bflag:$0x3] =	sbarrier.arrive $0xFFFF;
	s2 =	simm.s32 @!p0 $0x1C05  }
0x4a0: {  	[timem:s3], [sflag:s2] =	dma.local @!p0 [hbm:s0], s1  }
0x4a1: {  	s0 =	simm.s32 @!p0 $0x5  }
0x4a2: {  	_ =	swait.ge @!p0 [sflag:s0], s1  }
0x4a3: {  	s1 =	ssub.s32 @!p0 $0x0, s1;
	[sflag:s0] =	ssyncset.done @!p0 $0x0  }
0x4a4: {  	[sflag:s0] =	ssyncadd.s32 @!p0 s1  }
0x4a5: {  	[bflag:$0x3] =	sbarrier.arrive $0xFFFF  }
0x4a6: {  	_ =	shalt  }

// kernel: kernel.15.cloned.1.call-start
scs
__scs_entry_jumppad:
0x0: {  	(pc) =	sbr.rel $0x88, $3  }
0x1: {  	(tag) =	ssettag $0x0;
	lr =	simm.s32 $0x1  }
0x2: {  	[smem:$0x3F98] =	sst lr;
	_ =	strace $0xD0000000  }
0x3: {  	_ = 	snop  }
0x4: {  	_ = 	snop  }
0x5: {  	_ = 	snop  }
0x6: {  	_ = 	snop  }
0x7: {  	_ = 	snop  }
__scs_overlays_trampoline_lowered:
0x8: {  	[smem:$0x3FA7] =	sst s0  }
0x9: {  	[smem:$0x3FA8] =	sst s1  }
0xa: {  	[smem:$0x3FA9] =	sst s2  }
0xb: {  	[smem:$0x3FAA] =	sst s3  }
0xc: {  	[smem:$0x3FAB] =	sst s4  }
0xd: {  	[smem:$0x3FAC] =	sst s5  }
0xe: {  	[smem:$0x3FAD] =	sst s6  }
0xf: {  	[smem:$0x3FAE] =	sst s7  }
0x10: {  	[smem:$0x3FAF] =	sst s8  }
0x11: {  	[smem:$0x3FB0] =	sst s9;
	s0 =	simm.s32 @!p0 $0x0  }
0x12: {  	s1 =	sld [smem:$0x3F96];
	s0 =	simm.s32 @p0 $0x1  }
0x13: {  	[smem:$0x3FB1] =	sst s0;
	s0 =	simm.s32 @!p1 $0x0  }
0x14: {  	s2 =	sld [smem:$0x3F95];
	s0 =	simm.s32 @p1 $0x1  }
0x15: {  	[smem:$0x3FB2] =	sst s0;
	s0 =	simm.s32 @!p2 $0x0  }
0x16: {  	s3 =	sld [smem:$0x3FDB];
	s0 =	simm.s32 @p2 $0x1  }
0x17: {  	s4 =	simm.s32 $0x1BF5;
	[smem:$0x3FB4] =	sst s0  }
0x18: {  	s0 =	sld [smem:$0x3F97];
	_ =	swait.ge [sflag:s4], $0x0  }
0x19: {  	s7 =	sld [smem:$0x3F98]  }
0x1a: {  	s8 =	sadd.s32 $0xFFFFE003, lr  }
0x1b: {  	s9 =	sadd.s32 $0xFFFFFEF7, lr;
	s5 =	simm.s32 $0xFFFFFFFF;
	p2 =	slt.u32 s8, $0xFFFFF086  }
0x1c: {  	p1 =	slt.u32 s9, $0xF7A;
	s5 =	simm.s32 @!p2 $0x0  }
0x1d: {  	s5 =	simm.s32 @p1 $0x1;
	p0 =	seq.s32 s7, s2  }
0x1e: {  	s7 =	smul.u32 @!p0 $0xF7A, s2;
	p2 =	seq.s32 @!p0 s5, $0x0  }
0x1f: {  	s9 =	smul.u32 $0xF7A, s1;
	s8 =	simm.s32 @!p0 $0x1BF5;
	p2 =	por !p2, p0  }
0x20: {  	[sflag:s8] =	ssyncset.s32 @!p0 $0xFFFFF086;
	s6 =	sadd.s32 @!p0 s3, s7;
	s7 =	simm.s32 @!p0 $0x108  }
0x21: {  	s3 =	sadd.s32 s3, s9;
	s6 =	sadd.s32 @!p0 $0x88, s6;
	s7 =	simm.s32 @p2 $0x1082  }
0x22: {  	[simem:s7], [sflag:s8] =	dma.local @!p0 [hbm:s6], $0xF7A  }
0x23: {  	s9 =	sor.u32 $0xD0000000, s2;
	s6 =	simm.s32 $0x108;
	_ =	swait.ge @!p0 [sflag:s8], $0x0  }
0x24: {  	s3 =	sadd.s32 $0x88, s3;
	s6 =	simm.s32 @!p1 $0x1082;
	[sflag:s4] =	ssyncset.s32 $0xFFFFF086  }
0x25: {  	[simem:s6], [sflag:s4] =	dma.local [hbm:s3], $0xF7A  }
0x26: {  	[smem:$0x3F98] =	sst s1;
	(tag) =	ssettag s2;
	_ =	strace s9  }
0x27: {  	s1 =	sld [smem:$0x3FA8]  }
0x28: {  	s2 =	sld [smem:$0x3FA9]  }
0x29: {  	s4 =	sld [smem:$0x3FAB]  }
0x2a: {  	p0 =	seq.s32 s5, $0x0;
	s5 =	sld [smem:$0x3FAC]  }
0x2b: {  	s6 =	sld [smem:$0x3FAD]  }
0x2c: {  	s7 =	sld [smem:$0x3FAE]  }
0x2d: {  	s3 =	simm.s32 $0x108;
	s8 =	sld [smem:$0x3FAF]  }
0x2e: {  	s3 =	simm.s32 @!p0 $0x1082;
	s9 =	sld [smem:$0x3FB0]  }
0x2f: {  	lr =	sadd.s32 s0, s3;
	s0 =	sld [smem:$0x3FA7]  }
0x30: {  	s3 =	sld [smem:$0x3FAA]  }
0x31: {  	[smem:$0x3FB3] =	sst s10  }
0x32: {  	s10 =	sld [smem:$0x3FB1];
	_ =	sdelay $0x3  }
0x33: {  	p0 =	seq.s32 s10, $0x1;
	s10 =	sld [smem:$0x3FB3];
	_ =	sdelay $0x3  }
0x34: {  	[smem:$0x3FB3] =	sst s10  }
0x35: {  	s10 =	sld [smem:$0x3FB2];
	_ =	sdelay $0x3  }
0x36: {  	p1 =	seq.s32 s10, $0x1;
	s10 =	sld [smem:$0x3FB3];
	_ =	sdelay $0x3  }
0x37: {  	[smem:$0x3FB3] =	sst s10  }
0x38: {  	s10 =	sld [smem:$0x3FB4]  }
0x39: {  	_ = 	snop;
	(pc) =	sbr.ind lr, $3  }
0x3a: {  	_ = 	snop  }
0x3b: {  	_ = 	snop  }
0x3c: {  	p2 =	seq.s32 s10, $0x1;
	s10 =	sld [smem:$0x3FB3]  }
0x3d: {  	_ =	shalt  }
0x3e: {  	_ =	shalt  }
0x3f: {  	_ =	shalt  }
0x40: {  	_ =	shalt  }
0x41: {  	_ =	shalt  }
0x42: {  	_ =	shalt  }
0x43: {  	_ =	shalt  }
0x44: {  	_ =	shalt  }
0x45: {  	_ =	shalt  }
0x46: {  	_ =	shalt  }
0x47: {  	_ =	shalt  }
0x48: {  	_ =	shalt  }
0x49: {  	_ =	shalt  }
0x4a: {  	_ =	shalt  }
0x4b: {  	_ =	shalt  }
0x4c: {  	_ =	shalt  }
0x4d: {  	_ =	shalt  }
0x4e: {  	_ =	shalt  }
0x4f: {  	_ =	shalt  }
0x50: {  	_ =	shalt  }
0x51: {  	_ =	shalt  }
0x52: {  	_ =	shalt  }
0x53: {  	_ =	shalt  }
0x54: {  	_ =	shalt  }
0x55: {  	_ =	shalt  }
0x56: {  	_ =	shalt  }
0x57: {  	_ =	shalt  }
0x58: {  	_ =	shalt  }
0x59: {  	_ =	shalt  }
0x5a: {  	_ =	shalt  }
0x5b: {  	_ =	shalt  }
0x5c: {  	_ =	shalt  }
0x5d: {  	_ =	shalt  }
0x5e: {  	_ =	shalt  }
0x5f: {  	_ =	shalt  }
0x60: {  	_ =	shalt  }
0x61: {  	_ =	shalt  }
0x62: {  	_ =	shalt  }
0x63: {  	_ =	shalt  }
0x64: {  	_ =	shalt  }
0x65: {  	_ =	shalt  }
0x66: {  	_ =	shalt  }
0x67: {  	_ =	shalt  }
0x68: {  	_ =	shalt  }
0x69: {  	_ =	shalt  }
0x6a: {  	_ =	shalt  }
0x6b: {  	_ =	shalt  }
0x6c: {  	_ =	shalt  }
0x6d: {  	_ =	shalt  }
0x6e: {  	_ =	shalt  }
0x6f: {  	_ =	shalt  }
0x70: {  	_ =	shalt  }
0x71: {  	_ =	shalt  }
0x72: {  	_ =	shalt  }
0x73: {  	_ =	shalt  }
0x74: {  	_ =	shalt  }
0x75: {  	_ =	shalt  }
0x76: {  	_ =	shalt  }
0x77: {  	_ =	shalt  }
0x78: {  	_ =	shalt  }
0x79: {  	_ =	shalt  }
0x7a: {  	_ =	shalt  }
0x7b: {  	_ =	shalt  }
0x7c: {  	_ =	shalt  }
0x7d: {  	_ =	shalt  }
0x7e: {  	_ =	shalt  }
0x7f: {  	_ =	shalt  }
0x80: {  	_ =	shalt  }
0x81: {  	_ =	shalt  }
0x82: {  	_ =	shalt  }
0x83: {  	_ =	shalt  }
0x84: {  	_ =	shalt  }
0x85: {  	_ =	shalt  }
0x86: {  	_ =	shalt  }
0x87: {  	_ =	shalt  }
.Lfunc_end0:
.L_simem_size_0:
called_computation.2_lowered:
.L_overlay_start_0:
0x88: {  	s2 =	sld [smem:$0x3FD9]  }
0x89: {  	s3 =	sld [smem:$0x3FFE];
	_ =	sdelay $0x1  }
0x8a: {  	s1 =	srdreg.scid  }
0x8b: {  	s0 =	sand.u32 $0x1, s1  }
0x8c: {  	s17 =	sshll.u32 s0, $0xA;
	s2 =	sadd.s32 s3, s2  }
0x8d: {  	s2 =	sadd.s32 s2, s17  }
0x8e: {  	[smem:$0x3FBF] =	sst s2  }
0x8f: {  	_ = 	snop  }
0x90: {  	s2 =	sld [smem:$0x3FD0];
	(tm) =	ssettm $0x1  }
0x91: {  	s18 =	sld [smem:$0x3FFB];
	_ =	sdelay $0x3  }
0x92: {  	_ =	strace s18  }
0x93: {  	s3 =	sld [smem:$0x3FFC];
	_ =	sdelay $0x3  }
0x94: {  	_ =	strace s3  }
0x95: {  	s3 =	sld [smem:$0x3FFD];
	_ =	sdelay $0x3  }
0x96: {  	_ =	strace s3  }
0x97: {  	_ =	strace $0x8FFFFFFF  }
0x98: {  	s19 =	sld [smem:$0x3FDB];
	_ =	sdelay $0x1  }
0x99: {  	s4 =	simm.s32 $_scs_section_size  }
0x9a: {  	s5 =	simm.s32 $_size__tile_overlayer_lowered;
	s6 =	simm.s32 $_tile_overlayer_lowered  }
0x9b: {  	s22 =	simm.s32 $0x1BFF;
	s21 =	sshll.u32 s6, $0x1;
	s3 =	sadd.s32 s4, s19  }
0x9c: {  	s7 =	simm.s32 $0x0;
	s20 =	sshll.u32 s5, $0x1;
	s5 =	sadd.s32 s21, s3  }
0x9d: {  	[timem:s7], [sflag:s22] =	dma.local [hbm:s5], s20  }
0x9e: {  	_ =	swait.ge [sflag:s22], s20  }
0x9f: {  	s4 =	ssub.s32 $0x0, s20;
	[sflag:s22] =	ssyncset.done $0x0  }
0xa0: {  	[sflag:s22] =	ssyncadd.s32 s4;
	_ =	sdelay $0x1  }
0xa1: {  	s23 =	simm.s32 $0x1B8B  }
0xa2: {  	_ =	swait.ge [sflag:s23], $0x1  }
0xa3: {  	[sflag:s23] =	ssyncset.done $0x0  }
0xa4: {  	s25 =	simm.s32 $0x1B8E;
	s24 =	sld [smem:$0x3FFE];
	[sflag:s23] =	ssyncadd.s32 $0xFFFFFFFF  }
0xa5: {  	s26 =	simm.s32 $execute0_lowered;
	[smem:$0x3FD2] =	sst s25  }
0xa6: {  	s5 =	sshll.u32 s26, $0x1;
	_ =	strace $0x8000004C;
	[dreg:$0x1] =	wrdreg $0xFFFFFFFF  }
0xa7: {  	s28 =	simm.s32 $_size_execute0_lowered;
	s3 =	sadd.s32 s3, s5;
	[dreg:$0x0] =	wrdreg $0x0  }
0xa8: {  	s5 =	sshll.u32 s28, $0x1;
	[dreg:$0x2] =	wrdreg s3  }
0xa9: {  	[dreg:$0x3] =	wrdreg s5  }
0xaa: {  	[dreg:$0x4] =	wrdreg $0xC0  }
0xab: {  	_ =	task [dreg:s7], $0x5FFFF  }
0xac: {  	[dreg:$0x1] =	wrdreg $0xFFFFFFFF  }
0xad: {  	[dreg:$0x0] =	wrdreg $0x60  }
0xae: {  	[dreg:$0x2] =	wrdreg s24  }
0xaf: {  	[dreg:$0x3] =	wrdreg s2  }
0xb0: {  	[dreg:$0x4] =	wrdreg $0x80800  }
0xb1: {  	[dreg:$0x5] =	wrdreg $0x9  }
0xb2: {  	_ =	task.clear_ibuf [dreg:s7], $0x6FFFF;
	_ =	strace $0x9000004C  }
0xb3: {  	s29 =	simm.s32 $0x9;
	_ =	strace $0x8000004E  }
0xb4: {  	_ =	swait.ge [sflag:s29], $0x1  }
0xb5: {  	[sflag:s29] =	ssyncadd.s32 $0xFFFFFFFF  }
0xb6: {  	_ =	strace $0x9000004E  }
0xb7: {  	_ =	sfence  }
0xb8: {  	s30 =	sld [smem:$0x0];
	_ =	sdelay $0x2  }
0xb9: {  	s31 =	sshll.u32 s1, $0xD;
	s1 =	sshrl.u32 s1, $0x2  }
0xba: {  	s3 =	sand.u32 $0x4000, s31;
	s1 =	sadd.s32 s1, s30  }
0xbb: {  	s0 =	sor.u32 s3, s0;
	s1 =	sshll.u32 s1, $0x11  }
0xbc: {  	s0 =	sor.u32 s1, s0  }
0xbd: {  	s0 =	sadd.s32 $0x8F2B, s0  }
0xbe: {  	[sflag:s0] =	ssyncadd.remote.s32 $0x1  }
0xbf: {  	_ =	sfence.sel $0xFFFF  }
0xc0: {  	[dreg:$0x0] =	wrdreg $0xFFFFFFFF;
	(pc) =	sbr.abs _section_cstart, $3  }
0xc1: {  	[dreg:$0x1] =	wrdreg $0xFFFFFFFF  }
0xc2: {  	_ =	task.clear_ibuf [dreg:s7], $0x2FFFF;
	_ =	strace $0x9FFFFFFF  }
0xc3: {  	(tm) =	ssettm $0x7FFFFFFF  }
tec
execute0_lowered:
.L_overlay_start_1:
0x0: {  	(tag) =	ssettag $0x1  }
0x1: {  	s0 =	rddreg [dreg:$0x0]  }
0x2: {  	s5 =	rddreg [dreg:$0x1]  }
0x3: {  	s1 =	rddreg [dreg:$0x2];
	s2 =	simm.s32 $0x0  }
0x4: {  	s9 =	simm.s32 $0x80;
	[smem:$0x7FF] =	sst s2  }
0x5: {  	s10 =	simm.s32 $0x100;
	_ =	strace $0x8000004D;
	[dreg:$0x5] =	wrdreg s9  }
0x6: {  	s12 =	simm.s32 $0x180;
	[dreg:$0x6] =	wrdreg s10  }
0x7: {  	s13 =	simm.s32 $0x200;
	[dreg:$0x7] =	wrdreg s12  }
0x8: {  	s17 =	simm.s32 $0x280;
	[dreg:$0x8] =	wrdreg s13  }
0x9: {  	s3 =	srdreg.scid;
	s24 =	simm.s32 $0x300;
	[dreg:$0x9] =	wrdreg s17  }
0xa: {  	s23 =	stileid.u32;
	s25 =	simm.s32 $0x380;
	[dreg:$0xa] =	wrdreg s24  }
0xb: {  	s26 =	simm.s32 $0x400;
	s28 =	simm.s32 $0x480;
	[dreg:$0xb] =	wrdreg s25  }
0xc: {  	s30 =	simm.s32 $0x500;
	s31 =	simm.s32 $0x580;
	[dreg:$0xc] =	wrdreg s26  }
0xd: {  	s20 =	simm.s32 $0x600;
	s21 =	simm.s32 $0x680;
	[dreg:$0xd] =	wrdreg s28  }
0xe: {  	s6 =	sand.u32 $0x1, s3;
	s15 =	smul.u32 $0x14000, s23;
	[dreg:$0xe] =	wrdreg s30  }
0xf: {  	s14 =	sadd.s32 $0xD9C00, s0;
	s7 =	smul.u32 $0x780, s23;
	[dreg:$0xf] =	wrdreg s31  }
0x10: {  	s11 =	sadd.s32 $0x39C00, s0;
	s3 =	smul.u32 $0x7800, s6;
	[dreg:$0x10] =	wrdreg s20  }
0x11: {  	s4 =	ssub.s32 $0x2, s6;
	s16 =	smul.u32 $0x140000, s6;
	[dreg:$0x11] =	wrdreg s21  }
0x12: {  	s24 =	simm.s32 $0x780;
	s25 =	simm.s32 $0x800;
	s26 =	simm.s32 $0x880  }
0x13: {  	s8 =	sshrl.u32 s4, $0x1;
	s6 =	sadd.s32 $0x5000, s15;
	[dreg:$0x13] =	wrdreg s24  }
0x14: {  	s9 =	sadd.s32 $0xA000, s15;
	s10 =	sadd.s32 $0xC800, s15;
	[dreg:$0x14] =	wrdreg s25  }
0x15: {  	s12 =	sadd.s32 $0xF000, s15;
	s13 =	sadd.s32 $0x11800, s15;
	[dreg:$0x15] =	wrdreg s26  }
0x16: {  	s4 =	ssub.s32 s4, s8;
	s22 =	sadd.s32 s3, s5;
	s5 =	sor.u32 $0x2800, s15  }
0x17: {  	s19 =	sadd.s32 s16, s6;
	s21 =	sadd.s32 s16, s9;
	s28 =	sadd.s32 s16, s12  }
0x18: {  	s8 =	sadd.s32 s7, s22;
	s22 =	simm.s32 $0x700;
	s21 =	sshrl.u32 s21, $0x3  }
0x19: {  	s17 =	sshrl.u32 s28, $0x3;
	[dreg:$0x4] =	wrdreg s8;
	s8 =	sadd.s32 $0x7800, s15  }
0x1a: {  	s15 =	sadd.s32 s16, s15;
	[dreg:$0x12] =	wrdreg s22;
	s31 =	sadd.s32 s14, s21  }
0x1b: {  	s22 =	sadd.s32 s16, s10;
	s26 =	sadd.s32 s14, s17;
	[dreg:$0x1c] =	wrdreg s31  }
0x1c: {  	s15 =	sshrl.u32 s15, $0x3;
	[dreg:$0x1e] =	wrdreg s26;
	s26 =	sadd.s32 s6, s1  }
0x1d: {  	s20 =	sadd.s32 s16, s8;
	s8 =	sadd.s32 s8, s1;
	[smem:$0x7F7] =	sst s26  }
0x1e: {  	s22 =	sshrl.u32 s22, $0x3;
	s18 =	sadd.s32 s14, s15;
	[smem:$0x7FD] =	sst s8  }
0x1f: {  	s29 =	sadd.s32 s16, s5;
	s25 =	sadd.s32 s14, s22;
	[dreg:$0x18] =	wrdreg s18  }
0x20: {  	s19 =	sshrl.u32 s19, $0x3;
	s28 =	sadd.s32 s11, s15;
	[dreg:$0x1d] =	wrdreg s25  }
0x21: {  	s20 =	sshrl.u32 s20, $0x3;
	s15 =	sadd.s32 s11, s21;
	[smem:$0x7EC] =	sst s28  }
0x22: {  	s21 =	smul.u32 $0x50000, s23;
	s23 =	smax.u32 s4, $0x1;
	[smem:$0x7F0] =	sst s15  }
0x23: {  	s18 =	sshrl.u32 s29, $0x3;
	s29 =	sadd.s32 s14, s19;
	[smem:$0x7F5] =	sst s23  }
0x24: {  	s30 =	sadd.s32 s14, s20;
	[dreg:$0x1a] =	wrdreg s29  }
0x25: {  	s31 =	sadd.s32 s11, s20;
	[dreg:$0x1b] =	wrdreg s30  }
0x26: {  	s3 =	sadd.s32 s3, s0;
	s20 =	sadd.s32 s11, s17;
	[smem:$0x7EF] =	sst s31  }
0x27: {  	s3 =	sadd.s32 s7, s3;
	s25 =	sadd.s32 s5, s1;
	[smem:$0x7F2] =	sst s20  }
0x28: {  	s16 =	sadd.s32 s16, s13;
	s28 =	sadd.s32 s9, s1;
	[smem:$0x7F6] =	sst s25  }
0x29: {  	s16 =	sshrl.u32 s16, $0x3;
	s24 =	sadd.s32 s14, s18;
	[smem:$0x7F8] =	sst s28  }
0x2a: {  	s6 =	simm.s32 $0x0;
	s14 =	sadd.s32 s14, s16;
	[dreg:$0x19] =	wrdreg s24  }
0x2b: {  	s4 =	simm.s32 $0x4;
	s29 =	sadd.s32 s11, s18;
	[dreg:$0x1f] =	wrdreg s14  }
0x2c: {  	s15 =	simm.s32 $0x1;
	s30 =	sadd.s32 s11, s19;
	[smem:$0x7ED] =	sst s29  }
0x2d: {  	s17 =	simm.s32 $0x3;
	s18 =	sadd.s32 s11, s22;
	[smem:$0x7EE] =	sst s30  }
0x2e: {  	s19 =	simm.s32 $0x900;
	s11 =	sadd.s32 s11, s16;
	[smem:$0x7F1] =	sst s18  }
0x2f: {  	s22 =	simm.s32 $0x980;
	s20 =	sadd.s32 $0x2400, s0;
	[smem:$0x7F3] =	sst s11  }
0x30: {  	s0 =	sadd.s32 $0x2A400, s0;
	s31 =	sadd.s32 s13, s1;
	[dreg:$0x16] =	wrdreg s19  }
0x31: {  	s13 =	simm.s32 $0xC00;
	s16 =	simm.s32 $0x4C00;
	[dreg:$0x17] =	wrdreg s22  }
.Ltmp0:
0x32: {  	[smem:$0x7F4] =	sst s0;
	s24 =	sshrl.u32 s21, $0x2;
	(pc) =	sbr.rel .LBB2_1-.Ltmp0, $4  }
0x33: {  	s29 =	sadd.s32 s10, s1;
	s30 =	sadd.s32 s12, s1;
	[smem:$0x7FB] =	sst s31  }
0x34: {  	s0 =	sadd.s32 $0x2AC00, s3;
	s3 =	simm.s32 $0x1800;
	[smem:$0x7F9] =	sst s29  }
0x35: {  	s12 =	simm.s32 $0x5;
	s7 =	sadd.s32 s24, s1;
	[smem:$0x7FA] =	sst s30  }
0x36: {  	v0 =	vimm.f32 $0.0e+00;
	v1 =	vimm.f32 $1.000000000e+00;
	s14 =	simm.s32 $0x64;
	s18 =	simm.s32 $0x2;
	[smem:$0x7FC] =	sst s7  }
.LBB2_12:
0x37: {  	s5 =	sadd.s32 s5, s0;
	[sflag:s12] =	ssyncadd.s32 $0xFFFFCE00  }
0x38: {  	[tilespmem:s13], [sflag:$0x5] =	stream.linear.gather [hbm4b:s5+s2], $0xA00, $0x38;
	[tilespmem:$0x1C080] =	vst v63  }
0x39: {  	_ =	swait.ge [sflag:s12], $0xA00  }
0x3a: {  	[sflag:s12] =	ssyncset.done $0x0  }
0x3b: {  	[sflag:s12] =	ssyncadd.s32 $0xFFFFF600  }
0x3c: {  	[spmem:s1] =	stream.indirect.scatter.add.f32 [tilespmem:s3], [sflag:$0x5], $0x80, s13, s14, $0xb8;
	[tilespmem:$0x1C080] =	vst v63  }
0x3d: {  	_ =	swait.ge [sflag:s12], $0x3200  }
0x3e: {  	[sflag:s12] =	ssyncset.done $0x0  }
0x3f: {  	[sflag:s12] =	ssyncadd.s32 $0xFFFFCE00  }
0x40: {  	[spmem:s1] =	stream.indirect.scatter.add.f32 [tilespmem:s3], [sflag:$0x5], $0x80, s8, s14, $0xb8;
	[tilespmem:$0x1C080] =	vst v63  }
0x41: {  	_ =	swait.ge [sflag:s12], $0x3200  }
0x42: {  	[sflag:s12] =	ssyncset.done $0x0  }
0x43: {  	[sflag:s12] =	ssyncadd.s32 $0xFFFFCE00  }
0x44: {  	[spmem:s1] =	stream.indirect.scatter.add.f32 [tilespmem:s3], [sflag:$0x5], $0x80, s9, s14, $0xb8;
	[tilespmem:$0x1C080] =	vst v63  }
0x45: {  	_ =	swait.ge [sflag:s12], $0x3200  }
0x46: {  	[sflag:s12] =	ssyncset.done $0x0  }
0x47: {  	[sflag:s12] =	ssyncadd.s32 $0xFFFFCE00  }
0x48: {  	[spmem:s1] =	stream.indirect.scatter.add.f32 [tilespmem:s3], [sflag:$0x5], $0x80, s10, s14, $0xb8;
	[tilespmem:$0x1C080] =	vst v63  }
0x49: {  	_ =	swait.ge [sflag:s12], $0x3200  }
0x4a: {  	[sflag:s12] =	ssyncset.done $0x0  }
0x4b: {  	[sflag:s12] =	ssyncadd.s32 $0xFFFFCE00  }
0x4c: {  	[spmem:s1] =	stream.indirect.scatter.add.f32 [tilespmem:s3], [sflag:$0x5], $0x80, s11, s14, $0xb8;
	[tilespmem:$0x1C080] =	vst v63  }
0x4d: {  	_ =	swait.ge [sflag:s12], $0x3200  }
0x4e: {  	[sflag:s12] =	ssyncset.done $0x0  }
0x4f: {  	[sflag:s12] =	ssyncadd.s32 $0xFFFFCE00  }
0x50: {  	[spmem:s1] =	stream.indirect.scatter.add.f32 [tilespmem:s3], [sflag:$0x5], $0x80, s21, s14, $0xb8;
	[tilespmem:$0x1C080] =	vst v63  }
0x51: {  	_ =	swait.ge [sflag:s12], $0x3200  }
0x52: {  	[sflag:s12] =	ssyncset.done $0x0  }
0x53: {  	[sflag:s12] =	ssyncadd.s32 $0xFFFFCE00  }
0x54: {  	[spmem:s1] =	stream.indirect.scatter.add.f32 [tilespmem:s3], [sflag:$0x5], $0x80, s22, s14, $0xb8;
	[tilespmem:$0x1C080] =	vst v63  }
0x55: {  	_ =	swait.ge [sflag:s12], $0x3200  }
0x56: {  	[sflag:s12] =	ssyncset.done $0x0  }
0x57: {  	[sflag:s12] =	ssyncadd.s32 $0xFFFFCE00  }
0x58: {  	[spmem:s1] =	stream.indirect.scatter.add.f32 [tilespmem:s3], [sflag:$0x5], $0x80, s23, s14, $0xb8;
	[tilespmem:$0x1C080] =	vst v63  }
0x59: {  	_ =	swait.ge [sflag:s12], $0x3200  }
0x5a: {  	[sflag:s12] =	ssyncset.done $0x0  }
0x5b: {  	[sflag:s12] =	ssyncadd.s32 $0xFFFFCE00  }
0x5c: {  	[spmem:s1] =	stream.indirect.scatter.add.f32 [tilespmem:s3], [sflag:$0x5], $0x80, s24, s14, $0xb8;
	[tilespmem:$0x1C080] =	vst v63  }
0x5d: {  	_ =	swait.ge [sflag:s12], $0x3200  }
0x5e: {  	[sflag:s12] =	ssyncset.done $0x0  }
0x5f: {  	[sflag:s12] =	ssyncadd.s32 $0xFFFFCE00  }
0x60: {  	[spmem:s1] =	stream.indirect.scatter.add.f32 [tilespmem:s3], [sflag:$0x5], $0x80, s25, s14, $0xb8;
	[tilespmem:$0x1C080] =	vst v63  }
0x61: {  	_ =	swait.ge [sflag:s12], $0x3200  }
0x62: {  	[sflag:s12] =	ssyncset.done $0x0  }
0x63: {  	[sflag:s12] =	ssyncadd.s32 $0xFFFFCE00  }
0x64: {  	[spmem:s1] =	stream.indirect.scatter.add.f32 [tilespmem:s3], [sflag:$0x5], $0x80, s26, s14, $0xb8;
	[tilespmem:$0x1C080] =	vst v63  }
0x65: {  	_ =	swait.ge [sflag:s12], $0x3200  }
0x66: {  	[sflag:s12] =	ssyncset.done $0x0  }
0x67: {  	[sflag:s12] =	ssyncadd.s32 $0xFFFFCE00  }
0x68: {  	[spmem:s1] =	stream.indirect.scatter.add.f32 [tilespmem:s3], [sflag:$0x5], $0x80, s28, s14, $0xb8;
	[tilespmem:$0x1C080] =	vst v63  }
0x69: {  	_ =	swait.ge [sflag:s12], $0x3200  }
0x6a: {  	[sflag:s12] =	ssyncset.done $0x0  }
0x6b: {  	[sflag:s12] =	ssyncadd.s32 $0xFFFFCE00  }
0x6c: {  	[spmem:s1] =	stream.indirect.scatter.add.f32 [tilespmem:s3], [sflag:$0x5], $0x80, s29, s14, $0xb8;
	[tilespmem:$0x1C080] =	vst v63  }
0x6d: {  	_ =	swait.ge [sflag:s12], $0x3200  }
0x6e: {  	[sflag:s12] =	ssyncset.done $0x0  }
0x6f: {  	[sflag:s12] =	ssyncadd.s32 $0xFFFFCE00  }
0x70: {  	[spmem:s1] =	stream.indirect.scatter.add.f32 [tilespmem:s3], [sflag:$0x5], $0x80, s30, s14, $0xb8;
	[tilespmem:$0x1C080] =	vst v63  }
0x71: {  	_ =	swait.ge [sflag:s12], $0x3200  }
0x72: {  	[sflag:s12] =	ssyncset.done $0x0  }
0x73: {  	[sflag:s12] =	ssyncadd.s32 $0xFFFFCE00  }
0x74: {  	[spmem:s1] =	stream.indirect.scatter.add.f32 [tilespmem:s3], [sflag:$0x5], $0x80, s31, s14, $0xb8;
	[tilespmem:$0x1C080] =	vst v63  }
0x75: {  	_ =	swait.ge [sflag:s12], $0x3200  }
0x76: {  	[sflag:s12] =	ssyncset.done $0x0  }
0x77: {  	[sflag:s12] =	ssyncadd.s32 $0xFFFFCE00  }
0x78: {  	[spmem:s1] =	stream.indirect.scatter.add.f32 [tilespmem:s3], [sflag:$0x5], $0x80, s19, s14, $0xb8;
	[tilespmem:$0x1C080] =	vst v63  }
0x79: {  	_ =	swait.ge [sflag:s12], $0x3200  }
0x7a: {  	[sflag:s12] =	ssyncset.done $0x0  }
0x7b: {  	s31 =	simm.s32 $0x1400;
	[sflag:s12] =	ssyncadd.s32 $0xFFFFCE00  }
0x7c: {  	[spmem:s1] =	stream.indirect.scatter.add.f32 [tilespmem:s3], [sflag:$0x5], $0x80, s31, s14, $0xb8;
	[tilespmem:$0x1C080] =	vst v63  }
0x7d: {  	_ =	swait.ge [sflag:s12], $0x3200  }
0x7e: {  	[sflag:s12] =	ssyncset.done $0x0  }
0x7f: {  	s6 =	simm.s32 $0x1480;
	[sflag:s12] =	ssyncadd.s32 $0xFFFFCE00  }
0x80: {  	[spmem:s1] =	stream.indirect.scatter.add.f32 [tilespmem:s3], [sflag:$0x5], $0x80, s6, s14, $0xb8;
	[tilespmem:$0x1C080] =	vst v63  }
0x81: {  	_ =	swait.ge [sflag:s12], $0x3200  }
0x82: {  	[sflag:s12] =	ssyncset.done $0x0  }
0x83: {  	s7 =	simm.s32 $0x1500;
	[sflag:s12] =	ssyncadd.s32 $0xFFFFCE00  }
0x84: {  	[spmem:s1] =	stream.indirect.scatter.add.f32 [tilespmem:s3], [sflag:$0x5], $0x80, s7, s14, $0xb8;
	[tilespmem:$0x1C080] =	vst v63  }
0x85: {  	_ =	swait.ge [sflag:s12], $0x3200  }
0x86: {  	[sflag:s12] =	ssyncset.done $0x0  }
0x87: {  	s8 =	simm.s32 $0x1580;
	[sflag:s12] =	ssyncadd.s32 $0xFFFFCE00  }
0x88: {  	[spmem:s1] =	stream.indirect.scatter.add.f32 [tilespmem:s3], [sflag:$0x5], $0x80, s8, s14, $0xb8;
	[tilespmem:$0x1C080] =	vst v63  }
0x89: {  	_ =	swait.ge [sflag:s12], $0x3200  }
0x8a: {  	[sflag:s12] =	ssyncset.done $0x0  }
0x8b: {  	[sflag:s12] =	ssyncadd.s32 $0xFFFFCE00  }
0x8c: {  	[bflag:$0x0] =	sbarrier.arrive $0xFFFF  }
0x8d: {  	s7 =	sld [smem:$0x7FC];
	_ =	sdelay $0x2  }
0x8e: {  	[tilespmem:s3], [sflag:$0x5] =	stream.linear.gather [spmem:s7], $0x2800, $0x38;
	[tilespmem:$0x1C080] =	vst v63  }
0x8f: {  	_ =	swait.ge [sflag:s12], $0x2800  }
0x90: {  	s9 =	sld [smem:$0x7EC]  }
0x91: {  	[sflag:s12] =	ssyncset.done $0x0  }
0x92: {  	[sflag:s12] =	ssyncadd.s32 $0xFFFFD800  }
0x93: {  	[hbm4b:s9+s2] =	stream.linear.scatter [tilespmem:s3], [sflag:$0x5], $0x2800, $0x38;
	[tilespmem:$0x1C080] =	vst v63  }
0x94: {  	_ =	swait.ge [sflag:s12], $0x2800  }
0x95: {  	s10 =	sld [smem:$0x7F6]  }
0x96: {  	[sflag:s12] =	ssyncset.done $0x0  }
0x97: {  	[sflag:s12] =	ssyncadd.s32 $0xFFFFD800  }
0x98: {  	[tilespmem:s3], [sflag:$0x5] =	stream.linear.gather [spmem:s10], $0x2800, $0x38;
	[tilespmem:$0x1C080] =	vst v63  }
0x99: {  	_ =	swait.ge [sflag:s12], $0x2800  }
0x9a: {  	s11 =	sld [smem:$0x7ED]  }
0x9b: {  	[sflag:s12] =	ssyncset.done $0x0  }
0x9c: {  	[sflag:s12] =	ssyncadd.s32 $0xFFFFD800  }
0x9d: {  	[hbm4b:s11+s2] =	stream.linear.scatter [tilespmem:s3], [sflag:$0x5], $0x2800, $0x38;
	[tilespmem:$0x1C080] =	vst v63  }
0x9e: {  	_ =	swait.ge [sflag:s12], $0x2800  }
0x9f: {  	s19 =	sld [smem:$0x7F7]  }
0xa0: {  	[sflag:s12] =	ssyncset.done $0x0  }
0xa1: {  	[sflag:s12] =	ssyncadd.s32 $0xFFFFD800  }
0xa2: {  	[tilespmem:s3], [sflag:$0x5] =	stream.linear.gather [spmem:s19], $0x2800, $0x38;
	[tilespmem:$0x1C080] =	vst v63  }
0xa3: {  	_ =	swait.ge [sflag:s12], $0x2800  }
0xa4: {  	s21 =	sld [smem:$0x7EE]  }
0xa5: {  	[sflag:s12] =	ssyncset.done $0x0  }
0xa6: {  	[sflag:s12] =	ssyncadd.s32 $0xFFFFD800  }
0xa7: {  	[hbm4b:s21+s2] =	stream.linear.scatter [tilespmem:s3], [sflag:$0x5], $0x2800, $0x38;
	[tilespmem:$0x1C080] =	vst v63  }
0xa8: {  	_ =	swait.ge [sflag:s12], $0x2800  }
0xa9: {  	s8 =	sld [smem:$0x7FD]  }
0xaa: {  	[sflag:s12] =	ssyncset.done $0x0  }
0xab: {  	[sflag:s12] =	ssyncadd.s32 $0xFFFFD800  }
0xac: {  	[tilespmem:s3], [sflag:$0x5] =	stream.linear.gather [spmem:s8], $0x2800, $0x38;
	[tilespmem:$0x1C080] =	vst v63  }
0xad: {  	_ =	swait.ge [sflag:s12], $0x2800  }
0xae: {  	s22 =	sld [smem:$0x7EF]  }
0xaf: {  	[sflag:s12] =	ssyncset.done $0x0  }
0xb0: {  	[sflag:s12] =	ssyncadd.s32 $0xFFFFD800  }
0xb1: {  	[hbm4b:s22+s2] =	stream.linear.scatter [tilespmem:s3], [sflag:$0x5], $0x2800, $0x38;
	[tilespmem:$0x1C080] =	vst v63  }
0xb2: {  	_ =	swait.ge [sflag:s12], $0x2800  }
0xb3: {  	s23 =	sld [smem:$0x7F8]  }
0xb4: {  	[sflag:s12] =	ssyncset.done $0x0  }
0xb5: {  	[sflag:s12] =	ssyncadd.s32 $0xFFFFD800  }
0xb6: {  	[tilespmem:s3], [sflag:$0x5] =	stream.linear.gather [spmem:s23], $0x2800, $0x38;
	[tilespmem:$0x1C080] =	vst v63  }
0xb7: {  	_ =	swait.ge [sflag:s12], $0x2800  }
0xb8: {  	s24 =	sld [smem:$0x7F0]  }
0xb9: {  	[sflag:s12] =	ssyncset.done $0x0  }
0xba: {  	[sflag:s12] =	ssyncadd.s32 $0xFFFFD800  }
0xbb: {  	[hbm4b:s24+s2] =	stream.linear.scatter [tilespmem:s3], [sflag:$0x5], $0x2800, $0x38;
	[tilespmem:$0x1C080] =	vst v63  }
0xbc: {  	_ =	swait.ge [sflag:s12], $0x2800  }
0xbd: {  	s25 =	sld [smem:$0x7F9]  }
0xbe: {  	[sflag:s12] =	ssyncset.done $0x0  }
0xbf: {  	[sflag:s12] =	ssyncadd.s32 $0xFFFFD800  }
0xc0: {  	[tilespmem:s3], [sflag:$0x5] =	stream.linear.gather [spmem:s25], $0x2800, $0x38;
	[tilespmem:$0x1C080] =	vst v63  }
0xc1: {  	_ =	swait.ge [sflag:s12], $0x2800  }
0xc2: {  	s26 =	sld [smem:$0x7F1]  }
0xc3: {  	[sflag:s12] =	ssyncset.done $0x0  }
0xc4: {  	[sflag:s12] =	ssyncadd.s32 $0xFFFFD800  }
0xc5: {  	[hbm4b:s26+s2] =	stream.linear.scatter [tilespmem:s3], [sflag:$0x5], $0x2800, $0x38;
	[tilespmem:$0x1C080] =	vst v63  }
0xc6: {  	_ =	swait.ge [sflag:s12], $0x2800  }
0xc7: {  	s28 =	sld [smem:$0x7FA]  }
0xc8: {  	[sflag:s12] =	ssyncset.done $0x0  }
0xc9: {  	[sflag:s12] =	ssyncadd.s32 $0xFFFFD800  }
0xca: {  	[tilespmem:s3], [sflag:$0x5] =	stream.linear.gather [spmem:s28], $0x2800, $0x38;
	[tilespmem:$0x1C080] =	vst v63  }
0xcb: {  	_ =	swait.ge [sflag:s12], $0x2800  }
0xcc: {  	s29 =	sld [smem:$0x7F2]  }
0xcd: {  	[sflag:s12] =	ssyncset.done $0x0  }
0xce: {  	[sflag:s12] =	ssyncadd.s32 $0xFFFFD800  }
0xcf: {  	[hbm4b:s29+s2] =	stream.linear.scatter [tilespmem:s3], [sflag:$0x5], $0x2800, $0x38;
	[tilespmem:$0x1C080] =	vst v63  }
0xd0: {  	_ =	swait.ge [sflag:s12], $0x2800  }
0xd1: {  	s30 =	sld [smem:$0x7FB]  }
0xd2: {  	[sflag:s12] =	ssyncset.done $0x0  }
0xd3: {  	[sflag:s12] =	ssyncadd.s32 $0xFFFFD800  }
0xd4: {  	[tilespmem:s3], [sflag:$0x5] =	stream.linear.gather [spmem:s30], $0x2800, $0x38;
	[tilespmem:$0x1C080] =	vst v63  }
0xd5: {  	_ =	swait.ge [sflag:s12], $0x2800  }
0xd6: {  	s31 =	sld [smem:$0x7F3]  }
0xd7: {  	[sflag:s12] =	ssyncset.done $0x0  }
0xd8: {  	[sflag:s12] =	ssyncadd.s32 $0xFFFFD800  }
0xd9: {  	[hbm4b:s31+s2] =	stream.linear.scatter [tilespmem:s3], [sflag:$0x5], $0x2800, $0x38;
	[tilespmem:$0x1C080] =	vst v63  }
0xda: {  	_ =	swait.ge [sflag:s12], $0x2800  }
0xdb: {  	[sflag:s12] =	ssyncset.done $0x0  }
0xdc: {  	s6 =	sld [smem:$0x7EB];
	[sflag:s12] =	ssyncadd.s32 $0xFFFFD800  }
.LBB2_13:
0xdd: {  	s5 =	sld [smem:$0x7F5];
	_ =	sdelay $0x1  }
0xde: {  	s6 =	sadd.s32 $0x1, s6  }
0xdf: {  	p0 =	sne.s32 s6, s5  }
.Ltmp1:
0xe0: {  	_ = 	snop;
	(pc) =	sbr.rel @!p0 .LBB2_14-.Ltmp1, $1  }
0xe1: {  	_ =	sdelay $0x3  }
.LBB2_1:
0xe2: {  	[smem:$0x7EB] =	sst s6;
	s5 =	simm.s32 $0x70;
	s6 =	simm.s32 $0x3C0  }
.LBB2_2:
0xe3: {  	p0 =	sne.s32 s6, $0x9FC0;
	[tilespmem:s5+$0x1800] =	vst v0  }
0xe4: {  	[tilespmem:s5+$0x1790] =	vst v0  }
0xe5: {  	[tilespmem:s5+$0x17A0] =	vst v0  }
.Ltmp2:
0xe6: {  	[tilespmem:s5+$0x17B0] =	vst v0;
	(pc) =	sbr.rel @p0 .LBB2_2-.Ltmp2, $4  }
0xe7: {  	[tilespmem:s5+$0x17C0] =	vst v0  }
0xe8: {  	[tilespmem:s5+$0x17D0] =	vst v0  }
0xe9: {  	[tilespmem:s5+$0x17E0] =	vst v0  }
0xea: {  	[tilespmem:s5+$0x17F0] =	vst v0;
	s5 =	sshra.s32 s6, $0x2;
	s6 =	sadd.s32 $0x200, s6  }
0xeb: {  	[tilespmem:s5+$0x1800] =	vst v0  }
0xec: {  	[tilespmem:s5+$0x1790] =	vst v0  }
0xed: {  	[tilespmem:s5+$0x17A0] =	vst v0  }
0xee: {  	[tilespmem:s5+$0x17B0] =	vst v0  }
0xef: {  	[tilespmem:s5+$0x17C0] =	vst v0  }
0xf0: {  	[tilespmem:s5+$0x17D0] =	vst v0  }
0xf1: {  	[tilespmem:s5+$0x17E0] =	vst v0  }
0xf2: {  	[tilespmem:s5+$0x17F0] =	vst v0  }
0xf3: {  	[spmem:s7] =	stream.linear.scatter [tilespmem:s3], [sflag:$0x5], $0x2800, $0x38;
	[tilespmem:$0x1C080] =	vst v63  }
0xf4: {  	_ =	swait.ge [sflag:s12], $0x2800  }
0xf5: {  	s11 =	sld [smem:$0x7F6]  }
0xf6: {  	[sflag:s12] =	ssyncset.done $0x0  }
0xf7: {  	[sflag:s12] =	ssyncadd.s32 $0xFFFFD800  }
0xf8: {  	[spmem:s11] =	stream.linear.scatter [tilespmem:s3], [sflag:$0x5], $0x2800, $0x38;
	[tilespmem:$0x1C080] =	vst v63  }
0xf9: {  	_ =	swait.ge [sflag:s12], $0x2800  }
0xfa: {  	s19 =	sld [smem:$0x7F7]  }
0xfb: {  	[sflag:s12] =	ssyncset.done $0x0  }
0xfc: {  	[sflag:s12] =	ssyncadd.s32 $0xFFFFD800  }
0xfd: {  	[spmem:s19] =	stream.linear.scatter [tilespmem:s3], [sflag:$0x5], $0x2800, $0x38;
	[tilespmem:$0x1C080] =	vst v63  }
0xfe: {  	_ =	swait.ge [sflag:s12], $0x2800  }
0xff: {  	[sflag:s12] =	ssyncset.done $0x0  }
0x100: {  	[sflag:s12] =	ssyncadd.s32 $0xFFFFD800  }
0x101: {  	[spmem:s8] =	stream.linear.scatter [tilespmem:s3], [sflag:$0x5], $0x2800, $0x38;
	[tilespmem:$0x1C080] =	vst v63  }
0x102: {  	_ =	swait.ge [sflag:s12], $0x2800  }
0x103: {  	s21 =	sld [smem:$0x7F8]  }
0x104: {  	[sflag:s12] =	ssyncset.done $0x0  }
0x105: {  	[sflag:s12] =	ssyncadd.s32 $0xFFFFD800  }
0x106: {  	[spmem:s21] =	stream.linear.scatter [tilespmem:s3], [sflag:$0x5], $0x2800, $0x38;
	[tilespmem:$0x1C080] =	vst v63  }
0x107: {  	_ =	swait.ge [sflag:s12], $0x2800  }
0x108: {  	s22 =	sld [smem:$0x7F9]  }
0x109: {  	[sflag:s12] =	ssyncset.done $0x0  }
0x10a: {  	[sflag:s12] =	ssyncadd.s32 $0xFFFFD800  }
0x10b: {  	[spmem:s22] =	stream.linear.scatter [tilespmem:s3], [sflag:$0x5], $0x2800, $0x38;
	[tilespmem:$0x1C080] =	vst v63  }
0x10c: {  	_ =	swait.ge [sflag:s12], $0x2800  }
0x10d: {  	s23 =	sld [smem:$0x7FA]  }
0x10e: {  	[sflag:s12] =	ssyncset.done $0x0  }
0x10f: {  	[sflag:s12] =	ssyncadd.s32 $0xFFFFD800  }
0x110: {  	[spmem:s23] =	stream.linear.scatter [tilespmem:s3], [sflag:$0x5], $0x2800, $0x38;
	[tilespmem:$0x1C080] =	vst v63  }
0x111: {  	_ =	swait.ge [sflag:s12], $0x2800  }
0x112: {  	s24 =	sld [smem:$0x7FB]  }
0x113: {  	[sflag:s12] =	ssyncset.done $0x0  }
0x114: {  	[sflag:s12] =	ssyncadd.s32 $0xFFFFD800  }
0x115: {  	[spmem:s24] =	stream.linear.scatter [tilespmem:s3], [sflag:$0x5], $0x2800, $0x38;
	[tilespmem:$0x1C080] =	vst v63  }
0x116: {  	_ =	swait.ge [sflag:s12], $0x2800  }
0x117: {  	s6 =	sld [smem:$0x7F4]  }
0x118: {  	[sflag:s12] =	ssyncset.done $0x0  }
0x119: {  	s25 =	simm.s32 $0x0;
	s26 =	simm.s32 $0x8000;
	[sflag:s12] =	ssyncadd.s32 $0xFFFFD800  }
0x11a: {  	[tilespmem:s26], [sflag:$0x5] =	stream.linear.gather [hbm4b:s6+s25], $0x80, $0x38;
	[tilespmem:$0x1C080] =	vst v63  }
0x11b: {  	_ =	swait.ge [sflag:s12], $0x80  }
0x11c: {  	[sflag:s12] =	ssyncset.done $0x0  }
0x11d: {  	[sflag:s12] =	ssyncadd.s32 $0xFFFFFF80  }
0x11e: {  	[bflag:$0x0] =	sbarrier.arrive $0xFFFF  }
0x11f: {  	s6 =	rddreg [dreg:$0x4]  }
0x120: {  	s5 =	sadd.s32 $0x0, s6  }
0x121: {  	[tilespmem:s2], [sflag:$0x5] =	stream.linear.gather [hbm4b:s5+s2], $0xA00, $0x38;
	[tilespmem:$0x1C080] =	vst v63  }
0x122: {  	_ =	swait.ge [sflag:s12], $0xA00  }
0x123: {  	[sflag:s12] =	ssyncset.done $0x0  }
0x124: {  	s7 =	sadd.s32 $0x0, s0;
	[sflag:s12] =	ssyncadd.s32 $0xFFFFF600  }
0x125: {  	[tilespmem:s13], [sflag:$0x5] =	stream.linear.gather [hbm4b:s7+s2], $0xA00, $0x38;
	[tilespmem:$0x1C080] =	vst v63  }
0x126: {  	_ =	swait.ge [sflag:s12], $0xA00  }
0x127: {  	[sflag:s12] =	ssyncset.done $0x0  }
0x128: {  	[sflag:s12] =	ssyncadd.s32 $0xFFFFF600  }
0x129: {  	[tilespmem:s3], [sflag:$0x1] =	stream.indirect.gather [hbm4b:s20+s14], $0x80, s2, s14, $0xb8;
	[tilespmem:$0x1C080] =	vst v63  }
0x12a: {  	_ =	swait.ge [sflag:s15], $0x3200  }
0x12b: {  	[sflag:s15] =	ssyncset.done $0x0  }
0x12c: {  	s8 =	rddreg [dreg:$0x5];
	[sflag:s15] =	ssyncadd.s32 $0xFFFFCE00  }
0x12d: {  	[tilespmem:s16], [sflag:$0x2] =	stream.indirect.gather [hbm4b:s20+s14], $0x80, s8, s14, $0xb8;
	[tilespmem:$0x1C080] =	vst v63  }
0x12e: {  	_ = 	snop  }
0x12f: {  	[spmem:s1] =	stream.indirect.scatter.add.f32 [tilespmem:s3], [sflag:$0x3], $0x80, s13, s14, $0xb8;
	[tilespmem:$0x1C080] =	vst v63  }
0x130: {  	_ =	swait.ge [sflag:s17], $0x3200  }
0x131: {  	[sflag:s17] =	ssyncset.done $0x0  }
0x132: {  	[sflag:s17] =	ssyncadd.s32 $0xFFFFCE00  }
0x133: {  	_ =	swait.ge [sflag:s18], $0x3200  }
0x134: {  	[sflag:s18] =	ssyncset.done $0x0  }
0x135: {  	s9 =	rddreg [dreg:$0x6];
	[sflag:s18] =	ssyncadd.s32 $0xFFFFCE00  }
0x136: {  	[tilespmem:s3], [sflag:$0x1] =	stream.indirect.gather [hbm4b:s20+s14], $0x80, s9, s14, $0xb8;
	[tilespmem:$0x1C080] =	vst v63  }
0x137: {  	s10 =	simm.s32 $0xC80  }
0x138: {  	[spmem:s1] =	stream.indirect.scatter.add.f32 [tilespmem:s16], [sflag:$0x4], $0x80, s10, s14, $0xb8;
	[tilespmem:$0x1C080] =	vst v63  }
0x139: {  	_ =	swait.ge [sflag:s4], $0x3200  }
0x13a: {  	[sflag:s4] =	ssyncset.done $0x0  }
0x13b: {  	[sflag:s4] =	ssyncadd.s32 $0xFFFFCE00  }
0x13c: {  	_ =	swait.ge [sflag:s15], $0x3200  }
0x13d: {  	[sflag:s15] =	ssyncset.done $0x0  }
0x13e: {  	s11 =	rddreg [dreg:$0x7];
	[sflag:s15] =	ssyncadd.s32 $0xFFFFCE00  }
0x13f: {  	[tilespmem:s16], [sflag:$0x2] =	stream.indirect.gather [hbm4b:s20+s14], $0x80, s11, s14, $0xb8;
	[tilespmem:$0x1C080] =	vst v63  }
0x140: {  	s9 =	simm.s32 $0xD00  }
0x141: {  	[spmem:s1] =	stream.indirect.scatter.add.f32 [tilespmem:s3], [sflag:$0x3], $0x80, s9, s14, $0xb8;
	[tilespmem:$0x1C080] =	vst v63  }
0x142: {  	_ =	swait.ge [sflag:s17], $0x3200  }
0x143: {  	[sflag:s17] =	ssyncset.done $0x0  }
0x144: {  	[sflag:s17] =	ssyncadd.s32 $0xFFFFCE00  }
0x145: {  	_ =	swait.ge [sflag:s18], $0x3200  }
0x146: {  	[sflag:s18] =	ssyncset.done $0x0  }
0x147: {  	s19 =	rddreg [dreg:$0x8];
	[sflag:s18] =	ssyncadd.s32 $0xFFFFCE00  }
0x148: {  	[tilespmem:s3], [sflag:$0x1] =	stream.indirect.gather [hbm4b:s20+s14], $0x80, s19, s14, $0xb8;
	[tilespmem:$0x1C080] =	vst v63  }
0x149: {  	s10 =	simm.s32 $0xD80  }
0x14a: {  	[spmem:s1] =	stream.indirect.scatter.add.f32 [tilespmem:s16], [sflag:$0x4], $0x80, s10, s14, $0xb8;
	[tilespmem:$0x1C080] =	vst v63  }
0x14b: {  	_ =	swait.ge [sflag:s4], $0x3200  }
0x14c: {  	[sflag:s4] =	ssyncset.done $0x0  }
0x14d: {  	[sflag:s4] =	ssyncadd.s32 $0xFFFFCE00  }
0x14e: {  	_ =	swait.ge [sflag:s15], $0x3200  }
0x14f: {  	[sflag:s15] =	ssyncset.done $0x0  }
0x150: {  	s21 =	rddreg [dreg:$0x9];
	[sflag:s15] =	ssyncadd.s32 $0xFFFFCE00  }
0x151: {  	[tilespmem:s16], [sflag:$0x2] =	stream.indirect.gather [hbm4b:s20+s14], $0x80, s21, s14, $0xb8;
	[tilespmem:$0x1C080] =	vst v63  }
0x152: {  	s11 =	simm.s32 $0xE00  }
0x153: {  	[spmem:s1] =	stream.indirect.scatter.add.f32 [tilespmem:s3], [sflag:$0x3], $0x80, s11, s14, $0xb8;
	[tilespmem:$0x1C080] =	vst v63  }
0x154: {  	_ =	swait.ge [sflag:s17], $0x3200  }
0x155: {  	[sflag:s17] =	ssyncset.done $0x0  }
0x156: {  	[sflag:s17] =	ssyncadd.s32 $0xFFFFCE00  }
0x157: {  	_ =	swait.ge [sflag:s18], $0x3200  }
0x158: {  	[sflag:s18] =	ssyncset.done $0x0  }
0x159: {  	s22 =	rddreg [dreg:$0xa];
	[sflag:s18] =	ssyncadd.s32 $0xFFFFCE00  }
0x15a: {  	[tilespmem:s3], [sflag:$0x1] =	stream.indirect.gather [hbm4b:s20+s14], $0x80, s22, s14, $0xb8;
	[tilespmem:$0x1C080] =	vst v63  }
0x15b: {  	s21 =	simm.s32 $0xE80  }
0x15c: {  	[spmem:s1] =	stream.indirect.scatter.add.f32 [tilespmem:s16], [sflag:$0x4], $0x80, s21, s14, $0xb8;
	[tilespmem:$0x1C080] =	vst v63  }
0x15d: {  	_ =	swait.ge [sflag:s4], $0x3200  }
0x15e: {  	[sflag:s4] =	ssyncset.done $0x0  }
0x15f: {  	[sflag:s4] =	ssyncadd.s32 $0xFFFFCE00  }
0x160: {  	_ =	swait.ge [sflag:s15], $0x3200  }
0x161: {  	[sflag:s15] =	ssyncset.done $0x0  }
0x162: {  	s23 =	rddreg [dreg:$0xb];
	[sflag:s15] =	ssyncadd.s32 $0xFFFFCE00  }
0x163: {  	[tilespmem:s16], [sflag:$0x2] =	stream.indirect.gather [hbm4b:s20+s14], $0x80, s23, s14, $0xb8;
	[tilespmem:$0x1C080] =	vst v63  }
0x164: {  	s22 =	simm.s32 $0xF00  }
0x165: {  	[spmem:s1] =	stream.indirect.scatter.add.f32 [tilespmem:s3], [sflag:$0x3], $0x80, s22, s14, $0xb8;
	[tilespmem:$0x1C080] =	vst v63  }
0x166: {  	_ =	swait.ge [sflag:s17], $0x3200  }
0x167: {  	[sflag:s17] =	ssyncset.done $0x0  }
0x168: {  	[sflag:s17] =	ssyncadd.s32 $0xFFFFCE00  }
0x169: {  	_ =	swait.ge [sflag:s18], $0x3200  }
0x16a: {  	[sflag:s18] =	ssyncset.done $0x0  }
0x16b: {  	s24 =	rddreg [dreg:$0xc];
	[sflag:s18] =	ssyncadd.s32 $0xFFFFCE00  }
0x16c: {  	[tilespmem:s3], [sflag:$0x1] =	stream.indirect.gather [hbm4b:s20+s14], $0x80, s24, s14, $0xb8;
	[tilespmem:$0x1C080] =	vst v63  }
0x16d: {  	s23 =	simm.s32 $0xF80  }
0x16e: {  	[spmem:s1] =	stream.indirect.scatter.add.f32 [tilespmem:s16], [sflag:$0x4], $0x80, s23, s14, $0xb8;
	[tilespmem:$0x1C080] =	vst v63  }
0x16f: {  	_ =	swait.ge [sflag:s4], $0x3200  }
0x170: {  	[sflag:s4] =	ssyncset.done $0x0  }
0x171: {  	[sflag:s4] =	ssyncadd.s32 $0xFFFFCE00  }
0x172: {  	_ =	swait.ge [sflag:s15], $0x3200  }
0x173: {  	[sflag:s15] =	ssyncset.done $0x0  }
0x174: {  	s25 =	rddreg [dreg:$0xd];
	[sflag:s15] =	ssyncadd.s32 $0xFFFFCE00  }
0x175: {  	[tilespmem:s16], [sflag:$0x2] =	stream.indirect.gather [hbm4b:s20+s14], $0x80, s25, s14, $0xb8;
	[tilespmem:$0x1C080] =	vst v63  }
0x176: {  	s24 =	simm.s32 $0x1000  }
0x177: {  	[spmem:s1] =	stream.indirect.scatter.add.f32 [tilespmem:s3], [sflag:$0x3], $0x80, s24, s14, $0xb8;
	[tilespmem:$0x1C080] =	vst v63  }
0x178: {  	_ =	swait.ge [sflag:s17], $0x3200  }
0x179: {  	[sflag:s17] =	ssyncset.done $0x0  }
0x17a: {  	[sflag:s17] =	ssyncadd.s32 $0xFFFFCE00  }
0x17b: {  	_ =	swait.ge [sflag:s18], $0x3200  }
0x17c: {  	[sflag:s18] =	ssyncset.done $0x0  }
0x17d: {  	s26 =	rddreg [dreg:$0xe];
	[sflag:s18] =	ssyncadd.s32 $0xFFFFCE00  }
0x17e: {  	[tilespmem:s3], [sflag:$0x1] =	stream.indirect.gather [hbm4b:s20+s14], $0x80, s26, s14, $0xb8;
	[tilespmem:$0x1C080] =	vst v63  }
0x17f: {  	s25 =	simm.s32 $0x1080  }
0x180: {  	[spmem:s1] =	stream.indirect.scatter.add.f32 [tilespmem:s16], [sflag:$0x4], $0x80, s25, s14, $0xb8;
	[tilespmem:$0x1C080] =	vst v63  }
0x181: {  	_ =	swait.ge [sflag:s4], $0x3200  }
0x182: {  	[sflag:s4] =	ssyncset.done $0x0  }
0x183: {  	[sflag:s4] =	ssyncadd.s32 $0xFFFFCE00  }
0x184: {  	_ =	swait.ge [sflag:s15], $0x3200  }
0x185: {  	[sflag:s15] =	ssyncset.done $0x0  }
0x186: {  	s6 =	rddreg [dreg:$0xf];
	[sflag:s15] =	ssyncadd.s32 $0xFFFFCE00  }
0x187: {  	[tilespmem:s16], [sflag:$0x2] =	stream.indirect.gather [hbm4b:s20+s14], $0x80, s6, s14, $0xb8;
	[tilespmem:$0x1C080] =	vst v63  }
0x188: {  	s26 =	simm.s32 $0x1100  }
0x189: {  	[spmem:s1] =	stream.indirect.scatter.add.f32 [tilespmem:s3], [sflag:$0x3], $0x80, s26, s14, $0xb8;
	[tilespmem:$0x1C080] =	vst v63  }
0x18a: {  	_ =	swait.ge [sflag:s17], $0x3200  }
0x18b: {  	[sflag:s17] =	ssyncset.done $0x0  }
0x18c: {  	[sflag:s17] =	ssyncadd.s32 $0xFFFFCE00  }
0x18d: {  	_ =	swait.ge [sflag:s18], $0x3200  }
0x18e: {  	[sflag:s18] =	ssyncset.done $0x0  }
0x18f: {  	s7 =	rddreg [dreg:$0x10];
	[sflag:s18] =	ssyncadd.s32 $0xFFFFCE00  }
0x190: {  	[tilespmem:s3], [sflag:$0x1] =	stream.indirect.gather [hbm4b:s20+s14], $0x80, s7, s14, $0xb8;
	[tilespmem:$0x1C080] =	vst v63  }
0x191: {  	s28 =	simm.s32 $0x1180  }
0x192: {  	[spmem:s1] =	stream.indirect.scatter.add.f32 [tilespmem:s16], [sflag:$0x4], $0x80, s28, s14, $0xb8;
	[tilespmem:$0x1C080] =	vst v63  }
0x193: {  	_ =	swait.ge [sflag:s4], $0x3200  }
0x194: {  	[sflag:s4] =	ssyncset.done $0x0  }
0x195: {  	[sflag:s4] =	ssyncadd.s32 $0xFFFFCE00  }
0x196: {  	_ =	swait.ge [sflag:s15], $0x3200  }
0x197: {  	[sflag:s15] =	ssyncset.done $0x0  }
0x198: {  	s8 =	rddreg [dreg:$0x11];
	[sflag:s15] =	ssyncadd.s32 $0xFFFFCE00  }
0x199: {  	[tilespmem:s16], [sflag:$0x2] =	stream.indirect.gather [hbm4b:s20+s14], $0x80, s8, s14, $0xb8;
	[tilespmem:$0x1C080] =	vst v63  }
0x19a: {  	s29 =	simm.s32 $0x1200  }
0x19b: {  	[spmem:s1] =	stream.indirect.scatter.add.f32 [tilespmem:s3], [sflag:$0x3], $0x80, s29, s14, $0xb8;
	[tilespmem:$0x1C080] =	vst v63  }
0x19c: {  	_ =	swait.ge [sflag:s17], $0x3200  }
0x19d: {  	[sflag:s17] =	ssyncset.done $0x0  }
0x19e: {  	[sflag:s17] =	ssyncadd.s32 $0xFFFFCE00  }
0x19f: {  	_ =	swait.ge [sflag:s18], $0x3200  }
0x1a0: {  	[sflag:s18] =	ssyncset.done $0x0  }
0x1a1: {  	s19 =	rddreg [dreg:$0x12];
	[sflag:s18] =	ssyncadd.s32 $0xFFFFCE00  }
0x1a2: {  	[tilespmem:s3], [sflag:$0x1] =	stream.indirect.gather [hbm4b:s20+s14], $0x80, s19, s14, $0xb8;
	[tilespmem:$0x1C080] =	vst v63  }
0x1a3: {  	s30 =	simm.s32 $0x1280  }
0x1a4: {  	[spmem:s1] =	stream.indirect.scatter.add.f32 [tilespmem:s16], [sflag:$0x4], $0x80, s30, s14, $0xb8;
	[tilespmem:$0x1C080] =	vst v63  }
0x1a5: {  	_ =	swait.ge [sflag:s4], $0x3200  }
0x1a6: {  	[sflag:s4] =	ssyncset.done $0x0  }
0x1a7: {  	[sflag:s4] =	ssyncadd.s32 $0xFFFFCE00  }
0x1a8: {  	_ =	swait.ge [sflag:s15], $0x3200  }
0x1a9: {  	[sflag:s15] =	ssyncset.done $0x0  }
0x1aa: {  	s6 =	rddreg [dreg:$0x13];
	[sflag:s15] =	ssyncadd.s32 $0xFFFFCE00  }
0x1ab: {  	[tilespmem:s16], [sflag:$0x2] =	stream.indirect.gather [hbm4b:s20+s14], $0x80, s6, s14, $0xb8;
	[tilespmem:$0x1C080] =	vst v63  }
0x1ac: {  	s31 =	simm.s32 $0x1300  }
0x1ad: {  	[spmem:s1] =	stream.indirect.scatter.add.f32 [tilespmem:s3], [sflag:$0x3], $0x80, s31, s14, $0xb8;
	[tilespmem:$0x1C080] =	vst v63  }
0x1ae: {  	_ =	swait.ge [sflag:s17], $0x3200  }
0x1af: {  	[sflag:s17] =	ssyncset.done $0x0  }
0x1b0: {  	[sflag:s17] =	ssyncadd.s32 $0xFFFFCE00  }
0x1b1: {  	_ =	swait.ge [sflag:s18], $0x3200  }
0x1b2: {  	[sflag:s18] =	ssyncset.done $0x0  }
0x1b3: {  	s7 =	rddreg [dreg:$0x14];
	[sflag:s18] =	ssyncadd.s32 $0xFFFFCE00  }
0x1b4: {  	[tilespmem:s3], [sflag:$0x1] =	stream.indirect.gather [hbm4b:s20+s14], $0x80, s7, s14, $0xb8;
	[tilespmem:$0x1C080] =	vst v63  }
0x1b5: {  	s19 =	simm.s32 $0x1380  }
0x1b6: {  	[spmem:s1] =	stream.indirect.scatter.add.f32 [tilespmem:s16], [sflag:$0x4], $0x80, s19, s14, $0xb8;
	[tilespmem:$0x1C080] =	vst v63  }
0x1b7: {  	_ =	swait.ge [sflag:s4], $0x3200  }
0x1b8: {  	[sflag:s4] =	ssyncset.done $0x0  }
0x1b9: {  	[sflag:s4] =	ssyncadd.s32 $0xFFFFCE00  }
0x1ba: {  	_ =	swait.ge [sflag:s15], $0x3200  }
0x1bb: {  	[sflag:s15] =	ssyncset.done $0x0  }
0x1bc: {  	s8 =	rddreg [dreg:$0x15];
	[sflag:s15] =	ssyncadd.s32 $0xFFFFCE00  }
0x1bd: {  	[tilespmem:s16], [sflag:$0x2] =	stream.indirect.gather [hbm4b:s20+s14], $0x80, s8, s14, $0xb8;
	[tilespmem:$0x1C080] =	vst v63  }
0x1be: {  	s6 =	simm.s32 $0x1400  }
0x1bf: {  	[spmem:s1] =	stream.indirect.scatter.add.f32 [tilespmem:s3], [sflag:$0x3], $0x80, s6, s14, $0xb8;
	[tilespmem:$0x1C080] =	vst v63  }
0x1c0: {  	_ =	swait.ge [sflag:s17], $0x3200  }
0x1c1: {  	[sflag:s17] =	ssyncset.done $0x0  }
0x1c2: {  	[sflag:s17] =	ssyncadd.s32 $0xFFFFCE00  }
0x1c3: {  	_ =	swait.ge [sflag:s18], $0x3200  }
0x1c4: {  	[sflag:s18] =	ssyncset.done $0x0  }
0x1c5: {  	s7 =	rddreg [dreg:$0x16];
	[sflag:s18] =	ssyncadd.s32 $0xFFFFCE00  }
0x1c6: {  	[tilespmem:s3], [sflag:$0x1] =	stream.indirect.gather [hbm4b:s20+s14], $0x80, s7, s14, $0xb8;
	[tilespmem:$0x1C080] =	vst v63  }
0x1c7: {  	s8 =	simm.s32 $0x1480  }
0x1c8: {  	[spmem:s1] =	stream.indirect.scatter.add.f32 [tilespmem:s16], [sflag:$0x4], $0x80, s8, s14, $0xb8;
	[tilespmem:$0x1C080] =	vst v63  }
0x1c9: {  	_ =	swait.ge [sflag:s4], $0x3200  }
0x1ca: {  	[sflag:s4] =	ssyncset.done $0x0  }
0x1cb: {  	[sflag:s4] =	ssyncadd.s32 $0xFFFFCE00  }
0x1cc: {  	_ =	swait.ge [sflag:s15], $0x3200  }
0x1cd: {  	[sflag:s15] =	ssyncset.done $0x0  }
0x1ce: {  	s6 =	rddreg [dreg:$0x17];
	[sflag:s15] =	ssyncadd.s32 $0xFFFFCE00  }
0x1cf: {  	[tilespmem:s16], [sflag:$0x2] =	stream.indirect.gather [hbm4b:s20+s14], $0x80, s6, s14, $0xb8;
	[tilespmem:$0x1C080] =	vst v63  }
0x1d0: {  	s7 =	simm.s32 $0x1500  }
0x1d1: {  	[spmem:s1] =	stream.indirect.scatter.add.f32 [tilespmem:s3], [sflag:$0x3], $0x80, s7, s14, $0xb8;
	[tilespmem:$0x1C080] =	vst v63  }
0x1d2: {  	_ =	swait.ge [sflag:s17], $0x3200  }
0x1d3: {  	[sflag:s17] =	ssyncset.done $0x0  }
0x1d4: {  	[sflag:s17] =	ssyncadd.s32 $0xFFFFCE00  }
0x1d5: {  	_ =	swait.ge [sflag:s18], $0x3200  }
0x1d6: {  	[sflag:s18] =	ssyncset.done $0x0  }
0x1d7: {  	s8 =	simm.s32 $0x1580;
	[sflag:s18] =	ssyncadd.s32 $0xFFFFCE00  }
0x1d8: {  	[spmem:s1] =	stream.indirect.scatter.add.f32 [tilespmem:s16], [sflag:$0x4], $0x80, s8, s14, $0xb8;
	[tilespmem:$0x1C080] =	vst v63  }
0x1d9: {  	s5 =	simm.s32 $0x180;
	_ =	swait.ge [sflag:s4], $0x3200  }
0x1da: {  	s6 =	simm.s32 $0x300;
	s7 =	rddreg [dreg:$0x4];
	[sflag:s4] =	ssyncset.done $0x0  }
.LBB2_4:
0x1db: {  	[sflag:s4] =	ssyncadd.s32 $0xFFFFCE00;
	s7 =	sadd.s32 s5, s7  }
0x1dc: {  	[tilespmem:s2], [sflag:$0x5] =	stream.linear.gather [hbm4b:s7+s2], $0xA00, $0x38;
	[tilespmem:$0x1C080] =	vst v63  }
0x1dd: {  	_ =	swait.ge [sflag:s12], $0xA00  }
0x1de: {  	[sflag:s12] =	ssyncset.done $0x0  }
0x1df: {  	s7 =	sadd.s32 s5, s0;
	[sflag:s12] =	ssyncadd.s32 $0xFFFFF600  }
0x1e0: {  	[tilespmem:s13], [sflag:$0x5] =	stream.linear.gather [hbm4b:s7+s2], $0xA00, $0x38;
	[tilespmem:$0x1C080] =	vst v63  }
0x1e1: {  	_ =	swait.ge [sflag:s12], $0xA00  }
0x1e2: {  	[sflag:s12] =	ssyncset.done $0x0  }
0x1e3: {  	[sflag:s12] =	ssyncadd.s32 $0xFFFFF600  }
0x1e4: {  	[tilespmem:s3], [sflag:$0x1] =	stream.indirect.gather [hbm4b:s20+s14], $0x80, s2, s14, $0xb8;
	[tilespmem:$0x1C080] =	vst v63  }
0x1e5: {  	_ =	swait.ge [sflag:s15], $0x3200  }
0x1e6: {  	[sflag:s15] =	ssyncset.done $0x0  }
0x1e7: {  	s7 =	rddreg [dreg:$0x5];
	[sflag:s15] =	ssyncadd.s32 $0xFFFFCE00  }
0x1e8: {  	[tilespmem:s16], [sflag:$0x2] =	stream.indirect.gather [hbm4b:s20+s14], $0x80, s7, s14, $0xb8;
	[tilespmem:$0x1C080] =	vst v63  }
0x1e9: {  	_ = 	snop  }
0x1ea: {  	[spmem:s1] =	stream.indirect.scatter.add.f32 [tilespmem:s3], [sflag:$0x3], $0x80, s13, s14, $0xb8;
	[tilespmem:$0x1C080] =	vst v63  }
0x1eb: {  	_ =	swait.ge [sflag:s17], $0x3200  }
0x1ec: {  	[sflag:s17] =	ssyncset.done $0x0  }
0x1ed: {  	[sflag:s17] =	ssyncadd.s32 $0xFFFFCE00  }
0x1ee: {  	_ =	swait.ge [sflag:s18], $0x3200  }
0x1ef: {  	[sflag:s18] =	ssyncset.done $0x0  }
0x1f0: {  	s8 =	smov.u32 s6;
	s7 =	rddreg [dreg:$0x6];
	[sflag:s18] =	ssyncadd.s32 $0xFFFFCE00  }
0x1f1: {  	[tilespmem:s3], [sflag:$0x1] =	stream.indirect.gather [hbm4b:s20+s14], $0x80, s7, s14, $0xb8;
	[tilespmem:$0x1C080] =	vst v63  }
0x1f2: {  	s5 =	smov.u32 s8;
	s8 =	simm.s32 $0xC80  }
0x1f3: {  	[spmem:s1] =	stream.indirect.scatter.add.f32 [tilespmem:s16], [sflag:$0x4], $0x80, s8, s14, $0xb8;
	[tilespmem:$0x1C080] =	vst v63  }
0x1f4: {  	_ =	swait.ge [sflag:s4], $0x3200  }
0x1f5: {  	[sflag:s4] =	ssyncset.done $0x0  }
0x1f6: {  	[sflag:s4] =	ssyncadd.s32 $0xFFFFCE00  }
0x1f7: {  	_ =	swait.ge [sflag:s15], $0x3200  }
0x1f8: {  	[sflag:s15] =	ssyncset.done $0x0  }
0x1f9: {  	s7 =	rddreg [dreg:$0x7];
	[sflag:s15] =	ssyncadd.s32 $0xFFFFCE00  }
0x1fa: {  	[tilespmem:s16], [sflag:$0x2] =	stream.indirect.gather [hbm4b:s20+s14], $0x80, s7, s14, $0xb8;
	[tilespmem:$0x1C080] =	vst v63  }
0x1fb: {  	_ = 	snop  }
0x1fc: {  	[spmem:s1] =	stream.indirect.scatter.add.f32 [tilespmem:s3], [sflag:$0x3], $0x80, s9, s14, $0xb8;
	[tilespmem:$0x1C080] =	vst v63  }
0x1fd: {  	_ =	swait.ge [sflag:s17], $0x3200  }
0x1fe: {  	[sflag:s17] =	ssyncset.done $0x0  }
0x1ff: {  	[sflag:s17] =	ssyncadd.s32 $0xFFFFCE00  }
0x200: {  	_ =	swait.ge [sflag:s18], $0x3200  }
0x201: {  	[sflag:s18] =	ssyncset.done $0x0  }
0x202: {  	s7 =	rddreg [dreg:$0x8];
	[sflag:s18] =	ssyncadd.s32 $0xFFFFCE00  }
0x203: {  	[tilespmem:s3], [sflag:$0x1] =	stream.indirect.gather [hbm4b:s20+s14], $0x80, s7, s14, $0xb8;
	[tilespmem:$0x1C080] =	vst v63  }
0x204: {  	_ = 	snop  }
0x205: {  	[spmem:s1] =	stream.indirect.scatter.add.f32 [tilespmem:s16], [sflag:$0x4], $0x80, s10, s14, $0xb8;
	[tilespmem:$0x1C080] =	vst v63  }
0x206: {  	_ =	swait.ge [sflag:s4], $0x3200  }
0x207: {  	[sflag:s4] =	ssyncset.done $0x0  }
0x208: {  	[sflag:s4] =	ssyncadd.s32 $0xFFFFCE00  }
0x209: {  	_ =	swait.ge [sflag:s15], $0x3200  }
0x20a: {  	[sflag:s15] =	ssyncset.done $0x0  }
0x20b: {  	s7 =	rddreg [dreg:$0x9];
	[sflag:s15] =	ssyncadd.s32 $0xFFFFCE00  }
0x20c: {  	[tilespmem:s16], [sflag:$0x2] =	stream.indirect.gather [hbm4b:s20+s14], $0x80, s7, s14, $0xb8;
	[tilespmem:$0x1C080] =	vst v63  }
0x20d: {  	_ = 	snop  }
0x20e: {  	[spmem:s1] =	stream.indirect.scatter.add.f32 [tilespmem:s3], [sflag:$0x3], $0x80, s11, s14, $0xb8;
	[tilespmem:$0x1C080] =	vst v63  }
0x20f: {  	_ =	swait.ge [sflag:s17], $0x3200  }
0x210: {  	[sflag:s17] =	ssyncset.done $0x0  }
0x211: {  	[sflag:s17] =	ssyncadd.s32 $0xFFFFCE00  }
0x212: {  	_ =	swait.ge [sflag:s18], $0x3200  }
0x213: {  	[sflag:s18] =	ssyncset.done $0x0  }
0x214: {  	s7 =	rddreg [dreg:$0xa];
	[sflag:s18] =	ssyncadd.s32 $0xFFFFCE00  }
0x215: {  	[tilespmem:s3], [sflag:$0x1] =	stream.indirect.gather [hbm4b:s20+s14], $0x80, s7, s14, $0xb8;
	[tilespmem:$0x1C080] =	vst v63  }
0x216: {  	_ = 	snop  }
0x217: {  	[spmem:s1] =	stream.indirect.scatter.add.f32 [tilespmem:s16], [sflag:$0x4], $0x80, s21, s14, $0xb8;
	[tilespmem:$0x1C080] =	vst v63  }
0x218: {  	_ =	swait.ge [sflag:s4], $0x3200  }
0x219: {  	[sflag:s4] =	ssyncset.done $0x0  }
0x21a: {  	[sflag:s4] =	ssyncadd.s32 $0xFFFFCE00  }
0x21b: {  	_ =	swait.ge [sflag:s15], $0x3200  }
0x21c: {  	[sflag:s15] =	ssyncset.done $0x0  }
0x21d: {  	s7 =	rddreg [dreg:$0xb];
	[sflag:s15] =	ssyncadd.s32 $0xFFFFCE00  }
0x21e: {  	[tilespmem:s16], [sflag:$0x2] =	stream.indirect.gather [hbm4b:s20+s14], $0x80, s7, s14, $0xb8;
	[tilespmem:$0x1C080] =	vst v63  }
0x21f: {  	_ = 	snop  }
0x220: {  	[spmem:s1] =	stream.indirect.scatter.add.f32 [tilespmem:s3], [sflag:$0x3], $0x80, s22, s14, $0xb8;
	[tilespmem:$0x1C080] =	vst v63  }
0x221: {  	_ =	swait.ge [sflag:s17], $0x3200  }
0x222: {  	[sflag:s17] =	ssyncset.done $0x0  }
0x223: {  	[sflag:s17] =	ssyncadd.s32 $0xFFFFCE00  }
0x224: {  	_ =	swait.ge [sflag:s18], $0x3200  }
0x225: {  	[sflag:s18] =	ssyncset.done $0x0  }
0x226: {  	s7 =	rddreg [dreg:$0xc];
	[sflag:s18] =	ssyncadd.s32 $0xFFFFCE00  }
0x227: {  	[tilespmem:s3], [sflag:$0x1] =	stream.indirect.gather [hbm4b:s20+s14], $0x80, s7, s14, $0xb8;
	[tilespmem:$0x1C080] =	vst v63  }
0x228: {  	_ = 	snop  }
0x229: {  	[spmem:s1] =	stream.indirect.scatter.add.f32 [tilespmem:s16], [sflag:$0x4], $0x80, s23, s14, $0xb8;
	[tilespmem:$0x1C080] =	vst v63  }
0x22a: {  	_ =	swait.ge [sflag:s4], $0x3200  }
0x22b: {  	[sflag:s4] =	ssyncset.done $0x0  }
0x22c: {  	[sflag:s4] =	ssyncadd.s32 $0xFFFFCE00  }
0x22d: {  	_ =	swait.ge [sflag:s15], $0x3200  }
0x22e: {  	[sflag:s15] =	ssyncset.done $0x0  }
0x22f: {  	s7 =	rddreg [dreg:$0xd];
	[sflag:s15] =	ssyncadd.s32 $0xFFFFCE00  }
0x230: {  	[tilespmem:s16], [sflag:$0x2] =	stream.indirect.gather [hbm4b:s20+s14], $0x80, s7, s14, $0xb8;
	[tilespmem:$0x1C080] =	vst v63  }
0x231: {  	_ = 	snop  }
0x232: {  	[spmem:s1] =	stream.indirect.scatter.add.f32 [tilespmem:s3], [sflag:$0x3], $0x80, s24, s14, $0xb8;
	[tilespmem:$0x1C080] =	vst v63  }
0x233: {  	_ =	swait.ge [sflag:s17], $0x3200  }
0x234: {  	[sflag:s17] =	ssyncset.done $0x0  }
0x235: {  	[sflag:s17] =	ssyncadd.s32 $0xFFFFCE00  }
0x236: {  	_ =	swait.ge [sflag:s18], $0x3200  }
0x237: {  	[sflag:s18] =	ssyncset.done $0x0  }
0x238: {  	s7 =	rddreg [dreg:$0xe];
	[sflag:s18] =	ssyncadd.s32 $0xFFFFCE00  }
0x239: {  	[tilespmem:s3], [sflag:$0x1] =	stream.indirect.gather [hbm4b:s20+s14], $0x80, s7, s14, $0xb8;
	[tilespmem:$0x1C080] =	vst v63  }
0x23a: {  	_ = 	snop  }
0x23b: {  	[spmem:s1] =	stream.indirect.scatter.add.f32 [tilespmem:s16], [sflag:$0x4], $0x80, s25, s14, $0xb8;
	[tilespmem:$0x1C080] =	vst v63  }
0x23c: {  	_ =	swait.ge [sflag:s4], $0x3200  }
0x23d: {  	[sflag:s4] =	ssyncset.done $0x0  }
0x23e: {  	[sflag:s4] =	ssyncadd.s32 $0xFFFFCE00  }
0x23f: {  	_ =	swait.ge [sflag:s15], $0x3200  }
0x240: {  	[sflag:s15] =	ssyncset.done $0x0  }
0x241: {  	s7 =	rddreg [dreg:$0xf];
	[sflag:s15] =	ssyncadd.s32 $0xFFFFCE00  }
0x242: {  	[tilespmem:s16], [sflag:$0x2] =	stream.indirect.gather [hbm4b:s20+s14], $0x80, s7, s14, $0xb8;
	[tilespmem:$0x1C080] =	vst v63  }
0x243: {  	_ = 	snop  }
0x244: {  	[spmem:s1] =	stream.indirect.scatter.add.f32 [tilespmem:s3], [sflag:$0x3], $0x80, s26, s14, $0xb8;
	[tilespmem:$0x1C080] =	vst v63  }
0x245: {  	_ =	swait.ge [sflag:s17], $0x3200  }
0x246: {  	[sflag:s17] =	ssyncset.done $0x0  }
0x247: {  	[sflag:s17] =	ssyncadd.s32 $0xFFFFCE00  }
0x248: {  	_ =	swait.ge [sflag:s18], $0x3200  }
0x249: {  	[sflag:s18] =	ssyncset.done $0x0  }
0x24a: {  	s7 =	rddreg [dreg:$0x10];
	[sflag:s18] =	ssyncadd.s32 $0xFFFFCE00  }
0x24b: {  	[tilespmem:s3], [sflag:$0x1] =	stream.indirect.gather [hbm4b:s20+s14], $0x80, s7, s14, $0xb8;
	[tilespmem:$0x1C080] =	vst v63  }
0x24c: {  	_ = 	snop  }
0x24d: {  	[spmem:s1] =	stream.indirect.scatter.add.f32 [tilespmem:s16], [sflag:$0x4], $0x80, s28, s14, $0xb8;
	[tilespmem:$0x1C080] =	vst v63  }
0x24e: {  	_ =	swait.ge [sflag:s4], $0x3200  }
0x24f: {  	[sflag:s4] =	ssyncset.done $0x0  }
0x250: {  	[sflag:s4] =	ssyncadd.s32 $0xFFFFCE00  }
0x251: {  	_ =	swait.ge [sflag:s15], $0x3200  }
0x252: {  	[sflag:s15] =	ssyncset.done $0x0  }
0x253: {  	s7 =	rddreg [dreg:$0x11];
	[sflag:s15] =	ssyncadd.s32 $0xFFFFCE00  }
0x254: {  	[tilespmem:s16], [sflag:$0x2] =	stream.indirect.gather [hbm4b:s20+s14], $0x80, s7, s14, $0xb8;
	[tilespmem:$0x1C080] =	vst v63  }
0x255: {  	_ = 	snop  }
0x256: {  	[spmem:s1] =	stream.indirect.scatter.add.f32 [tilespmem:s3], [sflag:$0x3], $0x80, s29, s14, $0xb8;
	[tilespmem:$0x1C080] =	vst v63  }
0x257: {  	_ =	swait.ge [sflag:s17], $0x3200  }
0x258: {  	[sflag:s17] =	ssyncset.done $0x0  }
0x259: {  	[sflag:s17] =	ssyncadd.s32 $0xFFFFCE00  }
0x25a: {  	_ =	swait.ge [sflag:s18], $0x3200  }
0x25b: {  	[sflag:s18] =	ssyncset.done $0x0  }
0x25c: {  	s7 =	rddreg [dreg:$0x12];
	[sflag:s18] =	ssyncadd.s32 $0xFFFFCE00  }
0x25d: {  	[tilespmem:s3], [sflag:$0x1] =	stream.indirect.gather [hbm4b:s20+s14], $0x80, s7, s14, $0xb8;
	[tilespmem:$0x1C080] =	vst v63  }
0x25e: {  	_ = 	snop  }
0x25f: {  	[spmem:s1] =	stream.indirect.scatter.add.f32 [tilespmem:s16], [sflag:$0x4], $0x80, s30, s14, $0xb8;
	[tilespmem:$0x1C080] =	vst v63  }
0x260: {  	_ =	swait.ge [sflag:s4], $0x3200  }
0x261: {  	[sflag:s4] =	ssyncset.done $0x0  }
0x262: {  	[sflag:s4] =	ssyncadd.s32 $0xFFFFCE00  }
0x263: {  	_ =	swait.ge [sflag:s15], $0x3200  }
0x264: {  	[sflag:s15] =	ssyncset.done $0x0  }
0x265: {  	s7 =	rddreg [dreg:$0x13];
	[sflag:s15] =	ssyncadd.s32 $0xFFFFCE00  }
0x266: {  	[tilespmem:s16], [sflag:$0x2] =	stream.indirect.gather [hbm4b:s20+s14], $0x80, s7, s14, $0xb8;
	[tilespmem:$0x1C080] =	vst v63  }
0x267: {  	_ = 	snop  }
0x268: {  	[spmem:s1] =	stream.indirect.scatter.add.f32 [tilespmem:s3], [sflag:$0x3], $0x80, s31, s14, $0xb8;
	[tilespmem:$0x1C080] =	vst v63  }
0x269: {  	_ =	swait.ge [sflag:s17], $0x3200  }
0x26a: {  	[sflag:s17] =	ssyncset.done $0x0  }
0x26b: {  	[sflag:s17] =	ssyncadd.s32 $0xFFFFCE00  }
0x26c: {  	_ =	swait.ge [sflag:s18], $0x3200  }
0x26d: {  	[sflag:s18] =	ssyncset.done $0x0  }
0x26e: {  	s7 =	rddreg [dreg:$0x14];
	[sflag:s18] =	ssyncadd.s32 $0xFFFFCE00  }
0x26f: {  	[tilespmem:s3], [sflag:$0x1] =	stream.indirect.gather [hbm4b:s20+s14], $0x80, s7, s14, $0xb8;
	[tilespmem:$0x1C080] =	vst v63  }
0x270: {  	_ = 	snop  }
0x271: {  	[spmem:s1] =	stream.indirect.scatter.add.f32 [tilespmem:s16], [sflag:$0x4], $0x80, s19, s14, $0xb8;
	[tilespmem:$0x1C080] =	vst v63  }
0x272: {  	_ =	swait.ge [sflag:s4], $0x3200  }
0x273: {  	[sflag:s4] =	ssyncset.done $0x0  }
0x274: {  	[sflag:s4] =	ssyncadd.s32 $0xFFFFCE00  }
0x275: {  	_ =	swait.ge [sflag:s15], $0x3200  }
0x276: {  	[sflag:s15] =	ssyncset.done $0x0  }
0x277: {  	s7 =	rddreg [dreg:$0x15];
	[sflag:s15] =	ssyncadd.s32 $0xFFFFCE00  }
0x278: {  	[tilespmem:s16], [sflag:$0x2] =	stream.indirect.gather [hbm4b:s20+s14], $0x80, s7, s14, $0xb8;
	[tilespmem:$0x1C080] =	vst v63  }
0x279: {  	s7 =	simm.s32 $0x1400  }
0x27a: {  	[spmem:s1] =	stream.indirect.scatter.add.f32 [tilespmem:s3], [sflag:$0x3], $0x80, s7, s14, $0xb8;
	[tilespmem:$0x1C080] =	vst v63  }
0x27b: {  	_ =	swait.ge [sflag:s17], $0x3200  }
0x27c: {  	[sflag:s17] =	ssyncset.done $0x0  }
0x27d: {  	[sflag:s17] =	ssyncadd.s32 $0xFFFFCE00  }
0x27e: {  	_ =	swait.ge [sflag:s18], $0x3200  }
0x27f: {  	[sflag:s18] =	ssyncset.done $0x0  }
0x280: {  	s7 =	rddreg [dreg:$0x16];
	[sflag:s18] =	ssyncadd.s32 $0xFFFFCE00  }
0x281: {  	[tilespmem:s3], [sflag:$0x1] =	stream.indirect.gather [hbm4b:s20+s14], $0x80, s7, s14, $0xb8;
	[tilespmem:$0x1C080] =	vst v63  }
0x282: {  	s7 =	simm.s32 $0x1480  }
0x283: {  	[spmem:s1] =	stream.indirect.scatter.add.f32 [tilespmem:s16], [sflag:$0x4], $0x80, s7, s14, $0xb8;
	[tilespmem:$0x1C080] =	vst v63  }
0x284: {  	_ =	swait.ge [sflag:s4], $0x3200  }
0x285: {  	[sflag:s4] =	ssyncset.done $0x0  }
0x286: {  	[sflag:s4] =	ssyncadd.s32 $0xFFFFCE00  }
0x287: {  	_ =	swait.ge [sflag:s15], $0x3200  }
0x288: {  	[sflag:s15] =	ssyncset.done $0x0  }
0x289: {  	s7 =	rddreg [dreg:$0x17];
	[sflag:s15] =	ssyncadd.s32 $0xFFFFCE00  }
0x28a: {  	[tilespmem:s16], [sflag:$0x2] =	stream.indirect.gather [hbm4b:s20+s14], $0x80, s7, s14, $0xb8;
	[tilespmem:$0x1C080] =	vst v63  }
0x28b: {  	s7 =	simm.s32 $0x1500  }
0x28c: {  	[spmem:s1] =	stream.indirect.scatter.add.f32 [tilespmem:s3], [sflag:$0x3], $0x80, s7, s14, $0xb8;
	[tilespmem:$0x1C080] =	vst v63  }
0x28d: {  	_ =	swait.ge [sflag:s17], $0x3200  }
0x28e: {  	[sflag:s17] =	ssyncset.done $0x0  }
0x28f: {  	[sflag:s17] =	ssyncadd.s32 $0xFFFFCE00  }
0x290: {  	p0 =	sne.s32 s6, $0x600;
	_ =	swait.ge [sflag:s18], $0x3200  }
.Ltmp3:
0x291: {  	[sflag:s18] =	ssyncset.done $0x0;
	(pc) =	sbr.rel @p0 .LBB2_4-.Ltmp3, $4  }
0x292: {  	s7 =	simm.s32 $0x1580;
	[sflag:s18] =	ssyncadd.s32 $0xFFFFCE00  }
0x293: {  	[spmem:s1] =	stream.indirect.scatter.add.f32 [tilespmem:s16], [sflag:$0x4], $0x80, s7, s14, $0xb8;
	[tilespmem:$0x1C080] =	vst v63  }
0x294: {  	_ =	swait.ge [sflag:s4], $0x3200  }
0x295: {  	s6 =	sadd.s32 $0x180, s6;
	s7 =	rddreg [dreg:$0x4];
	[sflag:s4] =	ssyncset.done $0x0  }
0x296: {  	[sflag:s4] =	ssyncadd.s32 $0xFFFFCE00;
	s6 =	sadd.s32 s5, s7  }
0x297: {  	[tilespmem:s2], [sflag:$0x5] =	stream.linear.gather [hbm4b:s6+s2], $0xA00, $0x38;
	[tilespmem:$0x1C080] =	vst v63  }
0x298: {  	_ =	swait.ge [sflag:s12], $0xA00  }
0x299: {  	[sflag:s12] =	ssyncset.done $0x0  }
0x29a: {  	s7 =	sadd.s32 s5, s0;
	[sflag:s12] =	ssyncadd.s32 $0xFFFFF600  }
0x29b: {  	[tilespmem:s13], [sflag:$0x5] =	stream.linear.gather [hbm4b:s7+s2], $0xA00, $0x38;
	[tilespmem:$0x1C080] =	vst v63  }
0x29c: {  	_ =	swait.ge [sflag:s12], $0xA00  }
0x29d: {  	[sflag:s12] =	ssyncset.done $0x0  }
0x29e: {  	[sflag:s12] =	ssyncadd.s32 $0xFFFFF600  }
0x29f: {  	[tilespmem:s3], [sflag:$0x1] =	stream.indirect.gather [hbm4b:s20+s14], $0x80, s2, s14, $0xb8;
	[tilespmem:$0x1C080] =	vst v63  }
0x2a0: {  	_ =	swait.ge [sflag:s15], $0x3200  }
0x2a1: {  	[sflag:s15] =	ssyncset.done $0x0  }
0x2a2: {  	s6 =	rddreg [dreg:$0x5];
	[sflag:s15] =	ssyncadd.s32 $0xFFFFCE00  }
0x2a3: {  	[tilespmem:s16], [sflag:$0x2] =	stream.indirect.gather [hbm4b:s20+s14], $0x80, s6, s14, $0xb8;
	[tilespmem:$0x1C080] =	vst v63  }
0x2a4: {  	_ = 	snop  }
0x2a5: {  	[spmem:s1] =	stream.indirect.scatter.add.f32 [tilespmem:s3], [sflag:$0x3], $0x80, s13, s14, $0xb8;
	[tilespmem:$0x1C080] =	vst v63  }
0x2a6: {  	_ =	swait.ge [sflag:s17], $0x3200  }
0x2a7: {  	[sflag:s17] =	ssyncset.done $0x0  }
0x2a8: {  	[sflag:s17] =	ssyncadd.s32 $0xFFFFCE00  }
0x2a9: {  	_ =	swait.ge [sflag:s18], $0x3200  }
0x2aa: {  	[sflag:s18] =	ssyncset.done $0x0  }
0x2ab: {  	s7 =	rddreg [dreg:$0x6];
	[sflag:s18] =	ssyncadd.s32 $0xFFFFCE00  }
0x2ac: {  	[tilespmem:s3], [sflag:$0x1] =	stream.indirect.gather [hbm4b:s20+s14], $0x80, s7, s14, $0xb8;
	[tilespmem:$0x1C080] =	vst v63  }
0x2ad: {  	_ = 	snop  }
0x2ae: {  	[spmem:s1] =	stream.indirect.scatter.add.f32 [tilespmem:s16], [sflag:$0x4], $0x80, s8, s14, $0xb8;
	[tilespmem:$0x1C080] =	vst v63  }
0x2af: {  	_ =	swait.ge [sflag:s4], $0x3200  }
0x2b0: {  	[sflag:s4] =	ssyncset.done $0x0  }
0x2b1: {  	[sflag:s4] =	ssyncadd.s32 $0xFFFFCE00  }
0x2b2: {  	_ =	swait.ge [sflag:s15], $0x3200  }
0x2b3: {  	[sflag:s15] =	ssyncset.done $0x0  }
0x2b4: {  	s8 =	rddreg [dreg:$0x7];
	[sflag:s15] =	ssyncadd.s32 $0xFFFFCE00  }
0x2b5: {  	[tilespmem:s16], [sflag:$0x2] =	stream.indirect.gather [hbm4b:s20+s14], $0x80, s8, s14, $0xb8;
	[tilespmem:$0x1C080] =	vst v63  }
0x2b6: {  	_ = 	snop  }
0x2b7: {  	[spmem:s1] =	stream.indirect.scatter.add.f32 [tilespmem:s3], [sflag:$0x3], $0x80, s9, s14, $0xb8;
	[tilespmem:$0x1C080] =	vst v63  }
0x2b8: {  	_ =	swait.ge [sflag:s17], $0x3200  }
0x2b9: {  	[sflag:s17] =	ssyncset.done $0x0  }
0x2ba: {  	[sflag:s17] =	ssyncadd.s32 $0xFFFFCE00  }
0x2bb: {  	_ =	swait.ge [sflag:s18], $0x3200  }
0x2bc: {  	[sflag:s18] =	ssyncset.done $0x0  }
0x2bd: {  	s9 =	rddreg [dreg:$0x8];
	[sflag:s18] =	ssyncadd.s32 $0xFFFFCE00  }
0x2be: {  	[tilespmem:s3], [sflag:$0x1] =	stream.indirect.gather [hbm4b:s20+s14], $0x80, s9, s14, $0xb8;
	[tilespmem:$0x1C080] =	vst v63  }
0x2bf: {  	_ = 	snop  }
0x2c0: {  	[spmem:s1] =	stream.indirect.scatter.add.f32 [tilespmem:s16], [sflag:$0x4], $0x80, s10, s14, $0xb8;
	[tilespmem:$0x1C080] =	vst v63  }
0x2c1: {  	_ =	swait.ge [sflag:s4], $0x3200  }
0x2c2: {  	[sflag:s4] =	ssyncset.done $0x0  }
0x2c3: {  	[sflag:s4] =	ssyncadd.s32 $0xFFFFCE00  }
0x2c4: {  	_ =	swait.ge [sflag:s15], $0x3200  }
0x2c5: {  	[sflag:s15] =	ssyncset.done $0x0  }
0x2c6: {  	s10 =	rddreg [dreg:$0x9];
	[sflag:s15] =	ssyncadd.s32 $0xFFFFCE00  }
0x2c7: {  	[tilespmem:s16], [sflag:$0x2] =	stream.indirect.gather [hbm4b:s20+s14], $0x80, s10, s14, $0xb8;
	[tilespmem:$0x1C080] =	vst v63  }
0x2c8: {  	_ = 	snop  }
0x2c9: {  	[spmem:s1] =	stream.indirect.scatter.add.f32 [tilespmem:s3], [sflag:$0x3], $0x80, s11, s14, $0xb8;
	[tilespmem:$0x1C080] =	vst v63  }
0x2ca: {  	_ =	swait.ge [sflag:s17], $0x3200  }
0x2cb: {  	[sflag:s17] =	ssyncset.done $0x0  }
0x2cc: {  	[sflag:s17] =	ssyncadd.s32 $0xFFFFCE00  }
0x2cd: {  	_ =	swait.ge [sflag:s18], $0x3200  }
0x2ce: {  	[sflag:s18] =	ssyncset.done $0x0  }
0x2cf: {  	s6 =	rddreg [dreg:$0xa];
	[sflag:s18] =	ssyncadd.s32 $0xFFFFCE00  }
0x2d0: {  	[tilespmem:s3], [sflag:$0x1] =	stream.indirect.gather [hbm4b:s20+s14], $0x80, s6, s14, $0xb8;
	[tilespmem:$0x1C080] =	vst v63  }
0x2d1: {  	_ = 	snop  }
0x2d2: {  	[spmem:s1] =	stream.indirect.scatter.add.f32 [tilespmem:s16], [sflag:$0x4], $0x80, s21, s14, $0xb8;
	[tilespmem:$0x1C080] =	vst v63  }
0x2d3: {  	_ =	swait.ge [sflag:s4], $0x3200  }
0x2d4: {  	[sflag:s4] =	ssyncset.done $0x0  }
0x2d5: {  	[sflag:s4] =	ssyncadd.s32 $0xFFFFCE00  }
0x2d6: {  	_ =	swait.ge [sflag:s15], $0x3200  }
0x2d7: {  	[sflag:s15] =	ssyncset.done $0x0  }
0x2d8: {  	s7 =	rddreg [dreg:$0xb];
	[sflag:s15] =	ssyncadd.s32 $0xFFFFCE00  }
0x2d9: {  	[tilespmem:s16], [sflag:$0x2] =	stream.indirect.gather [hbm4b:s20+s14], $0x80, s7, s14, $0xb8;
	[tilespmem:$0x1C080] =	vst v63  }
0x2da: {  	_ = 	snop  }
0x2db: {  	[spmem:s1] =	stream.indirect.scatter.add.f32 [tilespmem:s3], [sflag:$0x3], $0x80, s22, s14, $0xb8;
	[tilespmem:$0x1C080] =	vst v63  }
0x2dc: {  	_ =	swait.ge [sflag:s17], $0x3200  }
0x2dd: {  	[sflag:s17] =	ssyncset.done $0x0  }
0x2de: {  	[sflag:s17] =	ssyncadd.s32 $0xFFFFCE00  }
0x2df: {  	_ =	swait.ge [sflag:s18], $0x3200  }
0x2e0: {  	[sflag:s18] =	ssyncset.done $0x0  }
0x2e1: {  	s8 =	rddreg [dreg:$0xc];
	[sflag:s18] =	ssyncadd.s32 $0xFFFFCE00  }
0x2e2: {  	[tilespmem:s3], [sflag:$0x1] =	stream.indirect.gather [hbm4b:s20+s14], $0x80, s8, s14, $0xb8;
	[tilespmem:$0x1C080] =	vst v63  }
0x2e3: {  	_ = 	snop  }
0x2e4: {  	[spmem:s1] =	stream.indirect.scatter.add.f32 [tilespmem:s16], [sflag:$0x4], $0x80, s23, s14, $0xb8;
	[tilespmem:$0x1C080] =	vst v63  }
0x2e5: {  	_ =	swait.ge [sflag:s4], $0x3200  }
0x2e6: {  	[sflag:s4] =	ssyncset.done $0x0  }
0x2e7: {  	[sflag:s4] =	ssyncadd.s32 $0xFFFFCE00  }
0x2e8: {  	_ =	swait.ge [sflag:s15], $0x3200  }
0x2e9: {  	[sflag:s15] =	ssyncset.done $0x0  }
0x2ea: {  	s9 =	rddreg [dreg:$0xd];
	[sflag:s15] =	ssyncadd.s32 $0xFFFFCE00  }
0x2eb: {  	[tilespmem:s16], [sflag:$0x2] =	stream.indirect.gather [hbm4b:s20+s14], $0x80, s9, s14, $0xb8;
	[tilespmem:$0x1C080] =	vst v63  }
0x2ec: {  	_ = 	snop  }
0x2ed: {  	[spmem:s1] =	stream.indirect.scatter.add.f32 [tilespmem:s3], [sflag:$0x3], $0x80, s24, s14, $0xb8;
	[tilespmem:$0x1C080] =	vst v63  }
0x2ee: {  	_ =	swait.ge [sflag:s17], $0x3200  }
0x2ef: {  	[sflag:s17] =	ssyncset.done $0x0  }
0x2f0: {  	[sflag:s17] =	ssyncadd.s32 $0xFFFFCE00  }
0x2f1: {  	_ =	swait.ge [sflag:s18], $0x3200  }
0x2f2: {  	[sflag:s18] =	ssyncset.done $0x0  }
0x2f3: {  	s10 =	rddreg [dreg:$0xe];
	[sflag:s18] =	ssyncadd.s32 $0xFFFFCE00  }
0x2f4: {  	[tilespmem:s3], [sflag:$0x1] =	stream.indirect.gather [hbm4b:s20+s14], $0x80, s10, s14, $0xb8;
	[tilespmem:$0x1C080] =	vst v63  }
0x2f5: {  	_ = 	snop  }
0x2f6: {  	[spmem:s1] =	stream.indirect.scatter.add.f32 [tilespmem:s16], [sflag:$0x4], $0x80, s25, s14, $0xb8;
	[tilespmem:$0x1C080] =	vst v63  }
0x2f7: {  	_ =	swait.ge [sflag:s4], $0x3200  }
0x2f8: {  	[sflag:s4] =	ssyncset.done $0x0  }
0x2f9: {  	[sflag:s4] =	ssyncadd.s32 $0xFFFFCE00  }
0x2fa: {  	_ =	swait.ge [sflag:s15], $0x3200  }
0x2fb: {  	[sflag:s15] =	ssyncset.done $0x0  }
0x2fc: {  	s11 =	rddreg [dreg:$0xf];
	[sflag:s15] =	ssyncadd.s32 $0xFFFFCE00  }
0x2fd: {  	[tilespmem:s16], [sflag:$0x2] =	stream.indirect.gather [hbm4b:s20+s14], $0x80, s11, s14, $0xb8;
	[tilespmem:$0x1C080] =	vst v63  }
0x2fe: {  	_ = 	snop  }
0x2ff: {  	[spmem:s1] =	stream.indirect.scatter.add.f32 [tilespmem:s3], [sflag:$0x3], $0x80, s26, s14, $0xb8;
	[tilespmem:$0x1C080] =	vst v63  }
0x300: {  	_ =	swait.ge [sflag:s17], $0x3200  }
0x301: {  	[sflag:s17] =	ssyncset.done $0x0  }
0x302: {  	[sflag:s17] =	ssyncadd.s32 $0xFFFFCE00  }
0x303: {  	_ =	swait.ge [sflag:s18], $0x3200  }
0x304: {  	[sflag:s18] =	ssyncset.done $0x0  }
0x305: {  	s21 =	rddreg [dreg:$0x10];
	[sflag:s18] =	ssyncadd.s32 $0xFFFFCE00  }
0x306: {  	[tilespmem:s3], [sflag:$0x1] =	stream.indirect.gather [hbm4b:s20+s14], $0x80, s21, s14, $0xb8;
	[tilespmem:$0x1C080] =	vst v63  }
0x307: {  	_ = 	snop  }
0x308: {  	[spmem:s1] =	stream.indirect.scatter.add.f32 [tilespmem:s16], [sflag:$0x4], $0x80, s28, s14, $0xb8;
	[tilespmem:$0x1C080] =	vst v63  }
0x309: {  	_ =	swait.ge [sflag:s4], $0x3200  }
0x30a: {  	[sflag:s4] =	ssyncset.done $0x0  }
0x30b: {  	[sflag:s4] =	ssyncadd.s32 $0xFFFFCE00  }
0x30c: {  	_ =	swait.ge [sflag:s15], $0x3200  }
0x30d: {  	[sflag:s15] =	ssyncset.done $0x0  }
0x30e: {  	s22 =	rddreg [dreg:$0x11];
	[sflag:s15] =	ssyncadd.s32 $0xFFFFCE00  }
0x30f: {  	[tilespmem:s16], [sflag:$0x2] =	stream.indirect.gather [hbm4b:s20+s14], $0x80, s22, s14, $0xb8;
	[tilespmem:$0x1C080] =	vst v63  }
0x310: {  	_ = 	snop  }
0x311: {  	[spmem:s1] =	stream.indirect.scatter.add.f32 [tilespmem:s3], [sflag:$0x3], $0x80, s29, s14, $0xb8;
	[tilespmem:$0x1C080] =	vst v63  }
0x312: {  	_ =	swait.ge [sflag:s17], $0x3200  }
0x313: {  	[sflag:s17] =	ssyncset.done $0x0  }
0x314: {  	[sflag:s17] =	ssyncadd.s32 $0xFFFFCE00  }
0x315: {  	_ =	swait.ge [sflag:s18], $0x3200  }
0x316: {  	[sflag:s18] =	ssyncset.done $0x0  }
0x317: {  	s23 =	rddreg [dreg:$0x12];
	[sflag:s18] =	ssyncadd.s32 $0xFFFFCE00  }
0x318: {  	[tilespmem:s3], [sflag:$0x1] =	stream.indirect.gather [hbm4b:s20+s14], $0x80, s23, s14, $0xb8;
	[tilespmem:$0x1C080] =	vst v63  }
0x319: {  	_ = 	snop  }
0x31a: {  	[spmem:s1] =	stream.indirect.scatter.add.f32 [tilespmem:s16], [sflag:$0x4], $0x80, s30, s14, $0xb8;
	[tilespmem:$0x1C080] =	vst v63  }
0x31b: {  	_ =	swait.ge [sflag:s4], $0x3200  }
0x31c: {  	[sflag:s4] =	ssyncset.done $0x0  }
0x31d: {  	[sflag:s4] =	ssyncadd.s32 $0xFFFFCE00  }
0x31e: {  	_ =	swait.ge [sflag:s15], $0x3200  }
0x31f: {  	[sflag:s15] =	ssyncset.done $0x0  }
0x320: {  	s24 =	rddreg [dreg:$0x13];
	[sflag:s15] =	ssyncadd.s32 $0xFFFFCE00  }
0x321: {  	[tilespmem:s16], [sflag:$0x2] =	stream.indirect.gather [hbm4b:s20+s14], $0x80, s24, s14, $0xb8;
	[tilespmem:$0x1C080] =	vst v63  }
0x322: {  	_ = 	snop  }
0x323: {  	[spmem:s1] =	stream.indirect.scatter.add.f32 [tilespmem:s3], [sflag:$0x3], $0x80, s31, s14, $0xb8;
	[tilespmem:$0x1C080] =	vst v63  }
0x324: {  	_ =	swait.ge [sflag:s17], $0x3200  }
0x325: {  	[sflag:s17] =	ssyncset.done $0x0  }
0x326: {  	[sflag:s17] =	ssyncadd.s32 $0xFFFFCE00  }
0x327: {  	_ =	swait.ge [sflag:s18], $0x3200  }
0x328: {  	[sflag:s18] =	ssyncset.done $0x0  }
0x329: {  	s25 =	rddreg [dreg:$0x14];
	[sflag:s18] =	ssyncadd.s32 $0xFFFFCE00  }
0x32a: {  	[tilespmem:s3], [sflag:$0x1] =	stream.indirect.gather [hbm4b:s20+s14], $0x80, s25, s14, $0xb8;
	[tilespmem:$0x1C080] =	vst v63  }
0x32b: {  	_ = 	snop  }
0x32c: {  	[spmem:s1] =	stream.indirect.scatter.add.f32 [tilespmem:s16], [sflag:$0x4], $0x80, s19, s14, $0xb8;
	[tilespmem:$0x1C080] =	vst v63  }
0x32d: {  	_ =	swait.ge [sflag:s4], $0x3200  }
0x32e: {  	[sflag:s4] =	ssyncset.done $0x0  }
0x32f: {  	[sflag:s4] =	ssyncadd.s32 $0xFFFFCE00  }
0x330: {  	_ =	swait.ge [sflag:s15], $0x3200  }
0x331: {  	[sflag:s15] =	ssyncset.done $0x0  }
0x332: {  	s26 =	rddreg [dreg:$0x15];
	[sflag:s15] =	ssyncadd.s32 $0xFFFFCE00  }
0x333: {  	[tilespmem:s16], [sflag:$0x2] =	stream.indirect.gather [hbm4b:s20+s14], $0x80, s26, s14, $0xb8;
	[tilespmem:$0x1C080] =	vst v63  }
0x334: {  	s28 =	simm.s32 $0x1400  }
0x335: {  	[spmem:s1] =	stream.indirect.scatter.add.f32 [tilespmem:s3], [sflag:$0x3], $0x80, s28, s14, $0xb8;
	[tilespmem:$0x1C080] =	vst v63  }
0x336: {  	_ =	swait.ge [sflag:s17], $0x3200  }
0x337: {  	[sflag:s17] =	ssyncset.done $0x0  }
0x338: {  	[sflag:s17] =	ssyncadd.s32 $0xFFFFCE00  }
0x339: {  	_ =	swait.ge [sflag:s18], $0x3200  }
0x33a: {  	[sflag:s18] =	ssyncset.done $0x0  }
0x33b: {  	s29 =	rddreg [dreg:$0x16];
	[sflag:s18] =	ssyncadd.s32 $0xFFFFCE00  }
0x33c: {  	[tilespmem:s3], [sflag:$0x1] =	stream.indirect.gather [hbm4b:s20+s14], $0x80, s29, s14, $0xb8;
	[tilespmem:$0x1C080] =	vst v63  }
0x33d: {  	s30 =	simm.s32 $0x1480  }
0x33e: {  	[spmem:s1] =	stream.indirect.scatter.add.f32 [tilespmem:s16], [sflag:$0x4], $0x80, s30, s14, $0xb8;
	[tilespmem:$0x1C080] =	vst v63  }
0x33f: {  	_ =	swait.ge [sflag:s4], $0x3200  }
0x340: {  	[sflag:s4] =	ssyncset.done $0x0  }
0x341: {  	[sflag:s4] =	ssyncadd.s32 $0xFFFFCE00  }
0x342: {  	_ =	swait.ge [sflag:s15], $0x3200  }
0x343: {  	[sflag:s15] =	ssyncset.done $0x0  }
0x344: {  	s31 =	rddreg [dreg:$0x17];
	[sflag:s15] =	ssyncadd.s32 $0xFFFFCE00  }
0x345: {  	[tilespmem:s16], [sflag:$0x2] =	stream.indirect.gather [hbm4b:s20+s14], $0x80, s31, s14, $0xb8;
	[tilespmem:$0x1C080] =	vst v63  }
0x346: {  	s6 =	simm.s32 $0x1500  }
0x347: {  	[spmem:s1] =	stream.indirect.scatter.add.f32 [tilespmem:s3], [sflag:$0x3], $0x80, s6, s14, $0xb8;
	[tilespmem:$0x1C080] =	vst v63  }
0x348: {  	_ =	swait.ge [sflag:s17], $0x3200  }
0x349: {  	[sflag:s17] =	ssyncset.done $0x0  }
0x34a: {  	[sflag:s17] =	ssyncadd.s32 $0xFFFFCE00  }
0x34b: {  	_ =	swait.ge [sflag:s18], $0x3200  }
0x34c: {  	[sflag:s18] =	ssyncset.done $0x0  }
0x34d: {  	s7 =	simm.s32 $0x1580;
	[sflag:s18] =	ssyncadd.s32 $0xFFFFCE00  }
0x34e: {  	[spmem:s1] =	stream.indirect.scatter.add.f32 [tilespmem:s16], [sflag:$0x4], $0x80, s7, s14, $0xb8;
	[tilespmem:$0x1C080] =	vst v63  }
0x34f: {  	_ =	swait.ge [sflag:s4], $0x3200  }
0x350: {  	[sflag:s4] =	ssyncset.done $0x0  }
0x351: {  	[sflag:s4] =	ssyncadd.s32 $0xFFFFCE00  }
0x352: {  	[bflag:$0x0] =	sbarrier.arrive $0xFFFF  }
0x353: {  	s7 =	sld [smem:$0x7FC];
	_ =	sdelay $0x2  }
0x354: {  	[tilespmem:s3], [sflag:$0x5] =	stream.linear.gather [spmem:s7], $0x2800, $0x38;
	[tilespmem:$0x1C080] =	vst v63  }
0x355: {  	_ =	swait.ge [sflag:s12], $0x2800  }
0x356: {  	[sflag:s12] =	ssyncset.done $0x0  }
0x357: {  	s8 =	rddreg [dreg:$0x18];
	[sflag:s12] =	ssyncadd.s32 $0xFFFFD800  }
0x358: {  	[hbm4b:s8+s2] =	stream.linear.scatter [tilespmem:s3], [sflag:$0x5], $0x2800, $0x38;
	[tilespmem:$0x1C080] =	vst v63  }
0x359: {  	_ =	swait.ge [sflag:s12], $0x2800  }
0x35a: {  	s9 =	sld [smem:$0x7F6]  }
0x35b: {  	[sflag:s12] =	ssyncset.done $0x0  }
0x35c: {  	[sflag:s12] =	ssyncadd.s32 $0xFFFFD800  }
0x35d: {  	[tilespmem:s3], [sflag:$0x5] =	stream.linear.gather [spmem:s9], $0x2800, $0x38;
	[tilespmem:$0x1C080] =	vst v63  }
0x35e: {  	_ =	swait.ge [sflag:s12], $0x2800  }
0x35f: {  	[sflag:s12] =	ssyncset.done $0x0  }
0x360: {  	s10 =	rddreg [dreg:$0x19];
	[sflag:s12] =	ssyncadd.s32 $0xFFFFD800  }
0x361: {  	[hbm4b:s10+s2] =	stream.linear.scatter [tilespmem:s3], [sflag:$0x5], $0x2800, $0x38;
	[tilespmem:$0x1C080] =	vst v63  }
0x362: {  	_ =	swait.ge [sflag:s12], $0x2800  }
0x363: {  	s11 =	sld [smem:$0x7F7]  }
0x364: {  	[sflag:s12] =	ssyncset.done $0x0  }
0x365: {  	[sflag:s12] =	ssyncadd.s32 $0xFFFFD800  }
0x366: {  	[tilespmem:s3], [sflag:$0x5] =	stream.linear.gather [spmem:s11], $0x2800, $0x38;
	[tilespmem:$0x1C080] =	vst v63  }
0x367: {  	_ =	swait.ge [sflag:s12], $0x2800  }
0x368: {  	[sflag:s12] =	ssyncset.done $0x0  }
0x369: {  	s19 =	rddreg [dreg:$0x1a];
	[sflag:s12] =	ssyncadd.s32 $0xFFFFD800  }
0x36a: {  	[hbm4b:s19+s2] =	stream.linear.scatter [tilespmem:s3], [sflag:$0x5], $0x2800, $0x38;
	[tilespmem:$0x1C080] =	vst v63  }
0x36b: {  	_ =	swait.ge [sflag:s12], $0x2800  }
0x36c: {  	s8 =	sld [smem:$0x7FD]  }
0x36d: {  	[sflag:s12] =	ssyncset.done $0x0  }
0x36e: {  	[sflag:s12] =	ssyncadd.s32 $0xFFFFD800  }
0x36f: {  	[tilespmem:s3], [sflag:$0x5] =	stream.linear.gather [spmem:s8], $0x2800, $0x38;
	[tilespmem:$0x1C080] =	vst v63  }
0x370: {  	_ =	swait.ge [sflag:s12], $0x2800  }
0x371: {  	[sflag:s12] =	ssyncset.done $0x0  }
0x372: {  	s21 =	rddreg [dreg:$0x1b];
	[sflag:s12] =	ssyncadd.s32 $0xFFFFD800  }
0x373: {  	[hbm4b:s21+s2] =	stream.linear.scatter [tilespmem:s3], [sflag:$0x5], $0x2800, $0x38;
	[tilespmem:$0x1C080] =	vst v63  }
0x374: {  	_ =	swait.ge [sflag:s12], $0x2800  }
0x375: {  	s22 =	sld [smem:$0x7F8]  }
0x376: {  	[sflag:s12] =	ssyncset.done $0x0  }
0x377: {  	[sflag:s12] =	ssyncadd.s32 $0xFFFFD800  }
0x378: {  	[tilespmem:s3], [sflag:$0x5] =	stream.linear.gather [spmem:s22], $0x2800, $0x38;
	[tilespmem:$0x1C080] =	vst v63  }
0x379: {  	_ =	swait.ge [sflag:s12], $0x2800  }
0x37a: {  	[sflag:s12] =	ssyncset.done $0x0  }
0x37b: {  	s23 =	rddreg [dreg:$0x1c];
	[sflag:s12] =	ssyncadd.s32 $0xFFFFD800  }
0x37c: {  	[hbm4b:s23+s2] =	stream.linear.scatter [tilespmem:s3], [sflag:$0x5], $0x2800, $0x38;
	[tilespmem:$0x1C080] =	vst v63  }
0x37d: {  	_ =	swait.ge [sflag:s12], $0x2800  }
0x37e: {  	s24 =	sld [smem:$0x7F9]  }
0x37f: {  	[sflag:s12] =	ssyncset.done $0x0  }
0x380: {  	[sflag:s12] =	ssyncadd.s32 $0xFFFFD800  }
0x381: {  	[tilespmem:s3], [sflag:$0x5] =	stream.linear.gather [spmem:s24], $0x2800, $0x38;
	[tilespmem:$0x1C080] =	vst v63  }
0x382: {  	_ =	swait.ge [sflag:s12], $0x2800  }
0x383: {  	[sflag:s12] =	ssyncset.done $0x0  }
0x384: {  	s25 =	rddreg [dreg:$0x1d];
	[sflag:s12] =	ssyncadd.s32 $0xFFFFD800  }
0x385: {  	[hbm4b:s25+s2] =	stream.linear.scatter [tilespmem:s3], [sflag:$0x5], $0x2800, $0x38;
	[tilespmem:$0x1C080] =	vst v63  }
0x386: {  	_ =	swait.ge [sflag:s12], $0x2800  }
0x387: {  	s26 =	sld [smem:$0x7FA]  }
0x388: {  	[sflag:s12] =	ssyncset.done $0x0  }
0x389: {  	[sflag:s12] =	ssyncadd.s32 $0xFFFFD800  }
0x38a: {  	[tilespmem:s3], [sflag:$0x5] =	stream.linear.gather [spmem:s26], $0x2800, $0x38;
	[tilespmem:$0x1C080] =	vst v63  }
0x38b: {  	_ =	swait.ge [sflag:s12], $0x2800  }
0x38c: {  	[sflag:s12] =	ssyncset.done $0x0  }
0x38d: {  	s28 =	rddreg [dreg:$0x1e];
	[sflag:s12] =	ssyncadd.s32 $0xFFFFD800  }
0x38e: {  	[hbm4b:s28+s2] =	stream.linear.scatter [tilespmem:s3], [sflag:$0x5], $0x2800, $0x38;
	[tilespmem:$0x1C080] =	vst v63  }
0x38f: {  	_ =	swait.ge [sflag:s12], $0x2800  }
0x390: {  	s29 =	sld [smem:$0x7FB]  }
0x391: {  	[sflag:s12] =	ssyncset.done $0x0  }
0x392: {  	[sflag:s12] =	ssyncadd.s32 $0xFFFFD800  }
0x393: {  	[tilespmem:s3], [sflag:$0x5] =	stream.linear.gather [spmem:s29], $0x2800, $0x38;
	[tilespmem:$0x1C080] =	vst v63  }
0x394: {  	_ =	swait.ge [sflag:s12], $0x2800  }
0x395: {  	[sflag:s12] =	ssyncset.done $0x0  }
0x396: {  	s30 =	rddreg [dreg:$0x1f];
	[sflag:s12] =	ssyncadd.s32 $0xFFFFD800  }
0x397: {  	[hbm4b:s30+s2] =	stream.linear.scatter [tilespmem:s3], [sflag:$0x5], $0x2800, $0x38;
	[tilespmem:$0x1C080] =	vst v63  }
0x398: {  	_ =	swait.ge [sflag:s12], $0x2800  }
0x399: {  	[sflag:s12] =	ssyncset.done $0x0  }
0x39a: {  	[sflag:s12] =	ssyncadd.s32 $0xFFFFD800  }
0x39b: {  	v2 =	vld [tilespmem:$0x8000];
	_ =	sdelay $0x4  }
0x39c: {  	(v2sf) =	vpush v2, $0x0;
	_ =	sdelay $0xe  }
0x39d: {  	s31 =	spop (v2sf)  }
0x39e: {  	p0 =	slt.s32 s31, $0x1  }
.Ltmp4:
0x39f: {  	_ = 	snop;
	(pc) =	sbr.rel @p0 .LBB2_13-.Ltmp4, $2  }
0x3a0: {  	_ =	sdelay $0x2  }
0x3a1: {  	s6 =	sld [smem:$0x7EB]  }
0x3a2: {  	[bflag:$0x0] =	sbarrier.arrive $0xFFFF;
	s5 =	simm.s32 $0x70;
	s6 =	simm.s32 $0x3C0  }
.LBB2_7:
0x3a3: {  	p0 =	sne.s32 s6, $0x9FC0;
	[tilespmem:s5+$0x1800] =	vst v0  }
0x3a4: {  	[tilespmem:s5+$0x1790] =	vst v0  }
0x3a5: {  	[tilespmem:s5+$0x17A0] =	vst v0  }
.Ltmp5:
0x3a6: {  	[tilespmem:s5+$0x17B0] =	vst v0;
	(pc) =	sbr.rel @p0 .LBB2_7-.Ltmp5, $4  }
0x3a7: {  	[tilespmem:s5+$0x17C0] =	vst v0  }
0x3a8: {  	[tilespmem:s5+$0x17D0] =	vst v0  }
0x3a9: {  	[tilespmem:s5+$0x17E0] =	vst v0  }
0x3aa: {  	[tilespmem:s5+$0x17F0] =	vst v0;
	s5 =	sshra.s32 s6, $0x2;
	s6 =	sadd.s32 $0x200, s6  }
0x3ab: {  	[tilespmem:s5+$0x1800] =	vst v0  }
0x3ac: {  	[tilespmem:s5+$0x1790] =	vst v0  }
0x3ad: {  	[tilespmem:s5+$0x17A0] =	vst v0  }
0x3ae: {  	[tilespmem:s5+$0x17B0] =	vst v0  }
0x3af: {  	[tilespmem:s5+$0x17C0] =	vst v0  }
0x3b0: {  	[tilespmem:s5+$0x17D0] =	vst v0  }
0x3b1: {  	[tilespmem:s5+$0x17E0] =	vst v0  }
0x3b2: {  	[tilespmem:s5+$0x17F0] =	vst v0  }
0x3b3: {  	[spmem:s7] =	stream.linear.scatter [tilespmem:s3], [sflag:$0x5], $0x2800, $0x38;
	[tilespmem:$0x1C080] =	vst v63  }
0x3b4: {  	_ =	swait.ge [sflag:s12], $0x2800  }
0x3b5: {  	s25 =	sld [smem:$0x7F6]  }
0x3b6: {  	[sflag:s12] =	ssyncset.done $0x0  }
0x3b7: {  	[sflag:s12] =	ssyncadd.s32 $0xFFFFD800  }
0x3b8: {  	[spmem:s25] =	stream.linear.scatter [tilespmem:s3], [sflag:$0x5], $0x2800, $0x38;
	[tilespmem:$0x1C080] =	vst v63  }
0x3b9: {  	_ =	swait.ge [sflag:s12], $0x2800  }
0x3ba: {  	s26 =	sld [smem:$0x7F7]  }
0x3bb: {  	[sflag:s12] =	ssyncset.done $0x0  }
0x3bc: {  	[sflag:s12] =	ssyncadd.s32 $0xFFFFD800  }
0x3bd: {  	[spmem:s26] =	stream.linear.scatter [tilespmem:s3], [sflag:$0x5], $0x2800, $0x38;
	[tilespmem:$0x1C080] =	vst v63  }
0x3be: {  	_ =	swait.ge [sflag:s12], $0x2800  }
0x3bf: {  	[sflag:s12] =	ssyncset.done $0x0  }
0x3c0: {  	[sflag:s12] =	ssyncadd.s32 $0xFFFFD800  }
0x3c1: {  	[spmem:s8] =	stream.linear.scatter [tilespmem:s3], [sflag:$0x5], $0x2800, $0x38;
	[tilespmem:$0x1C080] =	vst v63  }
0x3c2: {  	_ =	swait.ge [sflag:s12], $0x2800  }
0x3c3: {  	s28 =	sld [smem:$0x7F8]  }
0x3c4: {  	[sflag:s12] =	ssyncset.done $0x0  }
0x3c5: {  	[sflag:s12] =	ssyncadd.s32 $0xFFFFD800  }
0x3c6: {  	[spmem:s28] =	stream.linear.scatter [tilespmem:s3], [sflag:$0x5], $0x2800, $0x38;
	[tilespmem:$0x1C080] =	vst v63  }
0x3c7: {  	_ =	swait.ge [sflag:s12], $0x2800  }
0x3c8: {  	s29 =	sld [smem:$0x7F9]  }
0x3c9: {  	[sflag:s12] =	ssyncset.done $0x0  }
0x3ca: {  	[sflag:s12] =	ssyncadd.s32 $0xFFFFD800  }
0x3cb: {  	[spmem:s29] =	stream.linear.scatter [tilespmem:s3], [sflag:$0x5], $0x2800, $0x38;
	[tilespmem:$0x1C080] =	vst v63  }
0x3cc: {  	_ =	swait.ge [sflag:s12], $0x2800  }
0x3cd: {  	s30 =	sld [smem:$0x7FA]  }
0x3ce: {  	[sflag:s12] =	ssyncset.done $0x0  }
0x3cf: {  	[sflag:s12] =	ssyncadd.s32 $0xFFFFD800  }
0x3d0: {  	[spmem:s30] =	stream.linear.scatter [tilespmem:s3], [sflag:$0x5], $0x2800, $0x38;
	[tilespmem:$0x1C080] =	vst v63  }
0x3d1: {  	_ =	swait.ge [sflag:s12], $0x2800  }
0x3d2: {  	s31 =	sld [smem:$0x7FB]  }
0x3d3: {  	[sflag:s12] =	ssyncset.done $0x0  }
0x3d4: {  	[sflag:s12] =	ssyncadd.s32 $0xFFFFD800  }
0x3d5: {  	[spmem:s31] =	stream.linear.scatter [tilespmem:s3], [sflag:$0x5], $0x2800, $0x38;
	[tilespmem:$0x1C080] =	vst v63  }
0x3d6: {  	_ =	swait.ge [sflag:s12], $0x2800  }
0x3d7: {  	[sflag:s12] =	ssyncset.done $0x0  }
0x3d8: {  	[sflag:s12] =	ssyncadd.s32 $0xFFFFD800  }
0x3d9: {  	s5 =	simm.s32 $0x70;
	s6 =	simm.s32 $0x3C0;
	[bflag:$0x0] =	sbarrier.arrive $0xFFFF  }
.LBB2_9:
0x3da: {  	p0 =	sne.s32 s6, $0xC7C0;
	[tilespmem:s5+$0x1800] =	vst v1  }
0x3db: {  	[tilespmem:s5+$0x1790] =	vst v1  }
0x3dc: {  	[tilespmem:s5+$0x17A0] =	vst v1  }
.Ltmp6:
0x3dd: {  	[tilespmem:s5+$0x17B0] =	vst v1;
	(pc) =	sbr.rel @p0 .LBB2_9-.Ltmp6, $4  }
0x3de: {  	[tilespmem:s5+$0x17C0] =	vst v1  }
0x3df: {  	[tilespmem:s5+$0x17D0] =	vst v1  }
0x3e0: {  	[tilespmem:s5+$0x17E0] =	vst v1  }
0x3e1: {  	[tilespmem:s5+$0x17F0] =	vst v1;
	s5 =	sshra.s32 s6, $0x2;
	s6 =	sadd.s32 $0x200, s6  }
0x3e2: {  	[tilespmem:s5+$0x1800] =	vst v1  }
0x3e3: {  	[tilespmem:s5+$0x1790] =	vst v1  }
0x3e4: {  	[tilespmem:s5+$0x17A0] =	vst v1  }
0x3e5: {  	[tilespmem:s5+$0x17B0] =	vst v1  }
0x3e6: {  	[tilespmem:s5+$0x17C0] =	vst v1  }
0x3e7: {  	[tilespmem:s5+$0x17D0] =	vst v1  }
0x3e8: {  	[tilespmem:s5+$0x17E0] =	vst v1  }
0x3e9: {  	[tilespmem:s5+$0x17F0] =	vst v1;
	s6 =	sadd.s32 $0x0, s0  }
0x3ea: {  	[tilespmem:s13], [sflag:$0x5] =	stream.linear.gather [hbm4b:s6+s2], $0xA00, $0x38;
	[tilespmem:$0x1C080] =	vst v63  }
0x3eb: {  	_ =	swait.ge [sflag:s12], $0xA00  }
0x3ec: {  	[sflag:s12] =	ssyncset.done $0x0  }
0x3ed: {  	[sflag:s12] =	ssyncadd.s32 $0xFFFFF600  }
0x3ee: {  	[spmem:s1] =	stream.indirect.scatter.add.f32 [tilespmem:s3], [sflag:$0x5], $0x80, s13, s14, $0xb8;
	[tilespmem:$0x1C080] =	vst v63  }
0x3ef: {  	_ =	swait.ge [sflag:s12], $0x3200  }
0x3f0: {  	[sflag:s12] =	ssyncset.done $0x0  }
0x3f1: {  	s7 =	simm.s32 $0xC80;
	[sflag:s12] =	ssyncadd.s32 $0xFFFFCE00  }
0x3f2: {  	[spmem:s1] =	stream.indirect.scatter.add.f32 [tilespmem:s3], [sflag:$0x5], $0x80, s7, s14, $0xb8;
	[tilespmem:$0x1C080] =	vst v63  }
0x3f3: {  	_ =	swait.ge [sflag:s12], $0x3200  }
0x3f4: {  	[sflag:s12] =	ssyncset.done $0x0  }
0x3f5: {  	s9 =	simm.s32 $0xD00;
	[sflag:s12] =	ssyncadd.s32 $0xFFFFCE00  }
0x3f6: {  	[spmem:s1] =	stream.indirect.scatter.add.f32 [tilespmem:s3], [sflag:$0x5], $0x80, s9, s14, $0xb8;
	[tilespmem:$0x1C080] =	vst v63  }
0x3f7: {  	_ =	swait.ge [sflag:s12], $0x3200  }
0x3f8: {  	[sflag:s12] =	ssyncset.done $0x0  }
0x3f9: {  	s10 =	simm.s32 $0xD80;
	[sflag:s12] =	ssyncadd.s32 $0xFFFFCE00  }
0x3fa: {  	[spmem:s1] =	stream.indirect.scatter.add.f32 [tilespmem:s3], [sflag:$0x5], $0x80, s10, s14, $0xb8;
	[tilespmem:$0x1C080] =	vst v63  }
0x3fb: {  	_ =	swait.ge [sflag:s12], $0x3200  }
0x3fc: {  	[sflag:s12] =	ssyncset.done $0x0  }
0x3fd: {  	s11 =	simm.s32 $0xE00;
	[sflag:s12] =	ssyncadd.s32 $0xFFFFCE00  }
0x3fe: {  	[spmem:s1] =	stream.indirect.scatter.add.f32 [tilespmem:s3], [sflag:$0x5], $0x80, s11, s14, $0xb8;
	[tilespmem:$0x1C080] =	vst v63  }
0x3ff: {  	_ =	swait.ge [sflag:s12], $0x3200  }
0x400: {  	[sflag:s12] =	ssyncset.done $0x0  }
0x401: {  	s21 =	simm.s32 $0xE80;
	[sflag:s12] =	ssyncadd.s32 $0xFFFFCE00  }
0x402: {  	[spmem:s1] =	stream.indirect.scatter.add.f32 [tilespmem:s3], [sflag:$0x5], $0x80, s21, s14, $0xb8;
	[tilespmem:$0x1C080] =	vst v63  }
0x403: {  	_ =	swait.ge [sflag:s12], $0x3200  }
0x404: {  	[sflag:s12] =	ssyncset.done $0x0  }
0x405: {  	s22 =	simm.s32 $0xF00;
	[sflag:s12] =	ssyncadd.s32 $0xFFFFCE00  }
0x406: {  	[spmem:s1] =	stream.indirect.scatter.add.f32 [tilespmem:s3], [sflag:$0x5], $0x80, s22, s14, $0xb8;
	[tilespmem:$0x1C080] =	vst v63  }
0x407: {  	_ =	swait.ge [sflag:s12], $0x3200  }
0x408: {  	[sflag:s12] =	ssyncset.done $0x0  }
0x409: {  	s23 =	simm.s32 $0xF80;
	[sflag:s12] =	ssyncadd.s32 $0xFFFFCE00  }
0x40a: {  	[spmem:s1] =	stream.indirect.scatter.add.f32 [tilespmem:s3], [sflag:$0x5], $0x80, s23, s14, $0xb8;
	[tilespmem:$0x1C080] =	vst v63  }
0x40b: {  	_ =	swait.ge [sflag:s12], $0x3200  }
0x40c: {  	[sflag:s12] =	ssyncset.done $0x0  }
0x40d: {  	s24 =	simm.s32 $0x1000;
	[sflag:s12] =	ssyncadd.s32 $0xFFFFCE00  }
0x40e: {  	[spmem:s1] =	stream.indirect.scatter.add.f32 [tilespmem:s3], [sflag:$0x5], $0x80, s24, s14, $0xb8;
	[tilespmem:$0x1C080] =	vst v63  }
0x40f: {  	_ =	swait.ge [sflag:s12], $0x3200  }
0x410: {  	[sflag:s12] =	ssyncset.done $0x0  }
0x411: {  	s25 =	simm.s32 $0x1080;
	[sflag:s12] =	ssyncadd.s32 $0xFFFFCE00  }
0x412: {  	[spmem:s1] =	stream.indirect.scatter.add.f32 [tilespmem:s3], [sflag:$0x5], $0x80, s25, s14, $0xb8;
	[tilespmem:$0x1C080] =	vst v63  }
0x413: {  	_ =	swait.ge [sflag:s12], $0x3200  }
0x414: {  	[sflag:s12] =	ssyncset.done $0x0  }
0x415: {  	s26 =	simm.s32 $0x1100;
	[sflag:s12] =	ssyncadd.s32 $0xFFFFCE00  }
0x416: {  	[spmem:s1] =	stream.indirect.scatter.add.f32 [tilespmem:s3], [sflag:$0x5], $0x80, s26, s14, $0xb8;
	[tilespmem:$0x1C080] =	vst v63  }
0x417: {  	_ =	swait.ge [sflag:s12], $0x3200  }
0x418: {  	[sflag:s12] =	ssyncset.done $0x0  }
0x419: {  	s28 =	simm.s32 $0x1180;
	[sflag:s12] =	ssyncadd.s32 $0xFFFFCE00  }
0x41a: {  	[spmem:s1] =	stream.indirect.scatter.add.f32 [tilespmem:s3], [sflag:$0x5], $0x80, s28, s14, $0xb8;
	[tilespmem:$0x1C080] =	vst v63  }
0x41b: {  	_ =	swait.ge [sflag:s12], $0x3200  }
0x41c: {  	[sflag:s12] =	ssyncset.done $0x0  }
0x41d: {  	s29 =	simm.s32 $0x1200;
	[sflag:s12] =	ssyncadd.s32 $0xFFFFCE00  }
0x41e: {  	[spmem:s1] =	stream.indirect.scatter.add.f32 [tilespmem:s3], [sflag:$0x5], $0x80, s29, s14, $0xb8;
	[tilespmem:$0x1C080] =	vst v63  }
0x41f: {  	_ =	swait.ge [sflag:s12], $0x3200  }
0x420: {  	[sflag:s12] =	ssyncset.done $0x0  }
0x421: {  	s30 =	simm.s32 $0x1280;
	[sflag:s12] =	ssyncadd.s32 $0xFFFFCE00  }
0x422: {  	[spmem:s1] =	stream.indirect.scatter.add.f32 [tilespmem:s3], [sflag:$0x5], $0x80, s30, s14, $0xb8;
	[tilespmem:$0x1C080] =	vst v63  }
0x423: {  	_ =	swait.ge [sflag:s12], $0x3200  }
0x424: {  	[sflag:s12] =	ssyncset.done $0x0  }
0x425: {  	s31 =	simm.s32 $0x1300;
	[sflag:s12] =	ssyncadd.s32 $0xFFFFCE00  }
0x426: {  	[spmem:s1] =	stream.indirect.scatter.add.f32 [tilespmem:s3], [sflag:$0x5], $0x80, s31, s14, $0xb8;
	[tilespmem:$0x1C080] =	vst v63  }
0x427: {  	_ =	swait.ge [sflag:s12], $0x3200  }
0x428: {  	[sflag:s12] =	ssyncset.done $0x0  }
0x429: {  	s19 =	simm.s32 $0x1380;
	[sflag:s12] =	ssyncadd.s32 $0xFFFFCE00  }
0x42a: {  	[spmem:s1] =	stream.indirect.scatter.add.f32 [tilespmem:s3], [sflag:$0x5], $0x80, s19, s14, $0xb8;
	[tilespmem:$0x1C080] =	vst v63  }
0x42b: {  	_ =	swait.ge [sflag:s12], $0x3200  }
0x42c: {  	[sflag:s12] =	ssyncset.done $0x0  }
0x42d: {  	s8 =	simm.s32 $0x1400;
	[sflag:s12] =	ssyncadd.s32 $0xFFFFCE00  }
0x42e: {  	[spmem:s1] =	stream.indirect.scatter.add.f32 [tilespmem:s3], [sflag:$0x5], $0x80, s8, s14, $0xb8;
	[tilespmem:$0x1C080] =	vst v63  }
0x42f: {  	_ =	swait.ge [sflag:s12], $0x3200  }
0x430: {  	[sflag:s12] =	ssyncset.done $0x0  }
0x431: {  	s6 =	simm.s32 $0x1480;
	[sflag:s12] =	ssyncadd.s32 $0xFFFFCE00  }
0x432: {  	[spmem:s1] =	stream.indirect.scatter.add.f32 [tilespmem:s3], [sflag:$0x5], $0x80, s6, s14, $0xb8;
	[tilespmem:$0x1C080] =	vst v63  }
0x433: {  	_ =	swait.ge [sflag:s12], $0x3200  }
0x434: {  	[sflag:s12] =	ssyncset.done $0x0  }
0x435: {  	s7 =	simm.s32 $0x1500;
	[sflag:s12] =	ssyncadd.s32 $0xFFFFCE00  }
0x436: {  	[spmem:s1] =	stream.indirect.scatter.add.f32 [tilespmem:s3], [sflag:$0x5], $0x80, s7, s14, $0xb8;
	[tilespmem:$0x1C080] =	vst v63  }
0x437: {  	_ =	swait.ge [sflag:s12], $0x3200  }
0x438: {  	[sflag:s12] =	ssyncset.done $0x0  }
0x439: {  	s8 =	simm.s32 $0x1580;
	[sflag:s12] =	ssyncadd.s32 $0xFFFFCE00  }
0x43a: {  	[spmem:s1] =	stream.indirect.scatter.add.f32 [tilespmem:s3], [sflag:$0x5], $0x80, s8, s14, $0xb8;
	[tilespmem:$0x1C080] =	vst v63  }
0x43b: {  	_ =	swait.ge [sflag:s12], $0x3200  }
0x43c: {  	s5 =	simm.s32 $0x180;
	s7 =	simm.s32 $0x300;
	[sflag:s12] =	ssyncset.done $0x0  }
.LBB2_11:
0x43d: {  	s8 =	sadd.s32 s5, s0  }
0x43e: {  	[sflag:s12] =	ssyncadd.s32 $0xFFFFCE00;
	s5 =	smov.u32 s7;
	s6 =	sadd.s32 $0x180, s7  }
0x43f: {  	[tilespmem:s13], [sflag:$0x5] =	stream.linear.gather [hbm4b:s8+s2], $0xA00, $0x38;
	[tilespmem:$0x1C080] =	vst v63  }
0x440: {  	s8 =	simm.s32 $0xC80  }
0x441: {  	p0 =	sne.s32 s7, $0x600;
	_ =	swait.ge [sflag:s12], $0xA00  }
0x442: {  	[sflag:s12] =	ssyncset.done $0x0  }
0x443: {  	[sflag:s12] =	ssyncadd.s32 $0xFFFFF600  }
0x444: {  	[spmem:s1] =	stream.indirect.scatter.add.f32 [tilespmem:s3], [sflag:$0x5], $0x80, s13, s14, $0xb8;
	[tilespmem:$0x1C080] =	vst v63  }
0x445: {  	_ =	swait.ge [sflag:s12], $0x3200  }
0x446: {  	[sflag:s12] =	ssyncset.done $0x0  }
0x447: {  	[sflag:s12] =	ssyncadd.s32 $0xFFFFCE00  }
0x448: {  	[spmem:s1] =	stream.indirect.scatter.add.f32 [tilespmem:s3], [sflag:$0x5], $0x80, s8, s14, $0xb8;
	[tilespmem:$0x1C080] =	vst v63  }
0x449: {  	_ =	swait.ge [sflag:s12], $0x3200  }
0x44a: {  	[sflag:s12] =	ssyncset.done $0x0  }
0x44b: {  	[sflag:s12] =	ssyncadd.s32 $0xFFFFCE00  }
0x44c: {  	[spmem:s1] =	stream.indirect.scatter.add.f32 [tilespmem:s3], [sflag:$0x5], $0x80, s9, s14, $0xb8;
	[tilespmem:$0x1C080] =	vst v63  }
0x44d: {  	_ =	swait.ge [sflag:s12], $0x3200  }
0x44e: {  	[sflag:s12] =	ssyncset.done $0x0  }
0x44f: {  	[sflag:s12] =	ssyncadd.s32 $0xFFFFCE00  }
0x450: {  	[spmem:s1] =	stream.indirect.scatter.add.f32 [tilespmem:s3], [sflag:$0x5], $0x80, s10, s14, $0xb8;
	[tilespmem:$0x1C080] =	vst v63  }
0x451: {  	_ =	swait.ge [sflag:s12], $0x3200  }
0x452: {  	[sflag:s12] =	ssyncset.done $0x0  }
0x453: {  	[sflag:s12] =	ssyncadd.s32 $0xFFFFCE00  }
0x454: {  	[spmem:s1] =	stream.indirect.scatter.add.f32 [tilespmem:s3], [sflag:$0x5], $0x80, s11, s14, $0xb8;
	[tilespmem:$0x1C080] =	vst v63  }
0x455: {  	_ =	swait.ge [sflag:s12], $0x3200  }
0x456: {  	[sflag:s12] =	ssyncset.done $0x0  }
0x457: {  	[sflag:s12] =	ssyncadd.s32 $0xFFFFCE00  }
0x458: {  	[spmem:s1] =	stream.indirect.scatter.add.f32 [tilespmem:s3], [sflag:$0x5], $0x80, s21, s14, $0xb8;
	[tilespmem:$0x1C080] =	vst v63  }
0x459: {  	_ =	swait.ge [sflag:s12], $0x3200  }
0x45a: {  	[sflag:s12] =	ssyncset.done $0x0  }
0x45b: {  	[sflag:s12] =	ssyncadd.s32 $0xFFFFCE00  }
0x45c: {  	[spmem:s1] =	stream.indirect.scatter.add.f32 [tilespmem:s3], [sflag:$0x5], $0x80, s22, s14, $0xb8;
	[tilespmem:$0x1C080] =	vst v63  }
0x45d: {  	_ =	swait.ge [sflag:s12], $0x3200  }
0x45e: {  	[sflag:s12] =	ssyncset.done $0x0  }
0x45f: {  	[sflag:s12] =	ssyncadd.s32 $0xFFFFCE00  }
0x460: {  	[spmem:s1] =	stream.indirect.scatter.add.f32 [tilespmem:s3], [sflag:$0x5], $0x80, s23, s14, $0xb8;
	[tilespmem:$0x1C080] =	vst v63  }
0x461: {  	_ =	swait.ge [sflag:s12], $0x3200  }
0x462: {  	[sflag:s12] =	ssyncset.done $0x0  }
0x463: {  	[sflag:s12] =	ssyncadd.s32 $0xFFFFCE00  }
0x464: {  	[spmem:s1] =	stream.indirect.scatter.add.f32 [tilespmem:s3], [sflag:$0x5], $0x80, s24, s14, $0xb8;
	[tilespmem:$0x1C080] =	vst v63  }
0x465: {  	_ =	swait.ge [sflag:s12], $0x3200  }
0x466: {  	[sflag:s12] =	ssyncset.done $0x0  }
0x467: {  	[sflag:s12] =	ssyncadd.s32 $0xFFFFCE00  }
0x468: {  	[spmem:s1] =	stream.indirect.scatter.add.f32 [tilespmem:s3], [sflag:$0x5], $0x80, s25, s14, $0xb8;
	[tilespmem:$0x1C080] =	vst v63  }
0x469: {  	_ =	swait.ge [sflag:s12], $0x3200  }
0x46a: {  	[sflag:s12] =	ssyncset.done $0x0  }
0x46b: {  	[sflag:s12] =	ssyncadd.s32 $0xFFFFCE00  }
0x46c: {  	[spmem:s1] =	stream.indirect.scatter.add.f32 [tilespmem:s3], [sflag:$0x5], $0x80, s26, s14, $0xb8;
	[tilespmem:$0x1C080] =	vst v63  }
0x46d: {  	_ =	swait.ge [sflag:s12], $0x3200  }
0x46e: {  	[sflag:s12] =	ssyncset.done $0x0  }
0x46f: {  	[sflag:s12] =	ssyncadd.s32 $0xFFFFCE00  }
0x470: {  	[spmem:s1] =	stream.indirect.scatter.add.f32 [tilespmem:s3], [sflag:$0x5], $0x80, s28, s14, $0xb8;
	[tilespmem:$0x1C080] =	vst v63  }
0x471: {  	_ =	swait.ge [sflag:s12], $0x3200  }
0x472: {  	[sflag:s12] =	ssyncset.done $0x0  }
0x473: {  	[sflag:s12] =	ssyncadd.s32 $0xFFFFCE00  }
0x474: {  	[spmem:s1] =	stream.indirect.scatter.add.f32 [tilespmem:s3], [sflag:$0x5], $0x80, s29, s14, $0xb8;
	[tilespmem:$0x1C080] =	vst v63  }
0x475: {  	_ =	swait.ge [sflag:s12], $0x3200  }
0x476: {  	[sflag:s12] =	ssyncset.done $0x0  }
0x477: {  	[sflag:s12] =	ssyncadd.s32 $0xFFFFCE00  }
0x478: {  	[spmem:s1] =	stream.indirect.scatter.add.f32 [tilespmem:s3], [sflag:$0x5], $0x80, s30, s14, $0xb8;
	[tilespmem:$0x1C080] =	vst v63  }
0x479: {  	_ =	swait.ge [sflag:s12], $0x3200  }
0x47a: {  	[sflag:s12] =	ssyncset.done $0x0  }
0x47b: {  	[sflag:s12] =	ssyncadd.s32 $0xFFFFCE00  }
0x47c: {  	[spmem:s1] =	stream.indirect.scatter.add.f32 [tilespmem:s3], [sflag:$0x5], $0x80, s31, s14, $0xb8;
	[tilespmem:$0x1C080] =	vst v63  }
0x47d: {  	_ =	swait.ge [sflag:s12], $0x3200  }
0x47e: {  	[sflag:s12] =	ssyncset.done $0x0  }
0x47f: {  	[sflag:s12] =	ssyncadd.s32 $0xFFFFCE00  }
0x480: {  	[spmem:s1] =	stream.indirect.scatter.add.f32 [tilespmem:s3], [sflag:$0x5], $0x80, s19, s14, $0xb8;
	[tilespmem:$0x1C080] =	vst v63  }
0x481: {  	_ =	swait.ge [sflag:s12], $0x3200  }
0x482: {  	[sflag:s12] =	ssyncset.done $0x0  }
0x483: {  	s7 =	simm.s32 $0x1400;
	[sflag:s12] =	ssyncadd.s32 $0xFFFFCE00  }
0x484: {  	[spmem:s1] =	stream.indirect.scatter.add.f32 [tilespmem:s3], [sflag:$0x5], $0x80, s7, s14, $0xb8;
	[tilespmem:$0x1C080] =	vst v63  }
0x485: {  	_ =	swait.ge [sflag:s12], $0x3200  }
0x486: {  	[sflag:s12] =	ssyncset.done $0x0  }
0x487: {  	s7 =	simm.s32 $0x1480;
	[sflag:s12] =	ssyncadd.s32 $0xFFFFCE00  }
0x488: {  	[spmem:s1] =	stream.indirect.scatter.add.f32 [tilespmem:s3], [sflag:$0x5], $0x80, s7, s14, $0xb8;
	[tilespmem:$0x1C080] =	vst v63  }
0x489: {  	_ =	swait.ge [sflag:s12], $0x3200  }
0x48a: {  	[sflag:s12] =	ssyncset.done $0x0  }
0x48b: {  	s7 =	simm.s32 $0x1500;
	[sflag:s12] =	ssyncadd.s32 $0xFFFFCE00  }
0x48c: {  	[spmem:s1] =	stream.indirect.scatter.add.f32 [tilespmem:s3], [sflag:$0x5], $0x80, s7, s14, $0xb8;
	[tilespmem:$0x1C080] =	vst v63  }
0x48d: {  	_ =	swait.ge [sflag:s12], $0x3200  }
.Ltmp7:
0x48e: {  	[sflag:s12] =	ssyncset.done $0x0;
	(pc) =	sbr.rel @p0 .LBB2_11-.Ltmp7, $4  }
0x48f: {  	s7 =	simm.s32 $0x1580;
	[sflag:s12] =	ssyncadd.s32 $0xFFFFCE00  }
0x490: {  	[spmem:s1] =	stream.indirect.scatter.add.f32 [tilespmem:s3], [sflag:$0x5], $0x80, s7, s14, $0xb8;
	[tilespmem:$0x1C080] =	vst v63  }
0x491: {  	_ =	swait.ge [sflag:s12], $0x3200  }
0x492: {  	s7 =	smov.u32 s6;
	[sflag:s12] =	ssyncset.done $0x0  }
.Ltmp8:
0x493: {  	_ = 	snop;
	(pc) =	sbr.rel .LBB2_12-.Ltmp8, $1  }
0x494: {  	_ =	sdelay $0x3  }
.LBB2_14:
0x495: {  	_ =	sfence.sel $0x180000  }
0x496: {  	[bflag:$0x0] =	sbarrier.arrive $0xFFFF  }
0x497: {  	_ =	strace $0x9000004D  }
0x498: {  	s0 =	stileid.u32;
	[bflag:$0x2] =	sbarrier.arrive $0xFFFF  }
0x499: {  	p0 =	sne.s32 s0, $0x0;
	s0 =	rddreg [dreg:$0x3]  }
0x49a: {  	s0 =	sadd.s32 @!p0 $0x100000, s0  }
0x49b: {  	[sflag:s0] =	ssyncadd.tile.s32 @!p0 $0x1;
	_ =	shalt  }
.Lfunc_end2:
_tile_overlayer_lowered:
.L_overlay_start_2:
0x49c: {  	(tag) =	ssettag $0x2  }
0x49d: {  	s0 =	rddreg [dreg:$0x0];
	s2 =	stileid.u32  }
0x49e: {  	s1 =	rddreg [dreg:$0x1];
	p0 =	sne.s32 s2, $0x0  }
0x49f: {  	s3 =	rddreg [dreg:$0x2];
	[bflag:$0x3] =	sbarrier.arrive $0xFFFF;
	s2 =	simm.s32 @!p0 $0x1C05  }
0x4a0: {  	[timem:s3], [sflag:s2] =	dma.local @!p0 [hbm:s0], s1  }
0x4a1: {  	s0 =	simm.s32 @!p0 $0x5  }
0x4a2: {  	_ =	swait.ge @!p0 [sflag:s0], s1  }
0x4a3: {  	s1 =	ssub.s32 @!p0 $0x0, s1;
	[sflag:s0] =	ssyncset.done @!p0 $0x0  }
0x4a4: {  	[sflag:s0] =	ssyncadd.s32 @!p0 s1  }
0x4a5: {  	[bflag:$0x3] =	sbarrier.arrive $0xFFFF  }
0x4a6: {  	_ =	shalt  }

// kernel: kernel.9.cloned.1.call-start
scs
__scs_entry_jumppad:
0x0: {  	(pc) =	sbr.rel $0x88, $3  }
0x1: {  	(tag) =	ssettag $0x0;
	lr =	simm.s32 $0x1  }
0x2: {  	[smem:$0x3F98] =	sst lr;
	_ =	strace $0xD0000000  }
0x3: {  	_ = 	snop  }
0x4: {  	_ = 	snop  }
0x5: {  	_ = 	snop  }
0x6: {  	_ = 	snop  }
0x7: {  	_ = 	snop  }
__scs_overlays_trampoline_lowered:
0x8: {  	[smem:$0x3FA7] =	sst s0  }
0x9: {  	[smem:$0x3FA8] =	sst s1  }
0xa: {  	[smem:$0x3FA9] =	sst s2  }
0xb: {  	[smem:$0x3FAA] =	sst s3  }
0xc: {  	[smem:$0x3FAB] =	sst s4  }
0xd: {  	[smem:$0x3FAC] =	sst s5  }
0xe: {  	[smem:$0x3FAD] =	sst s6  }
0xf: {  	[smem:$0x3FAE] =	sst s7  }
0x10: {  	[smem:$0x3FAF] =	sst s8  }
0x11: {  	[smem:$0x3FB0] =	sst s9;
	s0 =	simm.s32 @!p0 $0x0  }
0x12: {  	s1 =	sld [smem:$0x3F96];
	s0 =	simm.s32 @p0 $0x1  }
0x13: {  	[smem:$0x3FB1] =	sst s0;
	s0 =	simm.s32 @!p1 $0x0  }
0x14: {  	s2 =	sld [smem:$0x3F95];
	s0 =	simm.s32 @p1 $0x1  }
0x15: {  	[smem:$0x3FB2] =	sst s0;
	s0 =	simm.s32 @!p2 $0x0  }
0x16: {  	s3 =	sld [smem:$0x3FDB];
	s0 =	simm.s32 @p2 $0x1  }
0x17: {  	s4 =	simm.s32 $0x1BF5;
	[smem:$0x3FB4] =	sst s0  }
0x18: {  	s0 =	sld [smem:$0x3F97];
	_ =	swait.ge [sflag:s4], $0x0  }
0x19: {  	s7 =	sld [smem:$0x3F98]  }
0x1a: {  	s8 =	sadd.s32 $0xFFFFE003, lr  }
0x1b: {  	s9 =	sadd.s32 $0xFFFFFEF7, lr;
	s5 =	simm.s32 $0xFFFFFFFF;
	p2 =	slt.u32 s8, $0xFFFFF086  }
0x1c: {  	p1 =	slt.u32 s9, $0xF7A;
	s5 =	simm.s32 @!p2 $0x0  }
0x1d: {  	s5 =	simm.s32 @p1 $0x1;
	p0 =	seq.s32 s7, s2  }
0x1e: {  	s7 =	smul.u32 @!p0 $0xF7A, s2;
	p2 =	seq.s32 @!p0 s5, $0x0  }
0x1f: {  	s9 =	smul.u32 $0xF7A, s1;
	s8 =	simm.s32 @!p0 $0x1BF5;
	p2 =	por !p2, p0  }
0x20: {  	[sflag:s8] =	ssyncset.s32 @!p0 $0xFFFFF086;
	s6 =	sadd.s32 @!p0 s3, s7;
	s7 =	simm.s32 @!p0 $0x108  }
0x21: {  	s3 =	sadd.s32 s3, s9;
	s6 =	sadd.s32 @!p0 $0x88, s6;
	s7 =	simm.s32 @p2 $0x1082  }
0x22: {  	[simem:s7], [sflag:s8] =	dma.local @!p0 [hbm:s6], $0xF7A  }
0x23: {  	s9 =	sor.u32 $0xD0000000, s2;
	s6 =	simm.s32 $0x108;
	_ =	swait.ge @!p0 [sflag:s8], $0x0  }
0x24: {  	s3 =	sadd.s32 $0x88, s3;
	s6 =	simm.s32 @!p1 $0x1082;
	[sflag:s4] =	ssyncset.s32 $0xFFFFF086  }
0x25: {  	[simem:s6], [sflag:s4] =	dma.local [hbm:s3], $0xF7A  }
0x26: {  	[smem:$0x3F98] =	sst s1;
	(tag) =	ssettag s2;
	_ =	strace s9  }
0x27: {  	s1 =	sld [smem:$0x3FA8]  }
0x28: {  	s2 =	sld [smem:$0x3FA9]  }
0x29: {  	s4 =	sld [smem:$0x3FAB]  }
0x2a: {  	p0 =	seq.s32 s5, $0x0;
	s5 =	sld [smem:$0x3FAC]  }
0x2b: {  	s6 =	sld [smem:$0x3FAD]  }
0x2c: {  	s7 =	sld [smem:$0x3FAE]  }
0x2d: {  	s3 =	simm.s32 $0x108;
	s8 =	sld [smem:$0x3FAF]  }
0x2e: {  	s3 =	simm.s32 @!p0 $0x1082;
	s9 =	sld [smem:$0x3FB0]  }
0x2f: {  	lr =	sadd.s32 s0, s3;
	s0 =	sld [smem:$0x3FA7]  }
0x30: {  	s3 =	sld [smem:$0x3FAA]  }
0x31: {  	[smem:$0x3FB3] =	sst s10  }
0x32: {  	s10 =	sld [smem:$0x3FB1];
	_ =	sdelay $0x3  }
0x33: {  	p0 =	seq.s32 s10, $0x1;
	s10 =	sld [smem:$0x3FB3];
	_ =	sdelay $0x3  }
0x34: {  	[smem:$0x3FB3] =	sst s10  }
0x35: {  	s10 =	sld [smem:$0x3FB2];
	_ =	sdelay $0x3  }
0x36: {  	p1 =	seq.s32 s10, $0x1;
	s10 =	sld [smem:$0x3FB3];
	_ =	sdelay $0x3  }
0x37: {  	[smem:$0x3FB3] =	sst s10  }
0x38: {  	s10 =	sld [smem:$0x3FB4]  }
0x39: {  	_ = 	snop;
	(pc) =	sbr.ind lr, $3  }
0x3a: {  	_ = 	snop  }
0x3b: {  	_ = 	snop  }
0x3c: {  	p2 =	seq.s32 s10, $0x1;
	s10 =	sld [smem:$0x3FB3]  }
0x3d: {  	_ =	shalt  }
0x3e: {  	_ =	shalt  }
0x3f: {  	_ =	shalt  }
0x40: {  	_ =	shalt  }
0x41: {  	_ =	shalt  }
0x42: {  	_ =	shalt  }
0x43: {  	_ =	shalt  }
0x44: {  	_ =	shalt  }
0x45: {  	_ =	shalt  }
0x46: {  	_ =	shalt  }
0x47: {  	_ =	shalt  }
0x48: {  	_ =	shalt  }
0x49: {  	_ =	shalt  }
0x4a: {  	_ =	shalt  }
0x4b: {  	_ =	shalt  }
0x4c: {  	_ =	shalt  }
0x4d: {  	_ =	shalt  }
0x4e: {  	_ =	shalt  }
0x4f: {  	_ =	shalt  }
0x50: {  	_ =	shalt  }
0x51: {  	_ =	shalt  }
0x52: {  	_ =	shalt  }
0x53: {  	_ =	shalt  }
0x54: {  	_ =	shalt  }
0x55: {  	_ =	shalt  }
0x56: {  	_ =	shalt  }
0x57: {  	_ =	shalt  }
0x58: {  	_ =	shalt  }
0x59: {  	_ =	shalt  }
0x5a: {  	_ =	shalt  }
0x5b: {  	_ =	shalt  }
0x5c: {  	_ =	shalt  }
0x5d: {  	_ =	shalt  }
0x5e: {  	_ =	shalt  }
0x5f: {  	_ =	shalt  }
0x60: {  	_ =	shalt  }
0x61: {  	_ =	shalt  }
0x62: {  	_ =	shalt  }
0x63: {  	_ =	shalt  }
0x64: {  	_ =	shalt  }
0x65: {  	_ =	shalt  }
0x66: {  	_ =	shalt  }
0x67: {  	_ =	shalt  }
0x68: {  	_ =	shalt  }
0x69: {  	_ =	shalt  }
0x6a: {  	_ =	shalt  }
0x6b: {  	_ =	shalt  }
0x6c: {  	_ =	shalt  }
0x6d: {  	_ =	shalt  }
0x6e: {  	_ =	shalt  }
0x6f: {  	_ =	shalt  }
0x70: {  	_ =	shalt  }
0x71: {  	_ =	shalt  }
0x72: {  	_ =	shalt  }
0x73: {  	_ =	shalt  }
0x74: {  	_ =	shalt  }
0x75: {  	_ =	shalt  }
0x76: {  	_ =	shalt  }
0x77: {  	_ =	shalt  }
0x78: {  	_ =	shalt  }
0x79: {  	_ =	shalt  }
0x7a: {  	_ =	shalt  }
0x7b: {  	_ =	shalt  }
0x7c: {  	_ =	shalt  }
0x7d: {  	_ =	shalt  }
0x7e: {  	_ =	shalt  }
0x7f: {  	_ =	shalt  }
0x80: {  	_ =	shalt  }
0x81: {  	_ =	shalt  }
0x82: {  	_ =	shalt  }
0x83: {  	_ =	shalt  }
0x84: {  	_ =	shalt  }
0x85: {  	_ =	shalt  }
0x86: {  	_ =	shalt  }
0x87: {  	_ =	shalt  }
.Lfunc_end0:
.L_simem_size_0:
called_computation_lowered:
.L_overlay_start_0:
0x88: {  	s2 =	sld [smem:$0x3FD9]  }
0x89: {  	s3 =	sld [smem:$0x3FFE];
	_ =	sdelay $0x1  }
0x8a: {  	s1 =	srdreg.scid  }
0x8b: {  	s0 =	sand.u32 $0x1, s1  }
0x8c: {  	s17 =	sshll.u32 s0, $0xA;
	s2 =	sadd.s32 s3, s2  }
0x8d: {  	s2 =	sadd.s32 s2, s17  }
0x8e: {  	[smem:$0x3FBF] =	sst s2  }
0x8f: {  	_ = 	snop  }
0x90: {  	s2 =	sld [smem:$0x3FC7];
	(tm) =	ssettm $0x1  }
0x91: {  	s18 =	sld [smem:$0x3FFB];
	_ =	sdelay $0x3  }
0x92: {  	_ =	strace s18  }
0x93: {  	s3 =	sld [smem:$0x3FFC];
	_ =	sdelay $0x3  }
0x94: {  	_ =	strace s3  }
0x95: {  	s3 =	sld [smem:$0x3FFD];
	_ =	sdelay $0x3  }
0x96: {  	_ =	strace s3  }
0x97: {  	_ =	strace $0x8FFFFFFF  }
0x98: {  	s19 =	sld [smem:$0x3FDB];
	_ =	sdelay $0x1  }
0x99: {  	s4 =	simm.s32 $_scs_section_size  }
0x9a: {  	s5 =	simm.s32 $_size__tile_overlayer_lowered;
	s6 =	simm.s32 $_tile_overlayer_lowered  }
0x9b: {  	s22 =	simm.s32 $0x1BFF;
	s21 =	sshll.u32 s6, $0x1;
	s3 =	sadd.s32 s4, s19  }
0x9c: {  	s7 =	simm.s32 $0x0;
	s20 =	sshll.u32 s5, $0x1;
	s5 =	sadd.s32 s21, s3  }
0x9d: {  	[timem:s7], [sflag:s22] =	dma.local [hbm:s5], s20  }
0x9e: {  	_ =	swait.ge [sflag:s22], s20  }
0x9f: {  	s4 =	ssub.s32 $0x0, s20;
	[sflag:s22] =	ssyncset.done $0x0  }
0xa0: {  	[sflag:s22] =	ssyncadd.s32 s4;
	_ =	sdelay $0x1  }
0xa1: {  	s23 =	simm.s32 $0x1B8B  }
0xa2: {  	_ =	swait.ge [sflag:s23], $0x1  }
0xa3: {  	[sflag:s23] =	ssyncset.done $0x0  }
0xa4: {  	s25 =	simm.s32 $0x1B8E;
	s24 =	sld [smem:$0x3FFE];
	[sflag:s23] =	ssyncadd.s32 $0xFFFFFFFF  }
0xa5: {  	s26 =	simm.s32 $execute0_lowered;
	[smem:$0x3FD2] =	sst s25  }
0xa6: {  	s5 =	sshll.u32 s26, $0x1;
	_ =	strace $0x80000046;
	[dreg:$0x1] =	wrdreg $0xFFFFFFFF  }
0xa7: {  	s28 =	simm.s32 $_size_execute0_lowered;
	s3 =	sadd.s32 s3, s5;
	[dreg:$0x0] =	wrdreg $0x0  }
0xa8: {  	s5 =	sshll.u32 s28, $0x1;
	[dreg:$0x2] =	wrdreg s3  }
0xa9: {  	[dreg:$0x3] =	wrdreg s5  }
0xaa: {  	[dreg:$0x4] =	wrdreg $0xC0  }
0xab: {  	_ =	task [dreg:s7], $0x5FFFF  }
0xac: {  	[dreg:$0x1] =	wrdreg $0xFFFFFFFF  }
0xad: {  	[dreg:$0x0] =	wrdreg $0x60  }
0xae: {  	[dreg:$0x2] =	wrdreg s24  }
0xaf: {  	[dreg:$0x3] =	wrdreg s2  }
0xb0: {  	[dreg:$0x4] =	wrdreg $0x9  }
0xb1: {  	_ =	task.clear_ibuf [dreg:s7], $0x5FFFF;
	_ =	strace $0x90000046  }
0xb2: {  	s29 =	simm.s32 $0x9;
	_ =	strace $0x80000048  }
0xb3: {  	_ =	swait.ge [sflag:s29], $0x1  }
0xb4: {  	[sflag:s29] =	ssyncadd.s32 $0xFFFFFFFF  }
0xb5: {  	_ =	strace $0x90000048  }
0xb6: {  	_ =	sfence  }
0xb7: {  	s30 =	sld [smem:$0x0];
	_ =	sdelay $0x2  }
0xb8: {  	s31 =	sshll.u32 s1, $0xD;
	s1 =	sshrl.u32 s1, $0x2  }
0xb9: {  	s3 =	sand.u32 $0x4000, s31;
	s1 =	sadd.s32 s1, s30  }
0xba: {  	s0 =	sor.u32 s3, s0;
	s1 =	sshll.u32 s1, $0x11  }
0xbb: {  	s0 =	sor.u32 s1, s0  }
0xbc: {  	s0 =	sadd.s32 $0x8F2B, s0  }
0xbd: {  	[sflag:s0] =	ssyncadd.remote.s32 $0x1  }
0xbe: {  	_ =	sfence.sel $0xFFFF  }
0xbf: {  	[dreg:$0x0] =	wrdreg $0xFFFFFFFF;
	(pc) =	sbr.abs _section_cstart, $3  }
0xc0: {  	[dreg:$0x1] =	wrdreg $0xFFFFFFFF  }
0xc1: {  	_ =	task.clear_ibuf [dreg:s7], $0x2FFFF;
	_ =	strace $0x9FFFFFFF  }
0xc2: {  	(tm) =	ssettm $0x7FFFFFFF  }
0xc3: {  	_ =	shalt  }
tec
execute0_lowered:
.L_overlay_start_1:
0x0: {  	(tag) =	ssettag $0x1  }
0x1: {  	s0 =	srdreg.scid  }
0x2: {  	s17 =	sand.u32 $0x1, s0  }
0x3: {  	s9 =	rddreg [dreg:$0x0];
	s0 =	stileid.u32;
	s1 =	sshll.u32 s17, $0x4  }
0x4: {  	s2 =	rddreg [dreg:$0x1];
	s3 =	simm.s32 $0x0;
	s6 =	sor.u32 s0, s1  }
0x5: {  	[smem:$0x7FF] =	sst s3;
	s4 =	sshll.u32 s6, $0x6  }
0x6: {  	s1 =	rddreg [dreg:$0x2];
	s4 =	sadd.s32 s4, s9  }
0x7: {  	_ =	strace $0x80000047;
	s5 =	sadd.s32 $0x2400, s4;
	s4 =	simm.s32 $0x3  }
0x8: {  	[tilespmem:s3], [sflag:$0x3] =	stream.linear.gather [hbm4b:s5+s3], $0x200, $0x38;
	[tilespmem:$0x5200] =	vst v63  }
0x9: {  	_ =	swait.ge [sflag:s4], $0x200  }
0xa: {  	s7 =	simm.s32 $0x200;
	s8 =	simm.s32 $0x1;
	[sflag:s4] =	ssyncset.done $0x0  }
0xb: {  	s10 =	smul.u32 $0x1400, s6;
	s6 =	simm.s32 $0x50;
	[sflag:s4] =	ssyncadd.s32 $0xFFFFFE00  }
0xc: {  	[tilespmem:s7], [sflag:$0x1] =	stream.indirect.gather [hbm4b:s2+s6], $0x80, s3, s6, $0xb8;
	[tilespmem:$0x5200] =	vst v63  }
0xd: {  	_ =	swait.ge [sflag:s8], $0x2800  }
0xe: {  	s18 =	sadd.s32 s10, s9;
	[sflag:s8] =	ssyncset.done $0x0  }
0xf: {  	s9 =	simm.s32 $0x80;
	s10 =	simm.s32 $0x2A00;
	[sflag:s8] =	ssyncadd.s32 $0xFFFFD800  }
0x10: {  	[tilespmem:s10], [sflag:$0x2] =	stream.indirect.gather [hbm4b:s2+s6], $0x80, s9, s6, $0xb8;
	[tilespmem:$0x5200] =	vst v63  }
0x11: {  	s11 =	sadd.s32 $0x2C00, s18  }
0x12: {  	[hbm4b:s11+s3] =	stream.linear.scatter [tilespmem:s7], [sflag:$0x3], $0x2800, $0x38;
	[tilespmem:$0x5200] =	vst v63  }
0x13: {  	_ =	swait.ge [sflag:s4], $0x2800  }
0x14: {  	[sflag:s4] =	ssyncset.done $0x0  }
0x15: {  	s12 =	simm.s32 $0x2;
	[sflag:s4] =	ssyncadd.s32 $0xFFFFD800  }
0x16: {  	_ =	swait.ge [sflag:s12], $0x2800  }
0x17: {  	[sflag:s12] =	ssyncset.done $0x0  }
0x18: {  	s13 =	simm.s32 $0x100;
	[sflag:s12] =	ssyncadd.s32 $0xFFFFD800  }
0x19: {  	[tilespmem:s7], [sflag:$0x1] =	stream.indirect.gather [hbm4b:s2+s6], $0x80, s13, s6, $0xb8;
	[tilespmem:$0x5200] =	vst v63  }
0x1a: {  	s14 =	sadd.s32 $0x3100, s18  }
0x1b: {  	[hbm4b:s14+s3] =	stream.linear.scatter [tilespmem:s10], [sflag:$0x3], $0x2800, $0x38;
	[tilespmem:$0x5200] =	vst v63  }
0x1c: {  	_ =	swait.ge [sflag:s4], $0x2800  }
0x1d: {  	[sflag:s4] =	ssyncset.done $0x0  }
0x1e: {  	[sflag:s4] =	ssyncadd.s32 $0xFFFFD800  }
0x1f: {  	_ =	swait.ge [sflag:s8], $0x2800  }
0x20: {  	[sflag:s8] =	ssyncset.done $0x0  }
0x21: {  	s15 =	simm.s32 $0x180;
	[sflag:s8] =	ssyncadd.s32 $0xFFFFD800  }
0x22: {  	[tilespmem:s10], [sflag:$0x2] =	stream.indirect.gather [hbm4b:s2+s6], $0x80, s15, s6, $0xb8;
	[tilespmem:$0x5200] =	vst v63  }
0x23: {  	s17 =	ssub.s32 $0x2, s17;
	s16 =	sadd.s32 $0x3600, s18  }
0x24: {  	[hbm4b:s16+s3] =	stream.linear.scatter [tilespmem:s7], [sflag:$0x3], $0x2800, $0x38;
	[tilespmem:$0x5200] =	vst v63  }
0x25: {  	s19 =	sshrl.u32 s17, $0x1;
	_ =	swait.ge [sflag:s4], $0x2800  }
0x26: {  	s17 =	ssub.s32 s17, s19;
	[sflag:s4] =	ssyncset.done $0x0  }
0x27: {  	s19 =	smax.u32 s17, $0x1;
	[sflag:s4] =	ssyncadd.s32 $0xFFFFD800  }
0x28: {  	p0 =	sne.s32 s19, $0x1;
	_ =	swait.ge [sflag:s12], $0x2800  }
.Ltmp0:
0x29: {  	[sflag:s12] =	ssyncset.done $0x0;
	(pc) =	sbr.rel @!p0 .LBB2_2-.Ltmp0, $4  }
0x2a: {  	s17 =	sadd.s32 $0x3B00, s18;
	[sflag:s12] =	ssyncadd.s32 $0xFFFFD800  }
0x2b: {  	[hbm4b:s17+s3] =	stream.linear.scatter [tilespmem:s10], [sflag:$0x3], $0x2800, $0x38;
	[tilespmem:$0x5200] =	vst v63  }
0x2c: {  	_ =	swait.ge [sflag:s4], $0x2800  }
0x2d: {  	s18 =	sadd.s32 $0xFFFFFFFF, s19;
	[sflag:s4] =	ssyncset.done $0x0  }
.LBB2_1:
0x2e: {  	p0 =	sne.s32 s18, $0x1;
	s18 =	sadd.s32 $0xFFFFFFFF, s18;
	[sflag:s4] =	ssyncadd.s32 $0xFFFFD800  }
0x2f: {  	[tilespmem:s3], [sflag:$0x3] =	stream.linear.gather [hbm4b:s5+s3], $0x200, $0x38;
	[tilespmem:$0x5200] =	vst v63  }
0x30: {  	_ =	swait.ge [sflag:s4], $0x200  }
0x31: {  	[sflag:s4] =	ssyncset.done $0x0  }
0x32: {  	[sflag:s4] =	ssyncadd.s32 $0xFFFFFE00  }
0x33: {  	[tilespmem:s7], [sflag:$0x1] =	stream.indirect.gather [hbm4b:s2+s6], $0x80, s3, s6, $0xb8;
	[tilespmem:$0x5200] =	vst v63  }
0x34: {  	_ =	swait.ge [sflag:s8], $0x2800  }
0x35: {  	[sflag:s8] =	ssyncset.done $0x0  }
0x36: {  	[sflag:s8] =	ssyncadd.s32 $0xFFFFD800  }
0x37: {  	[tilespmem:s10], [sflag:$0x2] =	stream.indirect.gather [hbm4b:s2+s6], $0x80, s9, s6, $0xb8;
	[tilespmem:$0x5200] =	vst v63  }
0x38: {  	_ = 	snop  }
0x39: {  	[hbm4b:s11+s3] =	stream.linear.scatter [tilespmem:s7], [sflag:$0x3], $0x2800, $0x38;
	[tilespmem:$0x5200] =	vst v63  }
0x3a: {  	_ =	swait.ge [sflag:s4], $0x2800  }
0x3b: {  	[sflag:s4] =	ssyncset.done $0x0  }
0x3c: {  	[sflag:s4] =	ssyncadd.s32 $0xFFFFD800  }
0x3d: {  	_ =	swait.ge [sflag:s12], $0x2800  }
0x3e: {  	[sflag:s12] =	ssyncset.done $0x0  }
0x3f: {  	[sflag:s12] =	ssyncadd.s32 $0xFFFFD800  }
0x40: {  	[tilespmem:s7], [sflag:$0x1] =	stream.indirect.gather [hbm4b:s2+s6], $0x80, s13, s6, $0xb8;
	[tilespmem:$0x5200] =	vst v63  }
0x41: {  	_ = 	snop  }
0x42: {  	[hbm4b:s14+s3] =	stream.linear.scatter [tilespmem:s10], [sflag:$0x3], $0x2800, $0x38;
	[tilespmem:$0x5200] =	vst v63  }
0x43: {  	_ =	swait.ge [sflag:s4], $0x2800  }
0x44: {  	[sflag:s4] =	ssyncset.done $0x0  }
0x45: {  	[sflag:s4] =	ssyncadd.s32 $0xFFFFD800  }
0x46: {  	_ =	swait.ge [sflag:s8], $0x2800  }
0x47: {  	[sflag:s8] =	ssyncset.done $0x0  }
0x48: {  	[sflag:s8] =	ssyncadd.s32 $0xFFFFD800  }
0x49: {  	[tilespmem:s10], [sflag:$0x2] =	stream.indirect.gather [hbm4b:s2+s6], $0x80, s15, s6, $0xb8;
	[tilespmem:$0x5200] =	vst v63  }
0x4a: {  	_ = 	snop  }
0x4b: {  	[hbm4b:s16+s3] =	stream.linear.scatter [tilespmem:s7], [sflag:$0x3], $0x2800, $0x38;
	[tilespmem:$0x5200] =	vst v63  }
0x4c: {  	_ =	swait.ge [sflag:s4], $0x2800  }
0x4d: {  	[sflag:s4] =	ssyncset.done $0x0  }
0x4e: {  	[sflag:s4] =	ssyncadd.s32 $0xFFFFD800  }
0x4f: {  	_ =	swait.ge [sflag:s12], $0x2800  }
.Ltmp1:
0x50: {  	[sflag:s12] =	ssyncset.done $0x0;
	(pc) =	sbr.rel @p0 .LBB2_1-.Ltmp1, $4  }
0x51: {  	[sflag:s12] =	ssyncadd.s32 $0xFFFFD800  }
0x52: {  	[hbm4b:s17+s3] =	stream.linear.scatter [tilespmem:s10], [sflag:$0x3], $0x2800, $0x38;
	[tilespmem:$0x5200] =	vst v63  }
0x53: {  	_ =	swait.ge [sflag:s4], $0x2800  }
0x54: {  	[sflag:s4] =	ssyncset.done $0x0  }
.LBB2_2:
0x55: {  	[sflag:s4] =	ssyncadd.s32 $0xFFFFD800  }
0x56: {  	_ =	sfence.sel $0x180000  }
0x57: {  	[bflag:$0x0] =	sbarrier.arrive $0xFFFF  }
0x58: {  	p0 =	sne.s32 s0, $0x0;
	_ =	strace $0x90000047  }
0x59: {  	s0 =	sadd.s32 @!p0 $0x100000, s1;
	[bflag:$0x2] =	sbarrier.arrive $0xFFFF  }
0x5a: {  	[sflag:s0] =	ssyncadd.tile.s32 @!p0 $0x1;
	_ =	shalt  }
.Lfunc_end2:
_tile_overlayer_lowered:
.L_overlay_start_2:
0x5b: {  	(tag) =	ssettag $0x2  }
0x5c: {  	s0 =	rddreg [dreg:$0x0];
	s2 =	stileid.u32  }
0x5d: {  	s1 =	rddreg [dreg:$0x1];
	p0 =	sne.s32 s2, $0x0  }
0x5e: {  	s3 =	rddreg [dreg:$0x2];
	[bflag:$0x3] =	sbarrier.arrive $0xFFFF;
	s2 =	simm.s32 @!p0 $0x1C03  }
0x5f: {  	[timem:s3], [sflag:s2] =	dma.local @!p0 [hbm:s0], s1  }
0x60: {  	s0 =	simm.s32 @!p0 $0x3  }
0x61: {  	_ =	swait.ge @!p0 [sflag:s0], s1  }
0x62: {  	s1 =	ssub.s32 @!p0 $0x0, s1;
	[sflag:s0] =	ssyncset.done @!p0 $0x0  }
0x63: {  	[sflag:s0] =	ssyncadd.s32 @!p0 s1  }
0x64: {  	[bflag:$0x3] =	sbarrier.arrive $0xFFFF  }
0x65: {  	_ =	shalt  }

</sc_bundles>
